<compile_context>
chip_gen: v7x
topology: tpu7x:2x2x1
jax: 0.10.2.dev20260603
libtpu: 0.0.44.dev20260713+nightly
codegen_flags: <defaults>
</compile_context>

<pallas_src>
import functools

import jax
import jax.numpy as jnp
from jax import lax
from jax.experimental import pallas as pl
from jax.experimental.pallas import tpu as pltpu
from jax.experimental.pallas import tpu_sc as plsc

N = 10000
NP = 10240
F = 256
H = 256
O = 128
E = 160000
EP = 163840
NC = 2
NS = 16
BM = 256
GB = NP // BM
PER_SUB = EP // NS
PER_W = EP // (NC * NS)
CH = 128
ROWS_SUB = NP // NS
def _dot(a, b):
    return jnp.dot(a.astype(jnp.bfloat16), b.astype(jnp.bfloat16),
                   preferred_element_type=jnp.float32)


def _mesh():
    return plsc.VectorSubcoreMesh(
        core_axis_name="c", subcore_axis_name="s", num_cores=NC, num_subcores=NS)



def _layer1_body(x_ref, agg_ref, wr_ref, wl_ref, b_ref, h_ref):
    aggb = jnp.concatenate([agg_ref[0], agg_ref[1]], axis=1)
    h = _dot(x_ref[...], wr_ref[...]) + _dot(aggb, wl_ref[...]) + b_ref[...]
    h = jnp.maximum(h, 0.0)
    h_ref[...] = jnp.stack([h[:, :128], h[:, 128:]], axis=0)


def _layer1(x, agg, wroot, wrel, b):
    return pl.pallas_call(
        _layer1_body,
        grid=(GB,),
        in_specs=[pl.BlockSpec((BM, F), lambda i: (i, 0)),
                  pl.BlockSpec((2, BM, 128), lambda i: (0, i, 0)),
                  pl.BlockSpec((F, H), lambda i: (0, 0)),
                  pl.BlockSpec((F, H), lambda i: (0, 0)),
                  pl.BlockSpec((1, H), lambda i: (0, 0))],
        out_specs=pl.BlockSpec((2, BM, 128), lambda i: (0, i, 0)),
        out_shape=jax.ShapeDtypeStruct((2, NP, 128), jnp.float32),
    )(x, agg, wroot, wrel, b)


def _attn_body(h1_ref, agg_ref, wr_ref, wl_ref, b_ref, wa_ref, as_ref, ad_ref,
               ha_ref, sa_ref, da_ref):
    h1b = jnp.concatenate([h1_ref[0], h1_ref[1]], axis=1)
    aggb = jnp.concatenate([agg_ref[0], agg_ref[1]], axis=1)
    h = _dot(h1b, wr_ref[...]) + _dot(aggb, wl_ref[...]) + b_ref[...]
    h = jnp.maximum(h, 0.0)
    ha = _dot(h, wa_ref[...])
    ha_ref[...] = jnp.stack([ha[:, :128], ha[:, 128:]], axis=0)
    sa_ref[...] = _dot(ha, as_ref[...])
    da_ref[...] = _dot(ha, ad_ref[...])


def _attn(h1t, agg, wroot, wrel, b, wa, a_src, a_dst):
    return pl.pallas_call(
        _attn_body,
        grid=(GB,),
        in_specs=[pl.BlockSpec((2, BM, 128), lambda i: (0, i, 0)),
                  pl.BlockSpec((2, BM, 128), lambda i: (0, i, 0)),
                  pl.BlockSpec((H, H), lambda i: (0, 0)),
                  pl.BlockSpec((H, H), lambda i: (0, 0)),
                  pl.BlockSpec((1, H), lambda i: (0, 0)),
                  pl.BlockSpec((H, H), lambda i: (0, 0)),
                  pl.BlockSpec((H, 1), lambda i: (0, 0)),
                  pl.BlockSpec((H, 1), lambda i: (0, 0))],
        out_specs=[pl.BlockSpec((2, BM, 128), lambda i: (0, i, 0)),
                   pl.BlockSpec((BM, 1), lambda i: (i, 0)),
                   pl.BlockSpec((BM, 1), lambda i: (i, 0))],
        out_shape=[jax.ShapeDtypeStruct((2, NP, 128), jnp.float32),
                   jax.ShapeDtypeStruct((NP, 1), jnp.float32),
                   jax.ShapeDtypeStruct((NP, 1), jnp.float32)],
    )(h1t, agg, wroot, wrel, b, wa, a_src, a_dst)


def _fin_body(g_ref, d_ref, w_ref, b_ref, o_ref):
    h = jnp.concatenate([g_ref[0], g_ref[1]], axis=1)
    h = h / (d_ref[...] + 1e-16)
    o_ref[...] = _dot(h, w_ref[...]) + b_ref[...]


def _final(gat, denom, wfc, bfc):
    return pl.pallas_call(
        _fin_body,
        grid=(GB,),
        in_specs=[pl.BlockSpec((2, BM, 128), lambda i: (0, i, 0)),
                  pl.BlockSpec((BM, 1), lambda i: (i, 0)),
                  pl.BlockSpec((H, O), lambda i: (0, 0)),
                  pl.BlockSpec((1, O), lambda i: (0, 0))],
        out_specs=pl.BlockSpec((BM, O), lambda i: (i, 0)),
        out_shape=jax.ShapeDtypeStruct((NP, O), jnp.float32),
    )(gat, denom, wfc, bfc)



def _seg_body(tab, srcp, dstp, out, idx_s, idx_g, idxd0, idxd1,
              rows0, rows1, acc, gsem, ssem0, ssem1):
    c = lax.axis_index("c")
    s = lax.axis_index("s")
    zero16 = jnp.zeros((16,), jnp.float32)

    def zrow(i, carry):
        for j in range(8):
            rows0[i, pl.ds(j * 16, 16)] = zero16
        return carry
    lax.fori_loop(0, CH, zrow, 0)

    def zacc(k, carry):
        pltpu.sync_copy(rows0, acc.at[pl.ds(s * ROWS_SUB + k * CH, CH)])
        return carry
    lax.fori_loop(0, ROWS_SUB // CH, zacc, 0)
    plsc.subcore_barrier()

    base0 = s * PER_SUB
    coff = c * NP

    def step(k, par, rw, ix, sm):
        i = 2 * k + par
        b = base0 + i * CH

        @pl.when(k >= 1)
        def _():
            pltpu.make_async_copy(tab.at[pl.ds(0, CH)], rw, sm).wait()
        pltpu.sync_copy(srcp.at[pl.ds(b, CH)], idx_s)
        pltpu.sync_copy(dstp.at[pl.ds(b, CH)], ix)
        for j in range(CH // 16):
            idx_g[pl.ds(j * 16, 16)] = idx_s[pl.ds(j * 16, 16)] + coff
        pltpu.async_copy(tab.at[idx_g], rw, gsem).wait()
        pltpu.async_copy(rw, acc.at[ix], sm, add=True)

    def pair(k, carry):
        step(k, 0, rows0, idxd0, ssem0)
        step(k, 1, rows1, idxd1, ssem1)
        return carry
    lax.fori_loop(0, PER_SUB // CH // 2, pair, 0)
    pltpu.make_async_copy(tab.at[pl.ds(0, CH)], rows0, ssem0).wait()
    pltpu.make_async_copy(tab.at[pl.ds(0, CH)], rows1, ssem1).wait()
    plsc.subcore_barrier()

    r0 = s * ROWS_SUB

    @pl.when(c == 0)
    def _():
        pltpu.sync_copy(acc.at[pl.ds(r0, ROWS_SUB)], out.at[0, pl.ds(r0, ROWS_SUB)])

    @pl.when(c == 1)
    def _():
        pltpu.sync_copy(acc.at[pl.ds(r0, ROWS_SUB)], out.at[1, pl.ds(r0, ROWS_SUB)])


def _seg_sum(tab, srcp, dstp):
    return pl.kernel(
        _seg_body,
        out_type=jax.ShapeDtypeStruct((2, NP, 128), jnp.float32),
        mesh=_mesh(),
        compiler_params=pltpu.CompilerParams(needs_layout_passes=False),
        scratch_types=[
            pltpu.VMEM((CH,), jnp.int32),
            pltpu.VMEM((CH,), jnp.int32),
            pltpu.VMEM((CH,), jnp.int32),
            pltpu.VMEM((CH,), jnp.int32),
            pltpu.VMEM((CH, 128), jnp.float32),
            pltpu.VMEM((CH, 128), jnp.float32),
            pltpu.VMEM_SHARED((NP, 128), jnp.float32),
            pltpu.SemaphoreType.DMA,
            pltpu.SemaphoreType.DMA,
            pltpu.SemaphoreType.DMA,
        ],
    )(tab, srcp, dstp)


def _attns_body(asrc, adst, srcp, dstp, exo, dno,
                av, bv, sb, db, eb, macc, dacc, rbuf, mred, sacc):
    c = lax.axis_index("c")
    s = lax.axis_index("s")
    pltpu.sync_copy(asrc, av)
    pltpu.sync_copy(adst, bv)
    e0 = s * PER_SUB
    pltpu.sync_copy(srcp.at[pl.ds(e0, PER_SUB)], sb)
    pltpu.sync_copy(dstp.at[pl.ds(e0, PER_SUB)], db)
    ninf = jnp.full((16,), -jnp.inf, jnp.float32)

    def initm(i, carry):
        macc[pl.ds(i * 16, 16)] = ninf
        return carry
    lax.fori_loop(0, NP // 16, initm, 0)

    def edge_grp(i, carry):
        s16 = sb[pl.ds(i * 16, 16)]
        d16 = db[pl.ds(i * 16, 16)]
        t = plsc.load_gather(av, [s16]) + plsc.load_gather(bv, [d16])
        e16 = jnp.where(t > 0, t, t * 0.2)
        eb[pl.ds(i * 16, 16)] = e16
        cur = plsc.load_gather(macc, [d16])
        m0 = e16 > cur

        def wcond(carry_w):
            return jnp.max(carry_w[2].astype(jnp.int32)) > 0

        def wbody(carry_w):
            e_, d_, m_ = carry_w
            plsc.store_scatter(macc, [d_], e_, mask=m_)
            cur2 = plsc.load_gather(macc, [d_])
            return (e_, d_, m_ & (e_ > cur2))
        lax.while_loop(wcond, wbody, (e16, d16, m0))
        return carry
    lax.fori_loop(0, PER_SUB // 16, edge_grp, 0)

    pltpu.sync_copy(macc, sacc.at[s])
    plsc.subcore_barrier()
    r0 = s * ROWS_SUB
    pltpu.sync_copy(sacc.at[0, pl.ds(r0, ROWS_SUB)], mred)

    def redt(t_, carry):
        pltpu.sync_copy(sacc.at[t_, pl.ds(r0, ROWS_SUB)], rbuf)

        def mx(i, carry2):
            sl = pl.ds(i * 16, 16)
            mred[sl] = jnp.maximum(mred[sl], rbuf[sl])
            return carry2
        lax.fori_loop(0, ROWS_SUB // 16, mx, 0)
        return carry
    lax.fori_loop(1, NS, redt, 0)
    pltpu.sync_copy(mred, sacc.at[0, pl.ds(r0, ROWS_SUB)])
    plsc.subcore_barrier()
    pltpu.sync_copy(sacc.at[0], av)
    zero16 = jnp.zeros((16,), jnp.float32)

    def initd(i, carry):
        dacc[pl.ds(i * 16, 16)] = zero16
        return carry
    lax.fori_loop(0, NP // 16, initd, 0)

    iota16 = lax.iota(jnp.int32, 16)
    dn = lax.GatherDimensionNumbers(
        offset_dims=(), collapsed_slice_dims=(0,), start_index_map=(0,))

    def _take(v, i):
        return lax.gather(v, i[:, None], dn, slice_sizes=(1,),
                          mode=lax.GatherScatterMode.PROMISE_IN_BOUNDS)

    def p2(i, carry):
        sl = pl.ds(i * 16, 16)
        d16 = db[sl]
        mx16 = plsc.load_gather(av, [d16])
        x16 = jnp.exp(eb[sl] - mx16)
        eb[sl] = x16
        dk, xv = plsc.sort_key_val(d16, x16)
        for k in (1, 2, 4, 8):
            sh = jnp.maximum(iota16 - k, 0)
            xs = _take(xv, sh)
            ds_ = _take(dk, sh)
            xv = xv + jnp.where((iota16 >= k) & (ds_ == dk), xs, 0.0)
        nxt = _take(dk, jnp.minimum(iota16 + 1, 15))
        last = (iota16 == 15) | (nxt != dk)
        cur = plsc.load_gather(dacc, [dk])
        plsc.store_scatter(dacc, [dk], cur + xv, mask=last)
        return carry
    lax.fori_loop(0, PER_SUB // 16, p2, 0)
    off = c * PER_W
    pltpu.sync_copy(eb.at[pl.ds(off, PER_W)], exo.at[pl.ds(e0 + off, PER_W)])

    pltpu.sync_copy(dacc, sacc.at[s])
    plsc.subcore_barrier()
    pltpu.sync_copy(sacc.at[0, pl.ds(r0, ROWS_SUB)], mred)

    def redt2(t_, carry):
        pltpu.sync_copy(sacc.at[t_, pl.ds(r0, ROWS_SUB)], rbuf)

        def sm(i, carry2):
            sl = pl.ds(i * 16, 16)
            mred[sl] = mred[sl] + rbuf[sl]
            return carry2
        lax.fori_loop(0, ROWS_SUB // 16, sm, 0)
        return carry
    lax.fori_loop(1, NS, redt2, 0)

    @pl.when(c == 0)
    def _():
        pltpu.sync_copy(mred, dno.at[pl.ds(r0, ROWS_SUB)])


def _attn_scalar(asrc, adst, srcp, dstp):
    return pl.kernel(
        _attns_body,
        out_type=[jax.ShapeDtypeStruct((EP,), jnp.float32),
                  jax.ShapeDtypeStruct((NP,), jnp.float32)],
        mesh=_mesh(),
        compiler_params=pltpu.CompilerParams(needs_layout_passes=False),
        scratch_types=[
            pltpu.VMEM((NP,), jnp.float32),
            pltpu.VMEM((NP,), jnp.float32),
            pltpu.VMEM((PER_SUB,), jnp.int32),
            pltpu.VMEM((PER_SUB,), jnp.int32),
            pltpu.VMEM((PER_SUB,), jnp.float32),
            pltpu.VMEM((NP,), jnp.float32),
            pltpu.VMEM((NP,), jnp.float32),
            pltpu.VMEM((ROWS_SUB,), jnp.float32),
            pltpu.VMEM((ROWS_SUB,), jnp.float32),
            pltpu.VMEM_SHARED((NS, NP), jnp.float32),
        ],
    )(asrc, adst, srcp, dstp)


def _gat_body(tab, srcp, dstp, exv, out,
              idx_s, idx_g, idx_d, wv, rows, rows2, acc, gsem):
    c = lax.axis_index("c")
    s = lax.axis_index("s")
    zero16 = jnp.zeros((16,), jnp.float32)

    def zrow(i, carry):
        for j in range(8):
            rows2[i, pl.ds(j * 16, 16)] = zero16
        return carry
    lax.fori_loop(0, CH, zrow, 0)

    def zacc(k, carry):
        pltpu.sync_copy(rows2, acc.at[pl.ds(s * ROWS_SUB + k * CH, CH)])
        return carry
    lax.fori_loop(0, ROWS_SUB // CH, zacc, 0)
    plsc.subcore_barrier()

    base0 = s * PER_SUB
    coff = c * NP
    dn = lax.GatherDimensionNumbers(
        offset_dims=(), collapsed_slice_dims=(0,), start_index_map=(0,))

    def _take(v, i):
        return lax.gather(v, i[:, None], dn, slice_sizes=(1,),
                          mode=lax.GatherScatterMode.PROMISE_IN_BOUNDS)

    def chunk(i, carry):
        b = base0 + i * CH
        pltpu.sync_copy(srcp.at[pl.ds(b, CH)], idx_s)
        pltpu.sync_copy(dstp.at[pl.ds(b, CH)], idx_d)
        pltpu.sync_copy(exv.at[pl.ds(b, CH)], wv)
        for j in range(CH // 16):
            idx_g[pl.ds(j * 16, 16)] = idx_s[pl.ds(j * 16, 16)] + coff
        pltpu.async_copy(tab.at[idx_g], rows, gsem).wait()

        def grp(g, carry2):
            w16 = wv[pl.ds(g * 16, 16)]
            for l in range(16):
                wb = _take(w16, jnp.full((16,), l, jnp.int32))
                e = g * 16 + l
                for j in range(8):
                    sl = pl.ds(j * 16, 16)
                    rows2[e, sl] = rows[e, sl] * wb
            return carry2
        lax.fori_loop(0, CH // 16, grp, 0)
        pltpu.sync_copy(rows2, acc.at[idx_d], add=True)
        return carry
    lax.fori_loop(0, PER_SUB // CH, chunk, 0)
    plsc.subcore_barrier()

    r0 = s * ROWS_SUB

    @pl.when(c == 0)
    def _():
        pltpu.sync_copy(acc.at[pl.ds(r0, ROWS_SUB)], out.at[0, pl.ds(r0, ROWS_SUB)])

    @pl.when(c == 1)
    def _():
        pltpu.sync_copy(acc.at[pl.ds(r0, ROWS_SUB)], out.at[1, pl.ds(r0, ROWS_SUB)])


def _gat(tab, srcp, dstp, exv):
    return pl.kernel(
        _gat_body,
        out_type=jax.ShapeDtypeStruct((2, NP, 128), jnp.float32),
        mesh=_mesh(),
        compiler_params=pltpu.CompilerParams(needs_layout_passes=False),
        scratch_types=[
            pltpu.VMEM((CH,), jnp.int32),
            pltpu.VMEM((CH,), jnp.int32),
            pltpu.VMEM((CH,), jnp.int32),
            pltpu.VMEM((CH,), jnp.float32),
            pltpu.VMEM((CH, 128), jnp.float32),
            pltpu.VMEM((CH, 128), jnp.float32),
            pltpu.VMEM_SHARED((NP, 128), jnp.float32),
            pltpu.SemaphoreType.DMA,
        ],
    )(tab, srcp, dstp, exv)



def kernel(x, edge_index, W1_root, W1_rel, b1, W2_root, W2_rel, b2,
           Wa, a_src, a_dst, Wfc, bfc):
    f32 = jnp.float32
    xp = jnp.zeros((NP, F), f32).at[:N].set(x)
    pad = jnp.full((EP - E,), NP - 1, jnp.int32)
    srcp = jnp.concatenate([edge_index[0].astype(jnp.int32), pad])
    dstp = jnp.concatenate([edge_index[1].astype(jnp.int32), pad])

    xt = xp.reshape(NP, 2, 128).transpose(1, 0, 2).reshape(2 * NP, 128)
    agg1 = _seg_sum(xt, srcp, dstp)
    h1t = _layer1(xp, agg1, W1_root, W1_rel, b1.reshape(1, H))
    agg2 = _seg_sum(h1t.reshape(2 * NP, 128), srcp, dstp)
    ha, asv, adv = _attn(h1t, agg2, W2_root, W2_rel, b2.reshape(1, H),
                         Wa, a_src.reshape(H, 1), a_dst.reshape(H, 1))
    ex, denom = _attn_scalar(asv.reshape(NP), adv.reshape(NP), srcp, dstp)
    gat = _gat(ha.reshape(2 * NP, 128), srcp, dstp, ex)
    out = _final(gat, denom.reshape(NP, 1), Wfc, bfc.reshape(1, O))
    return out[:N]

# --- scband reference (transcript-rebuilt; emitter-appended) ---
"""Pipeline reference for scband-graph-neural-network-risk-manager-14491219657471 (READ-ONLY COPY).

The authoritative reference and input builder live on the scoring server;
editing this copy changes nothing except your own understanding.
"""

import jax, jax.numpy as jnp
import numpy as np

N = 10000
E = 160000
F = 256
H = 256
O = 128


def setup_inputs(seed: int = 0) -> dict:
    key = jax.random.key(seed)
    ks = jax.random.split(key, 14)
    x = jax.random.normal(ks[0], (N, F), dtype=jnp.float32)
    edge_index = jax.random.randint(ks[1], (2, E), 0, N, dtype=jnp.int32)
    s = lambda fan_in: 1.0 / np.sqrt(fan_in)
    W1_root = jax.random.normal(ks[2], (F, H), dtype=jnp.float32) * s(F)
    W1_rel = jax.random.normal(ks[3], (F, H), dtype=jnp.float32) * s(F)
    b1 = jnp.zeros((H,), dtype=jnp.float32)
    W2_root = jax.random.normal(ks[4], (H, H), dtype=jnp.float32) * s(H)
    W2_rel = jax.random.normal(ks[5], (H, H), dtype=jnp.float32) * s(H)
    b2 = jnp.zeros((H,), dtype=jnp.float32)
    Wa = jax.random.normal(ks[6], (H, H), dtype=jnp.float32) * s(H)
    a_src = jax.random.normal(ks[7], (H,), dtype=jnp.float32) * s(H)
    a_dst = jax.random.normal(ks[8], (H,), dtype=jnp.float32) * s(H)
    Wfc = jax.random.normal(ks[9], (H, O), dtype=jnp.float32) * s(H)
    bfc = jnp.zeros((O,), dtype=jnp.float32)
    return {"x": x, "edge_index": edge_index, "W1_root": W1_root, "W1_rel": W1_rel, "b1": b1, "W2_root": W2_root, "W2_rel": W2_rel, "b2": b2, "Wa": Wa, "a_src": a_src, "a_dst": a_dst, "Wfc": Wfc, "bfc": bfc}


def _graph_conv(x, src, dst, W_root, W_rel, b):
    # GraphConv: x'_i = W_root x_i + W_rel * sum_{j in N(i)} x_j + b
    agg = jax.ops.segment_sum(x[src], dst, num_segments=N)
    return x @ W_root + agg @ W_rel + b


def _graph_attention(x, src, dst, Wa, a_src, a_dst):
    # GAT-style single-head attention layer
    h = x @ Wa
    alpha_src = h @ a_src  # [N]
    alpha_dst = h @ a_dst  # [N]
    e = jax.nn.leaky_relu(alpha_src[src] + alpha_dst[dst], negative_slope=0.2)
    emax = jax.ops.segment_max(e, dst, num_segments=N)
    emax = jnp.where(jnp.isfinite(emax), emax, 0.0)
    ex = jnp.exp(e - emax[dst])
    denom = jax.ops.segment_sum(ex, dst, num_segments=N)
    alpha = ex / (denom[dst] + 1e-16)
    return jax.ops.segment_sum(alpha[:, None] * h[src], dst, num_segments=N)


def reference(x, edge_index, W1_root, W1_rel, b1, W2_root, W2_rel, b2, Wa, a_src, a_dst, Wfc, bfc):
    src = edge_index[0]
    dst = edge_index[1]
    h = jax.nn.relu(_graph_conv(x, src, dst, W1_root, W1_rel, b1))
    h = jax.nn.relu(_graph_conv(h, src, dst, W2_root, W2_rel, b2))
    h = _graph_attention(h, src, dst, Wa, a_src, a_dst)
    out = h @ Wfc + bfc
    return out

if __name__ == "__main__":
    import jax
    _d = setup_inputs()
    print(jax.jit(kernel)(*tuple(_d.values())))

</pallas_src>

<mosaic_0001>
#map = affine_map<(d0, d1) -> (0, 0)>
#map1 = affine_map<(d0, d1) -> (0)>
#map2 = affine_map<(d0, d1) -> (0, 0, 0)>
module attributes {stable_mosaic.version = 14 : i64} {
  func.func @_seg_body(%arg0: i32, %arg1: i32, %arg2: memref<20480x128xf32, #tpu.memory_space<hbm>>, %arg3: memref<163840xi32, #tpu.memory_space<hbm>>, %arg4: memref<163840xi32, #tpu.memory_space<hbm>>, %arg5: memref<2x10240x128xf32, #tpu.memory_space<hbm>>, %arg6: memref<128xi32, #tpu.memory_space<vmem>>, %arg7: memref<128xi32, #tpu.memory_space<vmem>>, %arg8: memref<128xi32, #tpu.memory_space<vmem>>, %arg9: memref<128xi32, #tpu.memory_space<vmem>>, %arg10: memref<128x128xf32, #tpu.memory_space<vmem>>, %arg11: memref<128x128xf32, #tpu.memory_space<vmem>>, %arg12: memref<10240x128xf32, #tpu.memory_space<vmem_shared>>, %arg13: memref<!tpu.dma_semaphore, #tpu.memory_space<semaphore_mem>>, %arg14: memref<!tpu.dma_semaphore, #tpu.memory_space<semaphore_mem>>, %arg15: memref<!tpu.dma_semaphore, #tpu.memory_space<semaphore_mem>>) attributes {dimension_semantics = [#tpu.dimension_semantics<core_parallel>, #tpu.dimension_semantics<subcore_parallel>], iteration_bounds = array<i64: 2, 16>, scalar_prefetch = 0 : i64, scratch_operands = 10 : i64, tpu.core_type = #tpu.core_type<sc_vector_subcore>, window_params = [{transform_indices = #map}, {transform_indices = #map1}, {transform_indices = #map1}, {transform_indices = #map2}]} {
    %broadcast_in_dim3A = arith.constant 0.000000e+00 : f32
    %broadcast_in_dim3A_0 = vector.broadcast %broadcast_in_dim3A : f32 to vector<16xf32>
    %scan3A = arith.constant 0 : i32
    %scan3A_1 = arith.constant 0 : i32
    %scan3A_2 = arith.constant 128 : i32
    %scan3A_3 = arith.addi %scan3A_1, %scan3A_2 : i32
    %scan3A_4 = arith.constant 1 : i32
    scf.for %scan3A_42 = %scan3A_1 to %scan3A_3 step %scan3A_4  : i32 {
      %swap3A = arith.index_cast %scan3A_42 : i32 to index
      %swap3A_43 = arith.constant 0 : index
      %swap3A_44 = tpu.vector_load %arg10[%swap3A, %swap3A_43] {strides = array<i32>} : memref<128x128xf32, #tpu.memory_space<vmem>>, vector<16xf32>,
      tpu.vector_store %arg10[%swap3A, %swap3A_43], %broadcast_in_dim3A_0 {strides = array<i32>} : memref<128x128xf32, #tpu.memory_space<vmem>>, vector<16xf32>,
      %swap3A_45 = arith.index_cast %scan3A_42 : i32 to index
      %swap3A_46 = arith.constant 16 : index
      %swap3A_47 = tpu.vector_load %arg10[%swap3A_45, %swap3A_46] {strides = array<i32>} : memref<128x128xf32, #tpu.memory_space<vmem>>, vector<16xf32>,
      tpu.vector_store %arg10[%swap3A_45, %swap3A_46], %broadcast_in_dim3A_0 {strides = array<i32>} : memref<128x128xf32, #tpu.memory_space<vmem>>, vector<16xf32>,
      %swap3A_48 = arith.index_cast %scan3A_42 : i32 to index
      %swap3A_49 = arith.constant 32 : index
      %swap3A_50 = tpu.vector_load %arg10[%swap3A_48, %swap3A_49] {strides = array<i32>} : memref<128x128xf32, #tpu.memory_space<vmem>>, vector<16xf32>,
      tpu.vector_store %arg10[%swap3A_48, %swap3A_49], %broadcast_in_dim3A_0 {strides = array<i32>} : memref<128x128xf32, #tpu.memory_space<vmem>>, vector<16xf32>,
      %swap3A_51 = arith.index_cast %scan3A_42 : i32 to index
      %swap3A_52 = arith.constant 48 : index
      %swap3A_53 = tpu.vector_load %arg10[%swap3A_51, %swap3A_52] {strides = array<i32>} : memref<128x128xf32, #tpu.memory_space<vmem>>, vector<16xf32>,
      tpu.vector_store %arg10[%swap3A_51, %swap3A_52], %broadcast_in_dim3A_0 {strides = array<i32>} : memref<128x128xf32, #tpu.memory_space<vmem>>, vector<16xf32>,
      %swap3A_54 = arith.index_cast %scan3A_42 : i32 to index
      %swap3A_55 = arith.constant 64 : index
      %swap3A_56 = tpu.vector_load %arg10[%swap3A_54, %swap3A_55] {strides = array<i32>} : memref<128x128xf32, #tpu.memory_space<vmem>>, vector<16xf32>,
      tpu.vector_store %arg10[%swap3A_54, %swap3A_55], %broadcast_in_dim3A_0 {strides = array<i32>} : memref<128x128xf32, #tpu.memory_space<vmem>>, vector<16xf32>,
      %swap3A_57 = arith.index_cast %scan3A_42 : i32 to index
      %swap3A_58 = arith.constant 80 : index
      %swap3A_59 = tpu.vector_load %arg10[%swap3A_57, %swap3A_58] {strides = array<i32>} : memref<128x128xf32, #tpu.memory_space<vmem>>, vector<16xf32>,
      tpu.vector_store %arg10[%swap3A_57, %swap3A_58], %broadcast_in_dim3A_0 {strides = array<i32>} : memref<128x128xf32, #tpu.memory_space<vmem>>, vector<16xf32>,
      %swap3A_60 = arith.index_cast %scan3A_42 : i32 to index
      %swap3A_61 = arith.constant 96 : index
      %swap3A_62 = tpu.vector_load %arg10[%swap3A_60, %swap3A_61] {strides = array<i32>} : memref<128x128xf32, #tpu.memory_space<vmem>>, vector<16xf32>,
      tpu.vector_store %arg10[%swap3A_60, %swap3A_61], %broadcast_in_dim3A_0 {strides = array<i32>} : memref<128x128xf32, #tpu.memory_space<vmem>>, vector<16xf32>,
      %swap3A_63 = arith.index_cast %scan3A_42 : i32 to index
      %swap3A_64 = arith.constant 112 : index
      %swap3A_65 = tpu.vector_load %arg10[%swap3A_63, %swap3A_64] {strides = array<i32>} : memref<128x128xf32, #tpu.memory_space<vmem>>, vector<16xf32>,
      tpu.vector_store %arg10[%swap3A_63, %swap3A_64], %broadcast_in_dim3A_0 {strides = array<i32>} : memref<128x128xf32, #tpu.memory_space<vmem>>, vector<16xf32>,
    }
    %scan3A_5 = arith.constant 128 : i32
    %scan3A_6 = arith.constant 0 : i32
    %scan3A_7 = arith.constant 0 : i32
    %scan3A_8 = arith.constant 5 : i32
    %scan3A_9 = arith.addi %scan3A_7, %scan3A_8 : i32
    %scan3A_10 = arith.constant 1 : i32
    scf.for %scan3A_42 = %scan3A_7 to %scan3A_9 step %scan3A_10  : i32 {
      %mul3A_43 = arith.constant 640 : i32
      %mul3A_44 = arith.muli %arg1, %mul3A_43 : i32
      %mul3A_45 = arith.constant 128 : i32
      %mul3A_46 = arith.muli %scan3A_42, %mul3A_45 : i32
      %add3A = arith.addi %mul3A_44, %mul3A_46 : i32
      "tpu.region"() ({
        %run_scoped3A = tpu.sem_alloc : memref<!tpu.dma_semaphore, #tpu.memory_space<semaphore_mem>>
        %dma_start3A = arith.constant 0 : i32
        %dma_start3A_47 = tpu.memref_slice %arg12[%add3A, %dma_start3A] : memref<10240x128xf32, #tpu.memory_space<vmem_shared>> -> memref<128x128xf32, #tpu.memory_space<vmem_shared>>
        %dma_start3A_48 = arith.constant 0 : i32
        %dma_start3A_49 = tpu.memref_slice %arg12[%add3A, %dma_start3A_48] : memref<10240x128xf32, #tpu.memory_space<vmem_shared>> -> memref<128x128xf32, #tpu.memory_space<vmem_shared>>
        tpu.enqueue_dma source(%arg10 : memref<128x128xf32, #tpu.memory_space<vmem>>) target(%dma_start3A_49 : memref<128x128xf32, #tpu.memory_space<vmem_shared>>) target_semaphore(%run_scoped3A : memref<!tpu.dma_semaphore, #tpu.memory_space<semaphore_mem>>)
        %dma_wait3A_50 = arith.constant 0 : i32
        %dma_wait3A_51 = tpu.memref_slice %arg12[%add3A, %dma_wait3A_50] : memref<10240x128xf32, #tpu.memory_space<vmem_shared>> -> memref<128x128xf32, #tpu.memory_space<vmem_shared>>
        %dma_wait3A_52 = arith.constant 0 : i32
        %dma_wait3A_53 = tpu.memref_slice %arg12[%add3A, %dma_wait3A_52] : memref<10240x128xf32, #tpu.memory_space<vmem_shared>> -> memref<128x128xf32, #tpu.memory_space<vmem_shared>>
        tpu.wait_dma2 semaphore(%run_scoped3A : memref<!tpu.dma_semaphore, #tpu.memory_space<semaphore_mem>>) src(%arg10 : memref<128x128xf32, #tpu.memory_space<vmem>>) dst(%dma_wait3A_53 : memref<128x128xf32, #tpu.memory_space<vmem_shared>>)
        tpu.yield
      }) : () -> ()
    }
    %scan3A_11 = arith.constant 5 : i32
    %barrier3A = arith.constant 0 : index
    tpu.barrier barrier_id(%barrier3A)
    %mul3A = arith.constant 10240 : i32
    %mul3A_12 = arith.muli %arg1, %mul3A : i32
    %mul3A_13 = arith.constant 10240 : i32
    %mul3A_14 = arith.muli %arg0, %mul3A_13 : i32
    %scan3A_15 = arith.constant 0 : i32
    %scan3A_16 = arith.constant 0 : i32
    %scan3A_17 = arith.constant 40 : i32
    %scan3A_18 = arith.addi %scan3A_16, %scan3A_17 : i32
    %scan3A_19 = arith.constant 1 : i32
    scf.for %scan3A_42 = %scan3A_16 to %scan3A_18 step %scan3A_19  : i32 {
      %mul3A_43 = arith.constant 2 : i32
      %mul3A_44 = arith.muli %mul3A_43, %scan3A_42 : i32
      %add3A = arith.constant 0 : i32
      %add3A_45 = arith.addi %mul3A_44, %add3A : i32
      %mul3A_46 = arith.constant 128 : i32
      %mul3A_47 = arith.muli %add3A_45, %mul3A_46 : i32
      %add3A_48 = arith.addi %mul3A_12, %mul3A_47 : i32
      %ge3A = arith.constant 1 : i32
      %ge3A_49 = arith.cmpi sge, %scan3A_42, %ge3A : i32
      %convert_element_type3A_50 = arith.extui %ge3A_49 : i1 to i32
      %cond3A_51 = arith.constant 0 : i32
      %cond3A_52 = arith.cmpi ne, %convert_element_type3A_50, %cond3A_51 : i32
      scf.if %cond3A_52 {
        %dma_wait3A_176 = arith.constant 0 : i32
        %dma_wait3A_177 = arith.constant 0 : i32
        %dma_wait3A_178 = tpu.memref_slice %arg2[%dma_wait3A_176, %dma_wait3A_177] : memref<20480x128xf32, #tpu.memory_space<hbm>> -> memref<128x128xf32, #tpu.memory_space<hbm>>
        %dma_wait3A_179 = arith.constant 0 : i32
        %dma_wait3A_180 = arith.constant 0 : i32
        %dma_wait3A_181 = tpu.memref_slice %arg2[%dma_wait3A_179, %dma_wait3A_180] : memref<20480x128xf32, #tpu.memory_space<hbm>> -> memref<128x128xf32, #tpu.memory_space<hbm>>
        tpu.wait_dma2 semaphore(%arg14 : memref<!tpu.dma_semaphore, #tpu.memory_space<semaphore_mem>>) src(%dma_wait3A_181 : memref<128x128xf32, #tpu.memory_space<hbm>>) dst(%arg10 : memref<128x128xf32, #tpu.memory_space<vmem>>)
      } else {
      }
      "tpu.region"() ({
        %run_scoped3A = tpu.sem_alloc : memref<!tpu.dma_semaphore, #tpu.memory_space<semaphore_mem>>
        %dma_start3A_176 = tpu.memref_slice %arg3[%add3A_48] : memref<163840xi32, #tpu.memory_space<hbm>> -> memref<128xi32, #tpu.memory_space<hbm>>
        %dma_start3A_177 = tpu.memref_slice %arg3[%add3A_48] : memref<163840xi32, #tpu.memory_space<hbm>> -> memref<128xi32, #tpu.memory_space<hbm>>
        tpu.enqueue_dma source(%dma_start3A_177 : memref<128xi32, #tpu.memory_space<hbm>>) target(%arg6 : memref<128xi32, #tpu.memory_space<vmem>>) target_semaphore(%run_scoped3A : memref<!tpu.dma_semaphore, #tpu.memory_space<semaphore_mem>>)
        %dma_wait3A_178 = tpu.memref_slice %arg3[%add3A_48] : memref<163840xi32, #tpu.memory_space<hbm>> -> memref<128xi32, #tpu.memory_space<hbm>>
        %dma_wait3A_179 = tpu.memref_slice %arg3[%add3A_48] : memref<163840xi32, #tpu.memory_space<hbm>> -> memref<128xi32, #tpu.memory_space<hbm>>
        tpu.wait_dma2 semaphore(%run_scoped3A : memref<!tpu.dma_semaphore, #tpu.memory_space<semaphore_mem>>) src(%dma_wait3A_179 : memref<128xi32, #tpu.memory_space<hbm>>) dst(%arg6 : memref<128xi32, #tpu.memory_space<vmem>>)
        tpu.yield
      }) : () -> ()
      "tpu.region"() ({
        %run_scoped3A = tpu.sem_alloc : memref<!tpu.dma_semaphore, #tpu.memory_space<semaphore_mem>>
        %dma_start3A_176 = tpu.memref_slice %arg4[%add3A_48] : memref<163840xi32, #tpu.memory_space<hbm>> -> memref<128xi32, #tpu.memory_space<hbm>>
        %dma_start3A_177 = tpu.memref_slice %arg4[%add3A_48] : memref<163840xi32, #tpu.memory_space<hbm>> -> memref<128xi32, #tpu.memory_space<hbm>>
        tpu.enqueue_dma source(%dma_start3A_177 : memref<128xi32, #tpu.memory_space<hbm>>) target(%arg8 : memref<128xi32, #tpu.memory_space<vmem>>) target_semaphore(%run_scoped3A : memref<!tpu.dma_semaphore, #tpu.memory_space<semaphore_mem>>)
        %dma_wait3A_178 = tpu.memref_slice %arg4[%add3A_48] : memref<163840xi32, #tpu.memory_space<hbm>> -> memref<128xi32, #tpu.memory_space<hbm>>
        %dma_wait3A_179 = tpu.memref_slice %arg4[%add3A_48] : memref<163840xi32, #tpu.memory_space<hbm>> -> memref<128xi32, #tpu.memory_space<hbm>>
        tpu.wait_dma2 semaphore(%run_scoped3A : memref<!tpu.dma_semaphore, #tpu.memory_space<semaphore_mem>>) src(%dma_wait3A_179 : memref<128xi32, #tpu.memory_space<hbm>>) dst(%arg8 : memref<128xi32, #tpu.memory_space<vmem>>)
        tpu.yield
      }) : () -> ()
      %get3A = arith.constant 0 : index
      %get3A_53 = tpu.vector_load %arg6[%get3A] {strides = array<i32>} : memref<128xi32, #tpu.memory_space<vmem>>, vector<16xi32>,
      %add3A_54 = vector.broadcast %mul3A_14 : i32 to vector<16xi32>
      %add3A_55 = arith.addi %get3A_53, %add3A_54 : vector<16xi32>
      %swap3A = arith.constant 0 : index
      %swap3A_56 = tpu.vector_load %arg7[%swap3A] {strides = array<i32>} : memref<128xi32, #tpu.memory_space<vmem>>, vector<16xi32>,
      tpu.vector_store %arg7[%swap3A], %add3A_55 {strides = array<i32>} : memref<128xi32, #tpu.memory_space<vmem>>, vector<16xi32>,
      %get3A_57 = arith.constant 16 : index
      %get3A_58 = tpu.vector_load %arg6[%get3A_57] {strides = array<i32>} : memref<128xi32, #tpu.memory_space<vmem>>, vector<16xi32>,
      %add3A_59 = vector.broadcast %mul3A_14 : i32 to vector<16xi32>
      %add3A_60 = arith.addi %get3A_58, %add3A_59 : vector<16xi32>
      %swap3A_61 = arith.constant 16 : index
      %swap3A_62 = tpu.vector_load %arg7[%swap3A_61] {strides = array<i32>} : memref<128xi32, #tpu.memory_space<vmem>>, vector<16xi32>,
      tpu.vector_store %arg7[%swap3A_61], %add3A_60 {strides = array<i32>} : memref<128xi32, #tpu.memory_space<vmem>>, vector<16xi32>,
      %get3A_63 = arith.constant 32 : index
      %get3A_64 = tpu.vector_load %arg6[%get3A_63] {strides = array<i32>} : memref<128xi32, #tpu.memory_space<vmem>>, vector<16xi32>,
      %add3A_65 = vector.broadcast %mul3A_14 : i32 to vector<16xi32>
      %add3A_66 = arith.addi %get3A_64, %add3A_65 : vector<16xi32>
      %swap3A_67 = arith.constant 32 : index
      %swap3A_68 = tpu.vector_load %arg7[%swap3A_67] {strides = array<i32>} : memref<128xi32, #tpu.memory_space<vmem>>, vector<16xi32>,
      tpu.vector_store %arg7[%swap3A_67], %add3A_66 {strides = array<i32>} : memref<128xi32, #tpu.memory_space<vmem>>, vector<16xi32>,
      %get3A_69 = arith.constant 48 : index
      %get3A_70 = tpu.vector_load %arg6[%get3A_69] {strides = array<i32>} : memref<128xi32, #tpu.memory_space<vmem>>, vector<16xi32>,
      %add3A_71 = vector.broadcast %mul3A_14 : i32 to vector<16xi32>
      %add3A_72 = arith.addi %get3A_70, %add3A_71 : vector<16xi32>
      %swap3A_73 = arith.constant 48 : index
      %swap3A_74 = tpu.vector_load %arg7[%swap3A_73] {strides = array<i32>} : memref<128xi32, #tpu.memory_space<vmem>>, vector<16xi32>,
      tpu.vector_store %arg7[%swap3A_73], %add3A_72 {strides = array<i32>} : memref<128xi32, #tpu.memory_space<vmem>>, vector<16xi32>,
      %get3A_75 = arith.constant 64 : index
      %get3A_76 = tpu.vector_load %arg6[%get3A_75] {strides = array<i32>} : memref<128xi32, #tpu.memory_space<vmem>>, vector<16xi32>,
      %add3A_77 = vector.broadcast %mul3A_14 : i32 to vector<16xi32>
      %add3A_78 = arith.addi %get3A_76, %add3A_77 : vector<16xi32>
      %swap3A_79 = arith.constant 64 : index
      %swap3A_80 = tpu.vector_load %arg7[%swap3A_79] {strides = array<i32>} : memref<128xi32, #tpu.memory_space<vmem>>, vector<16xi32>,
      tpu.vector_store %arg7[%swap3A_79], %add3A_78 {strides = array<i32>} : memref<128xi32, #tpu.memory_space<vmem>>, vector<16xi32>,
      %get3A_81 = arith.constant 80 : index
      %get3A_82 = tpu.vector_load %arg6[%get3A_81] {strides = array<i32>} : memref<128xi32, #tpu.memory_space<vmem>>, vector<16xi32>,
      %add3A_83 = vector.broadcast %mul3A_14 : i32 to vector<16xi32>
      %add3A_84 = arith.addi %get3A_82, %add3A_83 : vector<16xi32>
      %swap3A_85 = arith.constant 80 : index
      %swap3A_86 = tpu.vector_load %arg7[%swap3A_85] {strides = array<i32>} : memref<128xi32, #tpu.memory_space<vmem>>, vector<16xi32>,
      tpu.vector_store %arg7[%swap3A_85], %add3A_84 {strides = array<i32>} : memref<128xi32, #tpu.memory_space<vmem>>, vector<16xi32>,
      %get3A_87 = arith.constant 96 : index
      %get3A_88 = tpu.vector_load %arg6[%get3A_87] {strides = array<i32>} : memref<128xi32, #tpu.memory_space<vmem>>, vector<16xi32>,
      %add3A_89 = vector.broadcast %mul3A_14 : i32 to vector<16xi32>
      %add3A_90 = arith.addi %get3A_88, %add3A_89 : vector<16xi32>
      %swap3A_91 = arith.constant 96 : index
      %swap3A_92 = tpu.vector_load %arg7[%swap3A_91] {strides = array<i32>} : memref<128xi32, #tpu.memory_space<vmem>>, vector<16xi32>,
      tpu.vector_store %arg7[%swap3A_91], %add3A_90 {strides = array<i32>} : memref<128xi32, #tpu.memory_space<vmem>>, vector<16xi32>,
      %get3A_93 = arith.constant 112 : index
      %get3A_94 = tpu.vector_load %arg6[%get3A_93] {strides = array<i32>} : memref<128xi32, #tpu.memory_space<vmem>>, vector<16xi32>,
      %add3A_95 = vector.broadcast %mul3A_14 : i32 to vector<16xi32>
      %add3A_96 = arith.addi %get3A_94, %add3A_95 : vector<16xi32>
      %swap3A_97 = arith.constant 112 : index
      %swap3A_98 = tpu.vector_load %arg7[%swap3A_97] {strides = array<i32>} : memref<128xi32, #tpu.memory_space<vmem>>, vector<16xi32>,
      tpu.vector_store %arg7[%swap3A_97], %add3A_96 {strides = array<i32>} : memref<128xi32, #tpu.memory_space<vmem>>, vector<16xi32>,
      %dma_start3A = arith.constant 0 : i32
      %dma_start3A_99 = arith.constant 0 : i32
      %dma_start3A_100 = tpu.memref_slice %arg2[%dma_start3A, %dma_start3A_99] : memref<20480x128xf32, #tpu.memory_space<hbm>> -> memref<20480x128xf32, #tpu.memory_space<hbm>>
      tpu.enqueue_indirect_dma source(%dma_start3A_100 : memref<20480x128xf32, #tpu.memory_space<hbm>>) target(%arg10 : memref<128x128xf32, #tpu.memory_space<vmem>>) offsets(%arg7 : memref<128xi32, #tpu.memory_space<vmem>>) semaphore(%arg13 : memref<!tpu.dma_semaphore, #tpu.memory_space<semaphore_mem>>)
      %dma_wait3A_101 = arith.constant 0 : i32
      %dma_wait3A_102 = arith.constant 0 : i32
      %dma_wait3A_103 = tpu.memref_slice %arg2[%dma_wait3A_101, %dma_wait3A_102] : memref<20480x128xf32, #tpu.memory_space<hbm>> -> memref<20480x128xf32, #tpu.memory_space<hbm>>
      tpu.wait_indirect_dma semaphore(%arg13 : memref<!tpu.dma_semaphore, #tpu.memory_space<semaphore_mem>>) src(%dma_wait3A_103 : memref<20480x128xf32, #tpu.memory_space<hbm>>) dst(%arg10 : memref<128x128xf32, #tpu.memory_space<vmem>>)
      %dma_start3A_104 = arith.constant 0 : i32
      %dma_start3A_105 = arith.constant 0 : i32
      %dma_start3A_106 = tpu.memref_slice %arg12[%dma_start3A_104, %dma_start3A_105] : memref<10240x128xf32, #tpu.memory_space<vmem_shared>> -> memref<10240x128xf32, #tpu.memory_space<vmem_shared>>
      tpu.enqueue_indirect_dma source(%arg10 : memref<128x128xf32, #tpu.memory_space<vmem>>) target(%dma_start3A_106 : memref<10240x128xf32, #tpu.memory_space<vmem_shared>>) offsets(%arg8 : memref<128xi32, #tpu.memory_space<vmem>>) semaphore(%arg14 : memref<!tpu.dma_semaphore, #tpu.memory_space<semaphore_mem>>) {add = true}
      %mul3A_107 = arith.constant 2 : i32
      %mul3A_108 = arith.muli %mul3A_107, %scan3A_42 : i32
      %add3A_109 = arith.constant 1 : i32
      %add3A_110 = arith.addi %mul3A_108, %add3A_109 : i32
      %mul3A_111 = arith.constant 128 : i32
      %mul3A_112 = arith.muli %add3A_110, %mul3A_111 : i32
      %add3A_113 = arith.addi %mul3A_12, %mul3A_112 : i32
      %ge3A_114 = arith.constant 1 : i32
      %ge3A_115 = arith.cmpi sge, %scan3A_42, %ge3A_114 : i32
      %convert_element_type3A_116 = arith.extui %ge3A_115 : i1 to i32
      %cond3A_117 = arith.constant 0 : i32
      %cond3A_118 = arith.cmpi ne, %convert_element_type3A_116, %cond3A_117 : i32
      scf.if %cond3A_118 {
        %dma_wait3A_176 = arith.constant 0 : i32
        %dma_wait3A_177 = arith.constant 0 : i32
        %dma_wait3A_178 = tpu.memref_slice %arg2[%dma_wait3A_176, %dma_wait3A_177] : memref<20480x128xf32, #tpu.memory_space<hbm>> -> memref<128x128xf32, #tpu.memory_space<hbm>>
        %dma_wait3A_179 = arith.constant 0 : i32
        %dma_wait3A_180 = arith.constant 0 : i32
        %dma_wait3A_181 = tpu.memref_slice %arg2[%dma_wait3A_179, %dma_wait3A_180] : memref<20480x128xf32, #tpu.memory_space<hbm>> -> memref<128x128xf32, #tpu.memory_space<hbm>>
        tpu.wait_dma2 semaphore(%arg15 : memref<!tpu.dma_semaphore, #tpu.memory_space<semaphore_mem>>) src(%dma_wait3A_181 : memref<128x128xf32, #tpu.memory_space<hbm>>) dst(%arg11 : memref<128x128xf32, #tpu.memory_space<vmem>>)
      } else {
      }
      "tpu.region"() ({
        %run_scoped3A = tpu.sem_alloc : memref<!tpu.dma_semaphore, #tpu.memory_space<semaphore_mem>>
        %dma_start3A_176 = tpu.memref_slice %arg3[%add3A_113] : memref<163840xi32, #tpu.memory_space<hbm>> -> memref<128xi32, #tpu.memory_space<hbm>>
        %dma_start3A_177 = tpu.memref_slice %arg3[%add3A_113] : memref<163840xi32, #tpu.memory_space<hbm>> -> memref<128xi32, #tpu.memory_space<hbm>>
        tpu.enqueue_dma source(%dma_start3A_177 : memref<128xi32, #tpu.memory_space<hbm>>) target(%arg6 : memref<128xi32, #tpu.memory_space<vmem>>) target_semaphore(%run_scoped3A : memref<!tpu.dma_semaphore, #tpu.memory_space<semaphore_mem>>)
        %dma_wait3A_178 = tpu.memref_slice %arg3[%add3A_113] : memref<163840xi32, #tpu.memory_space<hbm>> -> memref<128xi32, #tpu.memory_space<hbm>>
        %dma_wait3A_179 = tpu.memref_slice %arg3[%add3A_113] : memref<163840xi32, #tpu.memory_space<hbm>> -> memref<128xi32, #tpu.memory_space<hbm>>
        tpu.wait_dma2 semaphore(%run_scoped3A : memref<!tpu.dma_semaphore, #tpu.memory_space<semaphore_mem>>) src(%dma_wait3A_179 : memref<128xi32, #tpu.memory_space<hbm>>) dst(%arg6 : memref<128xi32, #tpu.memory_space<vmem>>)
        tpu.yield
      }) : () -> ()
      "tpu.region"() ({
        %run_scoped3A = tpu.sem_alloc : memref<!tpu.dma_semaphore, #tpu.memory_space<semaphore_mem>>
        %dma_start3A_176 = tpu.memref_slice %arg4[%add3A_113] : memref<163840xi32, #tpu.memory_space<hbm>> -> memref<128xi32, #tpu.memory_space<hbm>>
        %dma_start3A_177 = tpu.memref_slice %arg4[%add3A_113] : memref<163840xi32, #tpu.memory_space<hbm>> -> memref<128xi32, #tpu.memory_space<hbm>>
        tpu.enqueue_dma source(%dma_start3A_177 : memref<128xi32, #tpu.memory_space<hbm>>) target(%arg9 : memref<128xi32, #tpu.memory_space<vmem>>) target_semaphore(%run_scoped3A : memref<!tpu.dma_semaphore, #tpu.memory_space<semaphore_mem>>)
        %dma_wait3A_178 = tpu.memref_slice %arg4[%add3A_113] : memref<163840xi32, #tpu.memory_space<hbm>> -> memref<128xi32, #tpu.memory_space<hbm>>
        %dma_wait3A_179 = tpu.memref_slice %arg4[%add3A_113] : memref<163840xi32, #tpu.memory_space<hbm>> -> memref<128xi32, #tpu.memory_space<hbm>>
        tpu.wait_dma2 semaphore(%run_scoped3A : memref<!tpu.dma_semaphore, #tpu.memory_space<semaphore_mem>>) src(%dma_wait3A_179 : memref<128xi32, #tpu.memory_space<hbm>>) dst(%arg9 : memref<128xi32, #tpu.memory_space<vmem>>)
        tpu.yield
      }) : () -> ()
      %get3A_119 = arith.constant 0 : index
      %get3A_120 = tpu.vector_load %arg6[%get3A_119] {strides = array<i32>} : memref<128xi32, #tpu.memory_space<vmem>>, vector<16xi32>,
      %add3A_121 = vector.broadcast %mul3A_14 : i32 to vector<16xi32>
      %add3A_122 = arith.addi %get3A_120, %add3A_121 : vector<16xi32>
      %swap3A_123 = arith.constant 0 : index
      %swap3A_124 = tpu.vector_load %arg7[%swap3A_123] {strides = array<i32>} : memref<128xi32, #tpu.memory_space<vmem>>, vector<16xi32>,
      tpu.vector_store %arg7[%swap3A_123], %add3A_122 {strides = array<i32>} : memref<128xi32, #tpu.memory_space<vmem>>, vector<16xi32>,
      %get3A_125 = arith.constant 16 : index
      %get3A_126 = tpu.vector_load %arg6[%get3A_125] {strides = array<i32>} : memref<128xi32, #tpu.memory_space<vmem>>, vector<16xi32>,
      %add3A_127 = vector.broadcast %mul3A_14 : i32 to vector<16xi32>
      %add3A_128 = arith.addi %get3A_126, %add3A_127 : vector<16xi32>
      %swap3A_129 = arith.constant 16 : index
      %swap3A_130 = tpu.vector_load %arg7[%swap3A_129] {strides = array<i32>} : memref<128xi32, #tpu.memory_space<vmem>>, vector<16xi32>,
      tpu.vector_store %arg7[%swap3A_129], %add3A_128 {strides = array<i32>} : memref<128xi32, #tpu.memory_space<vmem>>, vector<16xi32>,
      %get3A_131 = arith.constant 32 : index
      %get3A_132 = tpu.vector_load %arg6[%get3A_131] {strides = array<i32>} : memref<128xi32, #tpu.memory_space<vmem>>, vector<16xi32>,
      %add3A_133 = vector.broadcast %mul3A_14 : i32 to vector<16xi32>
      %add3A_134 = arith.addi %get3A_132, %add3A_133 : vector<16xi32>
      %swap3A_135 = arith.constant 32 : index
      %swap3A_136 = tpu.vector_load %arg7[%swap3A_135] {strides = array<i32>} : memref<128xi32, #tpu.memory_space<vmem>>, vector<16xi32>,
      tpu.vector_store %arg7[%swap3A_135], %add3A_134 {strides = array<i32>} : memref<128xi32, #tpu.memory_space<vmem>>, vector<16xi32>,
      %get3A_137 = arith.constant 48 : index
      %get3A_138 = tpu.vector_load %arg6[%get3A_137] {strides = array<i32>} : memref<128xi32, #tpu.memory_space<vmem>>, vector<16xi32>,
      %add3A_139 = vector.broadcast %mul3A_14 : i32 to vector<16xi32>
      %add3A_140 = arith.addi %get3A_138, %add3A_139 : vector<16xi32>
      %swap3A_141 = arith.constant 48 : index
      %swap3A_142 = tpu.vector_load %arg7[%swap3A_141] {strides = array<i32>} : memref<128xi32, #tpu.memory_space<vmem>>, vector<16xi32>,
      tpu.vector_store %arg7[%swap3A_141], %add3A_140 {strides = array<i32>} : memref<128xi32, #tpu.memory_space<vmem>>, vector<16xi32>,
      %get3A_143 = arith.constant 64 : index
      %get3A_144 = tpu.vector_load %arg6[%get3A_143] {strides = array<i32>} : memref<128xi32, #tpu.memory_space<vmem>>, vector<16xi32>,
      %add3A_145 = vector.broadcast %mul3A_14 : i32 to vector<16xi32>
      %add3A_146 = arith.addi %get3A_144, %add3A_145 : vector<16xi32>
      %swap3A_147 = arith.constant 64 : index
      %swap3A_148 = tpu.vector_load %arg7[%swap3A_147] {strides = array<i32>} : memref<128xi32, #tpu.memory_space<vmem>>, vector<16xi32>,
      tpu.vector_store %arg7[%swap3A_147], %add3A_146 {strides = array<i32>} : memref<128xi32, #tpu.memory_space<vmem>>, vector<16xi32>,
      %get3A_149 = arith.constant 80 : index
      %get3A_150 = tpu.vector_load %arg6[%get3A_149] {strides = array<i32>} : memref<128xi32, #tpu.memory_space<vmem>>, vector<16xi32>,
      %add3A_151 = vector.broadcast %mul3A_14 : i32 to vector<16xi32>
      %add3A_152 = arith.addi %get3A_150, %add3A_151 : vector<16xi32>
      %swap3A_153 = arith.constant 80 : index
      %swap3A_154 = tpu.vector_load %arg7[%swap3A_153] {strides = array<i32>} : memref<128xi32, #tpu.memory_space<vmem>>, vector<16xi32>,
      tpu.vector_store %arg7[%swap3A_153], %add3A_152 {strides = array<i32>} : memref<128xi32, #tpu.memory_space<vmem>>, vector<16xi32>,
      %get3A_155 = arith.constant 96 : index
      %get3A_156 = tpu.vector_load %arg6[%get3A_155] {strides = array<i32>} : memref<128xi32, #tpu.memory_space<vmem>>, vector<16xi32>,
      %add3A_157 = vector.broadcast %mul3A_14 : i32 to vector<16xi32>
      %add3A_158 = arith.addi %get3A_156, %add3A_157 : vector<16xi32>
      %swap3A_159 = arith.constant 96 : index
      %swap3A_160 = tpu.vector_load %arg7[%swap3A_159] {strides = array<i32>} : memref<128xi32, #tpu.memory_space<vmem>>, vector<16xi32>,
      tpu.vector_store %arg7[%swap3A_159], %add3A_158 {strides = array<i32>} : memref<128xi32, #tpu.memory_space<vmem>>, vector<16xi32>,
      %get3A_161 = arith.constant 112 : index
      %get3A_162 = tpu.vector_load %arg6[%get3A_161] {strides = array<i32>} : memref<128xi32, #tpu.memory_space<vmem>>, vector<16xi32>,
      %add3A_163 = vector.broadcast %mul3A_14 : i32 to vector<16xi32>
      %add3A_164 = arith.addi %get3A_162, %add3A_163 : vector<16xi32>
      %swap3A_165 = arith.constant 112 : index
      %swap3A_166 = tpu.vector_load %arg7[%swap3A_165] {strides = array<i32>} : memref<128xi32, #tpu.memory_space<vmem>>, vector<16xi32>,
      tpu.vector_store %arg7[%swap3A_165], %add3A_164 {strides = array<i32>} : memref<128xi32, #tpu.memory_space<vmem>>, vector<16xi32>,
      %dma_start3A_167 = arith.constant 0 : i32
      %dma_start3A_168 = arith.constant 0 : i32
      %dma_start3A_169 = tpu.memref_slice %arg2[%dma_start3A_167, %dma_start3A_168] : memref<20480x128xf32, #tpu.memory_space<hbm>> -> memref<20480x128xf32, #tpu.memory_space<hbm>>
      tpu.enqueue_indirect_dma source(%dma_start3A_169 : memref<20480x128xf32, #tpu.memory_space<hbm>>) target(%arg11 : memref<128x128xf32, #tpu.memory_space<vmem>>) offsets(%arg7 : memref<128xi32, #tpu.memory_space<vmem>>) semaphore(%arg13 : memref<!tpu.dma_semaphore, #tpu.memory_space<semaphore_mem>>)
      %dma_wait3A_170 = arith.constant 0 : i32
      %dma_wait3A_171 = arith.constant 0 : i32
      %dma_wait3A_172 = tpu.memref_slice %arg2[%dma_wait3A_170, %dma_wait3A_171] : memref<20480x128xf32, #tpu.memory_space<hbm>> -> memref<20480x128xf32, #tpu.memory_space<hbm>>
      tpu.wait_indirect_dma semaphore(%arg13 : memref<!tpu.dma_semaphore, #tpu.memory_space<semaphore_mem>>) src(%dma_wait3A_172 : memref<20480x128xf32, #tpu.memory_space<hbm>>) dst(%arg11 : memref<128x128xf32, #tpu.memory_space<vmem>>)
      %dma_start3A_173 = arith.constant 0 : i32
      %dma_start3A_174 = arith.constant 0 : i32
      %dma_start3A_175 = tpu.memref_slice %arg12[%dma_start3A_173, %dma_start3A_174] : memref<10240x128xf32, #tpu.memory_space<vmem_shared>> -> memref<10240x128xf32, #tpu.memory_space<vmem_shared>>
      tpu.enqueue_indirect_dma source(%arg11 : memref<128x128xf32, #tpu.memory_space<vmem>>) target(%dma_start3A_175 : memref<10240x128xf32, #tpu.memory_space<vmem_shared>>) offsets(%arg9 : memref<128xi32, #tpu.memory_space<vmem>>) semaphore(%arg15 : memref<!tpu.dma_semaphore, #tpu.memory_space<semaphore_mem>>) {add = true}
    }
    %scan3A_20 = arith.constant 40 : i32
    %dma_wait3A = arith.constant 0 : i32
    %dma_wait3A_21 = arith.constant 0 : i32
    %dma_wait3A_22 = tpu.memref_slice %arg2[%dma_wait3A, %dma_wait3A_21] : memref<20480x128xf32, #tpu.memory_space<hbm>> -> memref<128x128xf32, #tpu.memory_space<hbm>>
    %dma_wait3A_23 = arith.constant 0 : i32
    %dma_wait3A_24 = arith.constant 0 : i32
    %dma_wait3A_25 = tpu.memref_slice %arg2[%dma_wait3A_23, %dma_wait3A_24] : memref<20480x128xf32, #tpu.memory_space<hbm>> -> memref<128x128xf32, #tpu.memory_space<hbm>>
    tpu.wait_dma2 semaphore(%arg14 : memref<!tpu.dma_semaphore, #tpu.memory_space<semaphore_mem>>) src(%dma_wait3A_25 : memref<128x128xf32, #tpu.memory_space<hbm>>) dst(%arg10 : memref<128x128xf32, #tpu.memory_space<vmem>>)
    %dma_wait3A_26 = arith.constant 0 : i32
    %dma_wait3A_27 = arith.constant 0 : i32
    %dma_wait3A_28 = tpu.memref_slice %arg2[%dma_wait3A_26, %dma_wait3A_27] : memref<20480x128xf32, #tpu.memory_space<hbm>> -> memref<128x128xf32, #tpu.memory_space<hbm>>
    %dma_wait3A_29 = arith.constant 0 : i32
    %dma_wait3A_30 = arith.constant 0 : i32
    %dma_wait3A_31 = tpu.memref_slice %arg2[%dma_wait3A_29, %dma_wait3A_30] : memref<20480x128xf32, #tpu.memory_space<hbm>> -> memref<128x128xf32, #tpu.memory_space<hbm>>
    tpu.wait_dma2 semaphore(%arg15 : memref<!tpu.dma_semaphore, #tpu.memory_space<semaphore_mem>>) src(%dma_wait3A_31 : memref<128x128xf32, #tpu.memory_space<hbm>>) dst(%arg11 : memref<128x128xf32, #tpu.memory_space<vmem>>)
    %barrier3A_32 = arith.constant 0 : index
    tpu.barrier barrier_id(%barrier3A_32)
    %mul3A_33 = arith.constant 640 : i32
    %mul3A_34 = arith.muli %arg1, %mul3A_33 : i32
    %eq3A = arith.constant 0 : i32
    %eq3A_35 = arith.cmpi eq, %arg0, %eq3A : i32
    %convert_element_type3A = arith.extui %eq3A_35 : i1 to i32
    %cond3A = arith.constant 0 : i32
    %cond3A_36 = arith.cmpi ne, %convert_element_type3A, %cond3A : i32
    scf.if %cond3A_36 {
      %run_scoped3A = arith.constant 0 : i32
      "tpu.region"() ({
        %run_scoped3A_42 = tpu.sem_alloc : memref<!tpu.dma_semaphore, #tpu.memory_space<semaphore_mem>>
        %dma_start3A = arith.constant 0 : i32
        %dma_start3A_43 = tpu.memref_slice %arg5[%run_scoped3A, %mul3A_34, %dma_start3A] : memref<2x10240x128xf32, #tpu.memory_space<hbm>> -> memref<1x640x128xf32, #tpu.memory_space<hbm>>
        %dma_start3A_44 = tpu.memref_squeeze %dma_start3A_43 : memref<1x640x128xf32, #tpu.memory_space<hbm>> -> memref<640x128xf32, #tpu.memory_space<hbm>>
        %dma_start3A_45 = arith.constant 0 : i32
        %dma_start3A_46 = tpu.memref_slice %arg12[%mul3A_34, %dma_start3A_45] : memref<10240x128xf32, #tpu.memory_space<vmem_shared>> -> memref<640x128xf32, #tpu.memory_space<vmem_shared>>
        tpu.enqueue_dma source(%dma_start3A_46 : memref<640x128xf32, #tpu.memory_space<vmem_shared>>) target(%dma_start3A_44 : memref<640x128xf32, #tpu.memory_space<hbm>>) target_semaphore(%run_scoped3A_42 : memref<!tpu.dma_semaphore, #tpu.memory_space<semaphore_mem>>)
        %dma_wait3A_47 = arith.constant 0 : i32
        %dma_wait3A_48 = tpu.memref_slice %arg5[%run_scoped3A, %mul3A_34, %dma_wait3A_47] : memref<2x10240x128xf32, #tpu.memory_space<hbm>> -> memref<1x640x128xf32, #tpu.memory_space<hbm>>
        %dma_wait3A_49 = tpu.memref_squeeze %dma_wait3A_48 : memref<1x640x128xf32, #tpu.memory_space<hbm>> -> memref<640x128xf32, #tpu.memory_space<hbm>>
        %dma_wait3A_50 = arith.constant 0 : i32
        %dma_wait3A_51 = tpu.memref_slice %arg12[%mul3A_34, %dma_wait3A_50] : memref<10240x128xf32, #tpu.memory_space<vmem_shared>> -> memref<640x128xf32, #tpu.memory_space<vmem_shared>>
        tpu.wait_dma2 semaphore(%run_scoped3A_42 : memref<!tpu.dma_semaphore, #tpu.memory_space<semaphore_mem>>) src(%dma_wait3A_51 : memref<640x128xf32, #tpu.memory_space<vmem_shared>>) dst(%dma_wait3A_49 : memref<640x128xf32, #tpu.memory_space<hbm>>)
        tpu.yield
      }) : () -> ()
    } else {
    }
    %eq3A_37 = arith.constant 1 : i32
    %eq3A_38 = arith.cmpi eq, %arg0, %eq3A_37 : i32
    %convert_element_type3A_39 = arith.extui %eq3A_38 : i1 to i32
    %cond3A_40 = arith.constant 0 : i32
    %cond3A_41 = arith.cmpi ne, %convert_element_type3A_39, %cond3A_40 : i32
    scf.if %cond3A_41 {
      %run_scoped3A = arith.constant 1 : i32
      "tpu.region"() ({
        %run_scoped3A_42 = tpu.sem_alloc : memref<!tpu.dma_semaphore, #tpu.memory_space<semaphore_mem>>
        %dma_start3A = arith.constant 0 : i32
        %dma_start3A_43 = tpu.memref_slice %arg5[%run_scoped3A, %mul3A_34, %dma_start3A] : memref<2x10240x128xf32, #tpu.memory_space<hbm>> -> memref<1x640x128xf32, #tpu.memory_space<hbm>>
        %dma_start3A_44 = tpu.memref_squeeze %dma_start3A_43 : memref<1x640x128xf32, #tpu.memory_space<hbm>> -> memref<640x128xf32, #tpu.memory_space<hbm>>
        %dma_start3A_45 = arith.constant 0 : i32
        %dma_start3A_46 = tpu.memref_slice %arg12[%mul3A_34, %dma_start3A_45] : memref<10240x128xf32, #tpu.memory_space<vmem_shared>> -> memref<640x128xf32, #tpu.memory_space<vmem_shared>>
        tpu.enqueue_dma source(%dma_start3A_46 : memref<640x128xf32, #tpu.memory_space<vmem_shared>>) target(%dma_start3A_44 : memref<640x128xf32, #tpu.memory_space<hbm>>) target_semaphore(%run_scoped3A_42 : memref<!tpu.dma_semaphore, #tpu.memory_space<semaphore_mem>>)
        %dma_wait3A_47 = arith.constant 0 : i32
        %dma_wait3A_48 = tpu.memref_slice %arg5[%run_scoped3A, %mul3A_34, %dma_wait3A_47] : memref<2x10240x128xf32, #tpu.memory_space<hbm>> -> memref<1x640x128xf32, #tpu.memory_space<hbm>>
        %dma_wait3A_49 = tpu.memref_squeeze %dma_wait3A_48 : memref<1x640x128xf32, #tpu.memory_space<hbm>> -> memref<640x128xf32, #tpu.memory_space<hbm>>
        %dma_wait3A_50 = arith.constant 0 : i32
        %dma_wait3A_51 = tpu.memref_slice %arg12[%mul3A_34, %dma_wait3A_50] : memref<10240x128xf32, #tpu.memory_space<vmem_shared>> -> memref<640x128xf32, #tpu.memory_space<vmem_shared>>
        tpu.wait_dma2 semaphore(%run_scoped3A_42 : memref<!tpu.dma_semaphore, #tpu.memory_space<semaphore_mem>>) src(%dma_wait3A_51 : memref<640x128xf32, #tpu.memory_space<vmem_shared>>) dst(%dma_wait3A_49 : memref<640x128xf32, #tpu.memory_space<hbm>>)
        tpu.yield
      }) : () -> ()
    } else {
    }
    return
  }
}

#map = affine_map<(d0, d1) -> (0, 0)>
#map1 = affine_map<(d0, d1) -> (0)>
#map2 = affine_map<(d0, d1) -> (0, 0, 0)>
module attributes {stable_mosaic.version = 14 : i64} {
  func.func @_gat_body(%arg0: i32, %arg1: i32, %arg2: memref<20480x128xf32, #tpu.memory_space<hbm>>, %arg3: memref<163840xi32, #tpu.memory_space<hbm>>, %arg4: memref<163840xi32, #tpu.memory_space<hbm>>, %arg5: memref<163840xf32, #tpu.memory_space<hbm>>, %arg6: memref<2x10240x128xf32, #tpu.memory_space<hbm>>, %arg7: memref<128xi32, #tpu.memory_space<vmem>>, %arg8: memref<128xi32, #tpu.memory_space<vmem>>, %arg9: memref<128xi32, #tpu.memory_space<vmem>>, %arg10: memref<128xf32, #tpu.memory_space<vmem>>, %arg11: memref<128x128xf32, #tpu.memory_space<vmem>>, %arg12: memref<128x128xf32, #tpu.memory_space<vmem>>, %arg13: memref<10240x128xf32, #tpu.memory_space<vmem_shared>>, %arg14: memref<!tpu.dma_semaphore, #tpu.memory_space<semaphore_mem>>) attributes {dimension_semantics = [#tpu.dimension_semantics<core_parallel>, #tpu.dimension_semantics<subcore_parallel>], iteration_bounds = array<i64: 2, 16>, scalar_prefetch = 0 : i64, scratch_operands = 8 : i64, tpu.core_type = #tpu.core_type<sc_vector_subcore>, window_params = [{transform_indices = #map}, {transform_indices = #map1}, {transform_indices = #map1}, {transform_indices = #map1}, {transform_indices = #map2}]} {
    %broadcast_in_dim3A = arith.constant 0.000000e+00 : f32
    %broadcast_in_dim3A_0 = vector.broadcast %broadcast_in_dim3A : f32 to vector<16xf32>
    %scan3A = arith.constant 0 : i32
    %scan3A_1 = arith.constant 0 : i32
    %scan3A_2 = arith.constant 128 : i32
    %scan3A_3 = arith.addi %scan3A_1, %scan3A_2 : i32
    %scan3A_4 = arith.constant 1 : i32
    scf.for %scan3A_31 = %scan3A_1 to %scan3A_3 step %scan3A_4  : i32 {
      %swap3A = arith.index_cast %scan3A_31 : i32 to index
      %swap3A_32 = arith.constant 0 : index
      %swap3A_33 = tpu.vector_load %arg12[%swap3A, %swap3A_32] {strides = array<i32>} : memref<128x128xf32, #tpu.memory_space<vmem>>, vector<16xf32>,
      tpu.vector_store %arg12[%swap3A, %swap3A_32], %broadcast_in_dim3A_0 {strides = array<i32>} : memref<128x128xf32, #tpu.memory_space<vmem>>, vector<16xf32>,
      %swap3A_34 = arith.index_cast %scan3A_31 : i32 to index
      %swap3A_35 = arith.constant 16 : index
      %swap3A_36 = tpu.vector_load %arg12[%swap3A_34, %swap3A_35] {strides = array<i32>} : memref<128x128xf32, #tpu.memory_space<vmem>>, vector<16xf32>,
      tpu.vector_store %arg12[%swap3A_34, %swap3A_35], %broadcast_in_dim3A_0 {strides = array<i32>} : memref<128x128xf32, #tpu.memory_space<vmem>>, vector<16xf32>,
      %swap3A_37 = arith.index_cast %scan3A_31 : i32 to index
      %swap3A_38 = arith.constant 32 : index
      %swap3A_39 = tpu.vector_load %arg12[%swap3A_37, %swap3A_38] {strides = array<i32>} : memref<128x128xf32, #tpu.memory_space<vmem>>, vector<16xf32>,
      tpu.vector_store %arg12[%swap3A_37, %swap3A_38], %broadcast_in_dim3A_0 {strides = array<i32>} : memref<128x128xf32, #tpu.memory_space<vmem>>, vector<16xf32>,
      %swap3A_40 = arith.index_cast %scan3A_31 : i32 to index
      %swap3A_41 = arith.constant 48 : index
      %swap3A_42 = tpu.vector_load %arg12[%swap3A_40, %swap3A_41] {strides = array<i32>} : memref<128x128xf32, #tpu.memory_space<vmem>>, vector<16xf32>,
      tpu.vector_store %arg12[%swap3A_40, %swap3A_41], %broadcast_in_dim3A_0 {strides = array<i32>} : memref<128x128xf32, #tpu.memory_space<vmem>>, vector<16xf32>,
      %swap3A_43 = arith.index_cast %scan3A_31 : i32 to index
      %swap3A_44 = arith.constant 64 : index
      %swap3A_45 = tpu.vector_load %arg12[%swap3A_43, %swap3A_44] {strides = array<i32>} : memref<128x128xf32, #tpu.memory_space<vmem>>, vector<16xf32>,
      tpu.vector_store %arg12[%swap3A_43, %swap3A_44], %broadcast_in_dim3A_0 {strides = array<i32>} : memref<128x128xf32, #tpu.memory_space<vmem>>, vector<16xf32>,
      %swap3A_46 = arith.index_cast %scan3A_31 : i32 to index
      %swap3A_47 = arith.constant 80 : index
      %swap3A_48 = tpu.vector_load %arg12[%swap3A_46, %swap3A_47] {strides = array<i32>} : memref<128x128xf32, #tpu.memory_space<vmem>>, vector<16xf32>,
      tpu.vector_store %arg12[%swap3A_46, %swap3A_47], %broadcast_in_dim3A_0 {strides = array<i32>} : memref<128x128xf32, #tpu.memory_space<vmem>>, vector<16xf32>,
      %swap3A_49 = arith.index_cast %scan3A_31 : i32 to index
      %swap3A_50 = arith.constant 96 : index
      %swap3A_51 = tpu.vector_load %arg12[%swap3A_49, %swap3A_50] {strides = array<i32>} : memref<128x128xf32, #tpu.memory_space<vmem>>, vector<16xf32>,
      tpu.vector_store %arg12[%swap3A_49, %swap3A_50], %broadcast_in_dim3A_0 {strides = array<i32>} : memref<128x128xf32, #tpu.memory_space<vmem>>, vector<16xf32>,
      %swap3A_52 = arith.index_cast %scan3A_31 : i32 to index
      %swap3A_53 = arith.constant 112 : index
      %swap3A_54 = tpu.vector_load %arg12[%swap3A_52, %swap3A_53] {strides = array<i32>} : memref<128x128xf32, #tpu.memory_space<vmem>>, vector<16xf32>,
      tpu.vector_store %arg12[%swap3A_52, %swap3A_53], %broadcast_in_dim3A_0 {strides = array<i32>} : memref<128x128xf32, #tpu.memory_space<vmem>>, vector<16xf32>,
    }
    %scan3A_5 = arith.constant 128 : i32
    %scan3A_6 = arith.constant 0 : i32
    %scan3A_7 = arith.constant 0 : i32
    %scan3A_8 = arith.constant 5 : i32
    %scan3A_9 = arith.addi %scan3A_7, %scan3A_8 : i32
    %scan3A_10 = arith.constant 1 : i32
    scf.for %scan3A_31 = %scan3A_7 to %scan3A_9 step %scan3A_10  : i32 {
      %mul3A_32 = arith.constant 640 : i32
      %mul3A_33 = arith.muli %arg1, %mul3A_32 : i32
      %mul3A_34 = arith.constant 128 : i32
      %mul3A_35 = arith.muli %scan3A_31, %mul3A_34 : i32
      %add3A = arith.addi %mul3A_33, %mul3A_35 : i32
      "tpu.region"() ({
        %run_scoped3A = tpu.sem_alloc : memref<!tpu.dma_semaphore, #tpu.memory_space<semaphore_mem>>
        %dma_start3A = arith.constant 0 : i32
        %dma_start3A_36 = tpu.memref_slice %arg13[%add3A, %dma_start3A] : memref<10240x128xf32, #tpu.memory_space<vmem_shared>> -> memref<128x128xf32, #tpu.memory_space<vmem_shared>>
        %dma_start3A_37 = arith.constant 0 : i32
        %dma_start3A_38 = tpu.memref_slice %arg13[%add3A, %dma_start3A_37] : memref<10240x128xf32, #tpu.memory_space<vmem_shared>> -> memref<128x128xf32, #tpu.memory_space<vmem_shared>>
        tpu.enqueue_dma source(%arg12 : memref<128x128xf32, #tpu.memory_space<vmem>>) target(%dma_start3A_38 : memref<128x128xf32, #tpu.memory_space<vmem_shared>>) target_semaphore(%run_scoped3A : memref<!tpu.dma_semaphore, #tpu.memory_space<semaphore_mem>>)
        %dma_wait3A = arith.constant 0 : i32
        %dma_wait3A_39 = tpu.memref_slice %arg13[%add3A, %dma_wait3A] : memref<10240x128xf32, #tpu.memory_space<vmem_shared>> -> memref<128x128xf32, #tpu.memory_space<vmem_shared>>
        %dma_wait3A_40 = arith.constant 0 : i32
        %dma_wait3A_41 = tpu.memref_slice %arg13[%add3A, %dma_wait3A_40] : memref<10240x128xf32, #tpu.memory_space<vmem_shared>> -> memref<128x128xf32, #tpu.memory_space<vmem_shared>>
        tpu.wait_dma2 semaphore(%run_scoped3A : memref<!tpu.dma_semaphore, #tpu.memory_space<semaphore_mem>>) src(%arg12 : memref<128x128xf32, #tpu.memory_space<vmem>>) dst(%dma_wait3A_41 : memref<128x128xf32, #tpu.memory_space<vmem_shared>>)
        tpu.yield
      }) : () -> ()
    }
    %scan3A_11 = arith.constant 5 : i32
    %barrier3A = arith.constant 0 : index
    tpu.barrier barrier_id(%barrier3A)
    %mul3A = arith.constant 10240 : i32
    %mul3A_12 = arith.muli %arg1, %mul3A : i32
    %mul3A_13 = arith.constant 10240 : i32
    %mul3A_14 = arith.muli %arg0, %mul3A_13 : i32
    %scan3A_15 = arith.constant 0 : i32
    %scan3A_16 = arith.constant 0 : i32
    %scan3A_17 = arith.constant 80 : i32
    %scan3A_18 = arith.addi %scan3A_16, %scan3A_17 : i32
    %scan3A_19 = arith.constant 1 : i32
    scf.for %scan3A_31 = %scan3A_16 to %scan3A_18 step %scan3A_19  : i32 {
      %mul3A_32 = arith.constant 128 : i32
      %mul3A_33 = arith.muli %scan3A_31, %mul3A_32 : i32
      %add3A = arith.addi %mul3A_12, %mul3A_33 : i32
      "tpu.region"() ({
        %run_scoped3A = tpu.sem_alloc : memref<!tpu.dma_semaphore, #tpu.memory_space<semaphore_mem>>
        %dma_start3A_90 = tpu.memref_slice %arg3[%add3A] : memref<163840xi32, #tpu.memory_space<hbm>> -> memref<128xi32, #tpu.memory_space<hbm>>
        %dma_start3A_91 = tpu.memref_slice %arg3[%add3A] : memref<163840xi32, #tpu.memory_space<hbm>> -> memref<128xi32, #tpu.memory_space<hbm>>
        tpu.enqueue_dma source(%dma_start3A_91 : memref<128xi32, #tpu.memory_space<hbm>>) target(%arg7 : memref<128xi32, #tpu.memory_space<vmem>>) target_semaphore(%run_scoped3A : memref<!tpu.dma_semaphore, #tpu.memory_space<semaphore_mem>>)
        %dma_wait3A_92 = tpu.memref_slice %arg3[%add3A] : memref<163840xi32, #tpu.memory_space<hbm>> -> memref<128xi32, #tpu.memory_space<hbm>>
        %dma_wait3A_93 = tpu.memref_slice %arg3[%add3A] : memref<163840xi32, #tpu.memory_space<hbm>> -> memref<128xi32, #tpu.memory_space<hbm>>
        tpu.wait_dma2 semaphore(%run_scoped3A : memref<!tpu.dma_semaphore, #tpu.memory_space<semaphore_mem>>) src(%dma_wait3A_93 : memref<128xi32, #tpu.memory_space<hbm>>) dst(%arg7 : memref<128xi32, #tpu.memory_space<vmem>>)
        tpu.yield
      }) : () -> ()
      "tpu.region"() ({
        %run_scoped3A = tpu.sem_alloc : memref<!tpu.dma_semaphore, #tpu.memory_space<semaphore_mem>>
        %dma_start3A_90 = tpu.memref_slice %arg4[%add3A] : memref<163840xi32, #tpu.memory_space<hbm>> -> memref<128xi32, #tpu.memory_space<hbm>>
        %dma_start3A_91 = tpu.memref_slice %arg4[%add3A] : memref<163840xi32, #tpu.memory_space<hbm>> -> memref<128xi32, #tpu.memory_space<hbm>>
        tpu.enqueue_dma source(%dma_start3A_91 : memref<128xi32, #tpu.memory_space<hbm>>) target(%arg9 : memref<128xi32, #tpu.memory_space<vmem>>) target_semaphore(%run_scoped3A : memref<!tpu.dma_semaphore, #tpu.memory_space<semaphore_mem>>)
        %dma_wait3A_92 = tpu.memref_slice %arg4[%add3A] : memref<163840xi32, #tpu.memory_space<hbm>> -> memref<128xi32, #tpu.memory_space<hbm>>
        %dma_wait3A_93 = tpu.memref_slice %arg4[%add3A] : memref<163840xi32, #tpu.memory_space<hbm>> -> memref<128xi32, #tpu.memory_space<hbm>>
        tpu.wait_dma2 semaphore(%run_scoped3A : memref<!tpu.dma_semaphore, #tpu.memory_space<semaphore_mem>>) src(%dma_wait3A_93 : memref<128xi32, #tpu.memory_space<hbm>>) dst(%arg9 : memref<128xi32, #tpu.memory_space<vmem>>)
        tpu.yield
      }) : () -> ()
      "tpu.region"() ({
        %run_scoped3A = tpu.sem_alloc : memref<!tpu.dma_semaphore, #tpu.memory_space<semaphore_mem>>
        %dma_start3A_90 = tpu.memref_slice %arg5[%add3A] : memref<163840xf32, #tpu.memory_space<hbm>> -> memref<128xf32, #tpu.memory_space<hbm>>
        %dma_start3A_91 = tpu.memref_slice %arg5[%add3A] : memref<163840xf32, #tpu.memory_space<hbm>> -> memref<128xf32, #tpu.memory_space<hbm>>
        tpu.enqueue_dma source(%dma_start3A_91 : memref<128xf32, #tpu.memory_space<hbm>>) target(%arg10 : memref<128xf32, #tpu.memory_space<vmem>>) target_semaphore(%run_scoped3A : memref<!tpu.dma_semaphore, #tpu.memory_space<semaphore_mem>>)
        %dma_wait3A_92 = tpu.memref_slice %arg5[%add3A] : memref<163840xf32, #tpu.memory_space<hbm>> -> memref<128xf32, #tpu.memory_space<hbm>>
        %dma_wait3A_93 = tpu.memref_slice %arg5[%add3A] : memref<163840xf32, #tpu.memory_space<hbm>> -> memref<128xf32, #tpu.memory_space<hbm>>
        tpu.wait_dma2 semaphore(%run_scoped3A : memref<!tpu.dma_semaphore, #tpu.memory_space<semaphore_mem>>) src(%dma_wait3A_93 : memref<128xf32, #tpu.memory_space<hbm>>) dst(%arg10 : memref<128xf32, #tpu.memory_space<vmem>>)
        tpu.yield
      }) : () -> ()
      %get3A = arith.constant 0 : index
      %get3A_34 = tpu.vector_load %arg7[%get3A] {strides = array<i32>} : memref<128xi32, #tpu.memory_space<vmem>>, vector<16xi32>,
      %add3A_35 = vector.broadcast %mul3A_14 : i32 to vector<16xi32>
      %add3A_36 = arith.addi %get3A_34, %add3A_35 : vector<16xi32>
      %swap3A = arith.constant 0 : index
      %swap3A_37 = tpu.vector_load %arg8[%swap3A] {strides = array<i32>} : memref<128xi32, #tpu.memory_space<vmem>>, vector<16xi32>,
      tpu.vector_store %arg8[%swap3A], %add3A_36 {strides = array<i32>} : memref<128xi32, #tpu.memory_space<vmem>>, vector<16xi32>,
      %get3A_38 = arith.constant 16 : index
      %get3A_39 = tpu.vector_load %arg7[%get3A_38] {strides = array<i32>} : memref<128xi32, #tpu.memory_space<vmem>>, vector<16xi32>,
      %add3A_40 = vector.broadcast %mul3A_14 : i32 to vector<16xi32>
      %add3A_41 = arith.addi %get3A_39, %add3A_40 : vector<16xi32>
      %swap3A_42 = arith.constant 16 : index
      %swap3A_43 = tpu.vector_load %arg8[%swap3A_42] {strides = array<i32>} : memref<128xi32, #tpu.memory_space<vmem>>, vector<16xi32>,
      tpu.vector_store %arg8[%swap3A_42], %add3A_41 {strides = array<i32>} : memref<128xi32, #tpu.memory_space<vmem>>, vector<16xi32>,
      %get3A_44 = arith.constant 32 : index
      %get3A_45 = tpu.vector_load %arg7[%get3A_44] {strides = array<i32>} : memref<128xi32, #tpu.memory_space<vmem>>, vector<16xi32>,
      %add3A_46 = vector.broadcast %mul3A_14 : i32 to vector<16xi32>
      %add3A_47 = arith.addi %get3A_45, %add3A_46 : vector<16xi32>
      %swap3A_48 = arith.constant 32 : index
      %swap3A_49 = tpu.vector_load %arg8[%swap3A_48] {strides = array<i32>} : memref<128xi32, #tpu.memory_space<vmem>>, vector<16xi32>,
      tpu.vector_store %arg8[%swap3A_48], %add3A_47 {strides = array<i32>} : memref<128xi32, #tpu.memory_space<vmem>>, vector<16xi32>,
      %get3A_50 = arith.constant 48 : index
      %get3A_51 = tpu.vector_load %arg7[%get3A_50] {strides = array<i32>} : memref<128xi32, #tpu.memory_space<vmem>>, vector<16xi32>,
      %add3A_52 = vector.broadcast %mul3A_14 : i32 to vector<16xi32>
      %add3A_53 = arith.addi %get3A_51, %add3A_52 : vector<16xi32>
      %swap3A_54 = arith.constant 48 : index
      %swap3A_55 = tpu.vector_load %arg8[%swap3A_54] {strides = array<i32>} : memref<128xi32, #tpu.memory_space<vmem>>, vector<16xi32>,
      tpu.vector_store %arg8[%swap3A_54], %add3A_53 {strides = array<i32>} : memref<128xi32, #tpu.memory_space<vmem>>, vector<16xi32>,
      %get3A_56 = arith.constant 64 : index
      %get3A_57 = tpu.vector_load %arg7[%get3A_56] {strides = array<i32>} : memref<128xi32, #tpu.memory_space<vmem>>, vector<16xi32>,
      %add3A_58 = vector.broadcast %mul3A_14 : i32 to vector<16xi32>
      %add3A_59 = arith.addi %get3A_57, %add3A_58 : vector<16xi32>
      %swap3A_60 = arith.constant 64 : index
      %swap3A_61 = tpu.vector_load %arg8[%swap3A_60] {strides = array<i32>} : memref<128xi32, #tpu.memory_space<vmem>>, vector<16xi32>,
      tpu.vector_store %arg8[%swap3A_60], %add3A_59 {strides = array<i32>} : memref<128xi32, #tpu.memory_space<vmem>>, vector<16xi32>,
      %get3A_62 = arith.constant 80 : index
      %get3A_63 = tpu.vector_load %arg7[%get3A_62] {strides = array<i32>} : memref<128xi32, #tpu.memory_space<vmem>>, vector<16xi32>,
      %add3A_64 = vector.broadcast %mul3A_14 : i32 to vector<16xi32>
      %add3A_65 = arith.addi %get3A_63, %add3A_64 : vector<16xi32>
      %swap3A_66 = arith.constant 80 : index
      %swap3A_67 = tpu.vector_load %arg8[%swap3A_66] {strides = array<i32>} : memref<128xi32, #tpu.memory_space<vmem>>, vector<16xi32>,
      tpu.vector_store %arg8[%swap3A_66], %add3A_65 {strides = array<i32>} : memref<128xi32, #tpu.memory_space<vmem>>, vector<16xi32>,
      %get3A_68 = arith.constant 96 : index
      %get3A_69 = tpu.vector_load %arg7[%get3A_68] {strides = array<i32>} : memref<128xi32, #tpu.memory_space<vmem>>, vector<16xi32>,
      %add3A_70 = vector.broadcast %mul3A_14 : i32 to vector<16xi32>
      %add3A_71 = arith.addi %get3A_69, %add3A_70 : vector<16xi32>
      %swap3A_72 = arith.constant 96 : index
      %swap3A_73 = tpu.vector_load %arg8[%swap3A_72] {strides = array<i32>} : memref<128xi32, #tpu.memory_space<vmem>>, vector<16xi32>,
      tpu.vector_store %arg8[%swap3A_72], %add3A_71 {strides = array<i32>} : memref<128xi32, #tpu.memory_space<vmem>>, vector<16xi32>,
      %get3A_74 = arith.constant 112 : index
      %get3A_75 = tpu.vector_load %arg7[%get3A_74] {strides = array<i32>} : memref<128xi32, #tpu.memory_space<vmem>>, vector<16xi32>,
      %add3A_76 = vector.broadcast %mul3A_14 : i32 to vector<16xi32>
      %add3A_77 = arith.addi %get3A_75, %add3A_76 : vector<16xi32>
      %swap3A_78 = arith.constant 112 : index
      %swap3A_79 = tpu.vector_load %arg8[%swap3A_78] {strides = array<i32>} : memref<128xi32, #tpu.memory_space<vmem>>, vector<16xi32>,
      tpu.vector_store %arg8[%swap3A_78], %add3A_77 {strides = array<i32>} : memref<128xi32, #tpu.memory_space<vmem>>, vector<16xi32>,
      %dma_start3A = arith.constant 0 : i32
      %dma_start3A_80 = arith.constant 0 : i32
      %dma_start3A_81 = tpu.memref_slice %arg2[%dma_start3A, %dma_start3A_80] : memref<20480x128xf32, #tpu.memory_space<hbm>> -> memref<20480x128xf32, #tpu.memory_space<hbm>>
      tpu.enqueue_indirect_dma source(%dma_start3A_81 : memref<20480x128xf32, #tpu.memory_space<hbm>>) target(%arg11 : memref<128x128xf32, #tpu.memory_space<vmem>>) offsets(%arg8 : memref<128xi32, #tpu.memory_space<vmem>>) semaphore(%arg14 : memref<!tpu.dma_semaphore, #tpu.memory_space<semaphore_mem>>)
      %dma_wait3A = arith.constant 0 : i32
      %dma_wait3A_82 = arith.constant 0 : i32
      %dma_wait3A_83 = tpu.memref_slice %arg2[%dma_wait3A, %dma_wait3A_82] : memref<20480x128xf32, #tpu.memory_space<hbm>> -> memref<20480x128xf32, #tpu.memory_space<hbm>>
      tpu.wait_indirect_dma semaphore(%arg14 : memref<!tpu.dma_semaphore, #tpu.memory_space<semaphore_mem>>) src(%dma_wait3A_83 : memref<20480x128xf32, #tpu.memory_space<hbm>>) dst(%arg11 : memref<128x128xf32, #tpu.memory_space<vmem>>)
      %scan3A_84 = arith.constant 0 : i32
      %scan3A_85 = arith.constant 0 : i32
      %scan3A_86 = arith.constant 8 : i32
      %scan3A_87 = arith.addi %scan3A_85, %scan3A_86 : i32
      %scan3A_88 = arith.constant 1 : i32
      scf.for %scan3A_90 = %scan3A_85 to %scan3A_87 step %scan3A_88  : i32 {
        %mul3A_91 = arith.constant 16 : i32
        %mul3A_92 = arith.muli %scan3A_90, %mul3A_91 : i32
        %get3A_93 = arith.index_cast %mul3A_92 : i32 to index
        %get3A_94 = tpu.vector_load %arg10[%get3A_93] {strides = array<i32>} : memref<128xf32, #tpu.memory_space<vmem>>, vector<16xf32>,
        %broadcast_in_dim3A_95 = arith.constant 0 : i32
        %broadcast_in_dim3A_96 = vector.broadcast %broadcast_in_dim3A_95 : i32 to vector<16xi32>
        %broadcast_in_dim3A_97 = vector.shape_cast %broadcast_in_dim3A_96 : vector<16xi32> to vector<16x1xi32>
        %gather3A = vector.shape_cast %broadcast_in_dim3A_97 : vector<16x1xi32> to vector<16xi32>
        %gather3A_98 = tpu.dynamic_gather %get3A_94[%gather3A] in [0] : vector<16xf32>, vector<16xi32> -> vector<16xf32>
        %mul3A_99 = arith.constant 16 : i32
        %mul3A_100 = arith.muli %scan3A_90, %mul3A_99 : i32
        %add3A_101 = arith.constant 0 : i32
        %add3A_102 = arith.addi %mul3A_100, %add3A_101 : i32
        %get3A_103 = arith.index_cast %add3A_102 : i32 to index
        %get3A_104 = arith.constant 0 : index
        %get3A_105 = tpu.vector_load %arg11[%get3A_103, %get3A_104] {strides = array<i32>} : memref<128x128xf32, #tpu.memory_space<vmem>>, vector<16xf32>,
        %mul3A_106 = arith.mulf %get3A_105, %gather3A_98 : vector<16xf32>
        %swap3A_107 = arith.index_cast %add3A_102 : i32 to index
        %swap3A_108 = arith.constant 0 : index
        %swap3A_109 = tpu.vector_load %arg12[%swap3A_107, %swap3A_108] {strides = array<i32>} : memref<128x128xf32, #tpu.memory_space<vmem>>, vector<16xf32>,
        tpu.vector_store %arg12[%swap3A_107, %swap3A_108], %mul3A_106 {strides = array<i32>} : memref<128x128xf32, #tpu.memory_space<vmem>>, vector<16xf32>,
        %get3A_110 = arith.index_cast %add3A_102 : i32 to index
        %get3A_111 = arith.constant 16 : index
        %get3A_112 = tpu.vector_load %arg11[%get3A_110, %get3A_111] {strides = array<i32>} : memref<128x128xf32, #tpu.memory_space<vmem>>, vector<16xf32>,
        %mul3A_113 = arith.mulf %get3A_112, %gather3A_98 : vector<16xf32>
        %swap3A_114 = arith.index_cast %add3A_102 : i32 to index
        %swap3A_115 = arith.constant 16 : index
        %swap3A_116 = tpu.vector_load %arg12[%swap3A_114, %swap3A_115] {strides = array<i32>} : memref<128x128xf32, #tpu.memory_space<vmem>>, vector<16xf32>,
        tpu.vector_store %arg12[%swap3A_114, %swap3A_115], %mul3A_113 {strides = array<i32>} : memref<128x128xf32, #tpu.memory_space<vmem>>, vector<16xf32>,
        %get3A_117 = arith.index_cast %add3A_102 : i32 to index
        %get3A_118 = arith.constant 32 : index
        %get3A_119 = tpu.vector_load %arg11[%get3A_117, %get3A_118] {strides = array<i32>} : memref<128x128xf32, #tpu.memory_space<vmem>>, vector<16xf32>,
        %mul3A_120 = arith.mulf %get3A_119, %gather3A_98 : vector<16xf32>
        %swap3A_121 = arith.index_cast %add3A_102 : i32 to index
        %swap3A_122 = arith.constant 32 : index
        %swap3A_123 = tpu.vector_load %arg12[%swap3A_121, %swap3A_122] {strides = array<i32>} : memref<128x128xf32, #tpu.memory_space<vmem>>, vector<16xf32>,
        tpu.vector_store %arg12[%swap3A_121, %swap3A_122], %mul3A_120 {strides = array<i32>} : memref<128x128xf32, #tpu.memory_space<vmem>>, vector<16xf32>,
        %get3A_124 = arith.index_cast %add3A_102 : i32 to index
        %get3A_125 = arith.constant 48 : index
        %get3A_126 = tpu.vector_load %arg11[%get3A_124, %get3A_125] {strides = array<i32>} : memref<128x128xf32, #tpu.memory_space<vmem>>, vector<16xf32>,
        %mul3A_127 = arith.mulf %get3A_126, %gather3A_98 : vector<16xf32>
        %swap3A_128 = arith.index_cast %add3A_102 : i32 to index
        %swap3A_129 = arith.constant 48 : index
        %swap3A_130 = tpu.vector_load %arg12[%swap3A_128, %swap3A_129] {strides = array<i32>} : memref<128x128xf32, #tpu.memory_space<vmem>>, vector<16xf32>,
        tpu.vector_store %arg12[%swap3A_128, %swap3A_129], %mul3A_127 {strides = array<i32>} : memref<128x128xf32, #tpu.memory_space<vmem>>, vector<16xf32>,
        %get3A_131 = arith.index_cast %add3A_102 : i32 to index
        %get3A_132 = arith.constant 64 : index
        %get3A_133 = tpu.vector_load %arg11[%get3A_131, %get3A_132] {strides = array<i32>} : memref<128x128xf32, #tpu.memory_space<vmem>>, vector<16xf32>,
        %mul3A_134 = arith.mulf %get3A_133, %gather3A_98 : vector<16xf32>
        %swap3A_135 = arith.index_cast %add3A_102 : i32 to index
        %swap3A_136 = arith.constant 64 : index
        %swap3A_137 = tpu.vector_load %arg12[%swap3A_135, %swap3A_136] {strides = array<i32>} : memref<128x128xf32, #tpu.memory_space<vmem>>, vector<16xf32>,
        tpu.vector_store %arg12[%swap3A_135, %swap3A_136], %mul3A_134 {strides = array<i32>} : memref<128x128xf32, #tpu.memory_space<vmem>>, vector<16xf32>,
        %get3A_138 = arith.index_cast %add3A_102 : i32 to index
        %get3A_139 = arith.constant 80 : index
        %get3A_140 = tpu.vector_load %arg11[%get3A_138, %get3A_139] {strides = array<i32>} : memref<128x128xf32, #tpu.memory_space<vmem>>, vector<16xf32>,
        %mul3A_141 = arith.mulf %get3A_140, %gather3A_98 : vector<16xf32>
        %swap3A_142 = arith.index_cast %add3A_102 : i32 to index
        %swap3A_143 = arith.constant 80 : index
        %swap3A_144 = tpu.vector_load %arg12[%swap3A_142, %swap3A_143] {strides = array<i32>} : memref<128x128xf32, #tpu.memory_space<vmem>>, vector<16xf32>,
        tpu.vector_store %arg12[%swap3A_142, %swap3A_143], %mul3A_141 {strides = array<i32>} : memref<128x128xf32, #tpu.memory_space<vmem>>, vector<16xf32>,
        %get3A_145 = arith.index_cast %add3A_102 : i32 to index
        %get3A_146 = arith.constant 96 : index
        %get3A_147 = tpu.vector_load %arg11[%get3A_145, %get3A_146] {strides = array<i32>} : memref<128x128xf32, #tpu.memory_space<vmem>>, vector<16xf32>,
        %mul3A_148 = arith.mulf %get3A_147, %gather3A_98 : vector<16xf32>
        %swap3A_149 = arith.index_cast %add3A_102 : i32 to index
        %swap3A_150 = arith.constant 96 : index
        %swap3A_151 = tpu.vector_load %arg12[%swap3A_149, %swap3A_150] {strides = array<i32>} : memref<128x128xf32, #tpu.memory_space<vmem>>, vector<16xf32>,
        tpu.vector_store %arg12[%swap3A_149, %swap3A_150], %mul3A_148 {strides = array<i32>} : memref<128x128xf32, #tpu.memory_space<vmem>>, vector<16xf32>,
        %get3A_152 = arith.index_cast %add3A_102 : i32 to index
        %get3A_153 = arith.constant 112 : index
        %get3A_154 = tpu.vector_load %arg11[%get3A_152, %get3A_153] {strides = array<i32>} : memref<128x128xf32, #tpu.memory_space<vmem>>, vector<16xf32>,
        %mul3A_155 = arith.mulf %get3A_154, %gather3A_98 : vector<16xf32>
        %swap3A_156 = arith.index_cast %add3A_102 : i32 to index
        %swap3A_157 = arith.constant 112 : index
        %swap3A_158 = tpu.vector_load %arg12[%swap3A_156, %swap3A_157] {strides = array<i32>} : memref<128x128xf32, #tpu.memory_space<vmem>>, vector<16xf32>,
        tpu.vector_store %arg12[%swap3A_156, %swap3A_157], %mul3A_155 {strides = array<i32>} : memref<128x128xf32, #tpu.memory_space<vmem>>, vector<16xf32>,
        %broadcast_in_dim3A_159 = arith.constant 1 : i32
        %broadcast_in_dim3A_160 = vector.broadcast %broadcast_in_dim3A_159 : i32 to vector<16xi32>
        %broadcast_in_dim3A_161 = vector.shape_cast %broadcast_in_dim3A_160 : vector<16xi32> to vector<16x1xi32>
        %gather3A_162 = vector.shape_cast %broadcast_in_dim3A_161 : vector<16x1xi32> to vector<16xi32>
        %gather3A_163 = tpu.dynamic_gather %get3A_94[%gather3A_162] in [0] : vector<16xf32>, vector<16xi32> -> vector<16xf32>
        %mul3A_164 = arith.constant 16 : i32
        %mul3A_165 = arith.muli %scan3A_90, %mul3A_164 : i32
        %add3A_166 = arith.constant 1 : i32
        %add3A_167 = arith.addi %mul3A_165, %add3A_166 : i32
        %get3A_168 = arith.index_cast %add3A_167 : i32 to index
        %get3A_169 = arith.constant 0 : index
        %get3A_170 = tpu.vector_load %arg11[%get3A_168, %get3A_169] {strides = array<i32>} : memref<128x128xf32, #tpu.memory_space<vmem>>, vector<16xf32>,
        %mul3A_171 = arith.mulf %get3A_170, %gather3A_163 : vector<16xf32>
        %swap3A_172 = arith.index_cast %add3A_167 : i32 to index
        %swap3A_173 = arith.constant 0 : index
        %swap3A_174 = tpu.vector_load %arg12[%swap3A_172, %swap3A_173] {strides = array<i32>} : memref<128x128xf32, #tpu.memory_space<vmem>>, vector<16xf32>,
        tpu.vector_store %arg12[%swap3A_172, %swap3A_173], %mul3A_171 {strides = array<i32>} : memref<128x128xf32, #tpu.memory_space<vmem>>, vector<16xf32>,
        %get3A_175 = arith.index_cast %add3A_167 : i32 to index
        %get3A_176 = arith.constant 16 : index
        %get3A_177 = tpu.vector_load %arg11[%get3A_175, %get3A_176] {strides = array<i32>} : memref<128x128xf32, #tpu.memory_space<vmem>>, vector<16xf32>,
        %mul3A_178 = arith.mulf %get3A_177, %gather3A_163 : vector<16xf32>
        %swap3A_179 = arith.index_cast %add3A_167 : i32 to index
        %swap3A_180 = arith.constant 16 : index
        %swap3A_181 = tpu.vector_load %arg12[%swap3A_179, %swap3A_180] {strides = array<i32>} : memref<128x128xf32, #tpu.memory_space<vmem>>, vector<16xf32>,
        tpu.vector_store %arg12[%swap3A_179, %swap3A_180], %mul3A_178 {strides = array<i32>} : memref<128x128xf32, #tpu.memory_space<vmem>>, vector<16xf32>,
        %get3A_182 = arith.index_cast %add3A_167 : i32 to index
        %get3A_183 = arith.constant 32 : index
        %get3A_184 = tpu.vector_load %arg11[%get3A_182, %get3A_183] {strides = array<i32>} : memref<128x128xf32, #tpu.memory_space<vmem>>, vector<16xf32>,
        %mul3A_185 = arith.mulf %get3A_184, %gather3A_163 : vector<16xf32>
        %swap3A_186 = arith.index_cast %add3A_167 : i32 to index
        %swap3A_187 = arith.constant 32 : index
        %swap3A_188 = tpu.vector_load %arg12[%swap3A_186, %swap3A_187] {strides = array<i32>} : memref<128x128xf32, #tpu.memory_space<vmem>>, vector<16xf32>,
        tpu.vector_store %arg12[%swap3A_186, %swap3A_187], %mul3A_185 {strides = array<i32>} : memref<128x128xf32, #tpu.memory_space<vmem>>, vector<16xf32>,
        %get3A_189 = arith.index_cast %add3A_167 : i32 to index
        %get3A_190 = arith.constant 48 : index
        %get3A_191 = tpu.vector_load %arg11[%get3A_189, %get3A_190] {strides = array<i32>} : memref<128x128xf32, #tpu.memory_space<vmem>>, vector<16xf32>,
        %mul3A_192 = arith.mulf %get3A_191, %gather3A_163 : vector<16xf32>
        %swap3A_193 = arith.index_cast %add3A_167 : i32 to index
        %swap3A_194 = arith.constant 48 : index
        %swap3A_195 = tpu.vector_load %arg12[%swap3A_193, %swap3A_194] {strides = array<i32>} : memref<128x128xf32, #tpu.memory_space<vmem>>, vector<16xf32>,
        tpu.vector_store %arg12[%swap3A_193, %swap3A_194], %mul3A_192 {strides = array<i32>} : memref<128x128xf32, #tpu.memory_space<vmem>>, vector<16xf32>,
        %get3A_196 = arith.index_cast %add3A_167 : i32 to index
        %get3A_197 = arith.constant 64 : index
        %get3A_198 = tpu.vector_load %arg11[%get3A_196, %get3A_197] {strides = array<i32>} : memref<128x128xf32, #tpu.memory_space<vmem>>, vector<16xf32>,
        %mul3A_199 = arith.mulf %get3A_198, %gather3A_163 : vector<16xf32>
        %swap3A_200 = arith.index_cast %add3A_167 : i32 to index
        %swap3A_201 = arith.constant 64 : index
        %swap3A_202 = tpu.vector_load %arg12[%swap3A_200, %swap3A_201] {strides = array<i32>} : memref<128x128xf32, #tpu.memory_space<vmem>>, vector<16xf32>,
        tpu.vector_store %arg12[%swap3A_200, %swap3A_201], %mul3A_199 {strides = array<i32>} : memref<128x128xf32, #tpu.memory_space<vmem>>, vector<16xf32>,
        %get3A_203 = arith.index_cast %add3A_167 : i32 to index
        %get3A_204 = arith.constant 80 : index
        %get3A_205 = tpu.vector_load %arg11[%get3A_203, %get3A_204] {strides = array<i32>} : memref<128x128xf32, #tpu.memory_space<vmem>>, vector<16xf32>,
        %mul3A_206 = arith.mulf %get3A_205, %gather3A_163 : vector<16xf32>
        %swap3A_207 = arith.index_cast %add3A_167 : i32 to index
        %swap3A_208 = arith.constant 80 : index
        %swap3A_209 = tpu.vector_load %arg12[%swap3A_207, %swap3A_208] {strides = array<i32>} : memref<128x128xf32, #tpu.memory_space<vmem>>, vector<16xf32>,
        tpu.vector_store %arg12[%swap3A_207, %swap3A_208], %mul3A_206 {strides = array<i32>} : memref<128x128xf32, #tpu.memory_space<vmem>>, vector<16xf32>,
        %get3A_210 = arith.index_cast %add3A_167 : i32 to index
        %get3A_211 = arith.constant 96 : index
        %get3A_212 = tpu.vector_load %arg11[%get3A_210, %get3A_211] {strides = array<i32>} : memref<128x128xf32, #tpu.memory_space<vmem>>, vector<16xf32>,
        %mul3A_213 = arith.mulf %get3A_212, %gather3A_163 : vector<16xf32>
        %swap3A_214 = arith.index_cast %add3A_167 : i32 to index
        %swap3A_215 = arith.constant 96 : index
        %swap3A_216 = tpu.vector_load %arg12[%swap3A_214, %swap3A_215] {strides = array<i32>} : memref<128x128xf32, #tpu.memory_space<vmem>>, vector<16xf32>,
        tpu.vector_store %arg12[%swap3A_214, %swap3A_215], %mul3A_213 {strides = array<i32>} : memref<128x128xf32, #tpu.memory_space<vmem>>, vector<16xf32>,
        %get3A_217 = arith.index_cast %add3A_167 : i32 to index
        %get3A_218 = arith.constant 112 : index
        %get3A_219 = tpu.vector_load %arg11[%get3A_217, %get3A_218] {strides = array<i32>} : memref<128x128xf32, #tpu.memory_space<vmem>>, vector<16xf32>,
        %mul3A_220 = arith.mulf %get3A_219, %gather3A_163 : vector<16xf32>
        %swap3A_221 = arith.index_cast %add3A_167 : i32 to index
        %swap3A_222 = arith.constant 112 : index
        %swap3A_223 = tpu.vector_load %arg12[%swap3A_221, %swap3A_222] {strides = array<i32>} : memref<128x128xf32, #tpu.memory_space<vmem>>, vector<16xf32>,
        tpu.vector_store %arg12[%swap3A_221, %swap3A_222], %mul3A_220 {strides = array<i32>} : memref<128x128xf32, #tpu.memory_space<vmem>>, vector<16xf32>,
        %broadcast_in_dim3A_224 = arith.constant 2 : i32
        %broadcast_in_dim3A_225 = vector.broadcast %broadcast_in_dim3A_224 : i32 to vector<16xi32>
        %broadcast_in_dim3A_226 = vector.shape_cast %broadcast_in_dim3A_225 : vector<16xi32> to vector<16x1xi32>
        %gather3A_227 = vector.shape_cast %broadcast_in_dim3A_226 : vector<16x1xi32> to vector<16xi32>
        %gather3A_228 = tpu.dynamic_gather %get3A_94[%gather3A_227] in [0] : vector<16xf32>, vector<16xi32> -> vector<16xf32>
        %mul3A_229 = arith.constant 16 : i32
        %mul3A_230 = arith.muli %scan3A_90, %mul3A_229 : i32
        %add3A_231 = arith.constant 2 : i32
        %add3A_232 = arith.addi %mul3A_230, %add3A_231 : i32
        %get3A_233 = arith.index_cast %add3A_232 : i32 to index
        %get3A_234 = arith.constant 0 : index
        %get3A_235 = tpu.vector_load %arg11[%get3A_233, %get3A_234] {strides = array<i32>} : memref<128x128xf32, #tpu.memory_space<vmem>>, vector<16xf32>,
        %mul3A_236 = arith.mulf %get3A_235, %gather3A_228 : vector<16xf32>
        %swap3A_237 = arith.index_cast %add3A_232 : i32 to index
        %swap3A_238 = arith.constant 0 : index
        %swap3A_239 = tpu.vector_load %arg12[%swap3A_237, %swap3A_238] {strides = array<i32>} : memref<128x128xf32, #tpu.memory_space<vmem>>, vector<16xf32>,
        tpu.vector_store %arg12[%swap3A_237, %swap3A_238], %mul3A_236 {strides = array<i32>} : memref<128x128xf32, #tpu.memory_space<vmem>>, vector<16xf32>,
        %get3A_240 = arith.index_cast %add3A_232 : i32 to index
        %get3A_241 = arith.constant 16 : index
        %get3A_242 = tpu.vector_load %arg11[%get3A_240, %get3A_241] {strides = array<i32>} : memref<128x128xf32, #tpu.memory_space<vmem>>, vector<16xf32>,
        %mul3A_243 = arith.mulf %get3A_242, %gather3A_228 : vector<16xf32>
        %swap3A_244 = arith.index_cast %add3A_232 : i32 to index
        %swap3A_245 = arith.constant 16 : index
        %swap3A_246 = tpu.vector_load %arg12[%swap3A_244, %swap3A_245] {strides = array<i32>} : memref<128x128xf32, #tpu.memory_space<vmem>>, vector<16xf32>,
        tpu.vector_store %arg12[%swap3A_244, %swap3A_245], %mul3A_243 {strides = array<i32>} : memref<128x128xf32, #tpu.memory_space<vmem>>, vector<16xf32>,
        %get3A_247 = arith.index_cast %add3A_232 : i32 to index
        %get3A_248 = arith.constant 32 : index
        %get3A_249 = tpu.vector_load %arg11[%get3A_247, %get3A_248] {strides = array<i32>} : memref<128x128xf32, #tpu.memory_space<vmem>>, vector<16xf32>,
        %mul3A_250 = arith.mulf %get3A_249, %gather3A_228 : vector<16xf32>
        %swap3A_251 = arith.index_cast %add3A_232 : i32 to index
        %swap3A_252 = arith.constant 32 : index
        %swap3A_253 = tpu.vector_load %arg12[%swap3A_251, %swap3A_252] {strides = array<i32>} : memref<128x128xf32, #tpu.memory_space<vmem>>, vector<16xf32>,
        tpu.vector_store %arg12[%swap3A_251, %swap3A_252], %mul3A_250 {strides = array<i32>} : memref<128x128xf32, #tpu.memory_space<vmem>>, vector<16xf32>,
        %get3A_254 = arith.index_cast %add3A_232 : i32 to index
        %get3A_255 = arith.constant 48 : index
        %get3A_256 = tpu.vector_load %arg11[%get3A_254, %get3A_255] {strides = array<i32>} : memref<128x128xf32, #tpu.memory_space<vmem>>, vector<16xf32>,
        %mul3A_257 = arith.mulf %get3A_256, %gather3A_228 : vector<16xf32>
        %swap3A_258 = arith.index_cast %add3A_232 : i32 to index
        %swap3A_259 = arith.constant 48 : index
        %swap3A_260 = tpu.vector_load %arg12[%swap3A_258, %swap3A_259] {strides = array<i32>} : memref<128x128xf32, #tpu.memory_space<vmem>>, vector<16xf32>,
        tpu.vector_store %arg12[%swap3A_258, %swap3A_259], %mul3A_257 {strides = array<i32>} : memref<128x128xf32, #tpu.memory_space<vmem>>, vector<16xf32>,
        %get3A_261 = arith.index_cast %add3A_232 : i32 to index
        %get3A_262 = arith.constant 64 : index
        %get3A_263 = tpu.vector_load %arg11[%get3A_261, %get3A_262] {strides = array<i32>} : memref<128x128xf32, #tpu.memory_space<vmem>>, vector<16xf32>,
        %mul3A_264 = arith.mulf %get3A_263, %gather3A_228 : vector<16xf32>
        %swap3A_265 = arith.index_cast %add3A_232 : i32 to index
        %swap3A_266 = arith.constant 64 : index
        %swap3A_267 = tpu.vector_load %arg12[%swap3A_265, %swap3A_266] {strides = array<i32>} : memref<128x128xf32, #tpu.memory_space<vmem>>, vector<16xf32>,
        tpu.vector_store %arg12[%swap3A_265, %swap3A_266], %mul3A_264 {strides = array<i32>} : memref<128x128xf32, #tpu.memory_space<vmem>>, vector<16xf32>,
        %get3A_268 = arith.index_cast %add3A_232 : i32 to index
        %get3A_269 = arith.constant 80 : index
        %get3A_270 = tpu.vector_load %arg11[%get3A_268, %get3A_269] {strides = array<i32>} : memref<128x128xf32, #tpu.memory_space<vmem>>, vector<16xf32>,
        %mul3A_271 = arith.mulf %get3A_270, %gather3A_228 : vector<16xf32>
        %swap3A_272 = arith.index_cast %add3A_232 : i32 to index
        %swap3A_273 = arith.constant 80 : index
        %swap3A_274 = tpu.vector_load %arg12[%swap3A_272, %swap3A_273] {strides = array<i32>} : memref<128x128xf32, #tpu.memory_space<vmem>>, vector<16xf32>,
        tpu.vector_store %arg12[%swap3A_272, %swap3A_273], %mul3A_271 {strides = array<i32>} : memref<128x128xf32, #tpu.memory_space<vmem>>, vector<16xf32>,
        %get3A_275 = arith.index_cast %add3A_232 : i32 to index
        %get3A_276 = arith.constant 96 : index
        %get3A_277 = tpu.vector_load %arg11[%get3A_275, %get3A_276] {strides = array<i32>} : memref<128x128xf32, #tpu.memory_space<vmem>>, vector<16xf32>,
        %mul3A_278 = arith.mulf %get3A_277, %gather3A_228 : vector<16xf32>
        %swap3A_279 = arith.index_cast %add3A_232 : i32 to index
        %swap3A_280 = arith.constant 96 : index
        %swap3A_281 = tpu.vector_load %arg12[%swap3A_279, %swap3A_280] {strides = array<i32>} : memref<128x128xf32, #tpu.memory_space<vmem>>, vector<16xf32>,
        tpu.vector_store %arg12[%swap3A_279, %swap3A_280], %mul3A_278 {strides = array<i32>} : memref<128x128xf32, #tpu.memory_space<vmem>>, vector<16xf32>,
        %get3A_282 = arith.index_cast %add3A_232 : i32 to index
        %get3A_283 = arith.constant 112 : index
        %get3A_284 = tpu.vector_load %arg11[%get3A_282, %get3A_283] {strides = array<i32>} : memref<128x128xf32, #tpu.memory_space<vmem>>, vector<16xf32>,
        %mul3A_285 = arith.mulf %get3A_284, %gather3A_228 : vector<16xf32>
        %swap3A_286 = arith.index_cast %add3A_232 : i32 to index
        %swap3A_287 = arith.constant 112 : index
        %swap3A_288 = tpu.vector_load %arg12[%swap3A_286, %swap3A_287] {strides = array<i32>} : memref<128x128xf32, #tpu.memory_space<vmem>>, vector<16xf32>,
        tpu.vector_store %arg12[%swap3A_286, %swap3A_287], %mul3A_285 {strides = array<i32>} : memref<128x128xf32, #tpu.memory_space<vmem>>, vector<16xf32>,
        %broadcast_in_dim3A_289 = arith.constant 3 : i32
        %broadcast_in_dim3A_290 = vector.broadcast %broadcast_in_dim3A_289 : i32 to vector<16xi32>
        %broadcast_in_dim3A_291 = vector.shape_cast %broadcast_in_dim3A_290 : vector<16xi32> to vector<16x1xi32>
        %gather3A_292 = vector.shape_cast %broadcast_in_dim3A_291 : vector<16x1xi32> to vector<16xi32>
        %gather3A_293 = tpu.dynamic_gather %get3A_94[%gather3A_292] in [0] : vector<16xf32>, vector<16xi32> -> vector<16xf32>
        %mul3A_294 = arith.constant 16 : i32
        %mul3A_295 = arith.muli %scan3A_90, %mul3A_294 : i32
        %add3A_296 = arith.constant 3 : i32
        %add3A_297 = arith.addi %mul3A_295, %add3A_296 : i32
        %get3A_298 = arith.index_cast %add3A_297 : i32 to index
        %get3A_299 = arith.constant 0 : index
        %get3A_300 = tpu.vector_load %arg11[%get3A_298, %get3A_299] {strides = array<i32>} : memref<128x128xf32, #tpu.memory_space<vmem>>, vector<16xf32>,
        %mul3A_301 = arith.mulf %get3A_300, %gather3A_293 : vector<16xf32>
        %swap3A_302 = arith.index_cast %add3A_297 : i32 to index
        %swap3A_303 = arith.constant 0 : index
        %swap3A_304 = tpu.vector_load %arg12[%swap3A_302, %swap3A_303] {strides = array<i32>} : memref<128x128xf32, #tpu.memory_space<vmem>>, vector<16xf32>,
        tpu.vector_store %arg12[%swap3A_302, %swap3A_303], %mul3A_301 {strides = array<i32>} : memref<128x128xf32, #tpu.memory_space<vmem>>, vector<16xf32>,
        %get3A_305 = arith.index_cast %add3A_297 : i32 to index
        %get3A_306 = arith.constant 16 : index
        %get3A_307 = tpu.vector_load %arg11[%get3A_305, %get3A_306] {strides = array<i32>} : memref<128x128xf32, #tpu.memory_space<vmem>>, vector<16xf32>,
        %mul3A_308 = arith.mulf %get3A_307, %gather3A_293 : vector<16xf32>
        %swap3A_309 = arith.index_cast %add3A_297 : i32 to index
        %swap3A_310 = arith.constant 16 : index
        %swap3A_311 = tpu.vector_load %arg12[%swap3A_309, %swap3A_310] {strides = array<i32>} : memref<128x128xf32, #tpu.memory_space<vmem>>, vector<16xf32>,
        tpu.vector_store %arg12[%swap3A_309, %swap3A_310], %mul3A_308 {strides = array<i32>} : memref<128x128xf32, #tpu.memory_space<vmem>>, vector<16xf32>,
        %get3A_312 = arith.index_cast %add3A_297 : i32 to index
        %get3A_313 = arith.constant 32 : index
        %get3A_314 = tpu.vector_load %arg11[%get3A_312, %get3A_313] {strides = array<i32>} : memref<128x128xf32, #tpu.memory_space<vmem>>, vector<16xf32>,
        %mul3A_315 = arith.mulf %get3A_314, %gather3A_293 : vector<16xf32>
        %swap3A_316 = arith.index_cast %add3A_297 : i32 to index
        %swap3A_317 = arith.constant 32 : index
        %swap3A_318 = tpu.vector_load %arg12[%swap3A_316, %swap3A_317] {strides = array<i32>} : memref<128x128xf32, #tpu.memory_space<vmem>>, vector<16xf32>,
        tpu.vector_store %arg12[%swap3A_316, %swap3A_317], %mul3A_315 {strides = array<i32>} : memref<128x128xf32, #tpu.memory_space<vmem>>, vector<16xf32>,
        %get3A_319 = arith.index_cast %add3A_297 : i32 to index
        %get3A_320 = arith.constant 48 : index
        %get3A_321 = tpu.vector_load %arg11[%get3A_319, %get3A_320] {strides = array<i32>} : memref<128x128xf32, #tpu.memory_space<vmem>>, vector<16xf32>,
        %mul3A_322 = arith.mulf %get3A_321, %gather3A_293 : vector<16xf32>
        %swap3A_323 = arith.index_cast %add3A_297 : i32 to index
        %swap3A_324 = arith.constant 48 : index
        %swap3A_325 = tpu.vector_load %arg12[%swap3A_323, %swap3A_324] {strides = array<i32>} : memref<128x128xf32, #tpu.memory_space<vmem>>, vector<16xf32>,
        tpu.vector_store %arg12[%swap3A_323, %swap3A_324], %mul3A_322 {strides = array<i32>} : memref<128x128xf32, #tpu.memory_space<vmem>>, vector<16xf32>,
        %get3A_326 = arith.index_cast %add3A_297 : i32 to index
        %get3A_327 = arith.constant 64 : index
        %get3A_328 = tpu.vector_load %arg11[%get3A_326, %get3A_327] {strides = array<i32>} : memref<128x128xf32, #tpu.memory_space<vmem>>, vector<16xf32>,
        %mul3A_329 = arith.mulf %get3A_328, %gather3A_293 : vector<16xf32>
        %swap3A_330 = arith.index_cast %add3A_297 : i32 to index
        %swap3A_331 = arith.constant 64 : index
        %swap3A_332 = tpu.vector_load %arg12[%swap3A_330, %swap3A_331] {strides = array<i32>} : memref<128x128xf32, #tpu.memory_space<vmem>>, vector<16xf32>,
        tpu.vector_store %arg12[%swap3A_330, %swap3A_331], %mul3A_329 {strides = array<i32>} : memref<128x128xf32, #tpu.memory_space<vmem>>, vector<16xf32>,
        %get3A_333 = arith.index_cast %add3A_297 : i32 to index
        %get3A_334 = arith.constant 80 : index
        %get3A_335 = tpu.vector_load %arg11[%get3A_333, %get3A_334] {strides = array<i32>} : memref<128x128xf32, #tpu.memory_space<vmem>>, vector<16xf32>,
        %mul3A_336 = arith.mulf %get3A_335, %gather3A_293 : vector<16xf32>
        %swap3A_337 = arith.index_cast %add3A_297 : i32 to index
        %swap3A_338 = arith.constant 80 : index
        %swap3A_339 = tpu.vector_load %arg12[%swap3A_337, %swap3A_338] {strides = array<i32>} : memref<128x128xf32, #tpu.memory_space<vmem>>, vector<16xf32>,
        tpu.vector_store %arg12[%swap3A_337, %swap3A_338], %mul3A_336 {strides = array<i32>} : memref<128x128xf32, #tpu.memory_space<vmem>>, vector<16xf32>,
        %get3A_340 = arith.index_cast %add3A_297 : i32 to index
        %get3A_341 = arith.constant 96 : index
        %get3A_342 = tpu.vector_load %arg11[%get3A_340, %get3A_341] {strides = array<i32>} : memref<128x128xf32, #tpu.memory_space<vmem>>, vector<16xf32>,
        %mul3A_343 = arith.mulf %get3A_342, %gather3A_293 : vector<16xf32>
        %swap3A_344 = arith.index_cast %add3A_297 : i32 to index
        %swap3A_345 = arith.constant 96 : index
        %swap3A_346 = tpu.vector_load %arg12[%swap3A_344, %swap3A_345] {strides = array<i32>} : memref<128x128xf32, #tpu.memory_space<vmem>>, vector<16xf32>,
        tpu.vector_store %arg12[%swap3A_344, %swap3A_345], %mul3A_343 {strides = array<i32>} : memref<128x128xf32, #tpu.memory_space<vmem>>, vector<16xf32>,
        %get3A_347 = arith.index_cast %add3A_297 : i32 to index
        %get3A_348 = arith.constant 112 : index
        %get3A_349 = tpu.vector_load %arg11[%get3A_347, %get3A_348] {strides = array<i32>} : memref<128x128xf32, #tpu.memory_space<vmem>>, vector<16xf32>,
        %mul3A_350 = arith.mulf %get3A_349, %gather3A_293 : vector<16xf32>
        %swap3A_351 = arith.index_cast %add3A_297 : i32 to index
        %swap3A_352 = arith.constant 112 : index
        %swap3A_353 = tpu.vector_load %arg12[%swap3A_351, %swap3A_352] {strides = array<i32>} : memref<128x128xf32, #tpu.memory_space<vmem>>, vector<16xf32>,
        tpu.vector_store %arg12[%swap3A_351, %swap3A_352], %mul3A_350 {strides = array<i32>} : memref<128x128xf32, #tpu.memory_space<vmem>>, vector<16xf32>,
        %broadcast_in_dim3A_354 = arith.constant 4 : i32
        %broadcast_in_dim3A_355 = vector.broadcast %broadcast_in_dim3A_354 : i32 to vector<16xi32>
        %broadcast_in_dim3A_356 = vector.shape_cast %broadcast_in_dim3A_355 : vector<16xi32> to vector<16x1xi32>
        %gather3A_357 = vector.shape_cast %broadcast_in_dim3A_356 : vector<16x1xi32> to vector<16xi32>
        %gather3A_358 = tpu.dynamic_gather %get3A_94[%gather3A_357] in [0] : vector<16xf32>, vector<16xi32> -> vector<16xf32>
        %mul3A_359 = arith.constant 16 : i32
        %mul3A_360 = arith.muli %scan3A_90, %mul3A_359 : i32
        %add3A_361 = arith.constant 4 : i32
        %add3A_362 = arith.addi %mul3A_360, %add3A_361 : i32
        %get3A_363 = arith.index_cast %add3A_362 : i32 to index
        %get3A_364 = arith.constant 0 : index
        %get3A_365 = tpu.vector_load %arg11[%get3A_363, %get3A_364] {strides = array<i32>} : memref<128x128xf32, #tpu.memory_space<vmem>>, vector<16xf32>,
        %mul3A_366 = arith.mulf %get3A_365, %gather3A_358 : vector<16xf32>
        %swap3A_367 = arith.index_cast %add3A_362 : i32 to index
        %swap3A_368 = arith.constant 0 : index
        %swap3A_369 = tpu.vector_load %arg12[%swap3A_367, %swap3A_368] {strides = array<i32>} : memref<128x128xf32, #tpu.memory_space<vmem>>, vector<16xf32>,
        tpu.vector_store %arg12[%swap3A_367, %swap3A_368], %mul3A_366 {strides = array<i32>} : memref<128x128xf32, #tpu.memory_space<vmem>>, vector<16xf32>,
        %get3A_370 = arith.index_cast %add3A_362 : i32 to index
        %get3A_371 = arith.constant 16 : index
        %get3A_372 = tpu.vector_load %arg11[%get3A_370, %get3A_371] {strides = array<i32>} : memref<128x128xf32, #tpu.memory_space<vmem>>, vector<16xf32>,
        %mul3A_373 = arith.mulf %get3A_372, %gather3A_358 : vector<16xf32>
        %swap3A_374 = arith.index_cast %add3A_362 : i32 to index
        %swap3A_375 = arith.constant 16 : index
        %swap3A_376 = tpu.vector_load %arg12[%swap3A_374, %swap3A_375] {strides = array<i32>} : memref<128x128xf32, #tpu.memory_space<vmem>>, vector<16xf32>,
        tpu.vector_store %arg12[%swap3A_374, %swap3A_375], %mul3A_373 {strides = array<i32>} : memref<128x128xf32, #tpu.memory_space<vmem>>, vector<16xf32>,
        %get3A_377 = arith.index_cast %add3A_362 : i32 to index
        %get3A_378 = arith.constant 32 : index
        %get3A_379 = tpu.vector_load %arg11[%get3A_377, %get3A_378] {strides = array<i32>} : memref<128x128xf32, #tpu.memory_space<vmem>>, vector<16xf32>,
        %mul3A_380 = arith.mulf %get3A_379, %gather3A_358 : vector<16xf32>
        %swap3A_381 = arith.index_cast %add3A_362 : i32 to index
        %swap3A_382 = arith.constant 32 : index
        %swap3A_383 = tpu.vector_load %arg12[%swap3A_381, %swap3A_382] {strides = array<i32>} : memref<128x128xf32, #tpu.memory_space<vmem>>, vector<16xf32>,
        tpu.vector_store %arg12[%swap3A_381, %swap3A_382], %mul3A_380 {strides = array<i32>} : memref<128x128xf32, #tpu.memory_space<vmem>>, vector<16xf32>,
        %get3A_384 = arith.index_cast %add3A_362 : i32 to index
        %get3A_385 = arith.constant 48 : index
        %get3A_386 = tpu.vector_load %arg11[%get3A_384, %get3A_385] {strides = array<i32>} : memref<128x128xf32, #tpu.memory_space<vmem>>, vector<16xf32>,
        %mul3A_387 = arith.mulf %get3A_386, %gather3A_358 : vector<16xf32>
        %swap3A_388 = arith.index_cast %add3A_362 : i32 to index
        %swap3A_389 = arith.constant 48 : index
        %swap3A_390 = tpu.vector_load %arg12[%swap3A_388, %swap3A_389] {strides = array<i32>} : memref<128x128xf32, #tpu.memory_space<vmem>>, vector<16xf32>,
        tpu.vector_store %arg12[%swap3A_388, %swap3A_389], %mul3A_387 {strides = array<i32>} : memref<128x128xf32, #tpu.memory_space<vmem>>, vector<16xf32>,
        %get3A_391 = arith.index_cast %add3A_362 : i32 to index
        %get3A_392 = arith.constant 64 : index
        %get3A_393 = tpu.vector_load %arg11[%get3A_391, %get3A_392] {strides = array<i32>} : memref<128x128xf32, #tpu.memory_space<vmem>>, vector<16xf32>,
        %mul3A_394 = arith.mulf %get3A_393, %gather3A_358 : vector<16xf32>
        %swap3A_395 = arith.index_cast %add3A_362 : i32 to index
        %swap3A_396 = arith.constant 64 : index
        %swap3A_397 = tpu.vector_load %arg12[%swap3A_395, %swap3A_396] {strides = array<i32>} : memref<128x128xf32, #tpu.memory_space<vmem>>, vector<16xf32>,
        tpu.vector_store %arg12[%swap3A_395, %swap3A_396], %mul3A_394 {strides = array<i32>} : memref<128x128xf32, #tpu.memory_space<vmem>>, vector<16xf32>,
        %get3A_398 = arith.index_cast %add3A_362 : i32 to index
        %get3A_399 = arith.constant 80 : index
        %get3A_400 = tpu.vector_load %arg11[%get3A_398, %get3A_399] {strides = array<i32>} : memref<128x128xf32, #tpu.memory_space<vmem>>, vector<16xf32>,
        %mul3A_401 = arith.mulf %get3A_400, %gather3A_358 : vector<16xf32>
        %swap3A_402 = arith.index_cast %add3A_362 : i32 to index
        %swap3A_403 = arith.constant 80 : index
        %swap3A_404 = tpu.vector_load %arg12[%swap3A_402, %swap3A_403] {strides = array<i32>} : memref<128x128xf32, #tpu.memory_space<vmem>>, vector<16xf32>,
        tpu.vector_store %arg12[%swap3A_402, %swap3A_403], %mul3A_401 {strides = array<i32>} : memref<128x128xf32, #tpu.memory_space<vmem>>, vector<16xf32>,
        %get3A_405 = arith.index_cast %add3A_362 : i32 to index
        %get3A_406 = arith.constant 96 : index
        %get3A_407 = tpu.vector_load %arg11[%get3A_405, %get3A_406] {strides = array<i32>} : memref<128x128xf32, #tpu.memory_space<vmem>>, vector<16xf32>,
        %mul3A_408 = arith.mulf %get3A_407, %gather3A_358 : vector<16xf32>
        %swap3A_409 = arith.index_cast %add3A_362 : i32 to index
        %swap3A_410 = arith.constant 96 : index
        %swap3A_411 = tpu.vector_load %arg12[%swap3A_409, %swap3A_410] {strides = array<i32>} : memref<128x128xf32, #tpu.memory_space<vmem>>, vector<16xf32>,
        tpu.vector_store %arg12[%swap3A_409, %swap3A_410], %mul3A_408 {strides = array<i32>} : memref<128x128xf32, #tpu.memory_space<vmem>>, vector<16xf32>,
        %get3A_412 = arith.index_cast %add3A_362 : i32 to index
        %get3A_413 = arith.constant 112 : index
        %get3A_414 = tpu.vector_load %arg11[%get3A_412, %get3A_413] {strides = array<i32>} : memref<128x128xf32, #tpu.memory_space<vmem>>, vector<16xf32>,
        %mul3A_415 = arith.mulf %get3A_414, %gather3A_358 : vector<16xf32>
        %swap3A_416 = arith.index_cast %add3A_362 : i32 to index
        %swap3A_417 = arith.constant 112 : index
        %swap3A_418 = tpu.vector_load %arg12[%swap3A_416, %swap3A_417] {strides = array<i32>} : memref<128x128xf32, #tpu.memory_space<vmem>>, vector<16xf32>,
        tpu.vector_store %arg12[%swap3A_416, %swap3A_417], %mul3A_415 {strides = array<i32>} : memref<128x128xf32, #tpu.memory_space<vmem>>, vector<16xf32>,
        %broadcast_in_dim3A_419 = arith.constant 5 : i32
        %broadcast_in_dim3A_420 = vector.broadcast %broadcast_in_dim3A_419 : i32 to vector<16xi32>
        %broadcast_in_dim3A_421 = vector.shape_cast %broadcast_in_dim3A_420 : vector<16xi32> to vector<16x1xi32>
        %gather3A_422 = vector.shape_cast %broadcast_in_dim3A_421 : vector<16x1xi32> to vector<16xi32>
        %gather3A_423 = tpu.dynamic_gather %get3A_94[%gather3A_422] in [0] : vector<16xf32>, vector<16xi32> -> vector<16xf32>
        %mul3A_424 = arith.constant 16 : i32
        %mul3A_425 = arith.muli %scan3A_90, %mul3A_424 : i32
        %add3A_426 = arith.constant 5 : i32
        %add3A_427 = arith.addi %mul3A_425, %add3A_426 : i32
        %get3A_428 = arith.index_cast %add3A_427 : i32 to index
        %get3A_429 = arith.constant 0 : index
        %get3A_430 = tpu.vector_load %arg11[%get3A_428, %get3A_429] {strides = array<i32>} : memref<128x128xf32, #tpu.memory_space<vmem>>, vector<16xf32>,
        %mul3A_431 = arith.mulf %get3A_430, %gather3A_423 : vector<16xf32>
        %swap3A_432 = arith.index_cast %add3A_427 : i32 to index
        %swap3A_433 = arith.constant 0 : index
        %swap3A_434 = tpu.vector_load %arg12[%swap3A_432, %swap3A_433] {strides = array<i32>} : memref<128x128xf32, #tpu.memory_space<vmem>>, vector<16xf32>,
        tpu.vector_store %arg12[%swap3A_432, %swap3A_433], %mul3A_431 {strides = array<i32>} : memref<128x128xf32, #tpu.memory_space<vmem>>, vector<16xf32>,
        %get3A_435 = arith.index_cast %add3A_427 : i32 to index
        %get3A_436 = arith.constant 16 : index
        %get3A_437 = tpu.vector_load %arg11[%get3A_435, %get3A_436] {strides = array<i32>} : memref<128x128xf32, #tpu.memory_space<vmem>>, vector<16xf32>,
        %mul3A_438 = arith.mulf %get3A_437, %gather3A_423 : vector<16xf32>
        %swap3A_439 = arith.index_cast %add3A_427 : i32 to index
        %swap3A_440 = arith.constant 16 : index
        %swap3A_441 = tpu.vector_load %arg12[%swap3A_439, %swap3A_440] {strides = array<i32>} : memref<128x128xf32, #tpu.memory_space<vmem>>, vector<16xf32>,
        tpu.vector_store %arg12[%swap3A_439, %swap3A_440], %mul3A_438 {strides = array<i32>} : memref<128x128xf32, #tpu.memory_space<vmem>>, vector<16xf32>,
        %get3A_442 = arith.index_cast %add3A_427 : i32 to index
        %get3A_443 = arith.constant 32 : index
        %get3A_444 = tpu.vector_load %arg11[%get3A_442, %get3A_443] {strides = array<i32>} : memref<128x128xf32, #tpu.memory_space<vmem>>, vector<16xf32>,
        %mul3A_445 = arith.mulf %get3A_444, %gather3A_423 : vector<16xf32>
        %swap3A_446 = arith.index_cast %add3A_427 : i32 to index
        %swap3A_447 = arith.constant 32 : index
        %swap3A_448 = tpu.vector_load %arg12[%swap3A_446, %swap3A_447] {strides = array<i32>} : memref<128x128xf32, #tpu.memory_space<vmem>>, vector<16xf32>,
        tpu.vector_store %arg12[%swap3A_446, %swap3A_447], %mul3A_445 {strides = array<i32>} : memref<128x128xf32, #tpu.memory_space<vmem>>, vector<16xf32>,
        %get3A_449 = arith.index_cast %add3A_427 : i32 to index
        %get3A_450 = arith.constant 48 : index
        %get3A_451 = tpu.vector_load %arg11[%get3A_449, %get3A_450] {strides = array<i32>} : memref<128x128xf32, #tpu.memory_space<vmem>>, vector<16xf32>,
        %mul3A_452 = arith.mulf %get3A_451, %gather3A_423 : vector<16xf32>
        %swap3A_453 = arith.index_cast %add3A_427 : i32 to index
        %swap3A_454 = arith.constant 48 : index
        %swap3A_455 = tpu.vector_load %arg12[%swap3A_453, %swap3A_454] {strides = array<i32>} : memref<128x128xf32, #tpu.memory_space<vmem>>, vector<16xf32>,
        tpu.vector_store %arg12[%swap3A_453, %swap3A_454], %mul3A_452 {strides = array<i32>} : memref<128x128xf32, #tpu.memory_space<vmem>>, vector<16xf32>,
        %get3A_456 = arith.index_cast %add3A_427 : i32 to index
        %get3A_457 = arith.constant 64 : index
        %get3A_458 = tpu.vector_load %arg11[%get3A_456, %get3A_457] {strides = array<i32>} : memref<128x128xf32, #tpu.memory_space<vmem>>, vector<16xf32>,
        %mul3A_459 = arith.mulf %get3A_458, %gather3A_423 : vector<16xf32>
        %swap3A_460 = arith.index_cast %add3A_427 : i32 to index
        %swap3A_461 = arith.constant 64 : index
        %swap3A_462 = tpu.vector_load %arg12[%swap3A_460, %swap3A_461] {strides = array<i32>} : memref<128x128xf32, #tpu.memory_space<vmem>>, vector<16xf32>,
        tpu.vector_store %arg12[%swap3A_460, %swap3A_461], %mul3A_459 {strides = array<i32>} : memref<128x128xf32, #tpu.memory_space<vmem>>, vector<16xf32>,
        %get3A_463 = arith.index_cast %add3A_427 : i32 to index
        %get3A_464 = arith.constant 80 : index
        %get3A_465 = tpu.vector_load %arg11[%get3A_463, %get3A_464] {strides = array<i32>} : memref<128x128xf32, #tpu.memory_space<vmem>>, vector<16xf32>,
        %mul3A_466 = arith.mulf %get3A_465, %gather3A_423 : vector<16xf32>
        %swap3A_467 = arith.index_cast %add3A_427 : i32 to index
        %swap3A_468 = arith.constant 80 : index
        %swap3A_469 = tpu.vector_load %arg12[%swap3A_467, %swap3A_468] {strides = array<i32>} : memref<128x128xf32, #tpu.memory_space<vmem>>, vector<16xf32>,
        tpu.vector_store %arg12[%swap3A_467, %swap3A_468], %mul3A_466 {strides = array<i32>} : memref<128x128xf32, #tpu.memory_space<vmem>>, vector<16xf32>,
        %get3A_470 = arith.index_cast %add3A_427 : i32 to index
        %get3A_471 = arith.constant 96 : index
        %get3A_472 = tpu.vector_load %arg11[%get3A_470, %get3A_471] {strides = array<i32>} : memref<128x128xf32, #tpu.memory_space<vmem>>, vector<16xf32>,
        %mul3A_473 = arith.mulf %get3A_472, %gather3A_423 : vector<16xf32>
        %swap3A_474 = arith.index_cast %add3A_427 : i32 to index
        %swap3A_475 = arith.constant 96 : index
        %swap3A_476 = tpu.vector_load %arg12[%swap3A_474, %swap3A_475] {strides = array<i32>} : memref<128x128xf32, #tpu.memory_space<vmem>>, vector<16xf32>,
        tpu.vector_store %arg12[%swap3A_474, %swap3A_475], %mul3A_473 {strides = array<i32>} : memref<128x128xf32, #tpu.memory_space<vmem>>, vector<16xf32>,
        %get3A_477 = arith.index_cast %add3A_427 : i32 to index
        %get3A_478 = arith.constant 112 : index
        %get3A_479 = tpu.vector_load %arg11[%get3A_477, %get3A_478] {strides = array<i32>} : memref<128x128xf32, #tpu.memory_space<vmem>>, vector<16xf32>,
        %mul3A_480 = arith.mulf %get3A_479, %gather3A_423 : vector<16xf32>
        %swap3A_481 = arith.index_cast %add3A_427 : i32 to index
        %swap3A_482 = arith.constant 112 : index
        %swap3A_483 = tpu.vector_load %arg12[%swap3A_481, %swap3A_482] {strides = array<i32>} : memref<128x128xf32, #tpu.memory_space<vmem>>, vector<16xf32>,
        tpu.vector_store %arg12[%swap3A_481, %swap3A_482], %mul3A_480 {strides = array<i32>} : memref<128x128xf32, #tpu.memory_space<vmem>>, vector<16xf32>,
        %broadcast_in_dim3A_484 = arith.constant 6 : i32
        %broadcast_in_dim3A_485 = vector.broadcast %broadcast_in_dim3A_484 : i32 to vector<16xi32>
        %broadcast_in_dim3A_486 = vector.shape_cast %broadcast_in_dim3A_485 : vector<16xi32> to vector<16x1xi32>
        %gather3A_487 = vector.shape_cast %broadcast_in_dim3A_486 : vector<16x1xi32> to vector<16xi32>
        %gather3A_488 = tpu.dynamic_gather %get3A_94[%gather3A_487] in [0] : vector<16xf32>, vector<16xi32> -> vector<16xf32>
        %mul3A_489 = arith.constant 16 : i32
        %mul3A_490 = arith.muli %scan3A_90, %mul3A_489 : i32
        %add3A_491 = arith.constant 6 : i32
        %add3A_492 = arith.addi %mul3A_490, %add3A_491 : i32
        %get3A_493 = arith.index_cast %add3A_492 : i32 to index
        %get3A_494 = arith.constant 0 : index
        %get3A_495 = tpu.vector_load %arg11[%get3A_493, %get3A_494] {strides = array<i32>} : memref<128x128xf32, #tpu.memory_space<vmem>>, vector<16xf32>,
        %mul3A_496 = arith.mulf %get3A_495, %gather3A_488 : vector<16xf32>
        %swap3A_497 = arith.index_cast %add3A_492 : i32 to index
        %swap3A_498 = arith.constant 0 : index
        %swap3A_499 = tpu.vector_load %arg12[%swap3A_497, %swap3A_498] {strides = array<i32>} : memref<128x128xf32, #tpu.memory_space<vmem>>, vector<16xf32>,
        tpu.vector_store %arg12[%swap3A_497, %swap3A_498], %mul3A_496 {strides = array<i32>} : memref<128x128xf32, #tpu.memory_space<vmem>>, vector<16xf32>,
        %get3A_500 = arith.index_cast %add3A_492 : i32 to index
        %get3A_501 = arith.constant 16 : index
        %get3A_502 = tpu.vector_load %arg11[%get3A_500, %get3A_501] {strides = array<i32>} : memref<128x128xf32, #tpu.memory_space<vmem>>, vector<16xf32>,
        %mul3A_503 = arith.mulf %get3A_502, %gather3A_488 : vector<16xf32>
        %swap3A_504 = arith.index_cast %add3A_492 : i32 to index
        %swap3A_505 = arith.constant 16 : index
        %swap3A_506 = tpu.vector_load %arg12[%swap3A_504, %swap3A_505] {strides = array<i32>} : memref<128x128xf32, #tpu.memory_space<vmem>>, vector<16xf32>,
        tpu.vector_store %arg12[%swap3A_504, %swap3A_505], %mul3A_503 {strides = array<i32>} : memref<128x128xf32, #tpu.memory_space<vmem>>, vector<16xf32>,
        %get3A_507 = arith.index_cast %add3A_492 : i32 to index
        %get3A_508 = arith.constant 32 : index
        %get3A_509 = tpu.vector_load %arg11[%get3A_507, %get3A_508] {strides = array<i32>} : memref<128x128xf32, #tpu.memory_space<vmem>>, vector<16xf32>,
        %mul3A_510 = arith.mulf %get3A_509, %gather3A_488 : vector<16xf32>
        %swap3A_511 = arith.index_cast %add3A_492 : i32 to index
        %swap3A_512 = arith.constant 32 : index
        %swap3A_513 = tpu.vector_load %arg12[%swap3A_511, %swap3A_512] {strides = array<i32>} : memref<128x128xf32, #tpu.memory_space<vmem>>, vector<16xf32>,
        tpu.vector_store %arg12[%swap3A_511, %swap3A_512], %mul3A_510 {strides = array<i32>} : memref<128x128xf32, #tpu.memory_space<vmem>>, vector<16xf32>,
        %get3A_514 = arith.index_cast %add3A_492 : i32 to index
        %get3A_515 = arith.constant 48 : index
        %get3A_516 = tpu.vector_load %arg11[%get3A_514, %get3A_515] {strides = array<i32>} : memref<128x128xf32, #tpu.memory_space<vmem>>, vector<16xf32>,
        %mul3A_517 = arith.mulf %get3A_516, %gather3A_488 : vector<16xf32>
        %swap3A_518 = arith.index_cast %add3A_492 : i32 to index
        %swap3A_519 = arith.constant 48 : index
        %swap3A_520 = tpu.vector_load %arg12[%swap3A_518, %swap3A_519] {strides = array<i32>} : memref<128x128xf32, #tpu.memory_space<vmem>>, vector<16xf32>,
        tpu.vector_store %arg12[%swap3A_518, %swap3A_519], %mul3A_517 {strides = array<i32>} : memref<128x128xf32, #tpu.memory_space<vmem>>, vector<16xf32>,
        %get3A_521 = arith.index_cast %add3A_492 : i32 to index
        %get3A_522 = arith.constant 64 : index
        %get3A_523 = tpu.vector_load %arg11[%get3A_521, %get3A_522] {strides = array<i32>} : memref<128x128xf32, #tpu.memory_space<vmem>>, vector<16xf32>,
        %mul3A_524 = arith.mulf %get3A_523, %gather3A_488 : vector<16xf32>
        %swap3A_525 = arith.index_cast %add3A_492 : i32 to index
        %swap3A_526 = arith.constant 64 : index
        %swap3A_527 = tpu.vector_load %arg12[%swap3A_525, %swap3A_526] {strides = array<i32>} : memref<128x128xf32, #tpu.memory_space<vmem>>, vector<16xf32>,
        tpu.vector_store %arg12[%swap3A_525, %swap3A_526], %mul3A_524 {strides = array<i32>} : memref<128x128xf32, #tpu.memory_space<vmem>>, vector<16xf32>,
        %get3A_528 = arith.index_cast %add3A_492 : i32 to index
        %get3A_529 = arith.constant 80 : index
        %get3A_530 = tpu.vector_load %arg11[%get3A_528, %get3A_529] {strides = array<i32>} : memref<128x128xf32, #tpu.memory_space<vmem>>, vector<16xf32>,
        %mul3A_531 = arith.mulf %get3A_530, %gather3A_488 : vector<16xf32>
        %swap3A_532 = arith.index_cast %add3A_492 : i32 to index
        %swap3A_533 = arith.constant 80 : index
        %swap3A_534 = tpu.vector_load %arg12[%swap3A_532, %swap3A_533] {strides = array<i32>} : memref<128x128xf32, #tpu.memory_space<vmem>>, vector<16xf32>,
        tpu.vector_store %arg12[%swap3A_532, %swap3A_533], %mul3A_531 {strides = array<i32>} : memref<128x128xf32, #tpu.memory_space<vmem>>, vector<16xf32>,
        %get3A_535 = arith.index_cast %add3A_492 : i32 to index
        %get3A_536 = arith.constant 96 : index
        %get3A_537 = tpu.vector_load %arg11[%get3A_535, %get3A_536] {strides = array<i32>} : memref<128x128xf32, #tpu.memory_space<vmem>>, vector<16xf32>,
        %mul3A_538 = arith.mulf %get3A_537, %gather3A_488 : vector<16xf32>
        %swap3A_539 = arith.index_cast %add3A_492 : i32 to index
        %swap3A_540 = arith.constant 96 : index
        %swap3A_541 = tpu.vector_load %arg12[%swap3A_539, %swap3A_540] {strides = array<i32>} : memref<128x128xf32, #tpu.memory_space<vmem>>, vector<16xf32>,
        tpu.vector_store %arg12[%swap3A_539, %swap3A_540], %mul3A_538 {strides = array<i32>} : memref<128x128xf32, #tpu.memory_space<vmem>>, vector<16xf32>,
        %get3A_542 = arith.index_cast %add3A_492 : i32 to index
        %get3A_543 = arith.constant 112 : index
        %get3A_544 = tpu.vector_load %arg11[%get3A_542, %get3A_543] {strides = array<i32>} : memref<128x128xf32, #tpu.memory_space<vmem>>, vector<16xf32>,
        %mul3A_545 = arith.mulf %get3A_544, %gather3A_488 : vector<16xf32>
        %swap3A_546 = arith.index_cast %add3A_492 : i32 to index
        %swap3A_547 = arith.constant 112 : index
        %swap3A_548 = tpu.vector_load %arg12[%swap3A_546, %swap3A_547] {strides = array<i32>} : memref<128x128xf32, #tpu.memory_space<vmem>>, vector<16xf32>,
        tpu.vector_store %arg12[%swap3A_546, %swap3A_547], %mul3A_545 {strides = array<i32>} : memref<128x128xf32, #tpu.memory_space<vmem>>, vector<16xf32>,
        %broadcast_in_dim3A_549 = arith.constant 7 : i32
        %broadcast_in_dim3A_550 = vector.broadcast %broadcast_in_dim3A_549 : i32 to vector<16xi32>
        %broadcast_in_dim3A_551 = vector.shape_cast %broadcast_in_dim3A_550 : vector<16xi32> to vector<16x1xi32>
        %gather3A_552 = vector.shape_cast %broadcast_in_dim3A_551 : vector<16x1xi32> to vector<16xi32>
        %gather3A_553 = tpu.dynamic_gather %get3A_94[%gather3A_552] in [0] : vector<16xf32>, vector<16xi32> -> vector<16xf32>
        %mul3A_554 = arith.constant 16 : i32
        %mul3A_555 = arith.muli %scan3A_90, %mul3A_554 : i32
        %add3A_556 = arith.constant 7 : i32
        %add3A_557 = arith.addi %mul3A_555, %add3A_556 : i32
        %get3A_558 = arith.index_cast %add3A_557 : i32 to index
        %get3A_559 = arith.constant 0 : index
        %get3A_560 = tpu.vector_load %arg11[%get3A_558, %get3A_559] {strides = array<i32>} : memref<128x128xf32, #tpu.memory_space<vmem>>, vector<16xf32>,
        %mul3A_561 = arith.mulf %get3A_560, %gather3A_553 : vector<16xf32>
        %swap3A_562 = arith.index_cast %add3A_557 : i32 to index
        %swap3A_563 = arith.constant 0 : index
        %swap3A_564 = tpu.vector_load %arg12[%swap3A_562, %swap3A_563] {strides = array<i32>} : memref<128x128xf32, #tpu.memory_space<vmem>>, vector<16xf32>,
        tpu.vector_store %arg12[%swap3A_562, %swap3A_563], %mul3A_561 {strides = array<i32>} : memref<128x128xf32, #tpu.memory_space<vmem>>, vector<16xf32>,
        %get3A_565 = arith.index_cast %add3A_557 : i32 to index
        %get3A_566 = arith.constant 16 : index
        %get3A_567 = tpu.vector_load %arg11[%get3A_565, %get3A_566] {strides = array<i32>} : memref<128x128xf32, #tpu.memory_space<vmem>>, vector<16xf32>,
        %mul3A_568 = arith.mulf %get3A_567, %gather3A_553 : vector<16xf32>
        %swap3A_569 = arith.index_cast %add3A_557 : i32 to index
        %swap3A_570 = arith.constant 16 : index
        %swap3A_571 = tpu.vector_load %arg12[%swap3A_569, %swap3A_570] {strides = array<i32>} : memref<128x128xf32, #tpu.memory_space<vmem>>, vector<16xf32>,
        tpu.vector_store %arg12[%swap3A_569, %swap3A_570], %mul3A_568 {strides = array<i32>} : memref<128x128xf32, #tpu.memory_space<vmem>>, vector<16xf32>,
        %get3A_572 = arith.index_cast %add3A_557 : i32 to index
        %get3A_573 = arith.constant 32 : index
        %get3A_574 = tpu.vector_load %arg11[%get3A_572, %get3A_573] {strides = array<i32>} : memref<128x128xf32, #tpu.memory_space<vmem>>, vector<16xf32>,
        %mul3A_575 = arith.mulf %get3A_574, %gather3A_553 : vector<16xf32>
        %swap3A_576 = arith.index_cast %add3A_557 : i32 to index
        %swap3A_577 = arith.constant 32 : index
        %swap3A_578 = tpu.vector_load %arg12[%swap3A_576, %swap3A_577] {strides = array<i32>} : memref<128x128xf32, #tpu.memory_space<vmem>>, vector<16xf32>,
        tpu.vector_store %arg12[%swap3A_576, %swap3A_577], %mul3A_575 {strides = array<i32>} : memref<128x128xf32, #tpu.memory_space<vmem>>, vector<16xf32>,
        %get3A_579 = arith.index_cast %add3A_557 : i32 to index
        %get3A_580 = arith.constant 48 : index
        %get3A_581 = tpu.vector_load %arg11[%get3A_579, %get3A_580] {strides = array<i32>} : memref<128x128xf32, #tpu.memory_space<vmem>>, vector<16xf32>,
        %mul3A_582 = arith.mulf %get3A_581, %gather3A_553 : vector<16xf32>
        %swap3A_583 = arith.index_cast %add3A_557 : i32 to index
        %swap3A_584 = arith.constant 48 : index
        %swap3A_585 = tpu.vector_load %arg12[%swap3A_583, %swap3A_584] {strides = array<i32>} : memref<128x128xf32, #tpu.memory_space<vmem>>, vector<16xf32>,
        tpu.vector_store %arg12[%swap3A_583, %swap3A_584], %mul3A_582 {strides = array<i32>} : memref<128x128xf32, #tpu.memory_space<vmem>>, vector<16xf32>,
        %get3A_586 = arith.index_cast %add3A_557 : i32 to index
        %get3A_587 = arith.constant 64 : index
        %get3A_588 = tpu.vector_load %arg11[%get3A_586, %get3A_587] {strides = array<i32>} : memref<128x128xf32, #tpu.memory_space<vmem>>, vector<16xf32>,
        %mul3A_589 = arith.mulf %get3A_588, %gather3A_553 : vector<16xf32>
        %swap3A_590 = arith.index_cast %add3A_557 : i32 to index
        %swap3A_591 = arith.constant 64 : index
        %swap3A_592 = tpu.vector_load %arg12[%swap3A_590, %swap3A_591] {strides = array<i32>} : memref<128x128xf32, #tpu.memory_space<vmem>>, vector<16xf32>,
        tpu.vector_store %arg12[%swap3A_590, %swap3A_591], %mul3A_589 {strides = array<i32>} : memref<128x128xf32, #tpu.memory_space<vmem>>, vector<16xf32>,
        %get3A_593 = arith.index_cast %add3A_557 : i32 to index
        %get3A_594 = arith.constant 80 : index
        %get3A_595 = tpu.vector_load %arg11[%get3A_593, %get3A_594] {strides = array<i32>} : memref<128x128xf32, #tpu.memory_space<vmem>>, vector<16xf32>,
        %mul3A_596 = arith.mulf %get3A_595, %gather3A_553 : vector<16xf32>
        %swap3A_597 = arith.index_cast %add3A_557 : i32 to index
        %swap3A_598 = arith.constant 80 : index
        %swap3A_599 = tpu.vector_load %arg12[%swap3A_597, %swap3A_598] {strides = array<i32>} : memref<128x128xf32, #tpu.memory_space<vmem>>, vector<16xf32>,
        tpu.vector_store %arg12[%swap3A_597, %swap3A_598], %mul3A_596 {strides = array<i32>} : memref<128x128xf32, #tpu.memory_space<vmem>>, vector<16xf32>,
        %get3A_600 = arith.index_cast %add3A_557 : i32 to index
        %get3A_601 = arith.constant 96 : index
        %get3A_602 = tpu.vector_load %arg11[%get3A_600, %get3A_601] {strides = array<i32>} : memref<128x128xf32, #tpu.memory_space<vmem>>, vector<16xf32>,
        %mul3A_603 = arith.mulf %get3A_602, %gather3A_553 : vector<16xf32>
        %swap3A_604 = arith.index_cast %add3A_557 : i32 to index
        %swap3A_605 = arith.constant 96 : index
        %swap3A_606 = tpu.vector_load %arg12[%swap3A_604, %swap3A_605] {strides = array<i32>} : memref<128x128xf32, #tpu.memory_space<vmem>>, vector<16xf32>,
        tpu.vector_store %arg12[%swap3A_604, %swap3A_605], %mul3A_603 {strides = array<i32>} : memref<128x128xf32, #tpu.memory_space<vmem>>, vector<16xf32>,
        %get3A_607 = arith.index_cast %add3A_557 : i32 to index
        %get3A_608 = arith.constant 112 : index
        %get3A_609 = tpu.vector_load %arg11[%get3A_607, %get3A_608] {strides = array<i32>} : memref<128x128xf32, #tpu.memory_space<vmem>>, vector<16xf32>,
        %mul3A_610 = arith.mulf %get3A_609, %gather3A_553 : vector<16xf32>
        %swap3A_611 = arith.index_cast %add3A_557 : i32 to index
        %swap3A_612 = arith.constant 112 : index
        %swap3A_613 = tpu.vector_load %arg12[%swap3A_611, %swap3A_612] {strides = array<i32>} : memref<128x128xf32, #tpu.memory_space<vmem>>, vector<16xf32>,
        tpu.vector_store %arg12[%swap3A_611, %swap3A_612], %mul3A_610 {strides = array<i32>} : memref<128x128xf32, #tpu.memory_space<vmem>>, vector<16xf32>,
        %broadcast_in_dim3A_614 = arith.constant 8 : i32
        %broadcast_in_dim3A_615 = vector.broadcast %broadcast_in_dim3A_614 : i32 to vector<16xi32>
        %broadcast_in_dim3A_616 = vector.shape_cast %broadcast_in_dim3A_615 : vector<16xi32> to vector<16x1xi32>
        %gather3A_617 = vector.shape_cast %broadcast_in_dim3A_616 : vector<16x1xi32> to vector<16xi32>
        %gather3A_618 = tpu.dynamic_gather %get3A_94[%gather3A_617] in [0] : vector<16xf32>, vector<16xi32> -> vector<16xf32>
        %mul3A_619 = arith.constant 16 : i32
        %mul3A_620 = arith.muli %scan3A_90, %mul3A_619 : i32
        %add3A_621 = arith.constant 8 : i32
        %add3A_622 = arith.addi %mul3A_620, %add3A_621 : i32
        %get3A_623 = arith.index_cast %add3A_622 : i32 to index
        %get3A_624 = arith.constant 0 : index
        %get3A_625 = tpu.vector_load %arg11[%get3A_623, %get3A_624] {strides = array<i32>} : memref<128x128xf32, #tpu.memory_space<vmem>>, vector<16xf32>,
        %mul3A_626 = arith.mulf %get3A_625, %gather3A_618 : vector<16xf32>
        %swap3A_627 = arith.index_cast %add3A_622 : i32 to index
        %swap3A_628 = arith.constant 0 : index
        %swap3A_629 = tpu.vector_load %arg12[%swap3A_627, %swap3A_628] {strides = array<i32>} : memref<128x128xf32, #tpu.memory_space<vmem>>, vector<16xf32>,
        tpu.vector_store %arg12[%swap3A_627, %swap3A_628], %mul3A_626 {strides = array<i32>} : memref<128x128xf32, #tpu.memory_space<vmem>>, vector<16xf32>,
        %get3A_630 = arith.index_cast %add3A_622 : i32 to index
        %get3A_631 = arith.constant 16 : index
        %get3A_632 = tpu.vector_load %arg11[%get3A_630, %get3A_631] {strides = array<i32>} : memref<128x128xf32, #tpu.memory_space<vmem>>, vector<16xf32>,
        %mul3A_633 = arith.mulf %get3A_632, %gather3A_618 : vector<16xf32>
        %swap3A_634 = arith.index_cast %add3A_622 : i32 to index
        %swap3A_635 = arith.constant 16 : index
        %swap3A_636 = tpu.vector_load %arg12[%swap3A_634, %swap3A_635] {strides = array<i32>} : memref<128x128xf32, #tpu.memory_space<vmem>>, vector<16xf32>,
        tpu.vector_store %arg12[%swap3A_634, %swap3A_635], %mul3A_633 {strides = array<i32>} : memref<128x128xf32, #tpu.memory_space<vmem>>, vector<16xf32>,
        %get3A_637 = arith.index_cast %add3A_622 : i32 to index
        %get3A_638 = arith.constant 32 : index
        %get3A_639 = tpu.vector_load %arg11[%get3A_637, %get3A_638] {strides = array<i32>} : memref<128x128xf32, #tpu.memory_space<vmem>>, vector<16xf32>,
        %mul3A_640 = arith.mulf %get3A_639, %gather3A_618 : vector<16xf32>
        %swap3A_641 = arith.index_cast %add3A_622 : i32 to index
        %swap3A_642 = arith.constant 32 : index
        %swap3A_643 = tpu.vector_load %arg12[%swap3A_641, %swap3A_642] {strides = array<i32>} : memref<128x128xf32, #tpu.memory_space<vmem>>, vector<16xf32>,
        tpu.vector_store %arg12[%swap3A_641, %swap3A_642], %mul3A_640 {strides = array<i32>} : memref<128x128xf32, #tpu.memory_space<vmem>>, vector<16xf32>,
        %get3A_644 = arith.index_cast %add3A_622 : i32 to index
        %get3A_645 = arith.constant 48 : index
        %get3A_646 = tpu.vector_load %arg11[%get3A_644, %get3A_645] {strides = array<i32>} : memref<128x128xf32, #tpu.memory_space<vmem>>, vector<16xf32>,
        %mul3A_647 = arith.mulf %get3A_646, %gather3A_618 : vector<16xf32>
        %swap3A_648 = arith.index_cast %add3A_622 : i32 to index
        %swap3A_649 = arith.constant 48 : index
        %swap3A_650 = tpu.vector_load %arg12[%swap3A_648, %swap3A_649] {strides = array<i32>} : memref<128x128xf32, #tpu.memory_space<vmem>>, vector<16xf32>,
        tpu.vector_store %arg12[%swap3A_648, %swap3A_649], %mul3A_647 {strides = array<i32>} : memref<128x128xf32, #tpu.memory_space<vmem>>, vector<16xf32>,
        %get3A_651 = arith.index_cast %add3A_622 : i32 to index
        %get3A_652 = arith.constant 64 : index
        %get3A_653 = tpu.vector_load %arg11[%get3A_651, %get3A_652] {strides = array<i32>} : memref<128x128xf32, #tpu.memory_space<vmem>>, vector<16xf32>,
        %mul3A_654 = arith.mulf %get3A_653, %gather3A_618 : vector<16xf32>
        %swap3A_655 = arith.index_cast %add3A_622 : i32 to index
        %swap3A_656 = arith.constant 64 : index
        %swap3A_657 = tpu.vector_load %arg12[%swap3A_655, %swap3A_656] {strides = array<i32>} : memref<128x128xf32, #tpu.memory_space<vmem>>, vector<16xf32>,
        tpu.vector_store %arg12[%swap3A_655, %swap3A_656], %mul3A_654 {strides = array<i32>} : memref<128x128xf32, #tpu.memory_space<vmem>>, vector<16xf32>,
        %get3A_658 = arith.index_cast %add3A_622 : i32 to index
        %get3A_659 = arith.constant 80 : index
        %get3A_660 = tpu.vector_load %arg11[%get3A_658, %get3A_659] {strides = array<i32>} : memref<128x128xf32, #tpu.memory_space<vmem>>, vector<16xf32>,
        %mul3A_661 = arith.mulf %get3A_660, %gather3A_618 : vector<16xf32>
        %swap3A_662 = arith.index_cast %add3A_622 : i32 to index
        %swap3A_663 = arith.constant 80 : index
        %swap3A_664 = tpu.vector_load %arg12[%swap3A_662, %swap3A_663] {strides = array<i32>} : memref<128x128xf32, #tpu.memory_space<vmem>>, vector<16xf32>,
        tpu.vector_store %arg12[%swap3A_662, %swap3A_663], %mul3A_661 {strides = array<i32>} : memref<128x128xf32, #tpu.memory_space<vmem>>, vector<16xf32>,
        %get3A_665 = arith.index_cast %add3A_622 : i32 to index
        %get3A_666 = arith.constant 96 : index
        %get3A_667 = tpu.vector_load %arg11[%get3A_665, %get3A_666] {strides = array<i32>} : memref<128x128xf32, #tpu.memory_space<vmem>>, vector<16xf32>,
        %mul3A_668 = arith.mulf %get3A_667, %gather3A_618 : vector<16xf32>
        %swap3A_669 = arith.index_cast %add3A_622 : i32 to index
        %swap3A_670 = arith.constant 96 : index
        %swap3A_671 = tpu.vector_load %arg12[%swap3A_669, %swap3A_670] {strides = array<i32>} : memref<128x128xf32, #tpu.memory_space<vmem>>, vector<16xf32>,
        tpu.vector_store %arg12[%swap3A_669, %swap3A_670], %mul3A_668 {strides = array<i32>} : memref<128x128xf32, #tpu.memory_space<vmem>>, vector<16xf32>,
        %get3A_672 = arith.index_cast %add3A_622 : i32 to index
        %get3A_673 = arith.constant 112 : index
        %get3A_674 = tpu.vector_load %arg11[%get3A_672, %get3A_673] {strides = array<i32>} : memref<128x128xf32, #tpu.memory_space<vmem>>, vector<16xf32>,
        %mul3A_675 = arith.mulf %get3A_674, %gather3A_618 : vector<16xf32>
        %swap3A_676 = arith.index_cast %add3A_622 : i32 to index
        %swap3A_677 = arith.constant 112 : index
        %swap3A_678 = tpu.vector_load %arg12[%swap3A_676, %swap3A_677] {strides = array<i32>} : memref<128x128xf32, #tpu.memory_space<vmem>>, vector<16xf32>,
        tpu.vector_store %arg12[%swap3A_676, %swap3A_677], %mul3A_675 {strides = array<i32>} : memref<128x128xf32, #tpu.memory_space<vmem>>, vector<16xf32>,
        %broadcast_in_dim3A_679 = arith.constant 9 : i32
        %broadcast_in_dim3A_680 = vector.broadcast %broadcast_in_dim3A_679 : i32 to vector<16xi32>
        %broadcast_in_dim3A_681 = vector.shape_cast %broadcast_in_dim3A_680 : vector<16xi32> to vector<16x1xi32>
        %gather3A_682 = vector.shape_cast %broadcast_in_dim3A_681 : vector<16x1xi32> to vector<16xi32>
        %gather3A_683 = tpu.dynamic_gather %get3A_94[%gather3A_682] in [0] : vector<16xf32>, vector<16xi32> -> vector<16xf32>
        %mul3A_684 = arith.constant 16 : i32
        %mul3A_685 = arith.muli %scan3A_90, %mul3A_684 : i32
        %add3A_686 = arith.constant 9 : i32
        %add3A_687 = arith.addi %mul3A_685, %add3A_686 : i32
        %get3A_688 = arith.index_cast %add3A_687 : i32 to index
        %get3A_689 = arith.constant 0 : index
        %get3A_690 = tpu.vector_load %arg11[%get3A_688, %get3A_689] {strides = array<i32>} : memref<128x128xf32, #tpu.memory_space<vmem>>, vector<16xf32>,
        %mul3A_691 = arith.mulf %get3A_690, %gather3A_683 : vector<16xf32>
        %swap3A_692 = arith.index_cast %add3A_687 : i32 to index
        %swap3A_693 = arith.constant 0 : index
        %swap3A_694 = tpu.vector_load %arg12[%swap3A_692, %swap3A_693] {strides = array<i32>} : memref<128x128xf32, #tpu.memory_space<vmem>>, vector<16xf32>,
        tpu.vector_store %arg12[%swap3A_692, %swap3A_693], %mul3A_691 {strides = array<i32>} : memref<128x128xf32, #tpu.memory_space<vmem>>, vector<16xf32>,
        %get3A_695 = arith.index_cast %add3A_687 : i32 to index
        %get3A_696 = arith.constant 16 : index
        %get3A_697 = tpu.vector_load %arg11[%get3A_695, %get3A_696] {strides = array<i32>} : memref<128x128xf32, #tpu.memory_space<vmem>>, vector<16xf32>,
        %mul3A_698 = arith.mulf %get3A_697, %gather3A_683 : vector<16xf32>
        %swap3A_699 = arith.index_cast %add3A_687 : i32 to index
        %swap3A_700 = arith.constant 16 : index
        %swap3A_701 = tpu.vector_load %arg12[%swap3A_699, %swap3A_700] {strides = array<i32>} : memref<128x128xf32, #tpu.memory_space<vmem>>, vector<16xf32>,
        tpu.vector_store %arg12[%swap3A_699, %swap3A_700], %mul3A_698 {strides = array<i32>} : memref<128x128xf32, #tpu.memory_space<vmem>>, vector<16xf32>,
        %get3A_702 = arith.index_cast %add3A_687 : i32 to index
        %get3A_703 = arith.constant 32 : index
        %get3A_704 = tpu.vector_load %arg11[%get3A_702, %get3A_703] {strides = array<i32>} : memref<128x128xf32, #tpu.memory_space<vmem>>, vector<16xf32>,
        %mul3A_705 = arith.mulf %get3A_704, %gather3A_683 : vector<16xf32>
        %swap3A_706 = arith.index_cast %add3A_687 : i32 to index
        %swap3A_707 = arith.constant 32 : index
        %swap3A_708 = tpu.vector_load %arg12[%swap3A_706, %swap3A_707] {strides = array<i32>} : memref<128x128xf32, #tpu.memory_space<vmem>>, vector<16xf32>,
        tpu.vector_store %arg12[%swap3A_706, %swap3A_707], %mul3A_705 {strides = array<i32>} : memref<128x128xf32, #tpu.memory_space<vmem>>, vector<16xf32>,
        %get3A_709 = arith.index_cast %add3A_687 : i32 to index
        %get3A_710 = arith.constant 48 : index
        %get3A_711 = tpu.vector_load %arg11[%get3A_709, %get3A_710] {strides = array<i32>} : memref<128x128xf32, #tpu.memory_space<vmem>>, vector<16xf32>,
        %mul3A_712 = arith.mulf %get3A_711, %gather3A_683 : vector<16xf32>
        %swap3A_713 = arith.index_cast %add3A_687 : i32 to index
        %swap3A_714 = arith.constant 48 : index
        %swap3A_715 = tpu.vector_load %arg12[%swap3A_713, %swap3A_714] {strides = array<i32>} : memref<128x128xf32, #tpu.memory_space<vmem>>, vector<16xf32>,
        tpu.vector_store %arg12[%swap3A_713, %swap3A_714], %mul3A_712 {strides = array<i32>} : memref<128x128xf32, #tpu.memory_space<vmem>>, vector<16xf32>,
        %get3A_716 = arith.index_cast %add3A_687 : i32 to index
        %get3A_717 = arith.constant 64 : index
        %get3A_718 = tpu.vector_load %arg11[%get3A_716, %get3A_717] {strides = array<i32>} : memref<128x128xf32, #tpu.memory_space<vmem>>, vector<16xf32>,
        %mul3A_719 = arith.mulf %get3A_718, %gather3A_683 : vector<16xf32>
        %swap3A_720 = arith.index_cast %add3A_687 : i32 to index
        %swap3A_721 = arith.constant 64 : index
        %swap3A_722 = tpu.vector_load %arg12[%swap3A_720, %swap3A_721] {strides = array<i32>} : memref<128x128xf32, #tpu.memory_space<vmem>>, vector<16xf32>,
        tpu.vector_store %arg12[%swap3A_720, %swap3A_721], %mul3A_719 {strides = array<i32>} : memref<128x128xf32, #tpu.memory_space<vmem>>, vector<16xf32>,
        %get3A_723 = arith.index_cast %add3A_687 : i32 to index
        %get3A_724 = arith.constant 80 : index
        %get3A_725 = tpu.vector_load %arg11[%get3A_723, %get3A_724] {strides = array<i32>} : memref<128x128xf32, #tpu.memory_space<vmem>>, vector<16xf32>,
        %mul3A_726 = arith.mulf %get3A_725, %gather3A_683 : vector<16xf32>
        %swap3A_727 = arith.index_cast %add3A_687 : i32 to index
        %swap3A_728 = arith.constant 80 : index
        %swap3A_729 = tpu.vector_load %arg12[%swap3A_727, %swap3A_728] {strides = array<i32>} : memref<128x128xf32, #tpu.memory_space<vmem>>, vector<16xf32>,
        tpu.vector_store %arg12[%swap3A_727, %swap3A_728], %mul3A_726 {strides = array<i32>} : memref<128x128xf32, #tpu.memory_space<vmem>>, vector<16xf32>,
        %get3A_730 = arith.index_cast %add3A_687 : i32 to index
        %get3A_731 = arith.constant 96 : index
        %get3A_732 = tpu.vector_load %arg11[%get3A_730, %get3A_731] {strides = array<i32>} : memref<128x128xf32, #tpu.memory_space<vmem>>, vector<16xf32>,
        %mul3A_733 = arith.mulf %get3A_732, %gather3A_683 : vector<16xf32>
        %swap3A_734 = arith.index_cast %add3A_687 : i32 to index
        %swap3A_735 = arith.constant 96 : index
        %swap3A_736 = tpu.vector_load %arg12[%swap3A_734, %swap3A_735] {strides = array<i32>} : memref<128x128xf32, #tpu.memory_space<vmem>>, vector<16xf32>,
        tpu.vector_store %arg12[%swap3A_734, %swap3A_735], %mul3A_733 {strides = array<i32>} : memref<128x128xf32, #tpu.memory_space<vmem>>, vector<16xf32>,
        %get3A_737 = arith.index_cast %add3A_687 : i32 to index
        %get3A_738 = arith.constant 112 : index
        %get3A_739 = tpu.vector_load %arg11[%get3A_737, %get3A_738] {strides = array<i32>} : memref<128x128xf32, #tpu.memory_space<vmem>>, vector<16xf32>,
        %mul3A_740 = arith.mulf %get3A_739, %gather3A_683 : vector<16xf32>
        %swap3A_741 = arith.index_cast %add3A_687 : i32 to index
        %swap3A_742 = arith.constant 112 : index
        %swap3A_743 = tpu.vector_load %arg12[%swap3A_741, %swap3A_742] {strides = array<i32>} : memref<128x128xf32, #tpu.memory_space<vmem>>, vector<16xf32>,
        tpu.vector_store %arg12[%swap3A_741, %swap3A_742], %mul3A_740 {strides = array<i32>} : memref<128x128xf32, #tpu.memory_space<vmem>>, vector<16xf32>,
        %broadcast_in_dim3A_744 = arith.constant 10 : i32
        %broadcast_in_dim3A_745 = vector.broadcast %broadcast_in_dim3A_744 : i32 to vector<16xi32>
        %broadcast_in_dim3A_746 = vector.shape_cast %broadcast_in_dim3A_745 : vector<16xi32> to vector<16x1xi32>
        %gather3A_747 = vector.shape_cast %broadcast_in_dim3A_746 : vector<16x1xi32> to vector<16xi32>
        %gather3A_748 = tpu.dynamic_gather %get3A_94[%gather3A_747] in [0] : vector<16xf32>, vector<16xi32> -> vector<16xf32>
        %mul3A_749 = arith.constant 16 : i32
        %mul3A_750 = arith.muli %scan3A_90, %mul3A_749 : i32
        %add3A_751 = arith.constant 10 : i32
        %add3A_752 = arith.addi %mul3A_750, %add3A_751 : i32
        %get3A_753 = arith.index_cast %add3A_752 : i32 to index
        %get3A_754 = arith.constant 0 : index
        %get3A_755 = tpu.vector_load %arg11[%get3A_753, %get3A_754] {strides = array<i32>} : memref<128x128xf32, #tpu.memory_space<vmem>>, vector<16xf32>,
        %mul3A_756 = arith.mulf %get3A_755, %gather3A_748 : vector<16xf32>
        %swap3A_757 = arith.index_cast %add3A_752 : i32 to index
        %swap3A_758 = arith.constant 0 : index
        %swap3A_759 = tpu.vector_load %arg12[%swap3A_757, %swap3A_758] {strides = array<i32>} : memref<128x128xf32, #tpu.memory_space<vmem>>, vector<16xf32>,
        tpu.vector_store %arg12[%swap3A_757, %swap3A_758], %mul3A_756 {strides = array<i32>} : memref<128x128xf32, #tpu.memory_space<vmem>>, vector<16xf32>,
        %get3A_760 = arith.index_cast %add3A_752 : i32 to index
        %get3A_761 = arith.constant 16 : index
        %get3A_762 = tpu.vector_load %arg11[%get3A_760, %get3A_761] {strides = array<i32>} : memref<128x128xf32, #tpu.memory_space<vmem>>, vector<16xf32>,
        %mul3A_763 = arith.mulf %get3A_762, %gather3A_748 : vector<16xf32>
        %swap3A_764 = arith.index_cast %add3A_752 : i32 to index
        %swap3A_765 = arith.constant 16 : index
        %swap3A_766 = tpu.vector_load %arg12[%swap3A_764, %swap3A_765] {strides = array<i32>} : memref<128x128xf32, #tpu.memory_space<vmem>>, vector<16xf32>,
        tpu.vector_store %arg12[%swap3A_764, %swap3A_765], %mul3A_763 {strides = array<i32>} : memref<128x128xf32, #tpu.memory_space<vmem>>, vector<16xf32>,
        %get3A_767 = arith.index_cast %add3A_752 : i32 to index
        %get3A_768 = arith.constant 32 : index
        %get3A_769 = tpu.vector_load %arg11[%get3A_767, %get3A_768] {strides = array<i32>} : memref<128x128xf32, #tpu.memory_space<vmem>>, vector<16xf32>,
        %mul3A_770 = arith.mulf %get3A_769, %gather3A_748 : vector<16xf32>
        %swap3A_771 = arith.index_cast %add3A_752 : i32 to index
        %swap3A_772 = arith.constant 32 : index
        %swap3A_773 = tpu.vector_load %arg12[%swap3A_771, %swap3A_772] {strides = array<i32>} : memref<128x128xf32, #tpu.memory_space<vmem>>, vector<16xf32>,
        tpu.vector_store %arg12[%swap3A_771, %swap3A_772], %mul3A_770 {strides = array<i32>} : memref<128x128xf32, #tpu.memory_space<vmem>>, vector<16xf32>,
        %get3A_774 = arith.index_cast %add3A_752 : i32 to index
        %get3A_775 = arith.constant 48 : index
        %get3A_776 = tpu.vector_load %arg11[%get3A_774, %get3A_775] {strides = array<i32>} : memref<128x128xf32, #tpu.memory_space<vmem>>, vector<16xf32>,
        %mul3A_777 = arith.mulf %get3A_776, %gather3A_748 : vector<16xf32>
        %swap3A_778 = arith.index_cast %add3A_752 : i32 to index
        %swap3A_779 = arith.constant 48 : index
        %swap3A_780 = tpu.vector_load %arg12[%swap3A_778, %swap3A_779] {strides = array<i32>} : memref<128x128xf32, #tpu.memory_space<vmem>>, vector<16xf32>,
        tpu.vector_store %arg12[%swap3A_778, %swap3A_779], %mul3A_777 {strides = array<i32>} : memref<128x128xf32, #tpu.memory_space<vmem>>, vector<16xf32>,
        %get3A_781 = arith.index_cast %add3A_752 : i32 to index
        %get3A_782 = arith.constant 64 : index
        %get3A_783 = tpu.vector_load %arg11[%get3A_781, %get3A_782] {strides = array<i32>} : memref<128x128xf32, #tpu.memory_space<vmem>>, vector<16xf32>,
        %mul3A_784 = arith.mulf %get3A_783, %gather3A_748 : vector<16xf32>
        %swap3A_785 = arith.index_cast %add3A_752 : i32 to index
        %swap3A_786 = arith.constant 64 : index
        %swap3A_787 = tpu.vector_load %arg12[%swap3A_785, %swap3A_786] {strides = array<i32>} : memref<128x128xf32, #tpu.memory_space<vmem>>, vector<16xf32>,
        tpu.vector_store %arg12[%swap3A_785, %swap3A_786], %mul3A_784 {strides = array<i32>} : memref<128x128xf32, #tpu.memory_space<vmem>>, vector<16xf32>,
        %get3A_788 = arith.index_cast %add3A_752 : i32 to index
        %get3A_789 = arith.constant 80 : index
        %get3A_790 = tpu.vector_load %arg11[%get3A_788, %get3A_789] {strides = array<i32>} : memref<128x128xf32, #tpu.memory_space<vmem>>, vector<16xf32>,
        %mul3A_791 = arith.mulf %get3A_790, %gather3A_748 : vector<16xf32>
        %swap3A_792 = arith.index_cast %add3A_752 : i32 to index
        %swap3A_793 = arith.constant 80 : index
        %swap3A_794 = tpu.vector_load %arg12[%swap3A_792, %swap3A_793] {strides = array<i32>} : memref<128x128xf32, #tpu.memory_space<vmem>>, vector<16xf32>,
        tpu.vector_store %arg12[%swap3A_792, %swap3A_793], %mul3A_791 {strides = array<i32>} : memref<128x128xf32, #tpu.memory_space<vmem>>, vector<16xf32>,
        %get3A_795 = arith.index_cast %add3A_752 : i32 to index
        %get3A_796 = arith.constant 96 : index
        %get3A_797 = tpu.vector_load %arg11[%get3A_795, %get3A_796] {strides = array<i32>} : memref<128x128xf32, #tpu.memory_space<vmem>>, vector<16xf32>,
        %mul3A_798 = arith.mulf %get3A_797, %gather3A_748 : vector<16xf32>
        %swap3A_799 = arith.index_cast %add3A_752 : i32 to index
        %swap3A_800 = arith.constant 96 : index
        %swap3A_801 = tpu.vector_load %arg12[%swap3A_799, %swap3A_800] {strides = array<i32>} : memref<128x128xf32, #tpu.memory_space<vmem>>, vector<16xf32>,
        tpu.vector_store %arg12[%swap3A_799, %swap3A_800], %mul3A_798 {strides = array<i32>} : memref<128x128xf32, #tpu.memory_space<vmem>>, vector<16xf32>,
        %get3A_802 = arith.index_cast %add3A_752 : i32 to index
        %get3A_803 = arith.constant 112 : index
        %get3A_804 = tpu.vector_load %arg11[%get3A_802, %get3A_803] {strides = array<i32>} : memref<128x128xf32, #tpu.memory_space<vmem>>, vector<16xf32>,
        %mul3A_805 = arith.mulf %get3A_804, %gather3A_748 : vector<16xf32>
        %swap3A_806 = arith.index_cast %add3A_752 : i32 to index
        %swap3A_807 = arith.constant 112 : index
        %swap3A_808 = tpu.vector_load %arg12[%swap3A_806, %swap3A_807] {strides = array<i32>} : memref<128x128xf32, #tpu.memory_space<vmem>>, vector<16xf32>,
        tpu.vector_store %arg12[%swap3A_806, %swap3A_807], %mul3A_805 {strides = array<i32>} : memref<128x128xf32, #tpu.memory_space<vmem>>, vector<16xf32>,
        %broadcast_in_dim3A_809 = arith.constant 11 : i32
        %broadcast_in_dim3A_810 = vector.broadcast %broadcast_in_dim3A_809 : i32 to vector<16xi32>
        %broadcast_in_dim3A_811 = vector.shape_cast %broadcast_in_dim3A_810 : vector<16xi32> to vector<16x1xi32>
        %gather3A_812 = vector.shape_cast %broadcast_in_dim3A_811 : vector<16x1xi32> to vector<16xi32>
        %gather3A_813 = tpu.dynamic_gather %get3A_94[%gather3A_812] in [0] : vector<16xf32>, vector<16xi32> -> vector<16xf32>
        %mul3A_814 = arith.constant 16 : i32
        %mul3A_815 = arith.muli %scan3A_90, %mul3A_814 : i32
        %add3A_816 = arith.constant 11 : i32
        %add3A_817 = arith.addi %mul3A_815, %add3A_816 : i32
        %get3A_818 = arith.index_cast %add3A_817 : i32 to index
        %get3A_819 = arith.constant 0 : index
        %get3A_820 = tpu.vector_load %arg11[%get3A_818, %get3A_819] {strides = array<i32>} : memref<128x128xf32, #tpu.memory_space<vmem>>, vector<16xf32>,
        %mul3A_821 = arith.mulf %get3A_820, %gather3A_813 : vector<16xf32>
        %swap3A_822 = arith.index_cast %add3A_817 : i32 to index
        %swap3A_823 = arith.constant 0 : index
        %swap3A_824 = tpu.vector_load %arg12[%swap3A_822, %swap3A_823] {strides = array<i32>} : memref<128x128xf32, #tpu.memory_space<vmem>>, vector<16xf32>,
        tpu.vector_store %arg12[%swap3A_822, %swap3A_823], %mul3A_821 {strides = array<i32>} : memref<128x128xf32, #tpu.memory_space<vmem>>, vector<16xf32>,
        %get3A_825 = arith.index_cast %add3A_817 : i32 to index
        %get3A_826 = arith.constant 16 : index
        %get3A_827 = tpu.vector_load %arg11[%get3A_825, %get3A_826] {strides = array<i32>} : memref<128x128xf32, #tpu.memory_space<vmem>>, vector<16xf32>,
        %mul3A_828 = arith.mulf %get3A_827, %gather3A_813 : vector<16xf32>
        %swap3A_829 = arith.index_cast %add3A_817 : i32 to index
        %swap3A_830 = arith.constant 16 : index
        %swap3A_831 = tpu.vector_load %arg12[%swap3A_829, %swap3A_830] {strides = array<i32>} : memref<128x128xf32, #tpu.memory_space<vmem>>, vector<16xf32>,
        tpu.vector_store %arg12[%swap3A_829, %swap3A_830], %mul3A_828 {strides = array<i32>} : memref<128x128xf32, #tpu.memory_space<vmem>>, vector<16xf32>,
        %get3A_832 = arith.index_cast %add3A_817 : i32 to index
        %get3A_833 = arith.constant 32 : index
        %get3A_834 = tpu.vector_load %arg11[%get3A_832, %get3A_833] {strides = array<i32>} : memref<128x128xf32, #tpu.memory_space<vmem>>, vector<16xf32>,
        %mul3A_835 = arith.mulf %get3A_834, %gather3A_813 : vector<16xf32>
        %swap3A_836 = arith.index_cast %add3A_817 : i32 to index
        %swap3A_837 = arith.constant 32 : index
        %swap3A_838 = tpu.vector_load %arg12[%swap3A_836, %swap3A_837] {strides = array<i32>} : memref<128x128xf32, #tpu.memory_space<vmem>>, vector<16xf32>,
        tpu.vector_store %arg12[%swap3A_836, %swap3A_837], %mul3A_835 {strides = array<i32>} : memref<128x128xf32, #tpu.memory_space<vmem>>, vector<16xf32>,
        %get3A_839 = arith.index_cast %add3A_817 : i32 to index
        %get3A_840 = arith.constant 48 : index
        %get3A_841 = tpu.vector_load %arg11[%get3A_839, %get3A_840] {strides = array<i32>} : memref<128x128xf32, #tpu.memory_space<vmem>>, vector<16xf32>,
        %mul3A_842 = arith.mulf %get3A_841, %gather3A_813 : vector<16xf32>
        %swap3A_843 = arith.index_cast %add3A_817 : i32 to index
        %swap3A_844 = arith.constant 48 : index
        %swap3A_845 = tpu.vector_load %arg12[%swap3A_843, %swap3A_844] {strides = array<i32>} : memref<128x128xf32, #tpu.memory_space<vmem>>, vector<16xf32>,
        tpu.vector_store %arg12[%swap3A_843, %swap3A_844], %mul3A_842 {strides = array<i32>} : memref<128x128xf32, #tpu.memory_space<vmem>>, vector<16xf32>,
        %get3A_846 = arith.index_cast %add3A_817 : i32 to index
        %get3A_847 = arith.constant 64 : index
        %get3A_848 = tpu.vector_load %arg11[%get3A_846, %get3A_847] {strides = array<i32>} : memref<128x128xf32, #tpu.memory_space<vmem>>, vector<16xf32>,
        %mul3A_849 = arith.mulf %get3A_848, %gather3A_813 : vector<16xf32>
        %swap3A_850 = arith.index_cast %add3A_817 : i32 to index
        %swap3A_851 = arith.constant 64 : index
        %swap3A_852 = tpu.vector_load %arg12[%swap3A_850, %swap3A_851] {strides = array<i32>} : memref<128x128xf32, #tpu.memory_space<vmem>>, vector<16xf32>,
        tpu.vector_store %arg12[%swap3A_850, %swap3A_851], %mul3A_849 {strides = array<i32>} : memref<128x128xf32, #tpu.memory_space<vmem>>, vector<16xf32>,
        %get3A_853 = arith.index_cast %add3A_817 : i32 to index
        %get3A_854 = arith.constant 80 : index
        %get3A_855 = tpu.vector_load %arg11[%get3A_853, %get3A_854] {strides = array<i32>} : memref<128x128xf32, #tpu.memory_space<vmem>>, vector<16xf32>,
        %mul3A_856 = arith.mulf %get3A_855, %gather3A_813 : vector<16xf32>
        %swap3A_857 = arith.index_cast %add3A_817 : i32 to index
        %swap3A_858 = arith.constant 80 : index
        %swap3A_859 = tpu.vector_load %arg12[%swap3A_857, %swap3A_858] {strides = array<i32>} : memref<128x128xf32, #tpu.memory_space<vmem>>, vector<16xf32>,
        tpu.vector_store %arg12[%swap3A_857, %swap3A_858], %mul3A_856 {strides = array<i32>} : memref<128x128xf32, #tpu.memory_space<vmem>>, vector<16xf32>,
        %get3A_860 = arith.index_cast %add3A_817 : i32 to index
        %get3A_861 = arith.constant 96 : index
        %get3A_862 = tpu.vector_load %arg11[%get3A_860, %get3A_861] {strides = array<i32>} : memref<128x128xf32, #tpu.memory_space<vmem>>, vector<16xf32>,
        %mul3A_863 = arith.mulf %get3A_862, %gather3A_813 : vector<16xf32>
        %swap3A_864 = arith.index_cast %add3A_817 : i32 to index
        %swap3A_865 = arith.constant 96 : index
        %swap3A_866 = tpu.vector_load %arg12[%swap3A_864, %swap3A_865] {strides = array<i32>} : memref<128x128xf32, #tpu.memory_space<vmem>>, vector<16xf32>,
        tpu.vector_store %arg12[%swap3A_864, %swap3A_865], %mul3A_863 {strides = array<i32>} : memref<128x128xf32, #tpu.memory_space<vmem>>, vector<16xf32>,
        %get3A_867 = arith.index_cast %add3A_817 : i32 to index
        %get3A_868 = arith.constant 112 : index
        %get3A_869 = tpu.vector_load %arg11[%get3A_867, %get3A_868] {strides = array<i32>} : memref<128x128xf32, #tpu.memory_space<vmem>>, vector<16xf32>,
        %mul3A_870 = arith.mulf %get3A_869, %gather3A_813 : vector<16xf32>
        %swap3A_871 = arith.index_cast %add3A_817 : i32 to index
        %swap3A_872 = arith.constant 112 : index
        %swap3A_873 = tpu.vector_load %arg12[%swap3A_871, %swap3A_872] {strides = array<i32>} : memref<128x128xf32, #tpu.memory_space<vmem>>, vector<16xf32>,
        tpu.vector_store %arg12[%swap3A_871, %swap3A_872], %mul3A_870 {strides = array<i32>} : memref<128x128xf32, #tpu.memory_space<vmem>>, vector<16xf32>,
        %broadcast_in_dim3A_874 = arith.constant 12 : i32
        %broadcast_in_dim3A_875 = vector.broadcast %broadcast_in_dim3A_874 : i32 to vector<16xi32>
        %broadcast_in_dim3A_876 = vector.shape_cast %broadcast_in_dim3A_875 : vector<16xi32> to vector<16x1xi32>
        %gather3A_877 = vector.shape_cast %broadcast_in_dim3A_876 : vector<16x1xi32> to vector<16xi32>
        %gather3A_878 = tpu.dynamic_gather %get3A_94[%gather3A_877] in [0] : vector<16xf32>, vector<16xi32> -> vector<16xf32>
        %mul3A_879 = arith.constant 16 : i32
        %mul3A_880 = arith.muli %scan3A_90, %mul3A_879 : i32
        %add3A_881 = arith.constant 12 : i32
        %add3A_882 = arith.addi %mul3A_880, %add3A_881 : i32
        %get3A_883 = arith.index_cast %add3A_882 : i32 to index
        %get3A_884 = arith.constant 0 : index
        %get3A_885 = tpu.vector_load %arg11[%get3A_883, %get3A_884] {strides = array<i32>} : memref<128x128xf32, #tpu.memory_space<vmem>>, vector<16xf32>,
        %mul3A_886 = arith.mulf %get3A_885, %gather3A_878 : vector<16xf32>
        %swap3A_887 = arith.index_cast %add3A_882 : i32 to index
        %swap3A_888 = arith.constant 0 : index
        %swap3A_889 = tpu.vector_load %arg12[%swap3A_887, %swap3A_888] {strides = array<i32>} : memref<128x128xf32, #tpu.memory_space<vmem>>, vector<16xf32>,
        tpu.vector_store %arg12[%swap3A_887, %swap3A_888], %mul3A_886 {strides = array<i32>} : memref<128x128xf32, #tpu.memory_space<vmem>>, vector<16xf32>,
        %get3A_890 = arith.index_cast %add3A_882 : i32 to index
        %get3A_891 = arith.constant 16 : index
        %get3A_892 = tpu.vector_load %arg11[%get3A_890, %get3A_891] {strides = array<i32>} : memref<128x128xf32, #tpu.memory_space<vmem>>, vector<16xf32>,
        %mul3A_893 = arith.mulf %get3A_892, %gather3A_878 : vector<16xf32>
        %swap3A_894 = arith.index_cast %add3A_882 : i32 to index
        %swap3A_895 = arith.constant 16 : index
        %swap3A_896 = tpu.vector_load %arg12[%swap3A_894, %swap3A_895] {strides = array<i32>} : memref<128x128xf32, #tpu.memory_space<vmem>>, vector<16xf32>,
        tpu.vector_store %arg12[%swap3A_894, %swap3A_895], %mul3A_893 {strides = array<i32>} : memref<128x128xf32, #tpu.memory_space<vmem>>, vector<16xf32>,
        %get3A_897 = arith.index_cast %add3A_882 : i32 to index
        %get3A_898 = arith.constant 32 : index
        %get3A_899 = tpu.vector_load %arg11[%get3A_897, %get3A_898] {strides = array<i32>} : memref<128x128xf32, #tpu.memory_space<vmem>>, vector<16xf32>,
        %mul3A_900 = arith.mulf %get3A_899, %gather3A_878 : vector<16xf32>
        %swap3A_901 = arith.index_cast %add3A_882 : i32 to index
        %swap3A_902 = arith.constant 32 : index
        %swap3A_903 = tpu.vector_load %arg12[%swap3A_901, %swap3A_902] {strides = array<i32>} : memref<128x128xf32, #tpu.memory_space<vmem>>, vector<16xf32>,
        tpu.vector_store %arg12[%swap3A_901, %swap3A_902], %mul3A_900 {strides = array<i32>} : memref<128x128xf32, #tpu.memory_space<vmem>>, vector<16xf32>,
        %get3A_904 = arith.index_cast %add3A_882 : i32 to index
        %get3A_905 = arith.constant 48 : index
        %get3A_906 = tpu.vector_load %arg11[%get3A_904, %get3A_905] {strides = array<i32>} : memref<128x128xf32, #tpu.memory_space<vmem>>, vector<16xf32>,
        %mul3A_907 = arith.mulf %get3A_906, %gather3A_878 : vector<16xf32>
        %swap3A_908 = arith.index_cast %add3A_882 : i32 to index
        %swap3A_909 = arith.constant 48 : index
        %swap3A_910 = tpu.vector_load %arg12[%swap3A_908, %swap3A_909] {strides = array<i32>} : memref<128x128xf32, #tpu.memory_space<vmem>>, vector<16xf32>,
        tpu.vector_store %arg12[%swap3A_908, %swap3A_909], %mul3A_907 {strides = array<i32>} : memref<128x128xf32, #tpu.memory_space<vmem>>, vector<16xf32>,
        %get3A_911 = arith.index_cast %add3A_882 : i32 to index
        %get3A_912 = arith.constant 64 : index
        %get3A_913 = tpu.vector_load %arg11[%get3A_911, %get3A_912] {strides = array<i32>} : memref<128x128xf32, #tpu.memory_space<vmem>>, vector<16xf32>,
        %mul3A_914 = arith.mulf %get3A_913, %gather3A_878 : vector<16xf32>
        %swap3A_915 = arith.index_cast %add3A_882 : i32 to index
        %swap3A_916 = arith.constant 64 : index
        %swap3A_917 = tpu.vector_load %arg12[%swap3A_915, %swap3A_916] {strides = array<i32>} : memref<128x128xf32, #tpu.memory_space<vmem>>, vector<16xf32>,
        tpu.vector_store %arg12[%swap3A_915, %swap3A_916], %mul3A_914 {strides = array<i32>} : memref<128x128xf32, #tpu.memory_space<vmem>>, vector<16xf32>,
        %get3A_918 = arith.index_cast %add3A_882 : i32 to index
        %get3A_919 = arith.constant 80 : index
        %get3A_920 = tpu.vector_load %arg11[%get3A_918, %get3A_919] {strides = array<i32>} : memref<128x128xf32, #tpu.memory_space<vmem>>, vector<16xf32>,
        %mul3A_921 = arith.mulf %get3A_920, %gather3A_878 : vector<16xf32>
        %swap3A_922 = arith.index_cast %add3A_882 : i32 to index
        %swap3A_923 = arith.constant 80 : index
        %swap3A_924 = tpu.vector_load %arg12[%swap3A_922, %swap3A_923] {strides = array<i32>} : memref<128x128xf32, #tpu.memory_space<vmem>>, vector<16xf32>,
        tpu.vector_store %arg12[%swap3A_922, %swap3A_923], %mul3A_921 {strides = array<i32>} : memref<128x128xf32, #tpu.memory_space<vmem>>, vector<16xf32>,
        %get3A_925 = arith.index_cast %add3A_882 : i32 to index
        %get3A_926 = arith.constant 96 : index
        %get3A_927 = tpu.vector_load %arg11[%get3A_925, %get3A_926] {strides = array<i32>} : memref<128x128xf32, #tpu.memory_space<vmem>>, vector<16xf32>,
        %mul3A_928 = arith.mulf %get3A_927, %gather3A_878 : vector<16xf32>
        %swap3A_929 = arith.index_cast %add3A_882 : i32 to index
        %swap3A_930 = arith.constant 96 : index
        %swap3A_931 = tpu.vector_load %arg12[%swap3A_929, %swap3A_930] {strides = array<i32>} : memref<128x128xf32, #tpu.memory_space<vmem>>, vector<16xf32>,
        tpu.vector_store %arg12[%swap3A_929, %swap3A_930], %mul3A_928 {strides = array<i32>} : memref<128x128xf32, #tpu.memory_space<vmem>>, vector<16xf32>,
        %get3A_932 = arith.index_cast %add3A_882 : i32 to index
        %get3A_933 = arith.constant 112 : index
        %get3A_934 = tpu.vector_load %arg11[%get3A_932, %get3A_933] {strides = array<i32>} : memref<128x128xf32, #tpu.memory_space<vmem>>, vector<16xf32>,
        %mul3A_935 = arith.mulf %get3A_934, %gather3A_878 : vector<16xf32>
        %swap3A_936 = arith.index_cast %add3A_882 : i32 to index
        %swap3A_937 = arith.constant 112 : index
        %swap3A_938 = tpu.vector_load %arg12[%swap3A_936, %swap3A_937] {strides = array<i32>} : memref<128x128xf32, #tpu.memory_space<vmem>>, vector<16xf32>,
        tpu.vector_store %arg12[%swap3A_936, %swap3A_937], %mul3A_935 {strides = array<i32>} : memref<128x128xf32, #tpu.memory_space<vmem>>, vector<16xf32>,
        %broadcast_in_dim3A_939 = arith.constant 13 : i32
        %broadcast_in_dim3A_940 = vector.broadcast %broadcast_in_dim3A_939 : i32 to vector<16xi32>
        %broadcast_in_dim3A_941 = vector.shape_cast %broadcast_in_dim3A_940 : vector<16xi32> to vector<16x1xi32>
        %gather3A_942 = vector.shape_cast %broadcast_in_dim3A_941 : vector<16x1xi32> to vector<16xi32>
        %gather3A_943 = tpu.dynamic_gather %get3A_94[%gather3A_942] in [0] : vector<16xf32>, vector<16xi32> -> vector<16xf32>
        %mul3A_944 = arith.constant 16 : i32
        %mul3A_945 = arith.muli %scan3A_90, %mul3A_944 : i32
        %add3A_946 = arith.constant 13 : i32
        %add3A_947 = arith.addi %mul3A_945, %add3A_946 : i32
        %get3A_948 = arith.index_cast %add3A_947 : i32 to index
        %get3A_949 = arith.constant 0 : index
        %get3A_950 = tpu.vector_load %arg11[%get3A_948, %get3A_949] {strides = array<i32>} : memref<128x128xf32, #tpu.memory_space<vmem>>, vector<16xf32>,
        %mul3A_951 = arith.mulf %get3A_950, %gather3A_943 : vector<16xf32>
        %swap3A_952 = arith.index_cast %add3A_947 : i32 to index
        %swap3A_953 = arith.constant 0 : index
        %swap3A_954 = tpu.vector_load %arg12[%swap3A_952, %swap3A_953] {strides = array<i32>} : memref<128x128xf32, #tpu.memory_space<vmem>>, vector<16xf32>,
        tpu.vector_store %arg12[%swap3A_952, %swap3A_953], %mul3A_951 {strides = array<i32>} : memref<128x128xf32, #tpu.memory_space<vmem>>, vector<16xf32>,
        %get3A_955 = arith.index_cast %add3A_947 : i32 to index
        %get3A_956 = arith.constant 16 : index
        %get3A_957 = tpu.vector_load %arg11[%get3A_955, %get3A_956] {strides = array<i32>} : memref<128x128xf32, #tpu.memory_space<vmem>>, vector<16xf32>,
        %mul3A_958 = arith.mulf %get3A_957, %gather3A_943 : vector<16xf32>
        %swap3A_959 = arith.index_cast %add3A_947 : i32 to index
        %swap3A_960 = arith.constant 16 : index
        %swap3A_961 = tpu.vector_load %arg12[%swap3A_959, %swap3A_960] {strides = array<i32>} : memref<128x128xf32, #tpu.memory_space<vmem>>, vector<16xf32>,
        tpu.vector_store %arg12[%swap3A_959, %swap3A_960], %mul3A_958 {strides = array<i32>} : memref<128x128xf32, #tpu.memory_space<vmem>>, vector<16xf32>,
        %get3A_962 = arith.index_cast %add3A_947 : i32 to index
        %get3A_963 = arith.constant 32 : index
        %get3A_964 = tpu.vector_load %arg11[%get3A_962, %get3A_963] {strides = array<i32>} : memref<128x128xf32, #tpu.memory_space<vmem>>, vector<16xf32>,
        %mul3A_965 = arith.mulf %get3A_964, %gather3A_943 : vector<16xf32>
        %swap3A_966 = arith.index_cast %add3A_947 : i32 to index
        %swap3A_967 = arith.constant 32 : index
        %swap3A_968 = tpu.vector_load %arg12[%swap3A_966, %swap3A_967] {strides = array<i32>} : memref<128x128xf32, #tpu.memory_space<vmem>>, vector<16xf32>,
        tpu.vector_store %arg12[%swap3A_966, %swap3A_967], %mul3A_965 {strides = array<i32>} : memref<128x128xf32, #tpu.memory_space<vmem>>, vector<16xf32>,
        %get3A_969 = arith.index_cast %add3A_947 : i32 to index
        %get3A_970 = arith.constant 48 : index
        %get3A_971 = tpu.vector_load %arg11[%get3A_969, %get3A_970] {strides = array<i32>} : memref<128x128xf32, #tpu.memory_space<vmem>>, vector<16xf32>,
        %mul3A_972 = arith.mulf %get3A_971, %gather3A_943 : vector<16xf32>
        %swap3A_973 = arith.index_cast %add3A_947 : i32 to index
        %swap3A_974 = arith.constant 48 : index
        %swap3A_975 = tpu.vector_load %arg12[%swap3A_973, %swap3A_974] {strides = array<i32>} : memref<128x128xf32, #tpu.memory_space<vmem>>, vector<16xf32>,
        tpu.vector_store %arg12[%swap3A_973, %swap3A_974], %mul3A_972 {strides = array<i32>} : memref<128x128xf32, #tpu.memory_space<vmem>>, vector<16xf32>,
        %get3A_976 = arith.index_cast %add3A_947 : i32 to index
        %get3A_977 = arith.constant 64 : index
        %get3A_978 = tpu.vector_load %arg11[%get3A_976, %get3A_977] {strides = array<i32>} : memref<128x128xf32, #tpu.memory_space<vmem>>, vector<16xf32>,
        %mul3A_979 = arith.mulf %get3A_978, %gather3A_943 : vector<16xf32>
        %swap3A_980 = arith.index_cast %add3A_947 : i32 to index
        %swap3A_981 = arith.constant 64 : index
        %swap3A_982 = tpu.vector_load %arg12[%swap3A_980, %swap3A_981] {strides = array<i32>} : memref<128x128xf32, #tpu.memory_space<vmem>>, vector<16xf32>,
        tpu.vector_store %arg12[%swap3A_980, %swap3A_981], %mul3A_979 {strides = array<i32>} : memref<128x128xf32, #tpu.memory_space<vmem>>, vector<16xf32>,
        %get3A_983 = arith.index_cast %add3A_947 : i32 to index
        %get3A_984 = arith.constant 80 : index
        %get3A_985 = tpu.vector_load %arg11[%get3A_983, %get3A_984] {strides = array<i32>} : memref<128x128xf32, #tpu.memory_space<vmem>>, vector<16xf32>,
        %mul3A_986 = arith.mulf %get3A_985, %gather3A_943 : vector<16xf32>
        %swap3A_987 = arith.index_cast %add3A_947 : i32 to index
        %swap3A_988 = arith.constant 80 : index
        %swap3A_989 = tpu.vector_load %arg12[%swap3A_987, %swap3A_988] {strides = array<i32>} : memref<128x128xf32, #tpu.memory_space<vmem>>, vector<16xf32>,
        tpu.vector_store %arg12[%swap3A_987, %swap3A_988], %mul3A_986 {strides = array<i32>} : memref<128x128xf32, #tpu.memory_space<vmem>>, vector<16xf32>,
        %get3A_990 = arith.index_cast %add3A_947 : i32 to index
        %get3A_991 = arith.constant 96 : index
        %get3A_992 = tpu.vector_load %arg11[%get3A_990, %get3A_991] {strides = array<i32>} : memref<128x128xf32, #tpu.memory_space<vmem>>, vector<16xf32>,
        %mul3A_993 = arith.mulf %get3A_992, %gather3A_943 : vector<16xf32>
        %swap3A_994 = arith.index_cast %add3A_947 : i32 to index
        %swap3A_995 = arith.constant 96 : index
        %swap3A_996 = tpu.vector_load %arg12[%swap3A_994, %swap3A_995] {strides = array<i32>} : memref<128x128xf32, #tpu.memory_space<vmem>>, vector<16xf32>,
        tpu.vector_store %arg12[%swap3A_994, %swap3A_995], %mul3A_993 {strides = array<i32>} : memref<128x128xf32, #tpu.memory_space<vmem>>, vector<16xf32>,
        %get3A_997 = arith.index_cast %add3A_947 : i32 to index
        %get3A_998 = arith.constant 112 : index
        %get3A_999 = tpu.vector_load %arg11[%get3A_997, %get3A_998] {strides = array<i32>} : memref<128x128xf32, #tpu.memory_space<vmem>>, vector<16xf32>,
        %mul3A_1000 = arith.mulf %get3A_999, %gather3A_943 : vector<16xf32>
        %swap3A_1001 = arith.index_cast %add3A_947 : i32 to index
        %swap3A_1002 = arith.constant 112 : index
        %swap3A_1003 = tpu.vector_load %arg12[%swap3A_1001, %swap3A_1002] {strides = array<i32>} : memref<128x128xf32, #tpu.memory_space<vmem>>, vector<16xf32>,
        tpu.vector_store %arg12[%swap3A_1001, %swap3A_1002], %mul3A_1000 {strides = array<i32>} : memref<128x128xf32, #tpu.memory_space<vmem>>, vector<16xf32>,
        %broadcast_in_dim3A_1004 = arith.constant 14 : i32
        %broadcast_in_dim3A_1005 = vector.broadcast %broadcast_in_dim3A_1004 : i32 to vector<16xi32>
        %broadcast_in_dim3A_1006 = vector.shape_cast %broadcast_in_dim3A_1005 : vector<16xi32> to vector<16x1xi32>
        %gather3A_1007 = vector.shape_cast %broadcast_in_dim3A_1006 : vector<16x1xi32> to vector<16xi32>
        %gather3A_1008 = tpu.dynamic_gather %get3A_94[%gather3A_1007] in [0] : vector<16xf32>, vector<16xi32> -> vector<16xf32>
        %mul3A_1009 = arith.constant 16 : i32
        %mul3A_1010 = arith.muli %scan3A_90, %mul3A_1009 : i32
        %add3A_1011 = arith.constant 14 : i32
        %add3A_1012 = arith.addi %mul3A_1010, %add3A_1011 : i32
        %get3A_1013 = arith.index_cast %add3A_1012 : i32 to index
        %get3A_1014 = arith.constant 0 : index
        %get3A_1015 = tpu.vector_load %arg11[%get3A_1013, %get3A_1014] {strides = array<i32>} : memref<128x128xf32, #tpu.memory_space<vmem>>, vector<16xf32>,
        %mul3A_1016 = arith.mulf %get3A_1015, %gather3A_1008 : vector<16xf32>
        %swap3A_1017 = arith.index_cast %add3A_1012 : i32 to index
        %swap3A_1018 = arith.constant 0 : index
        %swap3A_1019 = tpu.vector_load %arg12[%swap3A_1017, %swap3A_1018] {strides = array<i32>} : memref<128x128xf32, #tpu.memory_space<vmem>>, vector<16xf32>,
        tpu.vector_store %arg12[%swap3A_1017, %swap3A_1018], %mul3A_1016 {strides = array<i32>} : memref<128x128xf32, #tpu.memory_space<vmem>>, vector<16xf32>,
        %get3A_1020 = arith.index_cast %add3A_1012 : i32 to index
        %get3A_1021 = arith.constant 16 : index
        %get3A_1022 = tpu.vector_load %arg11[%get3A_1020, %get3A_1021] {strides = array<i32>} : memref<128x128xf32, #tpu.memory_space<vmem>>, vector<16xf32>,
        %mul3A_1023 = arith.mulf %get3A_1022, %gather3A_1008 : vector<16xf32>
        %swap3A_1024 = arith.index_cast %add3A_1012 : i32 to index
        %swap3A_1025 = arith.constant 16 : index
        %swap3A_1026 = tpu.vector_load %arg12[%swap3A_1024, %swap3A_1025] {strides = array<i32>} : memref<128x128xf32, #tpu.memory_space<vmem>>, vector<16xf32>,
        tpu.vector_store %arg12[%swap3A_1024, %swap3A_1025], %mul3A_1023 {strides = array<i32>} : memref<128x128xf32, #tpu.memory_space<vmem>>, vector<16xf32>,
        %get3A_1027 = arith.index_cast %add3A_1012 : i32 to index
        %get3A_1028 = arith.constant 32 : index
        %get3A_1029 = tpu.vector_load %arg11[%get3A_1027, %get3A_1028] {strides = array<i32>} : memref<128x128xf32, #tpu.memory_space<vmem>>, vector<16xf32>,
        %mul3A_1030 = arith.mulf %get3A_1029, %gather3A_1008 : vector<16xf32>
        %swap3A_1031 = arith.index_cast %add3A_1012 : i32 to index
        %swap3A_1032 = arith.constant 32 : index
        %swap3A_1033 = tpu.vector_load %arg12[%swap3A_1031, %swap3A_1032] {strides = array<i32>} : memref<128x128xf32, #tpu.memory_space<vmem>>, vector<16xf32>,
        tpu.vector_store %arg12[%swap3A_1031, %swap3A_1032], %mul3A_1030 {strides = array<i32>} : memref<128x128xf32, #tpu.memory_space<vmem>>, vector<16xf32>,
        %get3A_1034 = arith.index_cast %add3A_1012 : i32 to index
        %get3A_1035 = arith.constant 48 : index
        %get3A_1036 = tpu.vector_load %arg11[%get3A_1034, %get3A_1035] {strides = array<i32>} : memref<128x128xf32, #tpu.memory_space<vmem>>, vector<16xf32>,
        %mul3A_1037 = arith.mulf %get3A_1036, %gather3A_1008 : vector<16xf32>
        %swap3A_1038 = arith.index_cast %add3A_1012 : i32 to index
        %swap3A_1039 = arith.constant 48 : index
        %swap3A_1040 = tpu.vector_load %arg12[%swap3A_1038, %swap3A_1039] {strides = array<i32>} : memref<128x128xf32, #tpu.memory_space<vmem>>, vector<16xf32>,
        tpu.vector_store %arg12[%swap3A_1038, %swap3A_1039], %mul3A_1037 {strides = array<i32>} : memref<128x128xf32, #tpu.memory_space<vmem>>, vector<16xf32>,
        %get3A_1041 = arith.index_cast %add3A_1012 : i32 to index
        %get3A_1042 = arith.constant 64 : index
        %get3A_1043 = tpu.vector_load %arg11[%get3A_1041, %get3A_1042] {strides = array<i32>} : memref<128x128xf32, #tpu.memory_space<vmem>>, vector<16xf32>,
        %mul3A_1044 = arith.mulf %get3A_1043, %gather3A_1008 : vector<16xf32>
        %swap3A_1045 = arith.index_cast %add3A_1012 : i32 to index
        %swap3A_1046 = arith.constant 64 : index
        %swap3A_1047 = tpu.vector_load %arg12[%swap3A_1045, %swap3A_1046] {strides = array<i32>} : memref<128x128xf32, #tpu.memory_space<vmem>>, vector<16xf32>,
        tpu.vector_store %arg12[%swap3A_1045, %swap3A_1046], %mul3A_1044 {strides = array<i32>} : memref<128x128xf32, #tpu.memory_space<vmem>>, vector<16xf32>,
        %get3A_1048 = arith.index_cast %add3A_1012 : i32 to index
        %get3A_1049 = arith.constant 80 : index
        %get3A_1050 = tpu.vector_load %arg11[%get3A_1048, %get3A_1049] {strides = array<i32>} : memref<128x128xf32, #tpu.memory_space<vmem>>, vector<16xf32>,
        %mul3A_1051 = arith.mulf %get3A_1050, %gather3A_1008 : vector<16xf32>
        %swap3A_1052 = arith.index_cast %add3A_1012 : i32 to index
        %swap3A_1053 = arith.constant 80 : index
        %swap3A_1054 = tpu.vector_load %arg12[%swap3A_1052, %swap3A_1053] {strides = array<i32>} : memref<128x128xf32, #tpu.memory_space<vmem>>, vector<16xf32>,
        tpu.vector_store %arg12[%swap3A_1052, %swap3A_1053], %mul3A_1051 {strides = array<i32>} : memref<128x128xf32, #tpu.memory_space<vmem>>, vector<16xf32>,
        %get3A_1055 = arith.index_cast %add3A_1012 : i32 to index
        %get3A_1056 = arith.constant 96 : index
        %get3A_1057 = tpu.vector_load %arg11[%get3A_1055, %get3A_1056] {strides = array<i32>} : memref<128x128xf32, #tpu.memory_space<vmem>>, vector<16xf32>,
        %mul3A_1058 = arith.mulf %get3A_1057, %gather3A_1008 : vector<16xf32>
        %swap3A_1059 = arith.index_cast %add3A_1012 : i32 to index
        %swap3A_1060 = arith.constant 96 : index
        %swap3A_1061 = tpu.vector_load %arg12[%swap3A_1059, %swap3A_1060] {strides = array<i32>} : memref<128x128xf32, #tpu.memory_space<vmem>>, vector<16xf32>,
        tpu.vector_store %arg12[%swap3A_1059, %swap3A_1060], %mul3A_1058 {strides = array<i32>} : memref<128x128xf32, #tpu.memory_space<vmem>>, vector<16xf32>,
        %get3A_1062 = arith.index_cast %add3A_1012 : i32 to index
        %get3A_1063 = arith.constant 112 : index
        %get3A_1064 = tpu.vector_load %arg11[%get3A_1062, %get3A_1063] {strides = array<i32>} : memref<128x128xf32, #tpu.memory_space<vmem>>, vector<16xf32>,
        %mul3A_1065 = arith.mulf %get3A_1064, %gather3A_1008 : vector<16xf32>
        %swap3A_1066 = arith.index_cast %add3A_1012 : i32 to index
        %swap3A_1067 = arith.constant 112 : index
        %swap3A_1068 = tpu.vector_load %arg12[%swap3A_1066, %swap3A_1067] {strides = array<i32>} : memref<128x128xf32, #tpu.memory_space<vmem>>, vector<16xf32>,
        tpu.vector_store %arg12[%swap3A_1066, %swap3A_1067], %mul3A_1065 {strides = array<i32>} : memref<128x128xf32, #tpu.memory_space<vmem>>, vector<16xf32>,
        %broadcast_in_dim3A_1069 = arith.constant 15 : i32
        %broadcast_in_dim3A_1070 = vector.broadcast %broadcast_in_dim3A_1069 : i32 to vector<16xi32>
        %broadcast_in_dim3A_1071 = vector.shape_cast %broadcast_in_dim3A_1070 : vector<16xi32> to vector<16x1xi32>
        %gather3A_1072 = vector.shape_cast %broadcast_in_dim3A_1071 : vector<16x1xi32> to vector<16xi32>
        %gather3A_1073 = tpu.dynamic_gather %get3A_94[%gather3A_1072] in [0] : vector<16xf32>, vector<16xi32> -> vector<16xf32>
        %mul3A_1074 = arith.constant 16 : i32
        %mul3A_1075 = arith.muli %scan3A_90, %mul3A_1074 : i32
        %add3A_1076 = arith.constant 15 : i32
        %add3A_1077 = arith.addi %mul3A_1075, %add3A_1076 : i32
        %get3A_1078 = arith.index_cast %add3A_1077 : i32 to index
        %get3A_1079 = arith.constant 0 : index
        %get3A_1080 = tpu.vector_load %arg11[%get3A_1078, %get3A_1079] {strides = array<i32>} : memref<128x128xf32, #tpu.memory_space<vmem>>, vector<16xf32>,
        %mul3A_1081 = arith.mulf %get3A_1080, %gather3A_1073 : vector<16xf32>
        %swap3A_1082 = arith.index_cast %add3A_1077 : i32 to index
        %swap3A_1083 = arith.constant 0 : index
        %swap3A_1084 = tpu.vector_load %arg12[%swap3A_1082, %swap3A_1083] {strides = array<i32>} : memref<128x128xf32, #tpu.memory_space<vmem>>, vector<16xf32>,
        tpu.vector_store %arg12[%swap3A_1082, %swap3A_1083], %mul3A_1081 {strides = array<i32>} : memref<128x128xf32, #tpu.memory_space<vmem>>, vector<16xf32>,
        %get3A_1085 = arith.index_cast %add3A_1077 : i32 to index
        %get3A_1086 = arith.constant 16 : index
        %get3A_1087 = tpu.vector_load %arg11[%get3A_1085, %get3A_1086] {strides = array<i32>} : memref<128x128xf32, #tpu.memory_space<vmem>>, vector<16xf32>,
        %mul3A_1088 = arith.mulf %get3A_1087, %gather3A_1073 : vector<16xf32>
        %swap3A_1089 = arith.index_cast %add3A_1077 : i32 to index
        %swap3A_1090 = arith.constant 16 : index
        %swap3A_1091 = tpu.vector_load %arg12[%swap3A_1089, %swap3A_1090] {strides = array<i32>} : memref<128x128xf32, #tpu.memory_space<vmem>>, vector<16xf32>,
        tpu.vector_store %arg12[%swap3A_1089, %swap3A_1090], %mul3A_1088 {strides = array<i32>} : memref<128x128xf32, #tpu.memory_space<vmem>>, vector<16xf32>,
        %get3A_1092 = arith.index_cast %add3A_1077 : i32 to index
        %get3A_1093 = arith.constant 32 : index
        %get3A_1094 = tpu.vector_load %arg11[%get3A_1092, %get3A_1093] {strides = array<i32>} : memref<128x128xf32, #tpu.memory_space<vmem>>, vector<16xf32>,
        %mul3A_1095 = arith.mulf %get3A_1094, %gather3A_1073 : vector<16xf32>
        %swap3A_1096 = arith.index_cast %add3A_1077 : i32 to index
        %swap3A_1097 = arith.constant 32 : index
        %swap3A_1098 = tpu.vector_load %arg12[%swap3A_1096, %swap3A_1097] {strides = array<i32>} : memref<128x128xf32, #tpu.memory_space<vmem>>, vector<16xf32>,
        tpu.vector_store %arg12[%swap3A_1096, %swap3A_1097], %mul3A_1095 {strides = array<i32>} : memref<128x128xf32, #tpu.memory_space<vmem>>, vector<16xf32>,
        %get3A_1099 = arith.index_cast %add3A_1077 : i32 to index
        %get3A_1100 = arith.constant 48 : index
        %get3A_1101 = tpu.vector_load %arg11[%get3A_1099, %get3A_1100] {strides = array<i32>} : memref<128x128xf32, #tpu.memory_space<vmem>>, vector<16xf32>,
        %mul3A_1102 = arith.mulf %get3A_1101, %gather3A_1073 : vector<16xf32>
        %swap3A_1103 = arith.index_cast %add3A_1077 : i32 to index
        %swap3A_1104 = arith.constant 48 : index
        %swap3A_1105 = tpu.vector_load %arg12[%swap3A_1103, %swap3A_1104] {strides = array<i32>} : memref<128x128xf32, #tpu.memory_space<vmem>>, vector<16xf32>,
        tpu.vector_store %arg12[%swap3A_1103, %swap3A_1104], %mul3A_1102 {strides = array<i32>} : memref<128x128xf32, #tpu.memory_space<vmem>>, vector<16xf32>,
        %get3A_1106 = arith.index_cast %add3A_1077 : i32 to index
        %get3A_1107 = arith.constant 64 : index
        %get3A_1108 = tpu.vector_load %arg11[%get3A_1106, %get3A_1107] {strides = array<i32>} : memref<128x128xf32, #tpu.memory_space<vmem>>, vector<16xf32>,
        %mul3A_1109 = arith.mulf %get3A_1108, %gather3A_1073 : vector<16xf32>
        %swap3A_1110 = arith.index_cast %add3A_1077 : i32 to index
        %swap3A_1111 = arith.constant 64 : index
        %swap3A_1112 = tpu.vector_load %arg12[%swap3A_1110, %swap3A_1111] {strides = array<i32>} : memref<128x128xf32, #tpu.memory_space<vmem>>, vector<16xf32>,
        tpu.vector_store %arg12[%swap3A_1110, %swap3A_1111], %mul3A_1109 {strides = array<i32>} : memref<128x128xf32, #tpu.memory_space<vmem>>, vector<16xf32>,
        %get3A_1113 = arith.index_cast %add3A_1077 : i32 to index
        %get3A_1114 = arith.constant 80 : index
        %get3A_1115 = tpu.vector_load %arg11[%get3A_1113, %get3A_1114] {strides = array<i32>} : memref<128x128xf32, #tpu.memory_space<vmem>>, vector<16xf32>,
        %mul3A_1116 = arith.mulf %get3A_1115, %gather3A_1073 : vector<16xf32>
        %swap3A_1117 = arith.index_cast %add3A_1077 : i32 to index
        %swap3A_1118 = arith.constant 80 : index
        %swap3A_1119 = tpu.vector_load %arg12[%swap3A_1117, %swap3A_1118] {strides = array<i32>} : memref<128x128xf32, #tpu.memory_space<vmem>>, vector<16xf32>,
        tpu.vector_store %arg12[%swap3A_1117, %swap3A_1118], %mul3A_1116 {strides = array<i32>} : memref<128x128xf32, #tpu.memory_space<vmem>>, vector<16xf32>,
        %get3A_1120 = arith.index_cast %add3A_1077 : i32 to index
        %get3A_1121 = arith.constant 96 : index
        %get3A_1122 = tpu.vector_load %arg11[%get3A_1120, %get3A_1121] {strides = array<i32>} : memref<128x128xf32, #tpu.memory_space<vmem>>, vector<16xf32>,
        %mul3A_1123 = arith.mulf %get3A_1122, %gather3A_1073 : vector<16xf32>
        %swap3A_1124 = arith.index_cast %add3A_1077 : i32 to index
        %swap3A_1125 = arith.constant 96 : index
        %swap3A_1126 = tpu.vector_load %arg12[%swap3A_1124, %swap3A_1125] {strides = array<i32>} : memref<128x128xf32, #tpu.memory_space<vmem>>, vector<16xf32>,
        tpu.vector_store %arg12[%swap3A_1124, %swap3A_1125], %mul3A_1123 {strides = array<i32>} : memref<128x128xf32, #tpu.memory_space<vmem>>, vector<16xf32>,
        %get3A_1127 = arith.index_cast %add3A_1077 : i32 to index
        %get3A_1128 = arith.constant 112 : index
        %get3A_1129 = tpu.vector_load %arg11[%get3A_1127, %get3A_1128] {strides = array<i32>} : memref<128x128xf32, #tpu.memory_space<vmem>>, vector<16xf32>,
        %mul3A_1130 = arith.mulf %get3A_1129, %gather3A_1073 : vector<16xf32>
        %swap3A_1131 = arith.index_cast %add3A_1077 : i32 to index
        %swap3A_1132 = arith.constant 112 : index
        %swap3A_1133 = tpu.vector_load %arg12[%swap3A_1131, %swap3A_1132] {strides = array<i32>} : memref<128x128xf32, #tpu.memory_space<vmem>>, vector<16xf32>,
        tpu.vector_store %arg12[%swap3A_1131, %swap3A_1132], %mul3A_1130 {strides = array<i32>} : memref<128x128xf32, #tpu.memory_space<vmem>>, vector<16xf32>,
      }
      %scan3A_89 = arith.constant 8 : i32
      "tpu.region"() ({
        %run_scoped3A = tpu.sem_alloc : memref<!tpu.dma_semaphore, #tpu.memory_space<semaphore_mem>>
        %dma_start3A_90 = arith.constant 0 : i32
        %dma_start3A_91 = arith.constant 0 : i32
        %dma_start3A_92 = tpu.memref_slice %arg13[%dma_start3A_90, %dma_start3A_91] : memref<10240x128xf32, #tpu.memory_space<vmem_shared>> -> memref<10240x128xf32, #tpu.memory_space<vmem_shared>>
        tpu.enqueue_indirect_dma source(%arg12 : memref<128x128xf32, #tpu.memory_space<vmem>>) target(%dma_start3A_92 : memref<10240x128xf32, #tpu.memory_space<vmem_shared>>) offsets(%arg9 : memref<128xi32, #tpu.memory_space<vmem>>) semaphore(%run_scoped3A : memref<!tpu.dma_semaphore, #tpu.memory_space<semaphore_mem>>) {add = true}
        %dma_wait3A_93 = arith.constant 0 : i32
        %dma_wait3A_94 = arith.constant 0 : i32
        %dma_wait3A_95 = tpu.memref_slice %arg13[%dma_wait3A_93, %dma_wait3A_94] : memref<10240x128xf32, #tpu.memory_space<vmem_shared>> -> memref<10240x128xf32, #tpu.memory_space<vmem_shared>>
        tpu.wait_indirect_dma semaphore(%run_scoped3A : memref<!tpu.dma_semaphore, #tpu.memory_space<semaphore_mem>>) src(%arg12 : memref<128x128xf32, #tpu.memory_space<vmem>>) dst(%dma_wait3A_95 : memref<10240x128xf32, #tpu.memory_space<vmem_shared>>)
        tpu.yield
      }) : () -> ()
    }
    %scan3A_20 = arith.constant 80 : i32
    %barrier3A_21 = arith.constant 0 : index
    tpu.barrier barrier_id(%barrier3A_21)
    %mul3A_22 = arith.constant 640 : i32
    %mul3A_23 = arith.muli %arg1, %mul3A_22 : i32
    %eq3A = arith.constant 0 : i32
    %eq3A_24 = arith.cmpi eq, %arg0, %eq3A : i32
    %convert_element_type3A = arith.extui %eq3A_24 : i1 to i32
    %cond3A = arith.constant 0 : i32
    %cond3A_25 = arith.cmpi ne, %convert_element_type3A, %cond3A : i32
    scf.if %cond3A_25 {
      %run_scoped3A = arith.constant 0 : i32
      "tpu.region"() ({
        %run_scoped3A_31 = tpu.sem_alloc : memref<!tpu.dma_semaphore, #tpu.memory_space<semaphore_mem>>
        %dma_start3A = arith.constant 0 : i32
        %dma_start3A_32 = tpu.memref_slice %arg6[%run_scoped3A, %mul3A_23, %dma_start3A] : memref<2x10240x128xf32, #tpu.memory_space<hbm>> -> memref<1x640x128xf32, #tpu.memory_space<hbm>>
        %dma_start3A_33 = tpu.memref_squeeze %dma_start3A_32 : memref<1x640x128xf32, #tpu.memory_space<hbm>> -> memref<640x128xf32, #tpu.memory_space<hbm>>
        %dma_start3A_34 = arith.constant 0 : i32
        %dma_start3A_35 = tpu.memref_slice %arg13[%mul3A_23, %dma_start3A_34] : memref<10240x128xf32, #tpu.memory_space<vmem_shared>> -> memref<640x128xf32, #tpu.memory_space<vmem_shared>>
        tpu.enqueue_dma source(%dma_start3A_35 : memref<640x128xf32, #tpu.memory_space<vmem_shared>>) target(%dma_start3A_33 : memref<640x128xf32, #tpu.memory_space<hbm>>) target_semaphore(%run_scoped3A_31 : memref<!tpu.dma_semaphore, #tpu.memory_space<semaphore_mem>>)
        %dma_wait3A = arith.constant 0 : i32
        %dma_wait3A_36 = tpu.memref_slice %arg6[%run_scoped3A, %mul3A_23, %dma_wait3A] : memref<2x10240x128xf32, #tpu.memory_space<hbm>> -> memref<1x640x128xf32, #tpu.memory_space<hbm>>
        %dma_wait3A_37 = tpu.memref_squeeze %dma_wait3A_36 : memref<1x640x128xf32, #tpu.memory_space<hbm>> -> memref<640x128xf32, #tpu.memory_space<hbm>>
        %dma_wait3A_38 = arith.constant 0 : i32
        %dma_wait3A_39 = tpu.memref_slice %arg13[%mul3A_23, %dma_wait3A_38] : memref<10240x128xf32, #tpu.memory_space<vmem_shared>> -> memref<640x128xf32, #tpu.memory_space<vmem_shared>>
        tpu.wait_dma2 semaphore(%run_scoped3A_31 : memref<!tpu.dma_semaphore, #tpu.memory_space<semaphore_mem>>) src(%dma_wait3A_39 : memref<640x128xf32, #tpu.memory_space<vmem_shared>>) dst(%dma_wait3A_37 : memref<640x128xf32, #tpu.memory_space<hbm>>)
        tpu.yield
      }) : () -> ()
    } else {
    }
    %eq3A_26 = arith.constant 1 : i32
    %eq3A_27 = arith.cmpi eq, %arg0, %eq3A_26 : i32
    %convert_element_type3A_28 = arith.extui %eq3A_27 : i1 to i32
    %cond3A_29 = arith.constant 0 : i32
    %cond3A_30 = arith.cmpi ne, %convert_element_type3A_28, %cond3A_29 : i32
    scf.if %cond3A_30 {
      %run_scoped3A = arith.constant 1 : i32
      "tpu.region"() ({
        %run_scoped3A_31 = tpu.sem_alloc : memref<!tpu.dma_semaphore, #tpu.memory_space<semaphore_mem>>
        %dma_start3A = arith.constant 0 : i32
        %dma_start3A_32 = tpu.memref_slice %arg6[%run_scoped3A, %mul3A_23, %dma_start3A] : memref<2x10240x128xf32, #tpu.memory_space<hbm>> -> memref<1x640x128xf32, #tpu.memory_space<hbm>>
        %dma_start3A_33 = tpu.memref_squeeze %dma_start3A_32 : memref<1x640x128xf32, #tpu.memory_space<hbm>> -> memref<640x128xf32, #tpu.memory_space<hbm>>
        %dma_start3A_34 = arith.constant 0 : i32
        %dma_start3A_35 = tpu.memref_slice %arg13[%mul3A_23, %dma_start3A_34] : memref<10240x128xf32, #tpu.memory_space<vmem_shared>> -> memref<640x128xf32, #tpu.memory_space<vmem_shared>>
        tpu.enqueue_dma source(%dma_start3A_35 : memref<640x128xf32, #tpu.memory_space<vmem_shared>>) target(%dma_start3A_33 : memref<640x128xf32, #tpu.memory_space<hbm>>) target_semaphore(%run_scoped3A_31 : memref<!tpu.dma_semaphore, #tpu.memory_space<semaphore_mem>>)
        %dma_wait3A = arith.constant 0 : i32
        %dma_wait3A_36 = tpu.memref_slice %arg6[%run_scoped3A, %mul3A_23, %dma_wait3A] : memref<2x10240x128xf32, #tpu.memory_space<hbm>> -> memref<1x640x128xf32, #tpu.memory_space<hbm>>
        %dma_wait3A_37 = tpu.memref_squeeze %dma_wait3A_36 : memref<1x640x128xf32, #tpu.memory_space<hbm>> -> memref<640x128xf32, #tpu.memory_space<hbm>>
        %dma_wait3A_38 = arith.constant 0 : i32
        %dma_wait3A_39 = tpu.memref_slice %arg13[%mul3A_23, %dma_wait3A_38] : memref<10240x128xf32, #tpu.memory_space<vmem_shared>> -> memref<640x128xf32, #tpu.memory_space<vmem_shared>>
        tpu.wait_dma2 semaphore(%run_scoped3A_31 : memref<!tpu.dma_semaphore, #tpu.memory_space<semaphore_mem>>) src(%dma_wait3A_39 : memref<640x128xf32, #tpu.memory_space<vmem_shared>>) dst(%dma_wait3A_37 : memref<640x128xf32, #tpu.memory_space<hbm>>)
        tpu.yield
      }) : () -> ()
    } else {
    }
    return
  }
}

#map = affine_map<(d0, d1) -> (0, 0)>
#map1 = affine_map<(d0, d1) -> (0)>
#map2 = affine_map<(d0, d1) -> (0, 0, 0)>
module attributes {stable_mosaic.version = 14 : i64} {
  func.func @_seg_body(%arg0: i32, %arg1: i32, %arg2: memref<20480x128xf32, #tpu.memory_space<hbm>>, %arg3: memref<163840xi32, #tpu.memory_space<hbm>>, %arg4: memref<163840xi32, #tpu.memory_space<hbm>>, %arg5: memref<2x10240x128xf32, #tpu.memory_space<hbm>>, %arg6: memref<128xi32, #tpu.memory_space<vmem>>, %arg7: memref<128xi32, #tpu.memory_space<vmem>>, %arg8: memref<128xi32, #tpu.memory_space<vmem>>, %arg9: memref<128xi32, #tpu.memory_space<vmem>>, %arg10: memref<128x128xf32, #tpu.memory_space<vmem>>, %arg11: memref<128x128xf32, #tpu.memory_space<vmem>>, %arg12: memref<10240x128xf32, #tpu.memory_space<vmem_shared>>, %arg13: memref<!tpu.dma_semaphore, #tpu.memory_space<semaphore_mem>>, %arg14: memref<!tpu.dma_semaphore, #tpu.memory_space<semaphore_mem>>, %arg15: memref<!tpu.dma_semaphore, #tpu.memory_space<semaphore_mem>>) attributes {dimension_semantics = [#tpu.dimension_semantics<core_parallel>, #tpu.dimension_semantics<subcore_parallel>], iteration_bounds = array<i64: 2, 16>, scalar_prefetch = 0 : i64, scratch_operands = 10 : i64, tpu.core_type = #tpu.core_type<sc_vector_subcore>, window_params = [{transform_indices = #map}, {transform_indices = #map1}, {transform_indices = #map1}, {transform_indices = #map2}]} {
    %broadcast_in_dim3A = arith.constant 0.000000e+00 : f32
    %broadcast_in_dim3A_0 = vector.broadcast %broadcast_in_dim3A : f32 to vector<16xf32>
    %scan3A = arith.constant 0 : i32
    %scan3A_1 = arith.constant 0 : i32
    %scan3A_2 = arith.constant 128 : i32
    %scan3A_3 = arith.addi %scan3A_1, %scan3A_2 : i32
    %scan3A_4 = arith.constant 1 : i32
    scf.for %scan3A_42 = %scan3A_1 to %scan3A_3 step %scan3A_4  : i32 {
      %swap3A = arith.index_cast %scan3A_42 : i32 to index
      %swap3A_43 = arith.constant 0 : index
      %swap3A_44 = tpu.vector_load %arg10[%swap3A, %swap3A_43] {strides = array<i32>} : memref<128x128xf32, #tpu.memory_space<vmem>>, vector<16xf32>,
      tpu.vector_store %arg10[%swap3A, %swap3A_43], %broadcast_in_dim3A_0 {strides = array<i32>} : memref<128x128xf32, #tpu.memory_space<vmem>>, vector<16xf32>,
      %swap3A_45 = arith.index_cast %scan3A_42 : i32 to index
      %swap3A_46 = arith.constant 16 : index
      %swap3A_47 = tpu.vector_load %arg10[%swap3A_45, %swap3A_46] {strides = array<i32>} : memref<128x128xf32, #tpu.memory_space<vmem>>, vector<16xf32>,
      tpu.vector_store %arg10[%swap3A_45, %swap3A_46], %broadcast_in_dim3A_0 {strides = array<i32>} : memref<128x128xf32, #tpu.memory_space<vmem>>, vector<16xf32>,
      %swap3A_48 = arith.index_cast %scan3A_42 : i32 to index
      %swap3A_49 = arith.constant 32 : index
      %swap3A_50 = tpu.vector_load %arg10[%swap3A_48, %swap3A_49] {strides = array<i32>} : memref<128x128xf32, #tpu.memory_space<vmem>>, vector<16xf32>,
      tpu.vector_store %arg10[%swap3A_48, %swap3A_49], %broadcast_in_dim3A_0 {strides = array<i32>} : memref<128x128xf32, #tpu.memory_space<vmem>>, vector<16xf32>,
      %swap3A_51 = arith.index_cast %scan3A_42 : i32 to index
      %swap3A_52 = arith.constant 48 : index
      %swap3A_53 = tpu.vector_load %arg10[%swap3A_51, %swap3A_52] {strides = array<i32>} : memref<128x128xf32, #tpu.memory_space<vmem>>, vector<16xf32>,
      tpu.vector_store %arg10[%swap3A_51, %swap3A_52], %broadcast_in_dim3A_0 {strides = array<i32>} : memref<128x128xf32, #tpu.memory_space<vmem>>, vector<16xf32>,
      %swap3A_54 = arith.index_cast %scan3A_42 : i32 to index
      %swap3A_55 = arith.constant 64 : index
      %swap3A_56 = tpu.vector_load %arg10[%swap3A_54, %swap3A_55] {strides = array<i32>} : memref<128x128xf32, #tpu.memory_space<vmem>>, vector<16xf32>,
      tpu.vector_store %arg10[%swap3A_54, %swap3A_55], %broadcast_in_dim3A_0 {strides = array<i32>} : memref<128x128xf32, #tpu.memory_space<vmem>>, vector<16xf32>,
      %swap3A_57 = arith.index_cast %scan3A_42 : i32 to index
      %swap3A_58 = arith.constant 80 : index
      %swap3A_59 = tpu.vector_load %arg10[%swap3A_57, %swap3A_58] {strides = array<i32>} : memref<128x128xf32, #tpu.memory_space<vmem>>, vector<16xf32>,
      tpu.vector_store %arg10[%swap3A_57, %swap3A_58], %broadcast_in_dim3A_0 {strides = array<i32>} : memref<128x128xf32, #tpu.memory_space<vmem>>, vector<16xf32>,
      %swap3A_60 = arith.index_cast %scan3A_42 : i32 to index
      %swap3A_61 = arith.constant 96 : index
      %swap3A_62 = tpu.vector_load %arg10[%swap3A_60, %swap3A_61] {strides = array<i32>} : memref<128x128xf32, #tpu.memory_space<vmem>>, vector<16xf32>,
      tpu.vector_store %arg10[%swap3A_60, %swap3A_61], %broadcast_in_dim3A_0 {strides = array<i32>} : memref<128x128xf32, #tpu.memory_space<vmem>>, vector<16xf32>,
      %swap3A_63 = arith.index_cast %scan3A_42 : i32 to index
      %swap3A_64 = arith.constant 112 : index
      %swap3A_65 = tpu.vector_load %arg10[%swap3A_63, %swap3A_64] {strides = array<i32>} : memref<128x128xf32, #tpu.memory_space<vmem>>, vector<16xf32>,
      tpu.vector_store %arg10[%swap3A_63, %swap3A_64], %broadcast_in_dim3A_0 {strides = array<i32>} : memref<128x128xf32, #tpu.memory_space<vmem>>, vector<16xf32>,
    }
    %scan3A_5 = arith.constant 128 : i32
    %scan3A_6 = arith.constant 0 : i32
    %scan3A_7 = arith.constant 0 : i32
    %scan3A_8 = arith.constant 5 : i32
    %scan3A_9 = arith.addi %scan3A_7, %scan3A_8 : i32
    %scan3A_10 = arith.constant 1 : i32
    scf.for %scan3A_42 = %scan3A_7 to %scan3A_9 step %scan3A_10  : i32 {
      %mul3A_43 = arith.constant 640 : i32
      %mul3A_44 = arith.muli %arg1, %mul3A_43 : i32
      %mul3A_45 = arith.constant 128 : i32
      %mul3A_46 = arith.muli %scan3A_42, %mul3A_45 : i32
      %add3A = arith.addi %mul3A_44, %mul3A_46 : i32
      "tpu.region"() ({
        %run_scoped3A = tpu.sem_alloc : memref<!tpu.dma_semaphore, #tpu.memory_space<semaphore_mem>>
        %dma_start3A = arith.constant 0 : i32
        %dma_start3A_47 = tpu.memref_slice %arg12[%add3A, %dma_start3A] : memref<10240x128xf32, #tpu.memory_space<vmem_shared>> -> memref<128x128xf32, #tpu.memory_space<vmem_shared>>
        %dma_start3A_48 = arith.constant 0 : i32
        %dma_start3A_49 = tpu.memref_slice %arg12[%add3A, %dma_start3A_48] : memref<10240x128xf32, #tpu.memory_space<vmem_shared>> -> memref<128x128xf32, #tpu.memory_space<vmem_shared>>
        tpu.enqueue_dma source(%arg10 : memref<128x128xf32, #tpu.memory_space<vmem>>) target(%dma_start3A_49 : memref<128x128xf32, #tpu.memory_space<vmem_shared>>) target_semaphore(%run_scoped3A : memref<!tpu.dma_semaphore, #tpu.memory_space<semaphore_mem>>)
        %dma_wait3A_50 = arith.constant 0 : i32
        %dma_wait3A_51 = tpu.memref_slice %arg12[%add3A, %dma_wait3A_50] : memref<10240x128xf32, #tpu.memory_space<vmem_shared>> -> memref<128x128xf32, #tpu.memory_space<vmem_shared>>
        %dma_wait3A_52 = arith.constant 0 : i32
        %dma_wait3A_53 = tpu.memref_slice %arg12[%add3A, %dma_wait3A_52] : memref<10240x128xf32, #tpu.memory_space<vmem_shared>> -> memref<128x128xf32, #tpu.memory_space<vmem_shared>>
        tpu.wait_dma2 semaphore(%run_scoped3A : memref<!tpu.dma_semaphore, #tpu.memory_space<semaphore_mem>>) src(%arg10 : memref<128x128xf32, #tpu.memory_space<vmem>>) dst(%dma_wait3A_53 : memref<128x128xf32, #tpu.memory_space<vmem_shared>>)
        tpu.yield
      }) : () -> ()
    }
    %scan3A_11 = arith.constant 5 : i32
    %barrier3A = arith.constant 0 : index
    tpu.barrier barrier_id(%barrier3A)
    %mul3A = arith.constant 10240 : i32
    %mul3A_12 = arith.muli %arg1, %mul3A : i32
    %mul3A_13 = arith.constant 10240 : i32
    %mul3A_14 = arith.muli %arg0, %mul3A_13 : i32
    %scan3A_15 = arith.constant 0 : i32
    %scan3A_16 = arith.constant 0 : i32
    %scan3A_17 = arith.constant 40 : i32
    %scan3A_18 = arith.addi %scan3A_16, %scan3A_17 : i32
    %scan3A_19 = arith.constant 1 : i32
    scf.for %scan3A_42 = %scan3A_16 to %scan3A_18 step %scan3A_19  : i32 {
      %mul3A_43 = arith.constant 2 : i32
      %mul3A_44 = arith.muli %mul3A_43, %scan3A_42 : i32
      %add3A = arith.constant 0 : i32
      %add3A_45 = arith.addi %mul3A_44, %add3A : i32
      %mul3A_46 = arith.constant 128 : i32
      %mul3A_47 = arith.muli %add3A_45, %mul3A_46 : i32
      %add3A_48 = arith.addi %mul3A_12, %mul3A_47 : i32
      %ge3A = arith.constant 1 : i32
      %ge3A_49 = arith.cmpi sge, %scan3A_42, %ge3A : i32
      %convert_element_type3A_50 = arith.extui %ge3A_49 : i1 to i32
      %cond3A_51 = arith.constant 0 : i32
      %cond3A_52 = arith.cmpi ne, %convert_element_type3A_50, %cond3A_51 : i32
      scf.if %cond3A_52 {
        %dma_wait3A_176 = arith.constant 0 : i32
        %dma_wait3A_177 = arith.constant 0 : i32
        %dma_wait3A_178 = tpu.memref_slice %arg2[%dma_wait3A_176, %dma_wait3A_177] : memref<20480x128xf32, #tpu.memory_space<hbm>> -> memref<128x128xf32, #tpu.memory_space<hbm>>
        %dma_wait3A_179 = arith.constant 0 : i32
        %dma_wait3A_180 = arith.constant 0 : i32
        %dma_wait3A_181 = tpu.memref_slice %arg2[%dma_wait3A_179, %dma_wait3A_180] : memref<20480x128xf32, #tpu.memory_space<hbm>> -> memref<128x128xf32, #tpu.memory_space<hbm>>
        tpu.wait_dma2 semaphore(%arg14 : memref<!tpu.dma_semaphore, #tpu.memory_space<semaphore_mem>>) src(%dma_wait3A_181 : memref<128x128xf32, #tpu.memory_space<hbm>>) dst(%arg10 : memref<128x128xf32, #tpu.memory_space<vmem>>)
      } else {
      }
      "tpu.region"() ({
        %run_scoped3A = tpu.sem_alloc : memref<!tpu.dma_semaphore, #tpu.memory_space<semaphore_mem>>
        %dma_start3A_176 = tpu.memref_slice %arg3[%add3A_48] : memref<163840xi32, #tpu.memory_space<hbm>> -> memref<128xi32, #tpu.memory_space<hbm>>
        %dma_start3A_177 = tpu.memref_slice %arg3[%add3A_48] : memref<163840xi32, #tpu.memory_space<hbm>> -> memref<128xi32, #tpu.memory_space<hbm>>
        tpu.enqueue_dma source(%dma_start3A_177 : memref<128xi32, #tpu.memory_space<hbm>>) target(%arg6 : memref<128xi32, #tpu.memory_space<vmem>>) target_semaphore(%run_scoped3A : memref<!tpu.dma_semaphore, #tpu.memory_space<semaphore_mem>>)
        %dma_wait3A_178 = tpu.memref_slice %arg3[%add3A_48] : memref<163840xi32, #tpu.memory_space<hbm>> -> memref<128xi32, #tpu.memory_space<hbm>>
        %dma_wait3A_179 = tpu.memref_slice %arg3[%add3A_48] : memref<163840xi32, #tpu.memory_space<hbm>> -> memref<128xi32, #tpu.memory_space<hbm>>
        tpu.wait_dma2 semaphore(%run_scoped3A : memref<!tpu.dma_semaphore, #tpu.memory_space<semaphore_mem>>) src(%dma_wait3A_179 : memref<128xi32, #tpu.memory_space<hbm>>) dst(%arg6 : memref<128xi32, #tpu.memory_space<vmem>>)
        tpu.yield
      }) : () -> ()
      "tpu.region"() ({
        %run_scoped3A = tpu.sem_alloc : memref<!tpu.dma_semaphore, #tpu.memory_space<semaphore_mem>>
        %dma_start3A_176 = tpu.memref_slice %arg4[%add3A_48] : memref<163840xi32, #tpu.memory_space<hbm>> -> memref<128xi32, #tpu.memory_space<hbm>>
        %dma_start3A_177 = tpu.memref_slice %arg4[%add3A_48] : memref<163840xi32, #tpu.memory_space<hbm>> -> memref<128xi32, #tpu.memory_space<hbm>>
        tpu.enqueue_dma source(%dma_start3A_177 : memref<128xi32, #tpu.memory_space<hbm>>) target(%arg8 : memref<128xi32, #tpu.memory_space<vmem>>) target_semaphore(%run_scoped3A : memref<!tpu.dma_semaphore, #tpu.memory_space<semaphore_mem>>)
        %dma_wait3A_178 = tpu.memref_slice %arg4[%add3A_48] : memref<163840xi32, #tpu.memory_space<hbm>> -> memref<128xi32, #tpu.memory_space<hbm>>
        %dma_wait3A_179 = tpu.memref_slice %arg4[%add3A_48] : memref<163840xi32, #tpu.memory_space<hbm>> -> memref<128xi32, #tpu.memory_space<hbm>>
        tpu.wait_dma2 semaphore(%run_scoped3A : memref<!tpu.dma_semaphore, #tpu.memory_space<semaphore_mem>>) src(%dma_wait3A_179 : memref<128xi32, #tpu.memory_space<hbm>>) dst(%arg8 : memref<128xi32, #tpu.memory_space<vmem>>)
        tpu.yield
      }) : () -> ()
      %get3A = arith.constant 0 : index
      %get3A_53 = tpu.vector_load %arg6[%get3A] {strides = array<i32>} : memref<128xi32, #tpu.memory_space<vmem>>, vector<16xi32>,
      %add3A_54 = vector.broadcast %mul3A_14 : i32 to vector<16xi32>
      %add3A_55 = arith.addi %get3A_53, %add3A_54 : vector<16xi32>
      %swap3A = arith.constant 0 : index
      %swap3A_56 = tpu.vector_load %arg7[%swap3A] {strides = array<i32>} : memref<128xi32, #tpu.memory_space<vmem>>, vector<16xi32>,
      tpu.vector_store %arg7[%swap3A], %add3A_55 {strides = array<i32>} : memref<128xi32, #tpu.memory_space<vmem>>, vector<16xi32>,
      %get3A_57 = arith.constant 16 : index
      %get3A_58 = tpu.vector_load %arg6[%get3A_57] {strides = array<i32>} : memref<128xi32, #tpu.memory_space<vmem>>, vector<16xi32>,
      %add3A_59 = vector.broadcast %mul3A_14 : i32 to vector<16xi32>
      %add3A_60 = arith.addi %get3A_58, %add3A_59 : vector<16xi32>
      %swap3A_61 = arith.constant 16 : index
      %swap3A_62 = tpu.vector_load %arg7[%swap3A_61] {strides = array<i32>} : memref<128xi32, #tpu.memory_space<vmem>>, vector<16xi32>,
      tpu.vector_store %arg7[%swap3A_61], %add3A_60 {strides = array<i32>} : memref<128xi32, #tpu.memory_space<vmem>>, vector<16xi32>,
      %get3A_63 = arith.constant 32 : index
      %get3A_64 = tpu.vector_load %arg6[%get3A_63] {strides = array<i32>} : memref<128xi32, #tpu.memory_space<vmem>>, vector<16xi32>,
      %add3A_65 = vector.broadcast %mul3A_14 : i32 to vector<16xi32>
      %add3A_66 = arith.addi %get3A_64, %add3A_65 : vector<16xi32>
      %swap3A_67 = arith.constant 32 : index
      %swap3A_68 = tpu.vector_load %arg7[%swap3A_67] {strides = array<i32>} : memref<128xi32, #tpu.memory_space<vmem>>, vector<16xi32>,
      tpu.vector_store %arg7[%swap3A_67], %add3A_66 {strides = array<i32>} : memref<128xi32, #tpu.memory_space<vmem>>, vector<16xi32>,
      %get3A_69 = arith.constant 48 : index
      %get3A_70 = tpu.vector_load %arg6[%get3A_69] {strides = array<i32>} : memref<128xi32, #tpu.memory_space<vmem>>, vector<16xi32>,
      %add3A_71 = vector.broadcast %mul3A_14 : i32 to vector<16xi32>
      %add3A_72 = arith.addi %get3A_70, %add3A_71 : vector<16xi32>
      %swap3A_73 = arith.constant 48 : index
      %swap3A_74 = tpu.vector_load %arg7[%swap3A_73] {strides = array<i32>} : memref<128xi32, #tpu.memory_space<vmem>>, vector<16xi32>,
      tpu.vector_store %arg7[%swap3A_73], %add3A_72 {strides = array<i32>} : memref<128xi32, #tpu.memory_space<vmem>>, vector<16xi32>,
      %get3A_75 = arith.constant 64 : index
      %get3A_76 = tpu.vector_load %arg6[%get3A_75] {strides = array<i32>} : memref<128xi32, #tpu.memory_space<vmem>>, vector<16xi32>,
      %add3A_77 = vector.broadcast %mul3A_14 : i32 to vector<16xi32>
      %add3A_78 = arith.addi %get3A_76, %add3A_77 : vector<16xi32>
      %swap3A_79 = arith.constant 64 : index
      %swap3A_80 = tpu.vector_load %arg7[%swap3A_79] {strides = array<i32>} : memref<128xi32, #tpu.memory_space<vmem>>, vector<16xi32>,
      tpu.vector_store %arg7[%swap3A_79], %add3A_78 {strides = array<i32>} : memref<128xi32, #tpu.memory_space<vmem>>, vector<16xi32>,
      %get3A_81 = arith.constant 80 : index
      %get3A_82 = tpu.vector_load %arg6[%get3A_81] {strides = array<i32>} : memref<128xi32, #tpu.memory_space<vmem>>, vector<16xi32>,
      %add3A_83 = vector.broadcast %mul3A_14 : i32 to vector<16xi32>
      %add3A_84 = arith.addi %get3A_82, %add3A_83 : vector<16xi32>
      %swap3A_85 = arith.constant 80 : index
      %swap3A_86 = tpu.vector_load %arg7[%swap3A_85] {strides = array<i32>} : memref<128xi32, #tpu.memory_space<vmem>>, vector<16xi32>,
      tpu.vector_store %arg7[%swap3A_85], %add3A_84 {strides = array<i32>} : memref<128xi32, #tpu.memory_space<vmem>>, vector<16xi32>,
      %get3A_87 = arith.constant 96 : index
      %get3A_88 = tpu.vector_load %arg6[%get3A_87] {strides = array<i32>} : memref<128xi32, #tpu.memory_space<vmem>>, vector<16xi32>,
      %add3A_89 = vector.broadcast %mul3A_14 : i32 to vector<16xi32>
      %add3A_90 = arith.addi %get3A_88, %add3A_89 : vector<16xi32>
      %swap3A_91 = arith.constant 96 : index
      %swap3A_92 = tpu.vector_load %arg7[%swap3A_91] {strides = array<i32>} : memref<128xi32, #tpu.memory_space<vmem>>, vector<16xi32>,
      tpu.vector_store %arg7[%swap3A_91], %add3A_90 {strides = array<i32>} : memref<128xi32, #tpu.memory_space<vmem>>, vector<16xi32>,
      %get3A_93 = arith.constant 112 : index
      %get3A_94 = tpu.vector_load %arg6[%get3A_93] {strides = array<i32>} : memref<128xi32, #tpu.memory_space<vmem>>, vector<16xi32>,
      %add3A_95 = vector.broadcast %mul3A_14 : i32 to vector<16xi32>
      %add3A_96 = arith.addi %get3A_94, %add3A_95 : vector<16xi32>
      %swap3A_97 = arith.constant 112 : index
      %swap3A_98 = tpu.vector_load %arg7[%swap3A_97] {strides = array<i32>} : memref<128xi32, #tpu.memory_space<vmem>>, vector<16xi32>,
      tpu.vector_store %arg7[%swap3A_97], %add3A_96 {strides = array<i32>} : memref<128xi32, #tpu.memory_space<vmem>>, vector<16xi32>,
      %dma_start3A = arith.constant 0 : i32
      %dma_start3A_99 = arith.constant 0 : i32
      %dma_start3A_100 = tpu.memref_slice %arg2[%dma_start3A, %dma_start3A_99] : memref<20480x128xf32, #tpu.memory_space<hbm>> -> memref<20480x128xf32, #tpu.memory_space<hbm>>
      tpu.enqueue_indirect_dma source(%dma_start3A_100 : memref<20480x128xf32, #tpu.memory_space<hbm>>) target(%arg10 : memref<128x128xf32, #tpu.memory_space<vmem>>) offsets(%arg7 : memref<128xi32, #tpu.memory_space<vmem>>) semaphore(%arg13 : memref<!tpu.dma_semaphore, #tpu.memory_space<semaphore_mem>>)
      %dma_wait3A_101 = arith.constant 0 : i32
      %dma_wait3A_102 = arith.constant 0 : i32
      %dma_wait3A_103 = tpu.memref_slice %arg2[%dma_wait3A_101, %dma_wait3A_102] : memref<20480x128xf32, #tpu.memory_space<hbm>> -> memref<20480x128xf32, #tpu.memory_space<hbm>>
      tpu.wait_indirect_dma semaphore(%arg13 : memref<!tpu.dma_semaphore, #tpu.memory_space<semaphore_mem>>) src(%dma_wait3A_103 : memref<20480x128xf32, #tpu.memory_space<hbm>>) dst(%arg10 : memref<128x128xf32, #tpu.memory_space<vmem>>)
      %dma_start3A_104 = arith.constant 0 : i32
      %dma_start3A_105 = arith.constant 0 : i32
      %dma_start3A_106 = tpu.memref_slice %arg12[%dma_start3A_104, %dma_start3A_105] : memref<10240x128xf32, #tpu.memory_space<vmem_shared>> -> memref<10240x128xf32, #tpu.memory_space<vmem_shared>>
      tpu.enqueue_indirect_dma source(%arg10 : memref<128x128xf32, #tpu.memory_space<vmem>>) target(%dma_start3A_106 : memref<10240x128xf32, #tpu.memory_space<vmem_shared>>) offsets(%arg8 : memref<128xi32, #tpu.memory_space<vmem>>) semaphore(%arg14 : memref<!tpu.dma_semaphore, #tpu.memory_space<semaphore_mem>>) {add = true}
      %mul3A_107 = arith.constant 2 : i32
      %mul3A_108 = arith.muli %mul3A_107, %scan3A_42 : i32
      %add3A_109 = arith.constant 1 : i32
      %add3A_110 = arith.addi %mul3A_108, %add3A_109 : i32
      %mul3A_111 = arith.constant 128 : i32
      %mul3A_112 = arith.muli %add3A_110, %mul3A_111 : i32
      %add3A_113 = arith.addi %mul3A_12, %mul3A_112 : i32
      %ge3A_114 = arith.constant 1 : i32
      %ge3A_115 = arith.cmpi sge, %scan3A_42, %ge3A_114 : i32
      %convert_element_type3A_116 = arith.extui %ge3A_115 : i1 to i32
      %cond3A_117 = arith.constant 0 : i32
      %cond3A_118 = arith.cmpi ne, %convert_element_type3A_116, %cond3A_117 : i32
      scf.if %cond3A_118 {
        %dma_wait3A_176 = arith.constant 0 : i32
        %dma_wait3A_177 = arith.constant 0 : i32
        %dma_wait3A_178 = tpu.memref_slice %arg2[%dma_wait3A_176, %dma_wait3A_177] : memref<20480x128xf32, #tpu.memory_space<hbm>> -> memref<128x128xf32, #tpu.memory_space<hbm>>
        %dma_wait3A_179 = arith.constant 0 : i32
        %dma_wait3A_180 = arith.constant 0 : i32
        %dma_wait3A_181 = tpu.memref_slice %arg2[%dma_wait3A_179, %dma_wait3A_180] : memref<20480x128xf32, #tpu.memory_space<hbm>> -> memref<128x128xf32, #tpu.memory_space<hbm>>
        tpu.wait_dma2 semaphore(%arg15 : memref<!tpu.dma_semaphore, #tpu.memory_space<semaphore_mem>>) src(%dma_wait3A_181 : memref<128x128xf32, #tpu.memory_space<hbm>>) dst(%arg11 : memref<128x128xf32, #tpu.memory_space<vmem>>)
      } else {
      }
      "tpu.region"() ({
        %run_scoped3A = tpu.sem_alloc : memref<!tpu.dma_semaphore, #tpu.memory_space<semaphore_mem>>
        %dma_start3A_176 = tpu.memref_slice %arg3[%add3A_113] : memref<163840xi32, #tpu.memory_space<hbm>> -> memref<128xi32, #tpu.memory_space<hbm>>
        %dma_start3A_177 = tpu.memref_slice %arg3[%add3A_113] : memref<163840xi32, #tpu.memory_space<hbm>> -> memref<128xi32, #tpu.memory_space<hbm>>
        tpu.enqueue_dma source(%dma_start3A_177 : memref<128xi32, #tpu.memory_space<hbm>>) target(%arg6 : memref<128xi32, #tpu.memory_space<vmem>>) target_semaphore(%run_scoped3A : memref<!tpu.dma_semaphore, #tpu.memory_space<semaphore_mem>>)
        %dma_wait3A_178 = tpu.memref_slice %arg3[%add3A_113] : memref<163840xi32, #tpu.memory_space<hbm>> -> memref<128xi32, #tpu.memory_space<hbm>>
        %dma_wait3A_179 = tpu.memref_slice %arg3[%add3A_113] : memref<163840xi32, #tpu.memory_space<hbm>> -> memref<128xi32, #tpu.memory_space<hbm>>
        tpu.wait_dma2 semaphore(%run_scoped3A : memref<!tpu.dma_semaphore, #tpu.memory_space<semaphore_mem>>) src(%dma_wait3A_179 : memref<128xi32, #tpu.memory_space<hbm>>) dst(%arg6 : memref<128xi32, #tpu.memory_space<vmem>>)
        tpu.yield
      }) : () -> ()
      "tpu.region"() ({
        %run_scoped3A = tpu.sem_alloc : memref<!tpu.dma_semaphore, #tpu.memory_space<semaphore_mem>>
        %dma_start3A_176 = tpu.memref_slice %arg4[%add3A_113] : memref<163840xi32, #tpu.memory_space<hbm>> -> memref<128xi32, #tpu.memory_space<hbm>>
        %dma_start3A_177 = tpu.memref_slice %arg4[%add3A_113] : memref<163840xi32, #tpu.memory_space<hbm>> -> memref<128xi32, #tpu.memory_space<hbm>>
        tpu.enqueue_dma source(%dma_start3A_177 : memref<128xi32, #tpu.memory_space<hbm>>) target(%arg9 : memref<128xi32, #tpu.memory_space<vmem>>) target_semaphore(%run_scoped3A : memref<!tpu.dma_semaphore, #tpu.memory_space<semaphore_mem>>)
        %dma_wait3A_178 = tpu.memref_slice %arg4[%add3A_113] : memref<163840xi32, #tpu.memory_space<hbm>> -> memref<128xi32, #tpu.memory_space<hbm>>
        %dma_wait3A_179 = tpu.memref_slice %arg4[%add3A_113] : memref<163840xi32, #tpu.memory_space<hbm>> -> memref<128xi32, #tpu.memory_space<hbm>>
        tpu.wait_dma2 semaphore(%run_scoped3A : memref<!tpu.dma_semaphore, #tpu.memory_space<semaphore_mem>>) src(%dma_wait3A_179 : memref<128xi32, #tpu.memory_space<hbm>>) dst(%arg9 : memref<128xi32, #tpu.memory_space<vmem>>)
        tpu.yield
      }) : () -> ()
      %get3A_119 = arith.constant 0 : index
      %get3A_120 = tpu.vector_load %arg6[%get3A_119] {strides = array<i32>} : memref<128xi32, #tpu.memory_space<vmem>>, vector<16xi32>,
      %add3A_121 = vector.broadcast %mul3A_14 : i32 to vector<16xi32>
      %add3A_122 = arith.addi %get3A_120, %add3A_121 : vector<16xi32>
      %swap3A_123 = arith.constant 0 : index
      %swap3A_124 = tpu.vector_load %arg7[%swap3A_123] {strides = array<i32>} : memref<128xi32, #tpu.memory_space<vmem>>, vector<16xi32>,
      tpu.vector_store %arg7[%swap3A_123], %add3A_122 {strides = array<i32>} : memref<128xi32, #tpu.memory_space<vmem>>, vector<16xi32>,
      %get3A_125 = arith.constant 16 : index
      %get3A_126 = tpu.vector_load %arg6[%get3A_125] {strides = array<i32>} : memref<128xi32, #tpu.memory_space<vmem>>, vector<16xi32>,
      %add3A_127 = vector.broadcast %mul3A_14 : i32 to vector<16xi32>
      %add3A_128 = arith.addi %get3A_126, %add3A_127 : vector<16xi32>
      %swap3A_129 = arith.constant 16 : index
      %swap3A_130 = tpu.vector_load %arg7[%swap3A_129] {strides = array<i32>} : memref<128xi32, #tpu.memory_space<vmem>>, vector<16xi32>,
      tpu.vector_store %arg7[%swap3A_129], %add3A_128 {strides = array<i32>} : memref<128xi32, #tpu.memory_space<vmem>>, vector<16xi32>,
      %get3A_131 = arith.constant 32 : index
      %get3A_132 = tpu.vector_load %arg6[%get3A_131] {strides = array<i32>} : memref<128xi32, #tpu.memory_space<vmem>>, vector<16xi32>,
      %add3A_133 = vector.broadcast %mul3A_14 : i32 to vector<16xi32>
      %add3A_134 = arith.addi %get3A_132, %add3A_133 : vector<16xi32>
      %swap3A_135 = arith.constant 32 : index
      %swap3A_136 = tpu.vector_load %arg7[%swap3A_135] {strides = array<i32>} : memref<128xi32, #tpu.memory_space<vmem>>, vector<16xi32>,
      tpu.vector_store %arg7[%swap3A_135], %add3A_134 {strides = array<i32>} : memref<128xi32, #tpu.memory_space<vmem>>, vector<16xi32>,
      %get3A_137 = arith.constant 48 : index
      %get3A_138 = tpu.vector_load %arg6[%get3A_137] {strides = array<i32>} : memref<128xi32, #tpu.memory_space<vmem>>, vector<16xi32>,
      %add3A_139 = vector.broadcast %mul3A_14 : i32 to vector<16xi32>
      %add3A_140 = arith.addi %get3A_138, %add3A_139 : vector<16xi32>
      %swap3A_141 = arith.constant 48 : index
      %swap3A_142 = tpu.vector_load %arg7[%swap3A_141] {strides = array<i32>} : memref<128xi32, #tpu.memory_space<vmem>>, vector<16xi32>,
      tpu.vector_store %arg7[%swap3A_141], %add3A_140 {strides = array<i32>} : memref<128xi32, #tpu.memory_space<vmem>>, vector<16xi32>,
      %get3A_143 = arith.constant 64 : index
      %get3A_144 = tpu.vector_load %arg6[%get3A_143] {strides = array<i32>} : memref<128xi32, #tpu.memory_space<vmem>>, vector<16xi32>,
      %add3A_145 = vector.broadcast %mul3A_14 : i32 to vector<16xi32>
      %add3A_146 = arith.addi %get3A_144, %add3A_145 : vector<16xi32>
      %swap3A_147 = arith.constant 64 : index
      %swap3A_148 = tpu.vector_load %arg7[%swap3A_147] {strides = array<i32>} : memref<128xi32, #tpu.memory_space<vmem>>, vector<16xi32>,
      tpu.vector_store %arg7[%swap3A_147], %add3A_146 {strides = array<i32>} : memref<128xi32, #tpu.memory_space<vmem>>, vector<16xi32>,
      %get3A_149 = arith.constant 80 : index
      %get3A_150 = tpu.vector_load %arg6[%get3A_149] {strides = array<i32>} : memref<128xi32, #tpu.memory_space<vmem>>, vector<16xi32>,
      %add3A_151 = vector.broadcast %mul3A_14 : i32 to vector<16xi32>
      %add3A_152 = arith.addi %get3A_150, %add3A_151 : vector<16xi32>
      %swap3A_153 = arith.constant 80 : index
      %swap3A_154 = tpu.vector_load %arg7[%swap3A_153] {strides = array<i32>} : memref<128xi32, #tpu.memory_space<vmem>>, vector<16xi32>,
      tpu.vector_store %arg7[%swap3A_153], %add3A_152 {strides = array<i32>} : memref<128xi32, #tpu.memory_space<vmem>>, vector<16xi32>,
      %get3A_155 = arith.constant 96 : index
      %get3A_156 = tpu.vector_load %arg6[%get3A_155] {strides = array<i32>} : memref<128xi32, #tpu.memory_space<vmem>>, vector<16xi32>,
      %add3A_157 = vector.broadcast %mul3A_14 : i32 to vector<16xi32>
      %add3A_158 = arith.addi %get3A_156, %add3A_157 : vector<16xi32>
      %swap3A_159 = arith.constant 96 : index
      %swap3A_160 = tpu.vector_load %arg7[%swap3A_159] {strides = array<i32>} : memref<128xi32, #tpu.memory_space<vmem>>, vector<16xi32>,
      tpu.vector_store %arg7[%swap3A_159], %add3A_158 {strides = array<i32>} : memref<128xi32, #tpu.memory_space<vmem>>, vector<16xi32>,
      %get3A_161 = arith.constant 112 : index
      %get3A_162 = tpu.vector_load %arg6[%get3A_161] {strides = array<i32>} : memref<128xi32, #tpu.memory_space<vmem>>, vector<16xi32>,
      %add3A_163 = vector.broadcast %mul3A_14 : i32 to vector<16xi32>
      %add3A_164 = arith.addi %get3A_162, %add3A_163 : vector<16xi32>
      %swap3A_165 = arith.constant 112 : index
      %swap3A_166 = tpu.vector_load %arg7[%swap3A_165] {strides = array<i32>} : memref<128xi32, #tpu.memory_space<vmem>>, vector<16xi32>,
      tpu.vector_store %arg7[%swap3A_165], %add3A_164 {strides = array<i32>} : memref<128xi32, #tpu.memory_space<vmem>>, vector<16xi32>,
      %dma_start3A_167 = arith.constant 0 : i32
      %dma_start3A_168 = arith.constant 0 : i32
      %dma_start3A_169 = tpu.memref_slice %arg2[%dma_start3A_167, %dma_start3A_168] : memref<20480x128xf32, #tpu.memory_space<hbm>> -> memref<20480x128xf32, #tpu.memory_space<hbm>>
      tpu.enqueue_indirect_dma source(%dma_start3A_169 : memref<20480x128xf32, #tpu.memory_space<hbm>>) target(%arg11 : memref<128x128xf32, #tpu.memory_space<vmem>>) offsets(%arg7 : memref<128xi32, #tpu.memory_space<vmem>>) semaphore(%arg13 : memref<!tpu.dma_semaphore, #tpu.memory_space<semaphore_mem>>)
      %dma_wait3A_170 = arith.constant 0 : i32
      %dma_wait3A_171 = arith.constant 0 : i32
      %dma_wait3A_172 = tpu.memref_slice %arg2[%dma_wait3A_170, %dma_wait3A_171] : memref<20480x128xf32, #tpu.memory_space<hbm>> -> memref<20480x128xf32, #tpu.memory_space<hbm>>
      tpu.wait_indirect_dma semaphore(%arg13 : memref<!tpu.dma_semaphore, #tpu.memory_space<semaphore_mem>>) src(%dma_wait3A_172 : memref<20480x128xf32, #tpu.memory_space<hbm>>) dst(%arg11 : memref<128x128xf32, #tpu.memory_space<vmem>>)
      %dma_start3A_173 = arith.constant 0 : i32
      %dma_start3A_174 = arith.constant 0 : i32
      %dma_start3A_175 = tpu.memref_slice %arg12[%dma_start3A_173, %dma_start3A_174] : memref<10240x128xf32, #tpu.memory_space<vmem_shared>> -> memref<10240x128xf32, #tpu.memory_space<vmem_shared>>
      tpu.enqueue_indirect_dma source(%arg11 : memref<128x128xf32, #tpu.memory_space<vmem>>) target(%dma_start3A_175 : memref<10240x128xf32, #tpu.memory_space<vmem_shared>>) offsets(%arg9 : memref<128xi32, #tpu.memory_space<vmem>>) semaphore(%arg15 : memref<!tpu.dma_semaphore, #tpu.memory_space<semaphore_mem>>) {add = true}
    }
    %scan3A_20 = arith.constant 40 : i32
    %dma_wait3A = arith.constant 0 : i32
    %dma_wait3A_21 = arith.constant 0 : i32
    %dma_wait3A_22 = tpu.memref_slice %arg2[%dma_wait3A, %dma_wait3A_21] : memref<20480x128xf32, #tpu.memory_space<hbm>> -> memref<128x128xf32, #tpu.memory_space<hbm>>
    %dma_wait3A_23 = arith.constant 0 : i32
    %dma_wait3A_24 = arith.constant 0 : i32
    %dma_wait3A_25 = tpu.memref_slice %arg2[%dma_wait3A_23, %dma_wait3A_24] : memref<20480x128xf32, #tpu.memory_space<hbm>> -> memref<128x128xf32, #tpu.memory_space<hbm>>
    tpu.wait_dma2 semaphore(%arg14 : memref<!tpu.dma_semaphore, #tpu.memory_space<semaphore_mem>>) src(%dma_wait3A_25 : memref<128x128xf32, #tpu.memory_space<hbm>>) dst(%arg10 : memref<128x128xf32, #tpu.memory_space<vmem>>)
    %dma_wait3A_26 = arith.constant 0 : i32
    %dma_wait3A_27 = arith.constant 0 : i32
    %dma_wait3A_28 = tpu.memref_slice %arg2[%dma_wait3A_26, %dma_wait3A_27] : memref<20480x128xf32, #tpu.memory_space<hbm>> -> memref<128x128xf32, #tpu.memory_space<hbm>>
    %dma_wait3A_29 = arith.constant 0 : i32
    %dma_wait3A_30 = arith.constant 0 : i32
    %dma_wait3A_31 = tpu.memref_slice %arg2[%dma_wait3A_29, %dma_wait3A_30] : memref<20480x128xf32, #tpu.memory_space<hbm>> -> memref<128x128xf32, #tpu.memory_space<hbm>>
    tpu.wait_dma2 semaphore(%arg15 : memref<!tpu.dma_semaphore, #tpu.memory_space<semaphore_mem>>) src(%dma_wait3A_31 : memref<128x128xf32, #tpu.memory_space<hbm>>) dst(%arg11 : memref<128x128xf32, #tpu.memory_space<vmem>>)
    %barrier3A_32 = arith.constant 0 : index
    tpu.barrier barrier_id(%barrier3A_32)
    %mul3A_33 = arith.constant 640 : i32
    %mul3A_34 = arith.muli %arg1, %mul3A_33 : i32
    %eq3A = arith.constant 0 : i32
    %eq3A_35 = arith.cmpi eq, %arg0, %eq3A : i32
    %convert_element_type3A = arith.extui %eq3A_35 : i1 to i32
    %cond3A = arith.constant 0 : i32
    %cond3A_36 = arith.cmpi ne, %convert_element_type3A, %cond3A : i32
    scf.if %cond3A_36 {
      %run_scoped3A = arith.constant 0 : i32
      "tpu.region"() ({
        %run_scoped3A_42 = tpu.sem_alloc : memref<!tpu.dma_semaphore, #tpu.memory_space<semaphore_mem>>
        %dma_start3A = arith.constant 0 : i32
        %dma_start3A_43 = tpu.memref_slice %arg5[%run_scoped3A, %mul3A_34, %dma_start3A] : memref<2x10240x128xf32, #tpu.memory_space<hbm>> -> memref<1x640x128xf32, #tpu.memory_space<hbm>>
        %dma_start3A_44 = tpu.memref_squeeze %dma_start3A_43 : memref<1x640x128xf32, #tpu.memory_space<hbm>> -> memref<640x128xf32, #tpu.memory_space<hbm>>
        %dma_start3A_45 = arith.constant 0 : i32
        %dma_start3A_46 = tpu.memref_slice %arg12[%mul3A_34, %dma_start3A_45] : memref<10240x128xf32, #tpu.memory_space<vmem_shared>> -> memref<640x128xf32, #tpu.memory_space<vmem_shared>>
        tpu.enqueue_dma source(%dma_start3A_46 : memref<640x128xf32, #tpu.memory_space<vmem_shared>>) target(%dma_start3A_44 : memref<640x128xf32, #tpu.memory_space<hbm>>) target_semaphore(%run_scoped3A_42 : memref<!tpu.dma_semaphore, #tpu.memory_space<semaphore_mem>>)
        %dma_wait3A_47 = arith.constant 0 : i32
        %dma_wait3A_48 = tpu.memref_slice %arg5[%run_scoped3A, %mul3A_34, %dma_wait3A_47] : memref<2x10240x128xf32, #tpu.memory_space<hbm>> -> memref<1x640x128xf32, #tpu.memory_space<hbm>>
        %dma_wait3A_49 = tpu.memref_squeeze %dma_wait3A_48 : memref<1x640x128xf32, #tpu.memory_space<hbm>> -> memref<640x128xf32, #tpu.memory_space<hbm>>
        %dma_wait3A_50 = arith.constant 0 : i32
        %dma_wait3A_51 = tpu.memref_slice %arg12[%mul3A_34, %dma_wait3A_50] : memref<10240x128xf32, #tpu.memory_space<vmem_shared>> -> memref<640x128xf32, #tpu.memory_space<vmem_shared>>
        tpu.wait_dma2 semaphore(%run_scoped3A_42 : memref<!tpu.dma_semaphore, #tpu.memory_space<semaphore_mem>>) src(%dma_wait3A_51 : memref<640x128xf32, #tpu.memory_space<vmem_shared>>) dst(%dma_wait3A_49 : memref<640x128xf32, #tpu.memory_space<hbm>>)
        tpu.yield
      }) : () -> ()
    } else {
    }
    %eq3A_37 = arith.constant 1 : i32
    %eq3A_38 = arith.cmpi eq, %arg0, %eq3A_37 : i32
    %convert_element_type3A_39 = arith.extui %eq3A_38 : i1 to i32
    %cond3A_40 = arith.constant 0 : i32
    %cond3A_41 = arith.cmpi ne, %convert_element_type3A_39, %cond3A_40 : i32
    scf.if %cond3A_41 {
      %run_scoped3A = arith.constant 1 : i32
      "tpu.region"() ({
        %run_scoped3A_42 = tpu.sem_alloc : memref<!tpu.dma_semaphore, #tpu.memory_space<semaphore_mem>>
        %dma_start3A = arith.constant 0 : i32
        %dma_start3A_43 = tpu.memref_slice %arg5[%run_scoped3A, %mul3A_34, %dma_start3A] : memref<2x10240x128xf32, #tpu.memory_space<hbm>> -> memref<1x640x128xf32, #tpu.memory_space<hbm>>
        %dma_start3A_44 = tpu.memref_squeeze %dma_start3A_43 : memref<1x640x128xf32, #tpu.memory_space<hbm>> -> memref<640x128xf32, #tpu.memory_space<hbm>>
        %dma_start3A_45 = arith.constant 0 : i32
        %dma_start3A_46 = tpu.memref_slice %arg12[%mul3A_34, %dma_start3A_45] : memref<10240x128xf32, #tpu.memory_space<vmem_shared>> -> memref<640x128xf32, #tpu.memory_space<vmem_shared>>
        tpu.enqueue_dma source(%dma_start3A_46 : memref<640x128xf32, #tpu.memory_space<vmem_shared>>) target(%dma_start3A_44 : memref<640x128xf32, #tpu.memory_space<hbm>>) target_semaphore(%run_scoped3A_42 : memref<!tpu.dma_semaphore, #tpu.memory_space<semaphore_mem>>)
        %dma_wait3A_47 = arith.constant 0 : i32
        %dma_wait3A_48 = tpu.memref_slice %arg5[%run_scoped3A, %mul3A_34, %dma_wait3A_47] : memref<2x10240x128xf32, #tpu.memory_space<hbm>> -> memref<1x640x128xf32, #tpu.memory_space<hbm>>
        %dma_wait3A_49 = tpu.memref_squeeze %dma_wait3A_48 : memref<1x640x128xf32, #tpu.memory_space<hbm>> -> memref<640x128xf32, #tpu.memory_space<hbm>>
        %dma_wait3A_50 = arith.constant 0 : i32
        %dma_wait3A_51 = tpu.memref_slice %arg12[%mul3A_34, %dma_wait3A_50] : memref<10240x128xf32, #tpu.memory_space<vmem_shared>> -> memref<640x128xf32, #tpu.memory_space<vmem_shared>>
        tpu.wait_dma2 semaphore(%run_scoped3A_42 : memref<!tpu.dma_semaphore, #tpu.memory_space<semaphore_mem>>) src(%dma_wait3A_51 : memref<640x128xf32, #tpu.memory_space<vmem_shared>>) dst(%dma_wait3A_49 : memref<640x128xf32, #tpu.memory_space<hbm>>)
        tpu.yield
      }) : () -> ()
    } else {
    }
    return
  }
}

#map = affine_map<(d0, d1) -> (0)>
module attributes {stable_mosaic.version = 14 : i64} {
  func.func @_attns_body(%arg0: i32, %arg1: i32, %arg2: memref<10240xf32, #tpu.memory_space<hbm>>, %arg3: memref<10240xf32, #tpu.memory_space<hbm>>, %arg4: memref<163840xi32, #tpu.memory_space<hbm>>, %arg5: memref<163840xi32, #tpu.memory_space<hbm>>, %arg6: memref<163840xf32, #tpu.memory_space<hbm>>, %arg7: memref<10240xf32, #tpu.memory_space<hbm>>, %arg8: memref<10240xf32, #tpu.memory_space<vmem>>, %arg9: memref<10240xf32, #tpu.memory_space<vmem>>, %arg10: memref<10240xi32, #tpu.memory_space<vmem>>, %arg11: memref<10240xi32, #tpu.memory_space<vmem>>, %arg12: memref<10240xf32, #tpu.memory_space<vmem>>, %arg13: memref<10240xf32, #tpu.memory_space<vmem>>, %arg14: memref<10240xf32, #tpu.memory_space<vmem>>, %arg15: memref<640xf32, #tpu.memory_space<vmem>>, %arg16: memref<640xf32, #tpu.memory_space<vmem>>, %arg17: memref<16x10240xf32, #tpu.memory_space<vmem_shared>>) attributes {dimension_semantics = [#tpu.dimension_semantics<core_parallel>, #tpu.dimension_semantics<subcore_parallel>], iteration_bounds = array<i64: 2, 16>, scalar_prefetch = 0 : i64, scratch_operands = 10 : i64, tpu.core_type = #tpu.core_type<sc_vector_subcore>, window_params = [{transform_indices = #map}, {transform_indices = #map}, {transform_indices = #map}, {transform_indices = #map}, {transform_indices = #map}, {transform_indices = #map}]} {
    "tpu.region"() ({
      %run_scoped3A_50 = tpu.sem_alloc : memref<!tpu.dma_semaphore, #tpu.memory_space<semaphore_mem>>
      tpu.enqueue_dma source(%arg2 : memref<10240xf32, #tpu.memory_space<hbm>>) target(%arg8 : memref<10240xf32, #tpu.memory_space<vmem>>) target_semaphore(%run_scoped3A_50 : memref<!tpu.dma_semaphore, #tpu.memory_space<semaphore_mem>>)
      tpu.wait_dma2 semaphore(%run_scoped3A_50 : memref<!tpu.dma_semaphore, #tpu.memory_space<semaphore_mem>>) src(%arg2 : memref<10240xf32, #tpu.memory_space<hbm>>) dst(%arg8 : memref<10240xf32, #tpu.memory_space<vmem>>)
      tpu.yield
    }) : () -> ()
    "tpu.region"() ({
      %run_scoped3A_50 = tpu.sem_alloc : memref<!tpu.dma_semaphore, #tpu.memory_space<semaphore_mem>>
      tpu.enqueue_dma source(%arg3 : memref<10240xf32, #tpu.memory_space<hbm>>) target(%arg9 : memref<10240xf32, #tpu.memory_space<vmem>>) target_semaphore(%run_scoped3A_50 : memref<!tpu.dma_semaphore, #tpu.memory_space<semaphore_mem>>)
      tpu.wait_dma2 semaphore(%run_scoped3A_50 : memref<!tpu.dma_semaphore, #tpu.memory_space<semaphore_mem>>) src(%arg3 : memref<10240xf32, #tpu.memory_space<hbm>>) dst(%arg9 : memref<10240xf32, #tpu.memory_space<vmem>>)
      tpu.yield
    }) : () -> ()
    %mul3A = arith.constant 10240 : i32
    %mul3A_0 = arith.muli %arg1, %mul3A : i32
    "tpu.region"() ({
      %run_scoped3A_50 = tpu.sem_alloc : memref<!tpu.dma_semaphore, #tpu.memory_space<semaphore_mem>>
      %dma_start3A = tpu.memref_slice %arg4[%mul3A_0] : memref<163840xi32, #tpu.memory_space<hbm>> -> memref<10240xi32, #tpu.memory_space<hbm>>
      %dma_start3A_51 = tpu.memref_slice %arg4[%mul3A_0] : memref<163840xi32, #tpu.memory_space<hbm>> -> memref<10240xi32, #tpu.memory_space<hbm>>
      tpu.enqueue_dma source(%dma_start3A_51 : memref<10240xi32, #tpu.memory_space<hbm>>) target(%arg10 : memref<10240xi32, #tpu.memory_space<vmem>>) target_semaphore(%run_scoped3A_50 : memref<!tpu.dma_semaphore, #tpu.memory_space<semaphore_mem>>)
      %dma_wait3A = tpu.memref_slice %arg4[%mul3A_0] : memref<163840xi32, #tpu.memory_space<hbm>> -> memref<10240xi32, #tpu.memory_space<hbm>>
      %dma_wait3A_52 = tpu.memref_slice %arg4[%mul3A_0] : memref<163840xi32, #tpu.memory_space<hbm>> -> memref<10240xi32, #tpu.memory_space<hbm>>
      tpu.wait_dma2 semaphore(%run_scoped3A_50 : memref<!tpu.dma_semaphore, #tpu.memory_space<semaphore_mem>>) src(%dma_wait3A_52 : memref<10240xi32, #tpu.memory_space<hbm>>) dst(%arg10 : memref<10240xi32, #tpu.memory_space<vmem>>)
      tpu.yield
    }) : () -> ()
    "tpu.region"() ({
      %run_scoped3A_50 = tpu.sem_alloc : memref<!tpu.dma_semaphore, #tpu.memory_space<semaphore_mem>>
      %dma_start3A = tpu.memref_slice %arg5[%mul3A_0] : memref<163840xi32, #tpu.memory_space<hbm>> -> memref<10240xi32, #tpu.memory_space<hbm>>
      %dma_start3A_51 = tpu.memref_slice %arg5[%mul3A_0] : memref<163840xi32, #tpu.memory_space<hbm>> -> memref<10240xi32, #tpu.memory_space<hbm>>
      tpu.enqueue_dma source(%dma_start3A_51 : memref<10240xi32, #tpu.memory_space<hbm>>) target(%arg11 : memref<10240xi32, #tpu.memory_space<vmem>>) target_semaphore(%run_scoped3A_50 : memref<!tpu.dma_semaphore, #tpu.memory_space<semaphore_mem>>)
      %dma_wait3A = tpu.memref_slice %arg5[%mul3A_0] : memref<163840xi32, #tpu.memory_space<hbm>> -> memref<10240xi32, #tpu.memory_space<hbm>>
      %dma_wait3A_52 = tpu.memref_slice %arg5[%mul3A_0] : memref<163840xi32, #tpu.memory_space<hbm>> -> memref<10240xi32, #tpu.memory_space<hbm>>
      tpu.wait_dma2 semaphore(%run_scoped3A_50 : memref<!tpu.dma_semaphore, #tpu.memory_space<semaphore_mem>>) src(%dma_wait3A_52 : memref<10240xi32, #tpu.memory_space<hbm>>) dst(%arg11 : memref<10240xi32, #tpu.memory_space<vmem>>)
      tpu.yield
    }) : () -> ()
    %broadcast_in_dim3A = arith.constant 0xFF800000 : f32
    %broadcast_in_dim3A_1 = vector.broadcast %broadcast_in_dim3A : f32 to vector<16xf32>
    %scan3A = arith.constant 0 : i32
    %scan3A_2 = arith.constant 0 : i32
    %scan3A_3 = arith.constant 640 : i32
    %scan3A_4 = arith.addi %scan3A_2, %scan3A_3 : i32
    %scan3A_5 = arith.constant 1 : i32
    scf.for %scan3A_50 = %scan3A_2 to %scan3A_4 step %scan3A_5  : i32 {
      %mul3A_51 = arith.constant 16 : i32
      %mul3A_52 = arith.muli %scan3A_50, %mul3A_51 : i32
      %swap3A = arith.index_cast %mul3A_52 : i32 to index
      %swap3A_53 = tpu.vector_load %arg13[%swap3A] {strides = array<i32>} : memref<10240xf32, #tpu.memory_space<vmem>>, vector<16xf32>,
      tpu.vector_store %arg13[%swap3A], %broadcast_in_dim3A_1 {strides = array<i32>} : memref<10240xf32, #tpu.memory_space<vmem>>, vector<16xf32>,
    }
    %scan3A_6 = arith.constant 640 : i32
    %scan3A_7 = arith.constant 0 : i32
    %scan3A_8 = arith.constant 0 : i32
    %scan3A_9 = arith.constant 640 : i32
    %scan3A_10 = arith.addi %scan3A_8, %scan3A_9 : i32
    %scan3A_11 = arith.constant 1 : i32
    scf.for %scan3A_50 = %scan3A_8 to %scan3A_10 step %scan3A_11  : i32 {
      %mul3A_51 = arith.constant 16 : i32
      %mul3A_52 = arith.muli %scan3A_50, %mul3A_51 : i32
      %get3A = arith.index_cast %mul3A_52 : i32 to index
      %get3A_53 = tpu.vector_load %arg10[%get3A] {strides = array<i32>} : memref<10240xi32, #tpu.memory_space<vmem>>, vector<16xi32>,
      %mul3A_54 = arith.constant 16 : i32
      %mul3A_55 = arith.muli %scan3A_50, %mul3A_54 : i32
      %get3A_56 = arith.index_cast %mul3A_55 : i32 to index
      %get3A_57 = tpu.vector_load %arg11[%get3A_56] {strides = array<i32>} : memref<10240xi32, #tpu.memory_space<vmem>>, vector<16xi32>,
      %gather3A = tpu.vector_load_idx %arg8[%get3A_53] : memref<10240xf32, #tpu.memory_space<vmem>>[vector<16xi32>], vector<16xf32>,
      %gather3A_58 = tpu.vector_load_idx %arg9[%get3A_57] : memref<10240xf32, #tpu.memory_space<vmem>>[vector<16xi32>], vector<16xf32>,
      %add3A_59 = arith.addf %gather3A, %gather3A_58 : vector<16xf32>
      %gt3A = arith.constant 0.000000e+00 : f32
      %gt3A_60 = vector.broadcast %gt3A : f32 to vector<16xf32>
      %gt3A_61 = arith.cmpf ogt, %add3A_59, %gt3A_60 : vector<16xf32>
      %mul3A_62 = arith.constant 2.000000e-01 : f32
      %mul3A_63 = vector.broadcast %mul3A_62 : f32 to vector<16xf32>
      %mul3A_64 = arith.mulf %add3A_59, %mul3A_63 : vector<16xf32>
      %select_n3A = arith.select %gt3A_61, %add3A_59, %mul3A_64 : vector<16xi1>, vector<16xf32>
      %mul3A_65 = arith.constant 16 : i32
      %mul3A_66 = arith.muli %scan3A_50, %mul3A_65 : i32
      %swap3A = arith.index_cast %mul3A_66 : i32 to index
      %swap3A_67 = tpu.vector_load %arg12[%swap3A] {strides = array<i32>} : memref<10240xf32, #tpu.memory_space<vmem>>, vector<16xf32>,
      tpu.vector_store %arg12[%swap3A], %select_n3A {strides = array<i32>} : memref<10240xf32, #tpu.memory_space<vmem>>, vector<16xf32>,
      %gather3A_68 = tpu.vector_load_idx %arg13[%get3A_57] : memref<10240xf32, #tpu.memory_space<vmem>>[vector<16xi32>], vector<16xf32>,
      %gt3A_69 = arith.cmpf ogt, %select_n3A, %gather3A_68 : vector<16xf32>
      %while3A = scf.while (%while3A_70 = %gt3A_69) : (vector<16xi1>) -> vector<16xi1> {
        %convert_element_type3A_71 = arith.extui %while3A_70 : vector<16xi1> to vector<16xi32>
        %reduce_max3A = arith.constant true
        %reduce_max3A_72 = vector.broadcast %reduce_max3A : i1 to vector<16xi1>
        %reduce_max3A_73 = arith.constant -2147483648 : i32
        %reduce_max3A_74 = vector.broadcast %reduce_max3A_73 : i32 to vector<16xi32>
        %reduce_max3A_75 = arith.xori %convert_element_type3A_71, %reduce_max3A_74 : vector<16xi32>
        %reduce_max3A_76 = tpu.scan <max>, %reduce_max3A_75 masked %reduce_max3A_72 : vector<16xi32>, vector<16xi1> -> vector<16xi32>
        %reduce_max3A_77 = arith.xori %reduce_max3A_76, %reduce_max3A_74 : vector<16xi32>
        %reduce_max3A_78 = vector.extract %reduce_max3A_77[15] : i32 from vector<16xi32>
        %gt3A_79 = arith.constant 0 : i32
        %gt3A_80 = arith.cmpi sgt, %reduce_max3A_78, %gt3A_79 : i32
        scf.condition(%gt3A_80) %while3A_70 : vector<16xi1>
      } do {
      ^bb0(%while3A_70: vector<16xi1>):
        tpu.vector_store_idx %arg13[%get3A_57], %select_n3A masked %while3A_70 : memref<10240xf32, #tpu.memory_space<vmem>>[vector<16xi32>], vector<16xf32>, vector<16xi1>
        %gather3A_71 = tpu.vector_load_idx %arg13[%get3A_57] : memref<10240xf32, #tpu.memory_space<vmem>>[vector<16xi32>], vector<16xf32>,
        %gt3A_72 = arith.cmpf ogt, %select_n3A, %gather3A_71 : vector<16xf32>
        %and3A = arith.andi %while3A_70, %gt3A_72 : vector<16xi1>
        scf.yield %and3A : vector<16xi1>
      }
    }
    %scan3A_12 = arith.constant 640 : i32
    "tpu.region"() ({
      %run_scoped3A_50 = tpu.sem_alloc : memref<!tpu.dma_semaphore, #tpu.memory_space<semaphore_mem>>
      %dma_start3A = arith.constant 0 : i32
      %dma_start3A_51 = tpu.memref_slice %arg17[%arg1, %dma_start3A] : memref<16x10240xf32, #tpu.memory_space<vmem_shared>> -> memref<1x10240xf32, #tpu.memory_space<vmem_shared>>
      %dma_start3A_52 = tpu.memref_squeeze %dma_start3A_51 : memref<1x10240xf32, #tpu.memory_space<vmem_shared>> -> memref<10240xf32, #tpu.memory_space<vmem_shared>>
      %dma_start3A_53 = arith.constant 0 : i32
      %dma_start3A_54 = tpu.memref_slice %arg17[%arg1, %dma_start3A_53] : memref<16x10240xf32, #tpu.memory_space<vmem_shared>> -> memref<1x10240xf32, #tpu.memory_space<vmem_shared>>
      %dma_start3A_55 = tpu.memref_squeeze %dma_start3A_54 : memref<1x10240xf32, #tpu.memory_space<vmem_shared>> -> memref<10240xf32, #tpu.memory_space<vmem_shared>>
      tpu.enqueue_dma source(%arg13 : memref<10240xf32, #tpu.memory_space<vmem>>) target(%dma_start3A_55 : memref<10240xf32, #tpu.memory_space<vmem_shared>>) target_semaphore(%run_scoped3A_50 : memref<!tpu.dma_semaphore, #tpu.memory_space<semaphore_mem>>)
      %dma_wait3A = arith.constant 0 : i32
      %dma_wait3A_56 = tpu.memref_slice %arg17[%arg1, %dma_wait3A] : memref<16x10240xf32, #tpu.memory_space<vmem_shared>> -> memref<1x10240xf32, #tpu.memory_space<vmem_shared>>
      %dma_wait3A_57 = tpu.memref_squeeze %dma_wait3A_56 : memref<1x10240xf32, #tpu.memory_space<vmem_shared>> -> memref<10240xf32, #tpu.memory_space<vmem_shared>>
      %dma_wait3A_58 = arith.constant 0 : i32
      %dma_wait3A_59 = tpu.memref_slice %arg17[%arg1, %dma_wait3A_58] : memref<16x10240xf32, #tpu.memory_space<vmem_shared>> -> memref<1x10240xf32, #tpu.memory_space<vmem_shared>>
      %dma_wait3A_60 = tpu.memref_squeeze %dma_wait3A_59 : memref<1x10240xf32, #tpu.memory_space<vmem_shared>> -> memref<10240xf32, #tpu.memory_space<vmem_shared>>
      tpu.wait_dma2 semaphore(%run_scoped3A_50 : memref<!tpu.dma_semaphore, #tpu.memory_space<semaphore_mem>>) src(%arg13 : memref<10240xf32, #tpu.memory_space<vmem>>) dst(%dma_wait3A_60 : memref<10240xf32, #tpu.memory_space<vmem_shared>>)
      tpu.yield
    }) : () -> ()
    %barrier3A = arith.constant 0 : index
    tpu.barrier barrier_id(%barrier3A)
    %mul3A_13 = arith.constant 640 : i32
    %mul3A_14 = arith.muli %arg1, %mul3A_13 : i32
    %run_scoped3A = arith.constant 0 : i32
    "tpu.region"() ({
      %run_scoped3A_50 = tpu.sem_alloc : memref<!tpu.dma_semaphore, #tpu.memory_space<semaphore_mem>>
      %dma_start3A = tpu.memref_slice %arg17[%run_scoped3A, %mul3A_14] : memref<16x10240xf32, #tpu.memory_space<vmem_shared>> -> memref<1x640xf32, #tpu.memory_space<vmem_shared>>
      %dma_start3A_51 = tpu.memref_squeeze %dma_start3A : memref<1x640xf32, #tpu.memory_space<vmem_shared>> -> memref<640xf32, #tpu.memory_space<vmem_shared>>
      %dma_start3A_52 = tpu.memref_slice %arg17[%run_scoped3A, %mul3A_14] : memref<16x10240xf32, #tpu.memory_space<vmem_shared>> -> memref<1x640xf32, #tpu.memory_space<vmem_shared>>
      %dma_start3A_53 = tpu.memref_squeeze %dma_start3A_52 : memref<1x640xf32, #tpu.memory_space<vmem_shared>> -> memref<640xf32, #tpu.memory_space<vmem_shared>>
      tpu.enqueue_dma source(%dma_start3A_53 : memref<640xf32, #tpu.memory_space<vmem_shared>>) target(%arg16 : memref<640xf32, #tpu.memory_space<vmem>>) target_semaphore(%run_scoped3A_50 : memref<!tpu.dma_semaphore, #tpu.memory_space<semaphore_mem>>)
      %dma_wait3A = tpu.memref_slice %arg17[%run_scoped3A, %mul3A_14] : memref<16x10240xf32, #tpu.memory_space<vmem_shared>> -> memref<1x640xf32, #tpu.memory_space<vmem_shared>>
      %dma_wait3A_54 = tpu.memref_squeeze %dma_wait3A : memref<1x640xf32, #tpu.memory_space<vmem_shared>> -> memref<640xf32, #tpu.memory_space<vmem_shared>>
      %dma_wait3A_55 = tpu.memref_slice %arg17[%run_scoped3A, %mul3A_14] : memref<16x10240xf32, #tpu.memory_space<vmem_shared>> -> memref<1x640xf32, #tpu.memory_space<vmem_shared>>
      %dma_wait3A_56 = tpu.memref_squeeze %dma_wait3A_55 : memref<1x640xf32, #tpu.memory_space<vmem_shared>> -> memref<640xf32, #tpu.memory_space<vmem_shared>>
      tpu.wait_dma2 semaphore(%run_scoped3A_50 : memref<!tpu.dma_semaphore, #tpu.memory_space<semaphore_mem>>) src(%dma_wait3A_56 : memref<640xf32, #tpu.memory_space<vmem_shared>>) dst(%arg16 : memref<640xf32, #tpu.memory_space<vmem>>)
      tpu.yield
    }) : () -> ()
    %scan3A_15 = arith.constant 0 : i32
    %scan3A_16 = arith.constant 1 : i32
    %scan3A_17 = arith.constant 15 : i32
    %scan3A_18 = arith.addi %scan3A_16, %scan3A_17 : i32
    %scan3A_19 = arith.constant 1 : i32
    scf.for %scan3A_50 = %scan3A_16 to %scan3A_18 step %scan3A_19  : i32 {
      "tpu.region"() ({
        %run_scoped3A_57 = tpu.sem_alloc : memref<!tpu.dma_semaphore, #tpu.memory_space<semaphore_mem>>
        %dma_start3A = tpu.memref_slice %arg17[%scan3A_50, %mul3A_14] : memref<16x10240xf32, #tpu.memory_space<vmem_shared>> -> memref<1x640xf32, #tpu.memory_space<vmem_shared>>
        %dma_start3A_58 = tpu.memref_squeeze %dma_start3A : memref<1x640xf32, #tpu.memory_space<vmem_shared>> -> memref<640xf32, #tpu.memory_space<vmem_shared>>
        %dma_start3A_59 = tpu.memref_slice %arg17[%scan3A_50, %mul3A_14] : memref<16x10240xf32, #tpu.memory_space<vmem_shared>> -> memref<1x640xf32, #tpu.memory_space<vmem_shared>>
        %dma_start3A_60 = tpu.memref_squeeze %dma_start3A_59 : memref<1x640xf32, #tpu.memory_space<vmem_shared>> -> memref<640xf32, #tpu.memory_space<vmem_shared>>
        tpu.enqueue_dma source(%dma_start3A_60 : memref<640xf32, #tpu.memory_space<vmem_shared>>) target(%arg15 : memref<640xf32, #tpu.memory_space<vmem>>) target_semaphore(%run_scoped3A_57 : memref<!tpu.dma_semaphore, #tpu.memory_space<semaphore_mem>>)
        %dma_wait3A = tpu.memref_slice %arg17[%scan3A_50, %mul3A_14] : memref<16x10240xf32, #tpu.memory_space<vmem_shared>> -> memref<1x640xf32, #tpu.memory_space<vmem_shared>>
        %dma_wait3A_61 = tpu.memref_squeeze %dma_wait3A : memref<1x640xf32, #tpu.memory_space<vmem_shared>> -> memref<640xf32, #tpu.memory_space<vmem_shared>>
        %dma_wait3A_62 = tpu.memref_slice %arg17[%scan3A_50, %mul3A_14] : memref<16x10240xf32, #tpu.memory_space<vmem_shared>> -> memref<1x640xf32, #tpu.memory_space<vmem_shared>>
        %dma_wait3A_63 = tpu.memref_squeeze %dma_wait3A_62 : memref<1x640xf32, #tpu.memory_space<vmem_shared>> -> memref<640xf32, #tpu.memory_space<vmem_shared>>
        tpu.wait_dma2 semaphore(%run_scoped3A_57 : memref<!tpu.dma_semaphore, #tpu.memory_space<semaphore_mem>>) src(%dma_wait3A_63 : memref<640xf32, #tpu.memory_space<vmem_shared>>) dst(%arg15 : memref<640xf32, #tpu.memory_space<vmem>>)
        tpu.yield
      }) : () -> ()
      %scan3A_51 = arith.constant 0 : i32
      %scan3A_52 = arith.constant 0 : i32
      %scan3A_53 = arith.constant 40 : i32
      %scan3A_54 = arith.addi %scan3A_52, %scan3A_53 : i32
      %scan3A_55 = arith.constant 1 : i32
      scf.for %scan3A_57 = %scan3A_52 to %scan3A_54 step %scan3A_55  : i32 {
        %mul3A_58 = arith.constant 16 : i32
        %mul3A_59 = arith.muli %scan3A_57, %mul3A_58 : i32
        %get3A = arith.index_cast %mul3A_59 : i32 to index
        %get3A_60 = tpu.vector_load %arg16[%get3A] {strides = array<i32>} : memref<640xf32, #tpu.memory_space<vmem>>, vector<16xf32>,
        %get3A_61 = arith.index_cast %mul3A_59 : i32 to index
        %get3A_62 = tpu.vector_load %arg15[%get3A_61] {strides = array<i32>} : memref<640xf32, #tpu.memory_space<vmem>>, vector<16xf32>,
        %max3A = arith.maximumf %get3A_60, %get3A_62 : vector<16xf32>
        %swap3A = arith.index_cast %mul3A_59 : i32 to index
        %swap3A_63 = tpu.vector_load %arg16[%swap3A] {strides = array<i32>} : memref<640xf32, #tpu.memory_space<vmem>>, vector<16xf32>,
        tpu.vector_store %arg16[%swap3A], %max3A {strides = array<i32>} : memref<640xf32, #tpu.memory_space<vmem>>, vector<16xf32>,
      }
      %scan3A_56 = arith.constant 40 : i32
    }
    %scan3A_20 = arith.constant 15 : i32
    %run_scoped3A_21 = arith.constant 0 : i32
    "tpu.region"() ({
      %run_scoped3A_50 = tpu.sem_alloc : memref<!tpu.dma_semaphore, #tpu.memory_space<semaphore_mem>>
      %dma_start3A = tpu.memref_slice %arg17[%run_scoped3A_21, %mul3A_14] : memref<16x10240xf32, #tpu.memory_space<vmem_shared>> -> memref<1x640xf32, #tpu.memory_space<vmem_shared>>
      %dma_start3A_51 = tpu.memref_squeeze %dma_start3A : memref<1x640xf32, #tpu.memory_space<vmem_shared>> -> memref<640xf32, #tpu.memory_space<vmem_shared>>
      %dma_start3A_52 = tpu.memref_slice %arg17[%run_scoped3A_21, %mul3A_14] : memref<16x10240xf32, #tpu.memory_space<vmem_shared>> -> memref<1x640xf32, #tpu.memory_space<vmem_shared>>
      %dma_start3A_53 = tpu.memref_squeeze %dma_start3A_52 : memref<1x640xf32, #tpu.memory_space<vmem_shared>> -> memref<640xf32, #tpu.memory_space<vmem_shared>>
      tpu.enqueue_dma source(%arg16 : memref<640xf32, #tpu.memory_space<vmem>>) target(%dma_start3A_53 : memref<640xf32, #tpu.memory_space<vmem_shared>>) target_semaphore(%run_scoped3A_50 : memref<!tpu.dma_semaphore, #tpu.memory_space<semaphore_mem>>)
      %dma_wait3A = tpu.memref_slice %arg17[%run_scoped3A_21, %mul3A_14] : memref<16x10240xf32, #tpu.memory_space<vmem_shared>> -> memref<1x640xf32, #tpu.memory_space<vmem_shared>>
      %dma_wait3A_54 = tpu.memref_squeeze %dma_wait3A : memref<1x640xf32, #tpu.memory_space<vmem_shared>> -> memref<640xf32, #tpu.memory_space<vmem_shared>>
      %dma_wait3A_55 = tpu.memref_slice %arg17[%run_scoped3A_21, %mul3A_14] : memref<16x10240xf32, #tpu.memory_space<vmem_shared>> -> memref<1x640xf32, #tpu.memory_space<vmem_shared>>
      %dma_wait3A_56 = tpu.memref_squeeze %dma_wait3A_55 : memref<1x640xf32, #tpu.memory_space<vmem_shared>> -> memref<640xf32, #tpu.memory_space<vmem_shared>>
      tpu.wait_dma2 semaphore(%run_scoped3A_50 : memref<!tpu.dma_semaphore, #tpu.memory_space<semaphore_mem>>) src(%arg16 : memref<640xf32, #tpu.memory_space<vmem>>) dst(%dma_wait3A_56 : memref<640xf32, #tpu.memory_space<vmem_shared>>)
      tpu.yield
    }) : () -> ()
    %barrier3A_22 = arith.constant 0 : index
    tpu.barrier barrier_id(%barrier3A_22)
    %run_scoped3A_23 = arith.constant 0 : i32
    "tpu.region"() ({
      %run_scoped3A_50 = tpu.sem_alloc : memref<!tpu.dma_semaphore, #tpu.memory_space<semaphore_mem>>
      %dma_start3A = arith.constant 0 : i32
      %dma_start3A_51 = tpu.memref_slice %arg17[%run_scoped3A_23, %dma_start3A] : memref<16x10240xf32, #tpu.memory_space<vmem_shared>> -> memref<1x10240xf32, #tpu.memory_space<vmem_shared>>
      %dma_start3A_52 = tpu.memref_squeeze %dma_start3A_51 : memref<1x10240xf32, #tpu.memory_space<vmem_shared>> -> memref<10240xf32, #tpu.memory_space<vmem_shared>>
      %dma_start3A_53 = arith.constant 0 : i32
      %dma_start3A_54 = tpu.memref_slice %arg17[%run_scoped3A_23, %dma_start3A_53] : memref<16x10240xf32, #tpu.memory_space<vmem_shared>> -> memref<1x10240xf32, #tpu.memory_space<vmem_shared>>
      %dma_start3A_55 = tpu.memref_squeeze %dma_start3A_54 : memref<1x10240xf32, #tpu.memory_space<vmem_shared>> -> memref<10240xf32, #tpu.memory_space<vmem_shared>>
      tpu.enqueue_dma source(%dma_start3A_55 : memref<10240xf32, #tpu.memory_space<vmem_shared>>) target(%arg8 : memref<10240xf32, #tpu.memory_space<vmem>>) target_semaphore(%run_scoped3A_50 : memref<!tpu.dma_semaphore, #tpu.memory_space<semaphore_mem>>)
      %dma_wait3A = arith.constant 0 : i32
      %dma_wait3A_56 = tpu.memref_slice %arg17[%run_scoped3A_23, %dma_wait3A] : memref<16x10240xf32, #tpu.memory_space<vmem_shared>> -> memref<1x10240xf32, #tpu.memory_space<vmem_shared>>
      %dma_wait3A_57 = tpu.memref_squeeze %dma_wait3A_56 : memref<1x10240xf32, #tpu.memory_space<vmem_shared>> -> memref<10240xf32, #tpu.memory_space<vmem_shared>>
      %dma_wait3A_58 = arith.constant 0 : i32
      %dma_wait3A_59 = tpu.memref_slice %arg17[%run_scoped3A_23, %dma_wait3A_58] : memref<16x10240xf32, #tpu.memory_space<vmem_shared>> -> memref<1x10240xf32, #tpu.memory_space<vmem_shared>>
      %dma_wait3A_60 = tpu.memref_squeeze %dma_wait3A_59 : memref<1x10240xf32, #tpu.memory_space<vmem_shared>> -> memref<10240xf32, #tpu.memory_space<vmem_shared>>
      tpu.wait_dma2 semaphore(%run_scoped3A_50 : memref<!tpu.dma_semaphore, #tpu.memory_space<semaphore_mem>>) src(%dma_wait3A_60 : memref<10240xf32, #tpu.memory_space<vmem_shared>>) dst(%arg8 : memref<10240xf32, #tpu.memory_space<vmem>>)
      tpu.yield
    }) : () -> ()
    %broadcast_in_dim3A_24 = arith.constant 0.000000e+00 : f32
    %broadcast_in_dim3A_25 = vector.broadcast %broadcast_in_dim3A_24 : f32 to vector<16xf32>
    %scan3A_26 = arith.constant 0 : i32
    %scan3A_27 = arith.constant 0 : i32
    %scan3A_28 = arith.constant 640 : i32
    %scan3A_29 = arith.addi %scan3A_27, %scan3A_28 : i32
    %scan3A_30 = arith.constant 1 : i32
    scf.for %scan3A_50 = %scan3A_27 to %scan3A_29 step %scan3A_30  : i32 {
      %mul3A_51 = arith.constant 16 : i32
      %mul3A_52 = arith.muli %scan3A_50, %mul3A_51 : i32
      %swap3A = arith.index_cast %mul3A_52 : i32 to index
      %swap3A_53 = tpu.vector_load %arg14[%swap3A] {strides = array<i32>} : memref<10240xf32, #tpu.memory_space<vmem>>, vector<16xf32>,
      tpu.vector_store %arg14[%swap3A], %broadcast_in_dim3A_25 {strides = array<i32>} : memref<10240xf32, #tpu.memory_space<vmem>>, vector<16xf32>,
    }
    %scan3A_31 = arith.constant 640 : i32
    %iota3A = tpu.iota {dimensions = array<i32: 0>} : vector<16xi32>
    %scan3A_32 = arith.constant 0 : i32
    %scan3A_33 = arith.constant 0 : i32
    %scan3A_34 = arith.constant 640 : i32
    %scan3A_35 = arith.addi %scan3A_33, %scan3A_34 : i32
    %scan3A_36 = arith.constant 1 : i32
    scf.for %scan3A_50 = %scan3A_33 to %scan3A_35 step %scan3A_36  : i32 {
      %mul3A_51 = arith.constant 16 : i32
      %mul3A_52 = arith.muli %scan3A_50, %mul3A_51 : i32
      %get3A = arith.index_cast %mul3A_52 : i32 to index
      %get3A_53 = tpu.vector_load %arg11[%get3A] {strides = array<i32>} : memref<10240xi32, #tpu.memory_space<vmem>>, vector<16xi32>,
      %gather3A = tpu.vector_load_idx %arg8[%get3A_53] : memref<10240xf32, #tpu.memory_space<vmem>>[vector<16xi32>], vector<16xf32>,
      %get3A_54 = arith.index_cast %mul3A_52 : i32 to index
      %get3A_55 = tpu.vector_load %arg12[%get3A_54] {strides = array<i32>} : memref<10240xf32, #tpu.memory_space<vmem>>, vector<16xf32>,
      %sub3A = arith.subf %get3A_55, %gather3A : vector<16xf32>
      %exp3A = math.exp %sub3A : vector<16xf32>
      %swap3A = arith.index_cast %mul3A_52 : i32 to index
      %swap3A_56 = tpu.vector_load %arg12[%swap3A] {strides = array<i32>} : memref<10240xf32, #tpu.memory_space<vmem>>, vector<16xf32>,
      tpu.vector_store %arg12[%swap3A], %exp3A {strides = array<i32>} : memref<10240xf32, #tpu.memory_space<vmem>>, vector<16xf32>,
      %masked_sort3A = arith.constant dense<true> : vector<16xi1>
      %masked_sort3A_57 = arith.constant -2147483648 : i32
      %masked_sort3A_58 = vector.broadcast %masked_sort3A_57 : i32 to vector<16xi32>
      %masked_sort3A_59 = arith.xori %get3A_53, %masked_sort3A_58 : vector<16xi32>
      %masked_sort3A_60, %masked_sort3A_61, %masked_sort3A_62 = tpu.sort %masked_sort3A_59, %exp3A masked %masked_sort3A : (vector<16xi32>, vector<16xf32>, vector<16xi1>) -> (vector<16xi1>, vector<16xi32>, vector<16xf32>)
      %masked_sort3A_63 = arith.xori %masked_sort3A_61, %masked_sort3A_58 : vector<16xi32>
      %sub3A_64 = arith.constant 1 : i32
      %sub3A_65 = vector.broadcast %sub3A_64 : i32 to vector<16xi32>
      %sub3A_66 = arith.subi %iota3A, %sub3A_65 : vector<16xi32>
      %max3A = arith.constant 0 : i32
      %max3A_67 = vector.broadcast %max3A : i32 to vector<16xi32>
      %max3A_68 = arith.maxsi %sub3A_66, %max3A_67 : vector<16xi32>
      %broadcast_in_dim3A_69 = vector.shape_cast %max3A_68 : vector<16xi32> to vector<16x1xi32>
      %gather3A_70 = vector.shape_cast %broadcast_in_dim3A_69 : vector<16x1xi32> to vector<16xi32>
      %gather3A_71 = tpu.dynamic_gather %masked_sort3A_62[%gather3A_70] in [0] : vector<16xf32>, vector<16xi32> -> vector<16xf32>
      %broadcast_in_dim3A_72 = vector.shape_cast %max3A_68 : vector<16xi32> to vector<16x1xi32>
      %gather3A_73 = vector.shape_cast %broadcast_in_dim3A_72 : vector<16x1xi32> to vector<16xi32>
      %gather3A_74 = tpu.dynamic_gather %masked_sort3A_63[%gather3A_73] in [0] : vector<16xi32>, vector<16xi32> -> vector<16xi32>
      %ge3A = arith.constant 1 : i32
      %ge3A_75 = vector.broadcast %ge3A : i32 to vector<16xi32>
      %ge3A_76 = arith.cmpi sge, %iota3A, %ge3A_75 : vector<16xi32>
      %eq3A_77 = arith.cmpi eq, %gather3A_74, %masked_sort3A_63 : vector<16xi32>
      %and3A = arith.andi %ge3A_76, %eq3A_77 : vector<16xi1>
      %jit3A = arith.constant 0.000000e+00 : f32
      %broadcast_in_dim3A_78 = vector.broadcast %jit3A : f32 to vector<16xf32>
      %select_n3A = arith.select %and3A, %gather3A_71, %broadcast_in_dim3A_78 : vector<16xi1>, vector<16xf32>
      %add3A_79 = arith.addf %masked_sort3A_62, %select_n3A : vector<16xf32>
      %sub3A_80 = arith.constant 2 : i32
      %sub3A_81 = vector.broadcast %sub3A_80 : i32 to vector<16xi32>
      %sub3A_82 = arith.subi %iota3A, %sub3A_81 : vector<16xi32>
      %max3A_83 = arith.constant 0 : i32
      %max3A_84 = vector.broadcast %max3A_83 : i32 to vector<16xi32>
      %max3A_85 = arith.maxsi %sub3A_82, %max3A_84 : vector<16xi32>
      %broadcast_in_dim3A_86 = vector.shape_cast %max3A_85 : vector<16xi32> to vector<16x1xi32>
      %gather3A_87 = vector.shape_cast %broadcast_in_dim3A_86 : vector<16x1xi32> to vector<16xi32>
      %gather3A_88 = tpu.dynamic_gather %add3A_79[%gather3A_87] in [0] : vector<16xf32>, vector<16xi32> -> vector<16xf32>
      %broadcast_in_dim3A_89 = vector.shape_cast %max3A_85 : vector<16xi32> to vector<16x1xi32>
      %gather3A_90 = vector.shape_cast %broadcast_in_dim3A_89 : vector<16x1xi32> to vector<16xi32>
      %gather3A_91 = tpu.dynamic_gather %masked_sort3A_63[%gather3A_90] in [0] : vector<16xi32>, vector<16xi32> -> vector<16xi32>
      %ge3A_92 = arith.constant 2 : i32
      %ge3A_93 = vector.broadcast %ge3A_92 : i32 to vector<16xi32>
      %ge3A_94 = arith.cmpi sge, %iota3A, %ge3A_93 : vector<16xi32>
      %eq3A_95 = arith.cmpi eq, %gather3A_91, %masked_sort3A_63 : vector<16xi32>
      %and3A_96 = arith.andi %ge3A_94, %eq3A_95 : vector<16xi1>
      %jit3A_97 = arith.constant 0.000000e+00 : f32
      %broadcast_in_dim3A_98 = vector.broadcast %jit3A_97 : f32 to vector<16xf32>
      %select_n3A_99 = arith.select %and3A_96, %gather3A_88, %broadcast_in_dim3A_98 : vector<16xi1>, vector<16xf32>
      %add3A_100 = arith.addf %add3A_79, %select_n3A_99 : vector<16xf32>
      %sub3A_101 = arith.constant 4 : i32
      %sub3A_102 = vector.broadcast %sub3A_101 : i32 to vector<16xi32>
      %sub3A_103 = arith.subi %iota3A, %sub3A_102 : vector<16xi32>
      %max3A_104 = arith.constant 0 : i32
      %max3A_105 = vector.broadcast %max3A_104 : i32 to vector<16xi32>
      %max3A_106 = arith.maxsi %sub3A_103, %max3A_105 : vector<16xi32>
      %broadcast_in_dim3A_107 = vector.shape_cast %max3A_106 : vector<16xi32> to vector<16x1xi32>
      %gather3A_108 = vector.shape_cast %broadcast_in_dim3A_107 : vector<16x1xi32> to vector<16xi32>
      %gather3A_109 = tpu.dynamic_gather %add3A_100[%gather3A_108] in [0] : vector<16xf32>, vector<16xi32> -> vector<16xf32>
      %broadcast_in_dim3A_110 = vector.shape_cast %max3A_106 : vector<16xi32> to vector<16x1xi32>
      %gather3A_111 = vector.shape_cast %broadcast_in_dim3A_110 : vector<16x1xi32> to vector<16xi32>
      %gather3A_112 = tpu.dynamic_gather %masked_sort3A_63[%gather3A_111] in [0] : vector<16xi32>, vector<16xi32> -> vector<16xi32>
      %ge3A_113 = arith.constant 4 : i32
      %ge3A_114 = vector.broadcast %ge3A_113 : i32 to vector<16xi32>
      %ge3A_115 = arith.cmpi sge, %iota3A, %ge3A_114 : vector<16xi32>
      %eq3A_116 = arith.cmpi eq, %gather3A_112, %masked_sort3A_63 : vector<16xi32>
      %and3A_117 = arith.andi %ge3A_115, %eq3A_116 : vector<16xi1>
      %jit3A_118 = arith.constant 0.000000e+00 : f32
      %broadcast_in_dim3A_119 = vector.broadcast %jit3A_118 : f32 to vector<16xf32>
      %select_n3A_120 = arith.select %and3A_117, %gather3A_109, %broadcast_in_dim3A_119 : vector<16xi1>, vector<16xf32>
      %add3A_121 = arith.addf %add3A_100, %select_n3A_120 : vector<16xf32>
      %sub3A_122 = arith.constant 8 : i32
      %sub3A_123 = vector.broadcast %sub3A_122 : i32 to vector<16xi32>
      %sub3A_124 = arith.subi %iota3A, %sub3A_123 : vector<16xi32>
      %max3A_125 = arith.constant 0 : i32
      %max3A_126 = vector.broadcast %max3A_125 : i32 to vector<16xi32>
      %max3A_127 = arith.maxsi %sub3A_124, %max3A_126 : vector<16xi32>
      %broadcast_in_dim3A_128 = vector.shape_cast %max3A_127 : vector<16xi32> to vector<16x1xi32>
      %gather3A_129 = vector.shape_cast %broadcast_in_dim3A_128 : vector<16x1xi32> to vector<16xi32>
      %gather3A_130 = tpu.dynamic_gather %add3A_121[%gather3A_129] in [0] : vector<16xf32>, vector<16xi32> -> vector<16xf32>
      %broadcast_in_dim3A_131 = vector.shape_cast %max3A_127 : vector<16xi32> to vector<16x1xi32>
      %gather3A_132 = vector.shape_cast %broadcast_in_dim3A_131 : vector<16x1xi32> to vector<16xi32>
      %gather3A_133 = tpu.dynamic_gather %masked_sort3A_63[%gather3A_132] in [0] : vector<16xi32>, vector<16xi32> -> vector<16xi32>
      %ge3A_134 = arith.constant 8 : i32
      %ge3A_135 = vector.broadcast %ge3A_134 : i32 to vector<16xi32>
      %ge3A_136 = arith.cmpi sge, %iota3A, %ge3A_135 : vector<16xi32>
      %eq3A_137 = arith.cmpi eq, %gather3A_133, %masked_sort3A_63 : vector<16xi32>
      %and3A_138 = arith.andi %ge3A_136, %eq3A_137 : vector<16xi1>
      %jit3A_139 = arith.constant 0.000000e+00 : f32
      %broadcast_in_dim3A_140 = vector.broadcast %jit3A_139 : f32 to vector<16xf32>
      %select_n3A_141 = arith.select %and3A_138, %gather3A_130, %broadcast_in_dim3A_140 : vector<16xi1>, vector<16xf32>
      %add3A_142 = arith.addf %add3A_121, %select_n3A_141 : vector<16xf32>
      %add3A_143 = arith.constant 1 : i32
      %add3A_144 = vector.broadcast %add3A_143 : i32 to vector<16xi32>
      %add3A_145 = arith.addi %iota3A, %add3A_144 : vector<16xi32>
      %min3A = arith.constant 15 : i32
      %min3A_146 = vector.broadcast %min3A : i32 to vector<16xi32>
      %min3A_147 = arith.minsi %add3A_145, %min3A_146 : vector<16xi32>
      %broadcast_in_dim3A_148 = vector.shape_cast %min3A_147 : vector<16xi32> to vector<16x1xi32>
      %gather3A_149 = vector.shape_cast %broadcast_in_dim3A_148 : vector<16x1xi32> to vector<16xi32>
      %gather3A_150 = tpu.dynamic_gather %masked_sort3A_63[%gather3A_149] in [0] : vector<16xi32>, vector<16xi32> -> vector<16xi32>
      %eq3A_151 = arith.constant 15 : i32
      %eq3A_152 = vector.broadcast %eq3A_151 : i32 to vector<16xi32>
      %eq3A_153 = arith.cmpi eq, %iota3A, %eq3A_152 : vector<16xi32>
      %ne3A = arith.cmpi ne, %gather3A_150, %masked_sort3A_63 : vector<16xi32>
      %or3A = arith.ori %eq3A_153, %ne3A : vector<16xi1>
      %gather3A_154 = tpu.vector_load_idx %arg14[%masked_sort3A_63] : memref<10240xf32, #tpu.memory_space<vmem>>[vector<16xi32>], vector<16xf32>,
      %add3A_155 = arith.addf %gather3A_154, %add3A_142 : vector<16xf32>
      tpu.vector_store_idx %arg14[%masked_sort3A_63], %add3A_155 masked %or3A : memref<10240xf32, #tpu.memory_space<vmem>>[vector<16xi32>], vector<16xf32>, vector<16xi1>
    }
    %scan3A_37 = arith.constant 640 : i32
    %mul3A_38 = arith.constant 5120 : i32
    %mul3A_39 = arith.muli %arg0, %mul3A_38 : i32
    %add3A = arith.addi %mul3A_0, %mul3A_39 : i32
    "tpu.region"() ({
      %run_scoped3A_50 = tpu.sem_alloc : memref<!tpu.dma_semaphore, #tpu.memory_space<semaphore_mem>>
      %dma_start3A = tpu.memref_slice %arg12[%mul3A_39] : memref<10240xf32, #tpu.memory_space<vmem>> -> memref<5120xf32, #tpu.memory_space<vmem>>
      %dma_start3A_51 = tpu.memref_slice %arg6[%add3A] : memref<163840xf32, #tpu.memory_space<hbm>> -> memref<5120xf32, #tpu.memory_space<hbm>>
      %dma_start3A_52 = tpu.memref_slice %arg6[%add3A] : memref<163840xf32, #tpu.memory_space<hbm>> -> memref<5120xf32, #tpu.memory_space<hbm>>
      %dma_start3A_53 = tpu.memref_slice %arg12[%mul3A_39] : memref<10240xf32, #tpu.memory_space<vmem>> -> memref<5120xf32, #tpu.memory_space<vmem>>
      tpu.enqueue_dma source(%dma_start3A_53 : memref<5120xf32, #tpu.memory_space<vmem>>) target(%dma_start3A_52 : memref<5120xf32, #tpu.memory_space<hbm>>) target_semaphore(%run_scoped3A_50 : memref<!tpu.dma_semaphore, #tpu.memory_space<semaphore_mem>>)
      %dma_wait3A = tpu.memref_slice %arg12[%mul3A_39] : memref<10240xf32, #tpu.memory_space<vmem>> -> memref<5120xf32, #tpu.memory_space<vmem>>
      %dma_wait3A_54 = tpu.memref_slice %arg6[%add3A] : memref<163840xf32, #tpu.memory_space<hbm>> -> memref<5120xf32, #tpu.memory_space<hbm>>
      %dma_wait3A_55 = tpu.memref_slice %arg6[%add3A] : memref<163840xf32, #tpu.memory_space<hbm>> -> memref<5120xf32, #tpu.memory_space<hbm>>
      %dma_wait3A_56 = tpu.memref_slice %arg12[%mul3A_39] : memref<10240xf32, #tpu.memory_space<vmem>> -> memref<5120xf32, #tpu.memory_space<vmem>>
      tpu.wait_dma2 semaphore(%run_scoped3A_50 : memref<!tpu.dma_semaphore, #tpu.memory_space<semaphore_mem>>) src(%dma_wait3A_56 : memref<5120xf32, #tpu.memory_space<vmem>>) dst(%dma_wait3A_55 : memref<5120xf32, #tpu.memory_space<hbm>>)
      tpu.yield
    }) : () -> ()
    "tpu.region"() ({
      %run_scoped3A_50 = tpu.sem_alloc : memref<!tpu.dma_semaphore, #tpu.memory_space<semaphore_mem>>
      %dma_start3A = arith.constant 0 : i32
      %dma_start3A_51 = tpu.memref_slice %arg17[%arg1, %dma_start3A] : memref<16x10240xf32, #tpu.memory_space<vmem_shared>> -> memref<1x10240xf32, #tpu.memory_space<vmem_shared>>
      %dma_start3A_52 = tpu.memref_squeeze %dma_start3A_51 : memref<1x10240xf32, #tpu.memory_space<vmem_shared>> -> memref<10240xf32, #tpu.memory_space<vmem_shared>>
      %dma_start3A_53 = arith.constant 0 : i32
      %dma_start3A_54 = tpu.memref_slice %arg17[%arg1, %dma_start3A_53] : memref<16x10240xf32, #tpu.memory_space<vmem_shared>> -> memref<1x10240xf32, #tpu.memory_space<vmem_shared>>
      %dma_start3A_55 = tpu.memref_squeeze %dma_start3A_54 : memref<1x10240xf32, #tpu.memory_space<vmem_shared>> -> memref<10240xf32, #tpu.memory_space<vmem_shared>>
      tpu.enqueue_dma source(%arg14 : memref<10240xf32, #tpu.memory_space<vmem>>) target(%dma_start3A_55 : memref<10240xf32, #tpu.memory_space<vmem_shared>>) target_semaphore(%run_scoped3A_50 : memref<!tpu.dma_semaphore, #tpu.memory_space<semaphore_mem>>)
      %dma_wait3A = arith.constant 0 : i32
      %dma_wait3A_56 = tpu.memref_slice %arg17[%arg1, %dma_wait3A] : memref<16x10240xf32, #tpu.memory_space<vmem_shared>> -> memref<1x10240xf32, #tpu.memory_space<vmem_shared>>
      %dma_wait3A_57 = tpu.memref_squeeze %dma_wait3A_56 : memref<1x10240xf32, #tpu.memory_space<vmem_shared>> -> memref<10240xf32, #tpu.memory_space<vmem_shared>>
      %dma_wait3A_58 = arith.constant 0 : i32
      %dma_wait3A_59 = tpu.memref_slice %arg17[%arg1, %dma_wait3A_58] : memref<16x10240xf32, #tpu.memory_space<vmem_shared>> -> memref<1x10240xf32, #tpu.memory_space<vmem_shared>>
      %dma_wait3A_60 = tpu.memref_squeeze %dma_wait3A_59 : memref<1x10240xf32, #tpu.memory_space<vmem_shared>> -> memref<10240xf32, #tpu.memory_space<vmem_shared>>
      tpu.wait_dma2 semaphore(%run_scoped3A_50 : memref<!tpu.dma_semaphore, #tpu.memory_space<semaphore_mem>>) src(%arg14 : memref<10240xf32, #tpu.memory_space<vmem>>) dst(%dma_wait3A_60 : memref<10240xf32, #tpu.memory_space<vmem_shared>>)
      tpu.yield
    }) : () -> ()
    %barrier3A_40 = arith.constant 0 : index
    tpu.barrier barrier_id(%barrier3A_40)
    %run_scoped3A_41 = arith.constant 0 : i32
    "tpu.region"() ({
      %run_scoped3A_50 = tpu.sem_alloc : memref<!tpu.dma_semaphore, #tpu.memory_space<semaphore_mem>>
      %dma_start3A = tpu.memref_slice %arg17[%run_scoped3A_41, %mul3A_14] : memref<16x10240xf32, #tpu.memory_space<vmem_shared>> -> memref<1x640xf32, #tpu.memory_space<vmem_shared>>
      %dma_start3A_51 = tpu.memref_squeeze %dma_start3A : memref<1x640xf32, #tpu.memory_space<vmem_shared>> -> memref<640xf32, #tpu.memory_space<vmem_shared>>
      %dma_start3A_52 = tpu.memref_slice %arg17[%run_scoped3A_41, %mul3A_14] : memref<16x10240xf32, #tpu.memory_space<vmem_shared>> -> memref<1x640xf32, #tpu.memory_space<vmem_shared>>
      %dma_start3A_53 = tpu.memref_squeeze %dma_start3A_52 : memref<1x640xf32, #tpu.memory_space<vmem_shared>> -> memref<640xf32, #tpu.memory_space<vmem_shared>>
      tpu.enqueue_dma source(%dma_start3A_53 : memref<640xf32, #tpu.memory_space<vmem_shared>>) target(%arg16 : memref<640xf32, #tpu.memory_space<vmem>>) target_semaphore(%run_scoped3A_50 : memref<!tpu.dma_semaphore, #tpu.memory_space<semaphore_mem>>)
      %dma_wait3A = tpu.memref_slice %arg17[%run_scoped3A_41, %mul3A_14] : memref<16x10240xf32, #tpu.memory_space<vmem_shared>> -> memref<1x640xf32, #tpu.memory_space<vmem_shared>>
      %dma_wait3A_54 = tpu.memref_squeeze %dma_wait3A : memref<1x640xf32, #tpu.memory_space<vmem_shared>> -> memref<640xf32, #tpu.memory_space<vmem_shared>>
      %dma_wait3A_55 = tpu.memref_slice %arg17[%run_scoped3A_41, %mul3A_14] : memref<16x10240xf32, #tpu.memory_space<vmem_shared>> -> memref<1x640xf32, #tpu.memory_space<vmem_shared>>
      %dma_wait3A_56 = tpu.memref_squeeze %dma_wait3A_55 : memref<1x640xf32, #tpu.memory_space<vmem_shared>> -> memref<640xf32, #tpu.memory_space<vmem_shared>>
      tpu.wait_dma2 semaphore(%run_scoped3A_50 : memref<!tpu.dma_semaphore, #tpu.memory_space<semaphore_mem>>) src(%dma_wait3A_56 : memref<640xf32, #tpu.memory_space<vmem_shared>>) dst(%arg16 : memref<640xf32, #tpu.memory_space<vmem>>)
      tpu.yield
    }) : () -> ()
    %scan3A_42 = arith.constant 0 : i32
    %scan3A_43 = arith.constant 1 : i32
    %scan3A_44 = arith.constant 15 : i32
    %scan3A_45 = arith.addi %scan3A_43, %scan3A_44 : i32
    %scan3A_46 = arith.constant 1 : i32
    scf.for %scan3A_50 = %scan3A_43 to %scan3A_45 step %scan3A_46  : i32 {
      "tpu.region"() ({
        %run_scoped3A_57 = tpu.sem_alloc : memref<!tpu.dma_semaphore, #tpu.memory_space<semaphore_mem>>
        %dma_start3A = tpu.memref_slice %arg17[%scan3A_50, %mul3A_14] : memref<16x10240xf32, #tpu.memory_space<vmem_shared>> -> memref<1x640xf32, #tpu.memory_space<vmem_shared>>
        %dma_start3A_58 = tpu.memref_squeeze %dma_start3A : memref<1x640xf32, #tpu.memory_space<vmem_shared>> -> memref<640xf32, #tpu.memory_space<vmem_shared>>
        %dma_start3A_59 = tpu.memref_slice %arg17[%scan3A_50, %mul3A_14] : memref<16x10240xf32, #tpu.memory_space<vmem_shared>> -> memref<1x640xf32, #tpu.memory_space<vmem_shared>>
        %dma_start3A_60 = tpu.memref_squeeze %dma_start3A_59 : memref<1x640xf32, #tpu.memory_space<vmem_shared>> -> memref<640xf32, #tpu.memory_space<vmem_shared>>
        tpu.enqueue_dma source(%dma_start3A_60 : memref<640xf32, #tpu.memory_space<vmem_shared>>) target(%arg15 : memref<640xf32, #tpu.memory_space<vmem>>) target_semaphore(%run_scoped3A_57 : memref<!tpu.dma_semaphore, #tpu.memory_space<semaphore_mem>>)
        %dma_wait3A = tpu.memref_slice %arg17[%scan3A_50, %mul3A_14] : memref<16x10240xf32, #tpu.memory_space<vmem_shared>> -> memref<1x640xf32, #tpu.memory_space<vmem_shared>>
        %dma_wait3A_61 = tpu.memref_squeeze %dma_wait3A : memref<1x640xf32, #tpu.memory_space<vmem_shared>> -> memref<640xf32, #tpu.memory_space<vmem_shared>>
        %dma_wait3A_62 = tpu.memref_slice %arg17[%scan3A_50, %mul3A_14] : memref<16x10240xf32, #tpu.memory_space<vmem_shared>> -> memref<1x640xf32, #tpu.memory_space<vmem_shared>>
        %dma_wait3A_63 = tpu.memref_squeeze %dma_wait3A_62 : memref<1x640xf32, #tpu.memory_space<vmem_shared>> -> memref<640xf32, #tpu.memory_space<vmem_shared>>
        tpu.wait_dma2 semaphore(%run_scoped3A_57 : memref<!tpu.dma_semaphore, #tpu.memory_space<semaphore_mem>>) src(%dma_wait3A_63 : memref<640xf32, #tpu.memory_space<vmem_shared>>) dst(%arg15 : memref<640xf32, #tpu.memory_space<vmem>>)
        tpu.yield
      }) : () -> ()
      %scan3A_51 = arith.constant 0 : i32
      %scan3A_52 = arith.constant 0 : i32
      %scan3A_53 = arith.constant 40 : i32
      %scan3A_54 = arith.addi %scan3A_52, %scan3A_53 : i32
      %scan3A_55 = arith.constant 1 : i32
      scf.for %scan3A_57 = %scan3A_52 to %scan3A_54 step %scan3A_55  : i32 {
        %mul3A_58 = arith.constant 16 : i32
        %mul3A_59 = arith.muli %scan3A_57, %mul3A_58 : i32
        %get3A = arith.index_cast %mul3A_59 : i32 to index
        %get3A_60 = tpu.vector_load %arg16[%get3A] {strides = array<i32>} : memref<640xf32, #tpu.memory_space<vmem>>, vector<16xf32>,
        %get3A_61 = arith.index_cast %mul3A_59 : i32 to index
        %get3A_62 = tpu.vector_load %arg15[%get3A_61] {strides = array<i32>} : memref<640xf32, #tpu.memory_space<vmem>>, vector<16xf32>,
        %add3A_63 = arith.addf %get3A_60, %get3A_62 : vector<16xf32>
        %swap3A = arith.index_cast %mul3A_59 : i32 to index
        %swap3A_64 = tpu.vector_load %arg16[%swap3A] {strides = array<i32>} : memref<640xf32, #tpu.memory_space<vmem>>, vector<16xf32>,
        tpu.vector_store %arg16[%swap3A], %add3A_63 {strides = array<i32>} : memref<640xf32, #tpu.memory_space<vmem>>, vector<16xf32>,
      }
      %scan3A_56 = arith.constant 40 : i32
    }
    %scan3A_47 = arith.constant 15 : i32
    %eq3A = arith.constant 0 : i32
    %eq3A_48 = arith.cmpi eq, %arg0, %eq3A : i32
    %convert_element_type3A = arith.extui %eq3A_48 : i1 to i32
    %cond3A = arith.constant 0 : i32
    %cond3A_49 = arith.cmpi ne, %convert_element_type3A, %cond3A : i32
    scf.if %cond3A_49 {
      "tpu.region"() ({
        %run_scoped3A_50 = tpu.sem_alloc : memref<!tpu.dma_semaphore, #tpu.memory_space<semaphore_mem>>
        %dma_start3A = tpu.memref_slice %arg7[%mul3A_14] : memref<10240xf32, #tpu.memory_space<hbm>> -> memref<640xf32, #tpu.memory_space<hbm>>
        %dma_start3A_51 = tpu.memref_slice %arg7[%mul3A_14] : memref<10240xf32, #tpu.memory_space<hbm>> -> memref<640xf32, #tpu.memory_space<hbm>>
        tpu.enqueue_dma source(%arg16 : memref<640xf32, #tpu.memory_space<vmem>>) target(%dma_start3A_51 : memref<640xf32, #tpu.memory_space<hbm>>) target_semaphore(%run_scoped3A_50 : memref<!tpu.dma_semaphore, #tpu.memory_space<semaphore_mem>>)
        %dma_wait3A = tpu.memref_slice %arg7[%mul3A_14] : memref<10240xf32, #tpu.memory_space<hbm>> -> memref<640xf32, #tpu.memory_space<hbm>>
        %dma_wait3A_52 = tpu.memref_slice %arg7[%mul3A_14] : memref<10240xf32, #tpu.memory_space<hbm>> -> memref<640xf32, #tpu.memory_space<hbm>>
        tpu.wait_dma2 semaphore(%run_scoped3A_50 : memref<!tpu.dma_semaphore, #tpu.memory_space<semaphore_mem>>) src(%arg16 : memref<640xf32, #tpu.memory_space<vmem>>) dst(%dma_wait3A_52 : memref<640xf32, #tpu.memory_space<hbm>>)
        tpu.yield
      }) : () -> ()
    } else {
    }
    return
  }
}

module attributes {stable_mosaic.version = 14 : i64} {
  func.func @_layer1_body(%arg0: i32, %arg1: memref<256x256xf32, #tpu.memory_space<vmem>>, %arg2: memref<2x256x128xf32, #tpu.memory_space<vmem>>, %arg3: memref<256x256xf32, #tpu.memory_space<vmem>>, %arg4: memref<256x256xf32, #tpu.memory_space<vmem>>, %arg5: memref<1x256xf32, #tpu.memory_space<vmem>>, %arg6: memref<2x256x128xf32, #tpu.memory_space<vmem>>) attributes {dimension_semantics = [#tpu.dimension_semantics<arbitrary>], iteration_bounds = array<i64: 40>, scalar_prefetch = 0 : i64, scratch_operands = 0 : i64, tpu.core_type = #tpu.core_type<tc>, window_params = [{transform_indices = @transform_0, window_bounds = array<i64: 256, 256>}, {transform_indices = @transform_1, window_bounds = array<i64: 2, 256, 128>}, {pipeline_mode = #tpu.pipeline_mode<synchronous>, transform_indices = @transform_2, window_bounds = array<i64: 256, 256>}, {pipeline_mode = #tpu.pipeline_mode<synchronous>, transform_indices = @transform_3, window_bounds = array<i64: 256, 256>}, {pipeline_mode = #tpu.pipeline_mode<synchronous>, transform_indices = @transform_4, window_bounds = array<i64: 1, 256>}, {transform_indices = @transform_5, window_bounds = array<i64: 2, 256, 128>}]} {
    %get3A = arith.constant 0 : index
    %get3A_0 = arith.constant 0 : index
    %get3A_1 = arith.constant 0 : index
    %get3A_2 = vector.load %arg2[%get3A, %get3A_0, %get3A_1] : memref<2x256x128xf32, #tpu.memory_space<vmem>>, vector<1x256x128xf32>
    %get3A_3 = vector.shape_cast %get3A_2 : vector<1x256x128xf32> to vector<256x128xf32>
    %get3A_4 = arith.constant 1 : index
    %get3A_5 = arith.constant 0 : index
    %get3A_6 = arith.constant 0 : index
    %get3A_7 = vector.load %arg2[%get3A_4, %get3A_5, %get3A_6] : memref<2x256x128xf32, #tpu.memory_space<vmem>>, vector<1x256x128xf32>
    %get3A_8 = vector.shape_cast %get3A_7 : vector<1x256x128xf32> to vector<256x128xf32>
    %concatenate3A = tpu.concatenate %get3A_3, %get3A_8 in 1 : vector<256x128xf32>, vector<256x128xf32> -> vector<256x256xf32>
    %get3A_9 = arith.constant 0 : index
    %get3A_10 = arith.constant 0 : index
    %get3A_11 = vector.load %arg1[%get3A_9, %get3A_10] : memref<256x256xf32, #tpu.memory_space<vmem>>, vector<256x256xf32>
    %get3A_12 = arith.constant 0 : index
    %get3A_13 = arith.constant 0 : index
    %get3A_14 = vector.load %arg3[%get3A_12, %get3A_13] : memref<256x256xf32, #tpu.memory_space<vmem>>, vector<256x256xf32>
    %convert_element_type3A = arith.truncf %get3A_11 : vector<256x256xf32> to vector<256x256xbf16>
    %convert_element_type3A_15 = arith.truncf %get3A_14 : vector<256x256xf32> to vector<256x256xbf16>
    %dot_general3A = arith.constant dense<0.000000e+00> : vector<256x256xf32>
    %dot_general3A_16 = tpu.matmul %convert_element_type3A, %convert_element_type3A_15, %dot_general3A {dimension_numbers = #tpu.dot_dimension_numbers<[1], [0], [0], [1], [0, 0, 1, 1], [], []>, transpose_lhs_hint = false} : vector<256x256xbf16>, vector<256x256xbf16>, vector<256x256xf32> -> vector<256x256xf32>
    %get3A_17 = arith.constant 0 : index
    %get3A_18 = arith.constant 0 : index
    %get3A_19 = vector.load %arg4[%get3A_17, %get3A_18] : memref<256x256xf32, #tpu.memory_space<vmem>>, vector<256x256xf32>
    %convert_element_type3A_20 = arith.truncf %concatenate3A : vector<256x256xf32> to vector<256x256xbf16>
    %convert_element_type3A_21 = arith.truncf %get3A_19 : vector<256x256xf32> to vector<256x256xbf16>
    %dot_general3A_22 = arith.constant dense<0.000000e+00> : vector<256x256xf32>
    %dot_general3A_23 = tpu.matmul %convert_element_type3A_20, %convert_element_type3A_21, %dot_general3A_22 {dimension_numbers = #tpu.dot_dimension_numbers<[1], [0], [0], [1], [0, 0, 1, 1], [], []>, transpose_lhs_hint = false} : vector<256x256xbf16>, vector<256x256xbf16>, vector<256x256xf32> -> vector<256x256xf32>
    %add3A = arith.addf %dot_general3A_16, %dot_general3A_23 : vector<256x256xf32>
    %get3A_24 = arith.constant 0 : index
    %get3A_25 = arith.constant 0 : index
    %get3A_26 = vector.load %arg5[%get3A_24, %get3A_25] : memref<1x256xf32, #tpu.memory_space<vmem>>, vector<1x256xf32>
    %add3A_27 = vector.broadcast %get3A_26 : vector<1x256xf32> to vector<256x256xf32>
    %add3A_28 = arith.addf %add3A, %add3A_27 : vector<256x256xf32>
    %max3A = arith.constant 0.000000e+00 : f32
    %max3A_29 = vector.broadcast %max3A : f32 to vector<256x256xf32>
    %max3A_30 = arith.maximumf %add3A_28, %max3A_29 : vector<256x256xf32>
    %slice3A = vector.extract_strided_slice %max3A_30 {offsets = [0, 0], sizes = [256, 128], strides = [1, 1]} : vector<256x256xf32> to vector<256x128xf32>
    %slice3A_31 = vector.extract_strided_slice %max3A_30 {offsets = [0, 128], sizes = [256, 128], strides = [1, 1]} : vector<256x256xf32> to vector<256x128xf32>
    %stack3A = vector.shape_cast %slice3A : vector<256x128xf32> to vector<1x256x128xf32>
    %stack3A_32 = vector.shape_cast %slice3A_31 : vector<256x128xf32> to vector<1x256x128xf32>
    %stack3A_33 = tpu.concatenate %stack3A, %stack3A_32 in 0 : vector<1x256x128xf32>, vector<1x256x128xf32> -> vector<2x256x128xf32>
    %swap3A = arith.constant 0 : index
    %swap3A_34 = arith.constant 0 : index
    %swap3A_35 = arith.constant 0 : index
    %swap3A_36 = vector.load %arg6[%swap3A, %swap3A_34, %swap3A_35] : memref<2x256x128xf32, #tpu.memory_space<vmem>>, vector<2x256x128xf32>
    tpu.vector_store %arg6[%swap3A, %swap3A_34, %swap3A_35], %stack3A_33 {strides = array<i32>} : memref<2x256x128xf32, #tpu.memory_space<vmem>>, vector<2x256x128xf32>,
    return
  }
  func.func @transform_0(%arg0: i32) -> (i32, i32) {
    %c0_i32 = arith.constant 0 : i32
    %c0_i32_0 = arith.constant 0 : i32
    return %arg0, %c0_i32 : i32, i32
  }
  func.func @transform_1(%arg0: i32) -> (i32, i32, i32) {
    %c0_i32 = arith.constant 0 : i32
    %c0_i32_0 = arith.constant 0 : i32
    %c0_i32_1 = arith.constant 0 : i32
    return %c0_i32, %arg0, %c0_i32_0 : i32, i32, i32
  }
  func.func @transform_2(%arg0: i32) -> (i32, i32) {
    %c0_i32 = arith.constant 0 : i32
    %c0_i32_0 = arith.constant 0 : i32
    %c0_i32_1 = arith.constant 0 : i32
    return %c0_i32, %c0_i32_0 : i32, i32
  }
  func.func @transform_3(%arg0: i32) -> (i32, i32) {
    %c0_i32 = arith.constant 0 : i32
    %c0_i32_0 = arith.constant 0 : i32
    %c0_i32_1 = arith.constant 0 : i32
    return %c0_i32, %c0_i32_0 : i32, i32
  }
  func.func @transform_4(%arg0: i32) -> (i32, i32) {
    %c0_i32 = arith.constant 0 : i32
    %c0_i32_0 = arith.constant 0 : i32
    %c0_i32_1 = arith.constant 0 : i32
    return %c0_i32, %c0_i32_0 : i32, i32
  }
  func.func @transform_5(%arg0: i32) -> (i32, i32, i32) {
    %c0_i32 = arith.constant 0 : i32
    %c0_i32_0 = arith.constant 0 : i32
    %c0_i32_1 = arith.constant 0 : i32
    return %c0_i32, %arg0, %c0_i32_0 : i32, i32, i32
  }
}

module attributes {stable_mosaic.version = 14 : i64} {
  func.func @_attn_body(%arg0: i32, %arg1: memref<2x256x128xf32, #tpu.memory_space<vmem>>, %arg2: memref<2x256x128xf32, #tpu.memory_space<vmem>>, %arg3: memref<256x256xf32, #tpu.memory_space<vmem>>, %arg4: memref<256x256xf32, #tpu.memory_space<vmem>>, %arg5: memref<1x256xf32, #tpu.memory_space<vmem>>, %arg6: memref<256x256xf32, #tpu.memory_space<vmem>>, %arg7: memref<256x1xf32, #tpu.memory_space<vmem>>, %arg8: memref<256x1xf32, #tpu.memory_space<vmem>>, %arg9: memref<2x256x128xf32, #tpu.memory_space<vmem>>, %arg10: memref<256x1xf32, #tpu.memory_space<vmem>>, %arg11: memref<256x1xf32, #tpu.memory_space<vmem>>) attributes {dimension_semantics = [#tpu.dimension_semantics<arbitrary>], iteration_bounds = array<i64: 40>, scalar_prefetch = 0 : i64, scratch_operands = 0 : i64, tpu.core_type = #tpu.core_type<tc>, window_params = [{transform_indices = @transform_0, window_bounds = array<i64: 2, 256, 128>}, {transform_indices = @transform_1, window_bounds = array<i64: 2, 256, 128>}, {pipeline_mode = #tpu.pipeline_mode<synchronous>, transform_indices = @transform_2, window_bounds = array<i64: 256, 256>}, {pipeline_mode = #tpu.pipeline_mode<synchronous>, transform_indices = @transform_3, window_bounds = array<i64: 256, 256>}, {pipeline_mode = #tpu.pipeline_mode<synchronous>, transform_indices = @transform_4, window_bounds = array<i64: 1, 256>}, {pipeline_mode = #tpu.pipeline_mode<synchronous>, transform_indices = @transform_5, window_bounds = array<i64: 256, 256>}, {pipeline_mode = #tpu.pipeline_mode<synchronous>, transform_indices = @transform_6, window_bounds = array<i64: 256, 1>}, {pipeline_mode = #tpu.pipeline_mode<synchronous>, transform_indices = @transform_7, window_bounds = array<i64: 256, 1>}, {transform_indices = @transform_8, window_bounds = array<i64: 2, 256, 128>}, {transform_indices = @transform_9, window_bounds = array<i64: 256, 1>}, {transform_indices = @transform_10, window_bounds = array<i64: 256, 1>}]} {
    %get3A = arith.constant 0 : index
    %get3A_0 = arith.constant 0 : index
    %get3A_1 = arith.constant 0 : index
    %get3A_2 = vector.load %arg1[%get3A, %get3A_0, %get3A_1] : memref<2x256x128xf32, #tpu.memory_space<vmem>>, vector<1x256x128xf32>
    %get3A_3 = vector.shape_cast %get3A_2 : vector<1x256x128xf32> to vector<256x128xf32>
    %get3A_4 = arith.constant 1 : index
    %get3A_5 = arith.constant 0 : index
    %get3A_6 = arith.constant 0 : index
    %get3A_7 = vector.load %arg1[%get3A_4, %get3A_5, %get3A_6] : memref<2x256x128xf32, #tpu.memory_space<vmem>>, vector<1x256x128xf32>
    %get3A_8 = vector.shape_cast %get3A_7 : vector<1x256x128xf32> to vector<256x128xf32>
    %concatenate3A = tpu.concatenate %get3A_3, %get3A_8 in 1 : vector<256x128xf32>, vector<256x128xf32> -> vector<256x256xf32>
    %get3A_9 = arith.constant 0 : index
    %get3A_10 = arith.constant 0 : index
    %get3A_11 = arith.constant 0 : index
    %get3A_12 = vector.load %arg2[%get3A_9, %get3A_10, %get3A_11] : memref<2x256x128xf32, #tpu.memory_space<vmem>>, vector<1x256x128xf32>
    %get3A_13 = vector.shape_cast %get3A_12 : vector<1x256x128xf32> to vector<256x128xf32>
    %get3A_14 = arith.constant 1 : index
    %get3A_15 = arith.constant 0 : index
    %get3A_16 = arith.constant 0 : index
    %get3A_17 = vector.load %arg2[%get3A_14, %get3A_15, %get3A_16] : memref<2x256x128xf32, #tpu.memory_space<vmem>>, vector<1x256x128xf32>
    %get3A_18 = vector.shape_cast %get3A_17 : vector<1x256x128xf32> to vector<256x128xf32>
    %concatenate3A_19 = tpu.concatenate %get3A_13, %get3A_18 in 1 : vector<256x128xf32>, vector<256x128xf32> -> vector<256x256xf32>
    %get3A_20 = arith.constant 0 : index
    %get3A_21 = arith.constant 0 : index
    %get3A_22 = vector.load %arg3[%get3A_20, %get3A_21] : memref<256x256xf32, #tpu.memory_space<vmem>>, vector<256x256xf32>
    %convert_element_type3A = arith.truncf %concatenate3A : vector<256x256xf32> to vector<256x256xbf16>
    %convert_element_type3A_23 = arith.truncf %get3A_22 : vector<256x256xf32> to vector<256x256xbf16>
    %dot_general3A = arith.constant dense<0.000000e+00> : vector<256x256xf32>
    %dot_general3A_24 = tpu.matmul %convert_element_type3A, %convert_element_type3A_23, %dot_general3A {dimension_numbers = #tpu.dot_dimension_numbers<[1], [0], [0], [1], [0, 0, 1, 1], [], []>, transpose_lhs_hint = false} : vector<256x256xbf16>, vector<256x256xbf16>, vector<256x256xf32> -> vector<256x256xf32>
    %get3A_25 = arith.constant 0 : index
    %get3A_26 = arith.constant 0 : index
    %get3A_27 = vector.load %arg4[%get3A_25, %get3A_26] : memref<256x256xf32, #tpu.memory_space<vmem>>, vector<256x256xf32>
    %convert_element_type3A_28 = arith.truncf %concatenate3A_19 : vector<256x256xf32> to vector<256x256xbf16>
    %convert_element_type3A_29 = arith.truncf %get3A_27 : vector<256x256xf32> to vector<256x256xbf16>
    %dot_general3A_30 = arith.constant dense<0.000000e+00> : vector<256x256xf32>
    %dot_general3A_31 = tpu.matmul %convert_element_type3A_28, %convert_element_type3A_29, %dot_general3A_30 {dimension_numbers = #tpu.dot_dimension_numbers<[1], [0], [0], [1], [0, 0, 1, 1], [], []>, transpose_lhs_hint = false} : vector<256x256xbf16>, vector<256x256xbf16>, vector<256x256xf32> -> vector<256x256xf32>
    %add3A = arith.addf %dot_general3A_24, %dot_general3A_31 : vector<256x256xf32>
    %get3A_32 = arith.constant 0 : index
    %get3A_33 = arith.constant 0 : index
    %get3A_34 = vector.load %arg5[%get3A_32, %get3A_33] : memref<1x256xf32, #tpu.memory_space<vmem>>, vector<1x256xf32>
    %add3A_35 = vector.broadcast %get3A_34 : vector<1x256xf32> to vector<256x256xf32>
    %add3A_36 = arith.addf %add3A, %add3A_35 : vector<256x256xf32>
    %max3A = arith.constant 0.000000e+00 : f32
    %max3A_37 = vector.broadcast %max3A : f32 to vector<256x256xf32>
    %max3A_38 = arith.maximumf %add3A_36, %max3A_37 : vector<256x256xf32>
    %get3A_39 = arith.constant 0 : index
    %get3A_40 = arith.constant 0 : index
    %get3A_41 = vector.load %arg6[%get3A_39, %get3A_40] : memref<256x256xf32, #tpu.memory_space<vmem>>, vector<256x256xf32>
    %convert_element_type3A_42 = arith.truncf %max3A_38 : vector<256x256xf32> to vector<256x256xbf16>
    %convert_element_type3A_43 = arith.truncf %get3A_41 : vector<256x256xf32> to vector<256x256xbf16>
    %dot_general3A_44 = arith.constant dense<0.000000e+00> : vector<256x256xf32>
    %dot_general3A_45 = tpu.matmul %convert_element_type3A_42, %convert_element_type3A_43, %dot_general3A_44 {dimension_numbers = #tpu.dot_dimension_numbers<[1], [0], [0], [1], [0, 0, 1, 1], [], []>, transpose_lhs_hint = false} : vector<256x256xbf16>, vector<256x256xbf16>, vector<256x256xf32> -> vector<256x256xf32>
    %slice3A = vector.extract_strided_slice %dot_general3A_45 {offsets = [0, 0], sizes = [256, 128], strides = [1, 1]} : vector<256x256xf32> to vector<256x128xf32>
    %slice3A_46 = vector.extract_strided_slice %dot_general3A_45 {offsets = [0, 128], sizes = [256, 128], strides = [1, 1]} : vector<256x256xf32> to vector<256x128xf32>
    %stack3A = vector.shape_cast %slice3A : vector<256x128xf32> to vector<1x256x128xf32>
    %stack3A_47 = vector.shape_cast %slice3A_46 : vector<256x128xf32> to vector<1x256x128xf32>
    %stack3A_48 = tpu.concatenate %stack3A, %stack3A_47 in 0 : vector<1x256x128xf32>, vector<1x256x128xf32> -> vector<2x256x128xf32>
    %swap3A = arith.constant 0 : index
    %swap3A_49 = arith.constant 0 : index
    %swap3A_50 = arith.constant 0 : index
    %swap3A_51 = vector.load %arg9[%swap3A, %swap3A_49, %swap3A_50] : memref<2x256x128xf32, #tpu.memory_space<vmem>>, vector<2x256x128xf32>
    tpu.vector_store %arg9[%swap3A, %swap3A_49, %swap3A_50], %stack3A_48 {strides = array<i32>} : memref<2x256x128xf32, #tpu.memory_space<vmem>>, vector<2x256x128xf32>,
    %get3A_52 = arith.constant 0 : index
    %get3A_53 = arith.constant 0 : index
    %get3A_54 = vector.load %arg7[%get3A_52, %get3A_53] : memref<256x1xf32, #tpu.memory_space<vmem>>, vector<256x1xf32>
    %convert_element_type3A_55 = arith.truncf %dot_general3A_45 : vector<256x256xf32> to vector<256x256xbf16>
    %convert_element_type3A_56 = arith.truncf %get3A_54 : vector<256x1xf32> to vector<256x1xbf16>
    %dot_general3A_57 = arith.constant dense<0.000000e+00> : vector<256x1xf32>
    %dot_general3A_58 = tpu.matmul %convert_element_type3A_55, %convert_element_type3A_56, %dot_general3A_57 {dimension_numbers = #tpu.dot_dimension_numbers<[1], [0], [0], [1], [0, 0, 1, 1], [], []>, transpose_lhs_hint = false} : vector<256x256xbf16>, vector<256x1xbf16>, vector<256x1xf32> -> vector<256x1xf32>
    %swap3A_59 = arith.constant 0 : index
    %swap3A_60 = arith.constant 0 : index
    %swap3A_61 = vector.load %arg10[%swap3A_59, %swap3A_60] : memref<256x1xf32, #tpu.memory_space<vmem>>, vector<256x1xf32>
    tpu.vector_store %arg10[%swap3A_59, %swap3A_60], %dot_general3A_58 {strides = array<i32>} : memref<256x1xf32, #tpu.memory_space<vmem>>, vector<256x1xf32>,
    %get3A_62 = arith.constant 0 : index
    %get3A_63 = arith.constant 0 : index
    %get3A_64 = vector.load %arg8[%get3A_62, %get3A_63] : memref<256x1xf32, #tpu.memory_space<vmem>>, vector<256x1xf32>
    %convert_element_type3A_65 = arith.truncf %dot_general3A_45 : vector<256x256xf32> to vector<256x256xbf16>
    %convert_element_type3A_66 = arith.truncf %get3A_64 : vector<256x1xf32> to vector<256x1xbf16>
    %dot_general3A_67 = arith.constant dense<0.000000e+00> : vector<256x1xf32>
    %dot_general3A_68 = tpu.matmul %convert_element_type3A_65, %convert_element_type3A_66, %dot_general3A_67 {dimension_numbers = #tpu.dot_dimension_numbers<[1], [0], [0], [1], [0, 0, 1, 1], [], []>, transpose_lhs_hint = false} : vector<256x256xbf16>, vector<256x1xbf16>, vector<256x1xf32> -> vector<256x1xf32>
    %swap3A_69 = arith.constant 0 : index
    %swap3A_70 = arith.constant 0 : index
    %swap3A_71 = vector.load %arg11[%swap3A_69, %swap3A_70] : memref<256x1xf32, #tpu.memory_space<vmem>>, vector<256x1xf32>
    tpu.vector_store %arg11[%swap3A_69, %swap3A_70], %dot_general3A_68 {strides = array<i32>} : memref<256x1xf32, #tpu.memory_space<vmem>>, vector<256x1xf32>,
    return
  }
  func.func @transform_0(%arg0: i32) -> (i32, i32, i32) {
    %c0_i32 = arith.constant 0 : i32
    %c0_i32_0 = arith.constant 0 : i32
    %c0_i32_1 = arith.constant 0 : i32
    return %c0_i32, %arg0, %c0_i32_0 : i32, i32, i32
  }
  func.func @transform_1(%arg0: i32) -> (i32, i32, i32) {
    %c0_i32 = arith.constant 0 : i32
    %c0_i32_0 = arith.constant 0 : i32
    %c0_i32_1 = arith.constant 0 : i32
    return %c0_i32, %arg0, %c0_i32_0 : i32, i32, i32
  }
  func.func @transform_2(%arg0: i32) -> (i32, i32) {
    %c0_i32 = arith.constant 0 : i32
    %c0_i32_0 = arith.constant 0 : i32
    %c0_i32_1 = arith.constant 0 : i32
    return %c0_i32, %c0_i32_0 : i32, i32
  }
  func.func @transform_3(%arg0: i32) -> (i32, i32) {
    %c0_i32 = arith.constant 0 : i32
    %c0_i32_0 = arith.constant 0 : i32
    %c0_i32_1 = arith.constant 0 : i32
    return %c0_i32, %c0_i32_0 : i32, i32
  }
  func.func @transform_4(%arg0: i32) -> (i32, i32) {
    %c0_i32 = arith.constant 0 : i32
    %c0_i32_0 = arith.constant 0 : i32
    %c0_i32_1 = arith.constant 0 : i32
    return %c0_i32, %c0_i32_0 : i32, i32
  }
  func.func @transform_5(%arg0: i32) -> (i32, i32) {
    %c0_i32 = arith.constant 0 : i32
    %c0_i32_0 = arith.constant 0 : i32
    %c0_i32_1 = arith.constant 0 : i32
    return %c0_i32, %c0_i32_0 : i32, i32
  }
  func.func @transform_6(%arg0: i32) -> (i32, i32) {
    %c0_i32 = arith.constant 0 : i32
    %c0_i32_0 = arith.constant 0 : i32
    %c0_i32_1 = arith.constant 0 : i32
    return %c0_i32, %c0_i32_0 : i32, i32
  }
  func.func @transform_7(%arg0: i32) -> (i32, i32) {
    %c0_i32 = arith.constant 0 : i32
    %c0_i32_0 = arith.constant 0 : i32
    %c0_i32_1 = arith.constant 0 : i32
    return %c0_i32, %c0_i32_0 : i32, i32
  }
  func.func @transform_8(%arg0: i32) -> (i32, i32, i32) {
    %c0_i32 = arith.constant 0 : i32
    %c0_i32_0 = arith.constant 0 : i32
    %c0_i32_1 = arith.constant 0 : i32
    return %c0_i32, %arg0, %c0_i32_0 : i32, i32, i32
  }
  func.func @transform_9(%arg0: i32) -> (i32, i32) {
    %c0_i32 = arith.constant 0 : i32
    %c0_i32_0 = arith.constant 0 : i32
    return %arg0, %c0_i32 : i32, i32
  }
  func.func @transform_10(%arg0: i32) -> (i32, i32) {
    %c0_i32 = arith.constant 0 : i32
    %c0_i32_0 = arith.constant 0 : i32
    return %arg0, %c0_i32 : i32, i32
  }
}

module attributes {stable_mosaic.version = 14 : i64} {
  func.func @_fin_body(%arg0: i32, %arg1: memref<2x256x128xf32, #tpu.memory_space<vmem>>, %arg2: memref<256x1xf32, #tpu.memory_space<vmem>>, %arg3: memref<256x128xf32, #tpu.memory_space<vmem>>, %arg4: memref<1x128xf32, #tpu.memory_space<vmem>>, %arg5: memref<256x128xf32, #tpu.memory_space<vmem>>) attributes {dimension_semantics = [#tpu.dimension_semantics<arbitrary>], iteration_bounds = array<i64: 40>, scalar_prefetch = 0 : i64, scratch_operands = 0 : i64, tpu.core_type = #tpu.core_type<tc>, window_params = [{transform_indices = @transform_0, window_bounds = array<i64: 2, 256, 128>}, {transform_indices = @transform_1, window_bounds = array<i64: 256, 1>}, {pipeline_mode = #tpu.pipeline_mode<synchronous>, transform_indices = @transform_2, window_bounds = array<i64: 256, 128>}, {pipeline_mode = #tpu.pipeline_mode<synchronous>, transform_indices = @transform_3, window_bounds = array<i64: 1, 128>}, {transform_indices = @transform_4, window_bounds = array<i64: 256, 128>}]} {
    %get3A = arith.constant 0 : index
    %get3A_0 = arith.constant 0 : index
    %get3A_1 = arith.constant 0 : index
    %get3A_2 = vector.load %arg1[%get3A, %get3A_0, %get3A_1] : memref<2x256x128xf32, #tpu.memory_space<vmem>>, vector<1x256x128xf32>
    %get3A_3 = vector.shape_cast %get3A_2 : vector<1x256x128xf32> to vector<256x128xf32>
    %get3A_4 = arith.constant 1 : index
    %get3A_5 = arith.constant 0 : index
    %get3A_6 = arith.constant 0 : index
    %get3A_7 = vector.load %arg1[%get3A_4, %get3A_5, %get3A_6] : memref<2x256x128xf32, #tpu.memory_space<vmem>>, vector<1x256x128xf32>
    %get3A_8 = vector.shape_cast %get3A_7 : vector<1x256x128xf32> to vector<256x128xf32>
    %concatenate3A = tpu.concatenate %get3A_3, %get3A_8 in 1 : vector<256x128xf32>, vector<256x128xf32> -> vector<256x256xf32>
    %get3A_9 = arith.constant 0 : index
    %get3A_10 = arith.constant 0 : index
    %get3A_11 = vector.load %arg2[%get3A_9, %get3A_10] : memref<256x1xf32, #tpu.memory_space<vmem>>, vector<256x1xf32>
    %add3A = arith.constant 1.000000e-16 : f32
    %add3A_12 = vector.broadcast %add3A : f32 to vector<256x1xf32>
    %add3A_13 = arith.addf %get3A_11, %add3A_12 : vector<256x1xf32>
    %div3A = vector.broadcast %add3A_13 : vector<256x1xf32> to vector<256x256xf32>
    %div3A_14 = arith.divf %concatenate3A, %div3A : vector<256x256xf32>
    %get3A_15 = arith.constant 0 : index
    %get3A_16 = arith.constant 0 : index
    %get3A_17 = vector.load %arg3[%get3A_15, %get3A_16] : memref<256x128xf32, #tpu.memory_space<vmem>>, vector<256x128xf32>
    %convert_element_type3A = arith.truncf %div3A_14 : vector<256x256xf32> to vector<256x256xbf16>
    %convert_element_type3A_18 = arith.truncf %get3A_17 : vector<256x128xf32> to vector<256x128xbf16>
    %dot_general3A = arith.constant dense<0.000000e+00> : vector<256x128xf32>
    %dot_general3A_19 = tpu.matmul %convert_element_type3A, %convert_element_type3A_18, %dot_general3A {dimension_numbers = #tpu.dot_dimension_numbers<[1], [0], [0], [1], [0, 0, 1, 1], [], []>, transpose_lhs_hint = false} : vector<256x256xbf16>, vector<256x128xbf16>, vector<256x128xf32> -> vector<256x128xf32>
    %get3A_20 = arith.constant 0 : index
    %get3A_21 = arith.constant 0 : index
    %get3A_22 = vector.load %arg4[%get3A_20, %get3A_21] : memref<1x128xf32, #tpu.memory_space<vmem>>, vector<1x128xf32>
    %add3A_23 = vector.broadcast %get3A_22 : vector<1x128xf32> to vector<256x128xf32>
    %add3A_24 = arith.addf %dot_general3A_19, %add3A_23 : vector<256x128xf32>
    %swap3A = arith.constant 0 : index
    %swap3A_25 = arith.constant 0 : index
    %swap3A_26 = vector.load %arg5[%swap3A, %swap3A_25] : memref<256x128xf32, #tpu.memory_space<vmem>>, vector<256x128xf32>
    tpu.vector_store %arg5[%swap3A, %swap3A_25], %add3A_24 {strides = array<i32>} : memref<256x128xf32, #tpu.memory_space<vmem>>, vector<256x128xf32>,
    return
  }
  func.func @transform_0(%arg0: i32) -> (i32, i32, i32) {
    %c0_i32 = arith.constant 0 : i32
    %c0_i32_0 = arith.constant 0 : i32
    %c0_i32_1 = arith.constant 0 : i32
    return %c0_i32, %arg0, %c0_i32_0 : i32, i32, i32
  }
  func.func @transform_1(%arg0: i32) -> (i32, i32) {
    %c0_i32 = arith.constant 0 : i32
    %c0_i32_0 = arith.constant 0 : i32
    return %arg0, %c0_i32 : i32, i32
  }
  func.func @transform_2(%arg0: i32) -> (i32, i32) {
    %c0_i32 = arith.constant 0 : i32
    %c0_i32_0 = arith.constant 0 : i32
    %c0_i32_1 = arith.constant 0 : i32
    return %c0_i32, %c0_i32_0 : i32, i32
  }
  func.func @transform_3(%arg0: i32) -> (i32, i32) {
    %c0_i32 = arith.constant 0 : i32
    %c0_i32_0 = arith.constant 0 : i32
    %c0_i32_1 = arith.constant 0 : i32
    return %c0_i32, %c0_i32_0 : i32, i32
  }
  func.func @transform_4(%arg0: i32) -> (i32, i32) {
    %c0_i32 = arith.constant 0 : i32
    %c0_i32_0 = arith.constant 0 : i32
    return %arg0, %c0_i32 : i32, i32
  }
}

</mosaic_0001>

<sc_bundles>
// kernel: kernel.12.cloned.1.call-start
scs
__scs_entry_jumppad:
0x0: {  	(pc) =	sbr.rel $0x88, $3  }
0x1: {  	(tag) =	ssettag $0x0;
	lr =	simm.s32 $0x1  }
0x2: {  	[smem:$0x3F94] =	sst lr;
	_ =	strace $0xD0000000  }
0x3: {  	_ = 	snop  }
0x4: {  	_ = 	snop  }
0x5: {  	_ = 	snop  }
0x6: {  	_ = 	snop  }
0x7: {  	_ = 	snop  }
__scs_overlays_trampoline_lowered:
0x8: {  	[smem:$0x3FA3] =	sst s0  }
0x9: {  	[smem:$0x3FA4] =	sst s1  }
0xa: {  	[smem:$0x3FA5] =	sst s2  }
0xb: {  	[smem:$0x3FA6] =	sst s3  }
0xc: {  	[smem:$0x3FA7] =	sst s4  }
0xd: {  	[smem:$0x3FA8] =	sst s5  }
0xe: {  	[smem:$0x3FA9] =	sst s6  }
0xf: {  	[smem:$0x3FAA] =	sst s7  }
0x10: {  	[smem:$0x3FAB] =	sst s8  }
0x11: {  	[smem:$0x3FAC] =	sst s9;
	s0 =	simm.s32 @!p0 $0x0  }
0x12: {  	s1 =	sld [smem:$0x3F92];
	s0 =	simm.s32 @p0 $0x1  }
0x13: {  	[smem:$0x3FAD] =	sst s0;
	s0 =	simm.s32 @!p1 $0x0  }
0x14: {  	s2 =	sld [smem:$0x3F91];
	s0 =	simm.s32 @p1 $0x1  }
0x15: {  	[smem:$0x3FAE] =	sst s0;
	s0 =	simm.s32 @!p2 $0x0  }
0x16: {  	s3 =	sld [smem:$0x3FDB];
	s0 =	simm.s32 @p2 $0x1  }
0x17: {  	s4 =	simm.s32 $0x1BF5;
	[smem:$0x3FB0] =	sst s0  }
0x18: {  	s0 =	sld [smem:$0x3F93];
	_ =	swait.ge [sflag:s4], $0x0  }
0x19: {  	s7 =	sld [smem:$0x3F94]  }
0x1a: {  	s8 =	sadd.s32 $0xFFFFE003, lr  }
0x1b: {  	s9 =	sadd.s32 $0xFFFFFEF7, lr;
	s5 =	simm.s32 $0xFFFFFFFF;
	p2 =	slt.u32 s8, $0xFFFFF086  }
0x1c: {  	p1 =	slt.u32 s9, $0xF7A;
	s5 =	simm.s32 @!p2 $0x0  }
0x1d: {  	s5 =	simm.s32 @p1 $0x1;
	p0 =	seq.s32 s7, s2  }
0x1e: {  	s7 =	smul.u32 @!p0 $0xF7A, s2;
	p2 =	seq.s32 @!p0 s5, $0x0  }
0x1f: {  	s9 =	smul.u32 $0xF7A, s1;
	s8 =	simm.s32 @!p0 $0x1BF5;
	p2 =	por !p2, p0  }
0x20: {  	[sflag:s8] =	ssyncset.s32 @!p0 $0xFFFFF086;
	s6 =	sadd.s32 @!p0 s3, s7;
	s7 =	simm.s32 @!p0 $0x108  }
0x21: {  	s3 =	sadd.s32 s3, s9;
	s6 =	sadd.s32 @!p0 $0x88, s6;
	s7 =	simm.s32 @p2 $0x1082  }
0x22: {  	[simem:s7], [sflag:s8] =	dma.local @!p0 [hbm:s6], $0xF7A  }
0x23: {  	s9 =	sor.u32 $0xD0000000, s2;
	s6 =	simm.s32 $0x108;
	_ =	swait.ge @!p0 [sflag:s8], $0x0  }
0x24: {  	s3 =	sadd.s32 $0x88, s3;
	s6 =	simm.s32 @!p1 $0x1082;
	[sflag:s4] =	ssyncset.s32 $0xFFFFF086  }
0x25: {  	[simem:s6], [sflag:s4] =	dma.local [hbm:s3], $0xF7A  }
0x26: {  	[smem:$0x3F94] =	sst s1;
	(tag) =	ssettag s2;
	_ =	strace s9  }
0x27: {  	s1 =	sld [smem:$0x3FA4]  }
0x28: {  	s2 =	sld [smem:$0x3FA5]  }
0x29: {  	s4 =	sld [smem:$0x3FA7]  }
0x2a: {  	p0 =	seq.s32 s5, $0x0;
	s5 =	sld [smem:$0x3FA8]  }
0x2b: {  	s6 =	sld [smem:$0x3FA9]  }
0x2c: {  	s7 =	sld [smem:$0x3FAA]  }
0x2d: {  	s3 =	simm.s32 $0x108;
	s8 =	sld [smem:$0x3FAB]  }
0x2e: {  	s3 =	simm.s32 @!p0 $0x1082;
	s9 =	sld [smem:$0x3FAC]  }
0x2f: {  	lr =	sadd.s32 s0, s3;
	s0 =	sld [smem:$0x3FA3]  }
0x30: {  	s3 =	sld [smem:$0x3FA6]  }
0x31: {  	[smem:$0x3FAF] =	sst s10  }
0x32: {  	s10 =	sld [smem:$0x3FAD];
	_ =	sdelay $0x3  }
0x33: {  	p0 =	seq.s32 s10, $0x1;
	s10 =	sld [smem:$0x3FAF];
	_ =	sdelay $0x3  }
0x34: {  	[smem:$0x3FAF] =	sst s10  }
0x35: {  	s10 =	sld [smem:$0x3FAE];
	_ =	sdelay $0x3  }
0x36: {  	p1 =	seq.s32 s10, $0x1;
	s10 =	sld [smem:$0x3FAF];
	_ =	sdelay $0x3  }
0x37: {  	[smem:$0x3FAF] =	sst s10  }
0x38: {  	s10 =	sld [smem:$0x3FB0]  }
0x39: {  	_ = 	snop;
	(pc) =	sbr.ind lr, $3  }
0x3a: {  	_ = 	snop  }
0x3b: {  	_ = 	snop  }
0x3c: {  	p2 =	seq.s32 s10, $0x1;
	s10 =	sld [smem:$0x3FAF]  }
0x3d: {  	_ =	shalt  }
0x3e: {  	_ =	shalt  }
0x3f: {  	_ =	shalt  }
0x40: {  	_ =	shalt  }
0x41: {  	_ =	shalt  }
0x42: {  	_ =	shalt  }
0x43: {  	_ =	shalt  }
0x44: {  	_ =	shalt  }
0x45: {  	_ =	shalt  }
0x46: {  	_ =	shalt  }
0x47: {  	_ =	shalt  }
0x48: {  	_ =	shalt  }
0x49: {  	_ =	shalt  }
0x4a: {  	_ =	shalt  }
0x4b: {  	_ =	shalt  }
0x4c: {  	_ =	shalt  }
0x4d: {  	_ =	shalt  }
0x4e: {  	_ =	shalt  }
0x4f: {  	_ =	shalt  }
0x50: {  	_ =	shalt  }
0x51: {  	_ =	shalt  }
0x52: {  	_ =	shalt  }
0x53: {  	_ =	shalt  }
0x54: {  	_ =	shalt  }
0x55: {  	_ =	shalt  }
0x56: {  	_ =	shalt  }
0x57: {  	_ =	shalt  }
0x58: {  	_ =	shalt  }
0x59: {  	_ =	shalt  }
0x5a: {  	_ =	shalt  }
0x5b: {  	_ =	shalt  }
0x5c: {  	_ =	shalt  }
0x5d: {  	_ =	shalt  }
0x5e: {  	_ =	shalt  }
0x5f: {  	_ =	shalt  }
0x60: {  	_ =	shalt  }
0x61: {  	_ =	shalt  }
0x62: {  	_ =	shalt  }
0x63: {  	_ =	shalt  }
0x64: {  	_ =	shalt  }
0x65: {  	_ =	shalt  }
0x66: {  	_ =	shalt  }
0x67: {  	_ =	shalt  }
0x68: {  	_ =	shalt  }
0x69: {  	_ =	shalt  }
0x6a: {  	_ =	shalt  }
0x6b: {  	_ =	shalt  }
0x6c: {  	_ =	shalt  }
0x6d: {  	_ =	shalt  }
0x6e: {  	_ =	shalt  }
0x6f: {  	_ =	shalt  }
0x70: {  	_ =	shalt  }
0x71: {  	_ =	shalt  }
0x72: {  	_ =	shalt  }
0x73: {  	_ =	shalt  }
0x74: {  	_ =	shalt  }
0x75: {  	_ =	shalt  }
0x76: {  	_ =	shalt  }
0x77: {  	_ =	shalt  }
0x78: {  	_ =	shalt  }
0x79: {  	_ =	shalt  }
0x7a: {  	_ =	shalt  }
0x7b: {  	_ =	shalt  }
0x7c: {  	_ =	shalt  }
0x7d: {  	_ =	shalt  }
0x7e: {  	_ =	shalt  }
0x7f: {  	_ =	shalt  }
0x80: {  	_ =	shalt  }
0x81: {  	_ =	shalt  }
0x82: {  	_ =	shalt  }
0x83: {  	_ =	shalt  }
0x84: {  	_ =	shalt  }
0x85: {  	_ =	shalt  }
0x86: {  	_ =	shalt  }
0x87: {  	_ =	shalt  }
.Lfunc_end0:
.L_simem_size_0:
called_computation.1_lowered:
.L_overlay_start_0:
0x88: {  	s2 =	sld [smem:$0x3FD9]  }
0x89: {  	s3 =	sld [smem:$0x3FFE];
	_ =	sdelay $0x1  }
0x8a: {  	s1 =	srdreg.scid  }
0x8b: {  	s0 =	sand.u32 $0x1, s1  }
0x8c: {  	s17 =	sshll.u32 s0, $0xA;
	s2 =	sadd.s32 s3, s2  }
0x8d: {  	s2 =	sadd.s32 s2, s17  }
0x8e: {  	[smem:$0x3FBB] =	sst s2  }
0x8f: {  	_ = 	snop  }
0x90: {  	s2 =	sld [smem:$0x3FD0];
	(tm) =	ssettm $0x1  }
0x91: {  	s18 =	sld [smem:$0x3FFB];
	_ =	sdelay $0x3  }
0x92: {  	_ =	strace s18  }
0x93: {  	s3 =	sld [smem:$0x3FFC];
	_ =	sdelay $0x3  }
0x94: {  	_ =	strace s3  }
0x95: {  	s3 =	sld [smem:$0x3FFD];
	_ =	sdelay $0x3  }
0x96: {  	_ =	strace s3  }
0x97: {  	_ =	strace $0x8FFFFFFF  }
0x98: {  	s19 =	sld [smem:$0x3FDB];
	_ =	sdelay $0x1  }
0x99: {  	s4 =	simm.s32 $_scs_section_size  }
0x9a: {  	s5 =	simm.s32 $_size__tile_overlayer_lowered;
	s6 =	simm.s32 $_tile_overlayer_lowered  }
0x9b: {  	s22 =	simm.s32 $0x1BFF;
	s21 =	sshll.u32 s6, $0x1;
	s3 =	sadd.s32 s4, s19  }
0x9c: {  	s7 =	simm.s32 $0x0;
	s20 =	sshll.u32 s5, $0x1;
	s5 =	sadd.s32 s21, s3  }
0x9d: {  	[timem:s7], [sflag:s22] =	dma.local [hbm:s5], s20  }
0x9e: {  	_ =	swait.ge [sflag:s22], s20  }
0x9f: {  	s4 =	ssub.s32 $0x0, s20;
	[sflag:s22] =	ssyncset.done $0x0  }
0xa0: {  	[sflag:s22] =	ssyncadd.s32 s4;
	_ =	sdelay $0x1  }
0xa1: {  	s23 =	simm.s32 $0x1B8B  }
0xa2: {  	_ =	swait.ge [sflag:s23], $0x1  }
0xa3: {  	[sflag:s23] =	ssyncset.done $0x0  }
0xa4: {  	s25 =	simm.s32 $0x1B8E;
	s24 =	sld [smem:$0x3FFE];
	[sflag:s23] =	ssyncadd.s32 $0xFFFFFFFF  }
0xa5: {  	s26 =	simm.s32 $execute0_lowered;
	[smem:$0x3FD2] =	sst s25  }
0xa6: {  	s5 =	sshll.u32 s26, $0x1;
	_ =	strace $0x80000049;
	[dreg:$0x1] =	wrdreg $0xFFFFFFFF  }
0xa7: {  	s28 =	simm.s32 $_size_execute0_lowered;
	s3 =	sadd.s32 s3, s5;
	[dreg:$0x0] =	wrdreg $0x0  }
0xa8: {  	s5 =	sshll.u32 s28, $0x1;
	[dreg:$0x2] =	wrdreg s3  }
0xa9: {  	[dreg:$0x3] =	wrdreg s5  }
0xaa: {  	[dreg:$0x4] =	wrdreg $0xC0  }
0xab: {  	_ =	task [dreg:s7], $0x5FFFF  }
0xac: {  	[dreg:$0x1] =	wrdreg $0xFFFFFFFF  }
0xad: {  	[dreg:$0x0] =	wrdreg $0x60  }
0xae: {  	[dreg:$0x2] =	wrdreg s24  }
0xaf: {  	[dreg:$0x3] =	wrdreg s2  }
0xb0: {  	[dreg:$0x4] =	wrdreg $0x82000  }
0xb1: {  	[dreg:$0x5] =	wrdreg $0x9  }
0xb2: {  	_ =	task.clear_ibuf [dreg:s7], $0x6FFFF;
	_ =	strace $0x90000049  }
0xb3: {  	s29 =	simm.s32 $0x9;
	_ =	strace $0x8000004B  }
0xb4: {  	_ =	swait.ge [sflag:s29], $0x1  }
0xb5: {  	[sflag:s29] =	ssyncadd.s32 $0xFFFFFFFF  }
0xb6: {  	_ =	strace $0x9000004B  }
0xb7: {  	_ =	sfence  }
0xb8: {  	s30 =	sld [smem:$0x0];
	_ =	sdelay $0x2  }
0xb9: {  	s31 =	sshll.u32 s1, $0xD;
	s1 =	sshrl.u32 s1, $0x2  }
0xba: {  	s3 =	sand.u32 $0x4000, s31;
	s1 =	sadd.s32 s1, s30  }
0xbb: {  	s0 =	sor.u32 s3, s0;
	s1 =	sshll.u32 s1, $0x11  }
0xbc: {  	s0 =	sor.u32 s1, s0  }
0xbd: {  	s0 =	sadd.s32 $0x8F2B, s0  }
0xbe: {  	[sflag:s0] =	ssyncadd.remote.s32 $0x1  }
0xbf: {  	_ =	sfence.sel $0xFFFF  }
0xc0: {  	[dreg:$0x0] =	wrdreg $0xFFFFFFFF;
	(pc) =	sbr.abs _section_cstart, $3  }
0xc1: {  	[dreg:$0x1] =	wrdreg $0xFFFFFFFF  }
0xc2: {  	_ =	task.clear_ibuf [dreg:s7], $0x2FFFF;
	_ =	strace $0x9FFFFFFF  }
0xc3: {  	(tm) =	ssettm $0x7FFFFFFF  }
tec
execute0_lowered:
.L_overlay_start_1:
0x0: {  	(tag) =	ssettag $0x1  }
0x1: {  	s5 =	rddreg [dreg:$0x0]  }
0x2: {  	s13 =	rddreg [dreg:$0x1]  }
0x3: {  	s2 =	rddreg [dreg:$0x2]  }
0x4: {  	s0 =	rddreg [dreg:$0x3];
	s3 =	simm.s32 $0x0;
	s1 =	stileid.u32  }
0x5: {  	s7 =	srdreg.scid;
	s15 =	simm.s32 $0x4;
	s16 =	simm.s32 $0x100  }
0x6: {  	s17 =	simm.s32 $0x80;
	s18 =	simm.s32 $0x1;
	s19 =	simm.s32 $0x180  }
0x7: {  	s20 =	simm.s32 $0x4200;
	s22 =	simm.s32 $0x3;
	s6 =	smul.u32 $0x14000, s1  }
0x8: {  	s23 =	simm.s32 $0x0;
	[smem:$0x7FF] =	sst s3;
	s14 =	smul.u32 $0x500, s1  }
0x9: {  	s4 =	sadd.s32 $0x7000, s5;
	s8 =	smul.u32 $0x2800, s1;
	s7 =	sand.u32 $0x1, s7  }
0xa: {  	s9 =	smul.u32 $0x50000, s1;
	_ =	strace $0x8000004A;
	p0 =	seq.s32 s7, $0x1  }
0xb: {  	s29 =	ssub.s32 $0x2, s7;
	s21 =	smul.u32 $0x2800, s7;
	s6 =	sshrl.u32 s6, $0x3  }
0xc: {  	s12 =	sadd.s32 s14, s5;
	s30 =	sshrl.u32 s29, $0x1;
	s31 =	sshrl.u32 s9, $0x2  }
0xd: {  	s13 =	sadd.s32 s14, s13;
	s14 =	simm.s32 $0x200;
	s6 =	sadd.s32 $0x28000, s6  }
0xe: {  	s12 =	sadd.s32 $0x2000, s12;
	v0 =	vmov s21;
	s21 =	simm.s32 $0x2;
	s8 =	smov.u32 @p0 s6  }
0xf: {  	s6 =	ssub.s32 s29, s30;
	s11 =	sadd.s32 s8, s5;
	s5 =	sadd.s32 s31, s2  }
0x10: {  	s6 =	smax.u32 s6, $0x1;
	s7 =	sadd.s32 $0x4000, s5;
	s8 =	sadd.s32 $0x8000, s5  }
0x11: {  	v1 =	vimm.f32 $0.0e+00;
	s9 =	sadd.s32 $0xC000, s5;
	s10 =	sadd.s32 $0x10000, s5;
	s11 =	sadd.s32 $0x57000, s11  }
.LBB2_1:
0x12: {  	s24 =	simm.s32 $0x0;
	s25 =	simm.s32 $0x200  }
.LBB2_2:
0x13: {  	p0 =	sne.s32 s25, $0xFE00;
	[tilespmem:s24+$0x270] =	vst v1  }
0x14: {  	[tilespmem:s24+$0x200] =	vst v1  }
0x15: {  	[tilespmem:s24+$0x210] =	vst v1  }
.Ltmp0:
0x16: {  	[tilespmem:s24+$0x220] =	vst v1;
	(pc) =	sbr.rel @p0 .LBB2_2-.Ltmp0, $4  }
0x17: {  	[tilespmem:s24+$0x230] =	vst v1  }
0x18: {  	[tilespmem:s24+$0x240] =	vst v1  }
0x19: {  	[tilespmem:s24+$0x250] =	vst v1  }
0x1a: {  	[tilespmem:s24+$0x260] =	vst v1;
	s24 =	sshra.s32 s25, $0x2;
	s25 =	sadd.s32 $0x200, s25  }
0x1b: {  	[tilespmem:s24+$0x270] =	vst v1  }
0x1c: {  	[tilespmem:s24+$0x200] =	vst v1  }
0x1d: {  	[tilespmem:s24+$0x210] =	vst v1  }
0x1e: {  	[tilespmem:s24+$0x220] =	vst v1  }
0x1f: {  	[tilespmem:s24+$0x230] =	vst v1  }
0x20: {  	[tilespmem:s24+$0x240] =	vst v1  }
0x21: {  	[tilespmem:s24+$0x250] =	vst v1  }
0x22: {  	[tilespmem:s24+$0x260] =	vst v1  }
0x23: {  	[spmem:s5] =	stream.linear.scatter [tilespmem:s14], [sflag:$0x4], $0x4000, $0x38;
	[tilespmem:$0x1C200] =	vst v63  }
0x24: {  	_ =	swait.ge [sflag:s15], $0x4000  }
0x25: {  	[sflag:s15] =	ssyncset.done $0x0  }
0x26: {  	[sflag:s15] =	ssyncadd.s32 $0xFFFFC000  }
0x27: {  	[spmem:s7] =	stream.linear.scatter [tilespmem:s14], [sflag:$0x4], $0x4000, $0x38;
	[tilespmem:$0x1C200] =	vst v63  }
0x28: {  	_ =	swait.ge [sflag:s15], $0x4000  }
0x29: {  	[sflag:s15] =	ssyncset.done $0x0  }
0x2a: {  	[sflag:s15] =	ssyncadd.s32 $0xFFFFC000  }
0x2b: {  	[spmem:s8] =	stream.linear.scatter [tilespmem:s14], [sflag:$0x4], $0x4000, $0x38;
	[tilespmem:$0x1C200] =	vst v63  }
0x2c: {  	_ =	swait.ge [sflag:s15], $0x4000  }
0x2d: {  	[sflag:s15] =	ssyncset.done $0x0  }
0x2e: {  	[sflag:s15] =	ssyncadd.s32 $0xFFFFC000  }
0x2f: {  	[spmem:s9] =	stream.linear.scatter [tilespmem:s14], [sflag:$0x4], $0x4000, $0x38;
	[tilespmem:$0x1C200] =	vst v63  }
0x30: {  	_ =	swait.ge [sflag:s15], $0x4000  }
0x31: {  	[sflag:s15] =	ssyncset.done $0x0  }
0x32: {  	[sflag:s15] =	ssyncadd.s32 $0xFFFFC000  }
0x33: {  	[spmem:s10] =	stream.linear.scatter [tilespmem:s14], [sflag:$0x4], $0x4000, $0x38;
	[tilespmem:$0x1C200] =	vst v63  }
0x34: {  	_ =	swait.ge [sflag:s15], $0x4000  }
0x35: {  	[sflag:s15] =	ssyncset.done $0x0  }
0x36: {  	p0 =	por $0x1, $0x1;
	[sflag:s15] =	ssyncadd.s32 $0xFFFFC000  }
0x37: {  	s24 =	simm.s32 @!p0 $0x2;
	[bflag:$0x0] =	sbarrier.arrive $0xFFFF  }
0x38: {  	_ =	swait.ge @!p0 [sflag:s24], $0x4000  }
0x39: {  	[sflag:s24] =	ssyncset.done @!p0 $0x0  }
0x3a: {  	s30 =	sadd.s32 $0x0, s13;
	[sflag:s24] =	ssyncadd.s32 @!p0 $0xFFFFC000  }
0x3b: {  	[tilespmem:s3], [sflag:$0x4] =	stream.linear.gather [hbm4b:s30+s3], $0x80, $0x38;
	[tilespmem:$0x1C200] =	vst v63  }
0x3c: {  	_ =	swait.ge [sflag:s15], $0x80  }
0x3d: {  	[sflag:s15] =	ssyncset.done $0x0  }
0x3e: {  	s25 =	sadd.s32 $0x0, s12;
	[sflag:s15] =	ssyncadd.s32 $0xFFFFFF80  }
0x3f: {  	[tilespmem:s16], [sflag:$0x4] =	stream.linear.gather [hbm4b:s25+s3], $0x80, $0x38;
	[tilespmem:$0x1C200] =	vst v63  }
0x40: {  	_ =	swait.ge [sflag:s15], $0x80  }
0x41: {  	[sflag:s15] =	ssyncset.done $0x0  }
0x42: {  	[sflag:s15] =	ssyncadd.s32 $0xFFFFFF80  }
0x43: {  	v2 =	vld [tilespmem:$0x20]  }
0x44: {  	v3 =	vld [tilespmem:$0x0]  }
0x45: {  	v7 =	vld [tilespmem:$0x50]  }
0x46: {  	v4 =	vld [tilespmem:$0x10]  }
0x47: {  	v5 =	vld [tilespmem:$0x60]  }
0x48: {  	v6 =	vld [tilespmem:$0x70];
	v2 =	vadd.s32 v0, v2  }
0x49: {  	v8 =	vld [tilespmem:$0x30];
	v3 =	vadd.s32 v0, v3;
	[tilespmem:$0xA0] =	vst v2  }
0x4a: {  	v63 =	vadd.s32 v0, v7;
	v2 =	vld [tilespmem:$0x40];
	[tilespmem:$0x80] =	vst v3  }
0x4b: {  	v3 =	vadd.s32 v0, v4;
	[tilespmem:$0xD0] =	vst v63  }
0x4c: {  	[tilespmem:$0x90] =	vst v3;
	v3 =	vadd.s32 v0, v5  }
0x4d: {  	[tilespmem:$0xE0] =	vst v3;
	v3 =	vadd.s32 v0, v6  }
0x4e: {  	[tilespmem:$0xF0] =	vst v3;
	v3 =	vadd.s32 v0, v8  }
0x4f: {  	[tilespmem:$0xB0] =	vst v3;
	v2 =	vadd.s32 v0, v2  }
0x50: {  	[tilespmem:$0xC0] =	vst v2  }
0x51: {  	[tilespmem:s14], [sflag:$0x1] =	stream.indirect.gather [hbm4b:s4+s17], $0x80, s17, s17, $0xb8;
	[tilespmem:$0x1C200] =	vst v63  }
0x52: {  	_ =	swait.ge [sflag:s18], $0x4000  }
0x53: {  	[sflag:s18] =	ssyncset.done $0x0  }
0x54: {  	s26 =	simm.s32 @!p0 $0x3;
	[sflag:s18] =	ssyncadd.s32 $0xFFFFC000  }
0x55: {  	[spmem:s2] =	stream.indirect.scatter.add.f32 [tilespmem:s14], [sflag:$0x2], $0x80, s16, s17, $0xb8;
	[tilespmem:$0x1C200] =	vst v63  }
0x56: {  	_ =	swait.ge @!p0 [sflag:s26], $0x4000  }
0x57: {  	[sflag:s26] =	ssyncset.done @!p0 $0x0  }
0x58: {  	s24 =	sadd.s32 $0x10, s30;
	[sflag:s26] =	ssyncadd.s32 @!p0 $0xFFFFC000  }
0x59: {  	[tilespmem:s3], [sflag:$0x4] =	stream.linear.gather [hbm4b:s24+s3], $0x80, $0x38;
	[tilespmem:$0x1C200] =	vst v63  }
0x5a: {  	_ =	swait.ge [sflag:s15], $0x80  }
0x5b: {  	[sflag:s15] =	ssyncset.done $0x0  }
0x5c: {  	s31 =	sadd.s32 $0x10, s25;
	[sflag:s15] =	ssyncadd.s32 $0xFFFFFF80  }
0x5d: {  	[tilespmem:s19], [sflag:$0x4] =	stream.linear.gather [hbm4b:s31+s3], $0x80, $0x38;
	[tilespmem:$0x1C200] =	vst v63  }
0x5e: {  	_ =	swait.ge [sflag:s15], $0x80  }
0x5f: {  	[sflag:s15] =	ssyncset.done $0x0  }
0x60: {  	s24 =	simm.s32 $0x20;
	[sflag:s15] =	ssyncadd.s32 $0xFFFFFF80  }
.LBB2_4:
0x61: {  	v2 =	vld [tilespmem:$0x70];
	s26 =	smov.u32 s24;
	s24 =	sadd.s32 $0x20, s24  }
0x62: {  	p0 =	sne.s32 s24, $0x500;
	v3 =	vld [tilespmem:$0x60]  }
0x63: {  	v4 =	vld [tilespmem:$0x50]  }
0x64: {  	v5 =	vld [tilespmem:$0x40]  }
0x65: {  	v6 =	vld [tilespmem:$0x30]  }
0x66: {  	v7 =	vld [tilespmem:$0x20];
	v2 =	vadd.s32 v0, v2  }
0x67: {  	v8 =	vld [tilespmem:$0x10];
	v3 =	vadd.s32 v0, v3;
	[tilespmem:$0xF0] =	vst v2  }
0x68: {  	v2 =	vld [tilespmem:$0x0];
	v4 =	vadd.s32 v0, v4;
	[tilespmem:$0xE0] =	vst v3  }
0x69: {  	v3 =	vadd.s32 v0, v5;
	[tilespmem:$0xD0] =	vst v4  }
0x6a: {  	v4 =	vadd.s32 v0, v6;
	[tilespmem:$0xC0] =	vst v3  }
0x6b: {  	v3 =	vadd.s32 v0, v7;
	[tilespmem:$0xB0] =	vst v4  }
0x6c: {  	v4 =	vadd.s32 v0, v8;
	[tilespmem:$0xA0] =	vst v3  }
0x6d: {  	v2 =	vadd.s32 v0, v2;
	[tilespmem:$0x90] =	vst v4  }
0x6e: {  	p1 =	seq.s32 s26, $0x0;
	[tilespmem:$0x80] =	vst v2  }
0x6f: {  	[tilespmem:s20], [sflag:$0x1] =	stream.indirect.gather [hbm4b:s4+s17], $0x80, s17, s17, $0xb8;
	[tilespmem:$0x1C200] =	vst v63  }
0x70: {  	s25 =	simm.s32 @!p1 $0x2;
	_ =	swait.ge [sflag:s18], $0x4000  }
0x71: {  	[sflag:s18] =	ssyncset.done $0x0  }
0x72: {  	[sflag:s18] =	ssyncadd.s32 $0xFFFFC000  }
0x73: {  	[spmem:s2] =	stream.indirect.scatter.add.f32 [tilespmem:s20], [sflag:$0x3], $0x80, s19, s17, $0xb8;
	[tilespmem:$0x1C200] =	vst v63  }
0x74: {  	_ =	swait.ge @!p1 [sflag:s25], $0x4000  }
0x75: {  	[sflag:s25] =	ssyncset.done @!p1 $0x0  }
0x76: {  	[sflag:s25] =	ssyncadd.s32 @!p1 $0xFFFFC000;
	s25 =	sadd.s32 s26, s13  }
0x77: {  	[tilespmem:s3], [sflag:$0x4] =	stream.linear.gather [hbm4b:s25+s3], $0x80, $0x38;
	[tilespmem:$0x1C200] =	vst v63  }
0x78: {  	_ =	swait.ge [sflag:s15], $0x80  }
0x79: {  	[sflag:s15] =	ssyncset.done $0x0  }
0x7a: {  	s26 =	sadd.s32 s26, s12;
	[sflag:s15] =	ssyncadd.s32 $0xFFFFFF80  }
0x7b: {  	[tilespmem:s16], [sflag:$0x4] =	stream.linear.gather [hbm4b:s26+s3], $0x80, $0x38;
	[tilespmem:$0x1C200] =	vst v63  }
0x7c: {  	_ =	swait.ge [sflag:s15], $0x80  }
0x7d: {  	[sflag:s15] =	ssyncset.done $0x0  }
0x7e: {  	[sflag:s15] =	ssyncadd.s32 $0xFFFFFF80  }
0x7f: {  	v2 =	vld [tilespmem:$0x30]  }
0x80: {  	v3 =	vld [tilespmem:$0x20]  }
0x81: {  	v4 =	vld [tilespmem:$0x0]  }
0x82: {  	v5 =	vld [tilespmem:$0x10]  }
0x83: {  	v6 =	vld [tilespmem:$0x60]  }
0x84: {  	v7 =	vld [tilespmem:$0x70]  }
0x85: {  	v3 =	vadd.s32 v0, v3;
	v8 =	vld [tilespmem:$0x50]  }
0x86: {  	v2 =	vadd.s32 v0, v2;
	v4 =	vadd.s32 v0, v4;
	[tilespmem:$0xA0] =	vst v3;
	v3 =	vld [tilespmem:$0x40]  }
0x87: {  	[tilespmem:$0x80] =	vst v4;
	v4 =	vadd.s32 v0, v5  }
0x88: {  	[tilespmem:$0x90] =	vst v4;
	v4 =	vadd.s32 v0, v6  }
0x89: {  	[tilespmem:$0xE0] =	vst v4;
	v4 =	vadd.s32 v0, v7  }
0x8a: {  	v5 =	vadd.s32 v0, v8;
	[tilespmem:$0xF0] =	vst v4  }
0x8b: {  	v3 =	vadd.s32 v0, v3;
	[tilespmem:$0xD0] =	vst v5  }
0x8c: {  	[tilespmem:$0xC0] =	vst v3  }
0x8d: {  	[tilespmem:$0xB0] =	vst v2  }
0x8e: {  	[tilespmem:s14], [sflag:$0x1] =	stream.indirect.gather [hbm4b:s4+s17], $0x80, s17, s17, $0xb8;
	[tilespmem:$0x1C200] =	vst v63  }
0x8f: {  	_ =	swait.ge [sflag:s18], $0x4000  }
0x90: {  	[sflag:s18] =	ssyncset.done $0x0  }
0x91: {  	s28 =	simm.s32 @!p1 $0x3;
	[sflag:s18] =	ssyncadd.s32 $0xFFFFC000  }
0x92: {  	[spmem:s2] =	stream.indirect.scatter.add.f32 [tilespmem:s14], [sflag:$0x2], $0x80, s16, s17, $0xb8;
	[tilespmem:$0x1C200] =	vst v63  }
0x93: {  	_ =	swait.ge @!p1 [sflag:s28], $0x4000  }
0x94: {  	[sflag:s28] =	ssyncset.done @!p1 $0x0  }
0x95: {  	s25 =	sadd.s32 $0x10, s25;
	[sflag:s28] =	ssyncadd.s32 @!p1 $0xFFFFC000  }
0x96: {  	[tilespmem:s3], [sflag:$0x4] =	stream.linear.gather [hbm4b:s25+s3], $0x80, $0x38;
	[tilespmem:$0x1C200] =	vst v63  }
0x97: {  	_ =	swait.ge [sflag:s15], $0x80  }
0x98: {  	[sflag:s15] =	ssyncset.done $0x0  }
.Ltmp1:
0x99: {  	s25 =	sadd.s32 $0x10, s26;
	[sflag:s15] =	ssyncadd.s32 $0xFFFFFF80;
	(pc) =	sbr.rel @p0 .LBB2_4-.Ltmp1, $4  }
0x9a: {  	[tilespmem:s19], [sflag:$0x4] =	stream.linear.gather [hbm4b:s25+s3], $0x80, $0x38;
	[tilespmem:$0x1C200] =	vst v63  }
0x9b: {  	_ =	swait.ge [sflag:s15], $0x80  }
0x9c: {  	[sflag:s15] =	ssyncset.done $0x0  }
0x9d: {  	[sflag:s15] =	ssyncadd.s32 $0xFFFFFF80  }
0x9e: {  	v2 =	vld [tilespmem:$0x70]  }
0x9f: {  	v3 =	vld [tilespmem:$0x60]  }
0xa0: {  	v4 =	vld [tilespmem:$0x50]  }
0xa1: {  	v6 =	vld [tilespmem:$0x30]  }
0xa2: {  	v8 =	vld [tilespmem:$0x10]  }
0xa3: {  	v5 =	vld [tilespmem:$0x40];
	v2 =	vadd.s32 v0, v2  }
0xa4: {  	v7 =	vld [tilespmem:$0x20];
	v3 =	vadd.s32 v0, v3;
	[tilespmem:$0xF0] =	vst v2  }
0xa5: {  	v4 =	vadd.s32 v0, v4;
	v2 =	vld [tilespmem:$0x0];
	[tilespmem:$0xE0] =	vst v3  }
0xa6: {  	v62 =	vadd.s32 v0, v6;
	[tilespmem:$0xD0] =	vst v4  }
0xa7: {  	v63 =	vadd.s32 v0, v8;
	[tilespmem:$0xB0] =	vst v62  }
0xa8: {  	v3 =	vadd.s32 v0, v5;
	[tilespmem:$0x90] =	vst v63  }
0xa9: {  	[tilespmem:$0xC0] =	vst v3;
	v3 =	vadd.s32 v0, v7  }
0xaa: {  	[tilespmem:$0xA0] =	vst v3;
	v2 =	vadd.s32 v0, v2  }
0xab: {  	[tilespmem:$0x80] =	vst v2  }
0xac: {  	[tilespmem:s20], [sflag:$0x1] =	stream.indirect.gather [hbm4b:s4+s17], $0x80, s17, s17, $0xb8;
	[tilespmem:$0x1C200] =	vst v63  }
0xad: {  	_ =	swait.ge [sflag:s18], $0x4000  }
0xae: {  	[sflag:s18] =	ssyncset.done $0x0  }
0xaf: {  	[sflag:s18] =	ssyncadd.s32 $0xFFFFC000  }
0xb0: {  	[spmem:s2] =	stream.indirect.scatter.add.f32 [tilespmem:s20], [sflag:$0x3], $0x80, s19, s17, $0xb8;
	[tilespmem:$0x1C200] =	vst v63  }
0xb1: {  	_ =	swait.ge [sflag:s21], $0x4000  }
0xb2: {  	[sflag:s21] =	ssyncset.done $0x0  }
0xb3: {  	[sflag:s21] =	ssyncadd.s32 $0xFFFFC000  }
0xb4: {  	_ =	swait.ge [sflag:s22], $0x4000  }
0xb5: {  	s24 =	sshll.u32 s1, $0x6;
	s23 =	sadd.s32 $0x1, s23;
	[sflag:s22] =	ssyncset.done $0x0  }
0xb6: {  	s25 =	sshrl.u32 s5, $0x3;
	p0 =	sne.s32 s23, s6;
	[sflag:s22] =	ssyncadd.s32 $0xFFFFC000  }
.Ltmp2:
0xb7: {  	s24 =	sor.u32 $0x1C04, s24;
	[bflag:$0x0] =	sbarrier.arrive $0xFFFF;
	(pc) =	sbr.rel @p0 .LBB2_1-.Ltmp2, $4  }
0xb8: {  	[hbm:s11], [sflag:s24] =	dma.local [spmem:s25], $0x2800  }
0xb9: {  	_ =	swait.ge [sflag:s15], $0x2800  }
0xba: {  	[sflag:s15] =	ssyncset.done $0x0  }
0xbb: {  	[sflag:s15] =	ssyncadd.s32 $0xFFFFD800  }
0xbc: {  	_ =	sfence.sel $0x180000  }
0xbd: {  	[bflag:$0x0] =	sbarrier.arrive $0xFFFF  }
0xbe: {  	p0 =	sne.s32 s1, $0x0;
	_ =	strace $0x9000004A  }
0xbf: {  	s0 =	sadd.s32 @!p0 $0x100000, s0;
	[bflag:$0x2] =	sbarrier.arrive $0xFFFF  }
0xc0: {  	[sflag:s0] =	ssyncadd.tile.s32 @!p0 $0x1;
	_ =	shalt  }
.Lfunc_end2:
_tile_overlayer_lowered:
.L_overlay_start_2:
0xc1: {  	(tag) =	ssettag $0x2  }
0xc2: {  	s0 =	rddreg [dreg:$0x0];
	s2 =	stileid.u32  }
0xc3: {  	s1 =	rddreg [dreg:$0x1];
	p0 =	sne.s32 s2, $0x0  }
0xc4: {  	s3 =	rddreg [dreg:$0x2];
	[bflag:$0x3] =	sbarrier.arrive $0xFFFF;
	s2 =	simm.s32 @!p0 $0x1C04  }
0xc5: {  	[timem:s3], [sflag:s2] =	dma.local @!p0 [hbm:s0], s1  }
0xc6: {  	s0 =	simm.s32 @!p0 $0x4  }
0xc7: {  	_ =	swait.ge @!p0 [sflag:s0], s1  }
0xc8: {  	s1 =	ssub.s32 @!p0 $0x0, s1;
	[sflag:s0] =	ssyncset.done @!p0 $0x0  }
0xc9: {  	[sflag:s0] =	ssyncadd.s32 @!p0 s1  }
0xca: {  	[bflag:$0x3] =	sbarrier.arrive $0xFFFF  }
0xcb: {  	_ =	shalt  }

// kernel: kernel.15.cloned.1.call-start
scs
__scs_entry_jumppad:
0x0: {  	(pc) =	sbr.rel $0x88, $3  }
0x1: {  	(tag) =	ssettag $0x0;
	lr =	simm.s32 $0x1  }
0x2: {  	[smem:$0x3F94] =	sst lr;
	_ =	strace $0xD0000000  }
0x3: {  	_ = 	snop  }
0x4: {  	_ = 	snop  }
0x5: {  	_ = 	snop  }
0x6: {  	_ = 	snop  }
0x7: {  	_ = 	snop  }
__scs_overlays_trampoline_lowered:
0x8: {  	[smem:$0x3FA3] =	sst s0  }
0x9: {  	[smem:$0x3FA4] =	sst s1  }
0xa: {  	[smem:$0x3FA5] =	sst s2  }
0xb: {  	[smem:$0x3FA6] =	sst s3  }
0xc: {  	[smem:$0x3FA7] =	sst s4  }
0xd: {  	[smem:$0x3FA8] =	sst s5  }
0xe: {  	[smem:$0x3FA9] =	sst s6  }
0xf: {  	[smem:$0x3FAA] =	sst s7  }
0x10: {  	[smem:$0x3FAB] =	sst s8  }
0x11: {  	[smem:$0x3FAC] =	sst s9;
	s0 =	simm.s32 @!p0 $0x0  }
0x12: {  	s1 =	sld [smem:$0x3F92];
	s0 =	simm.s32 @p0 $0x1  }
0x13: {  	[smem:$0x3FAD] =	sst s0;
	s0 =	simm.s32 @!p1 $0x0  }
0x14: {  	s2 =	sld [smem:$0x3F91];
	s0 =	simm.s32 @p1 $0x1  }
0x15: {  	[smem:$0x3FAE] =	sst s0;
	s0 =	simm.s32 @!p2 $0x0  }
0x16: {  	s3 =	sld [smem:$0x3FDB];
	s0 =	simm.s32 @p2 $0x1  }
0x17: {  	s4 =	simm.s32 $0x1BF5;
	[smem:$0x3FB0] =	sst s0  }
0x18: {  	s0 =	sld [smem:$0x3F93];
	_ =	swait.ge [sflag:s4], $0x0  }
0x19: {  	s7 =	sld [smem:$0x3F94]  }
0x1a: {  	s8 =	sadd.s32 $0xFFFFE003, lr  }
0x1b: {  	s9 =	sadd.s32 $0xFFFFFEF7, lr;
	s5 =	simm.s32 $0xFFFFFFFF;
	p2 =	slt.u32 s8, $0xFFFFF086  }
0x1c: {  	p1 =	slt.u32 s9, $0xF7A;
	s5 =	simm.s32 @!p2 $0x0  }
0x1d: {  	s5 =	simm.s32 @p1 $0x1;
	p0 =	seq.s32 s7, s2  }
0x1e: {  	s7 =	smul.u32 @!p0 $0xF7A, s2;
	p2 =	seq.s32 @!p0 s5, $0x0  }
0x1f: {  	s9 =	smul.u32 $0xF7A, s1;
	s8 =	simm.s32 @!p0 $0x1BF5;
	p2 =	por !p2, p0  }
0x20: {  	[sflag:s8] =	ssyncset.s32 @!p0 $0xFFFFF086;
	s6 =	sadd.s32 @!p0 s3, s7;
	s7 =	simm.s32 @!p0 $0x108  }
0x21: {  	s3 =	sadd.s32 s3, s9;
	s6 =	sadd.s32 @!p0 $0x88, s6;
	s7 =	simm.s32 @p2 $0x1082  }
0x22: {  	[simem:s7], [sflag:s8] =	dma.local @!p0 [hbm:s6], $0xF7A  }
0x23: {  	s9 =	sor.u32 $0xD0000000, s2;
	s6 =	simm.s32 $0x108;
	_ =	swait.ge @!p0 [sflag:s8], $0x0  }
0x24: {  	s3 =	sadd.s32 $0x88, s3;
	s6 =	simm.s32 @!p1 $0x1082;
	[sflag:s4] =	ssyncset.s32 $0xFFFFF086  }
0x25: {  	[simem:s6], [sflag:s4] =	dma.local [hbm:s3], $0xF7A  }
0x26: {  	[smem:$0x3F94] =	sst s1;
	(tag) =	ssettag s2;
	_ =	strace s9  }
0x27: {  	s1 =	sld [smem:$0x3FA4]  }
0x28: {  	s2 =	sld [smem:$0x3FA5]  }
0x29: {  	s4 =	sld [smem:$0x3FA7]  }
0x2a: {  	p0 =	seq.s32 s5, $0x0;
	s5 =	sld [smem:$0x3FA8]  }
0x2b: {  	s6 =	sld [smem:$0x3FA9]  }
0x2c: {  	s7 =	sld [smem:$0x3FAA]  }
0x2d: {  	s3 =	simm.s32 $0x108;
	s8 =	sld [smem:$0x3FAB]  }
0x2e: {  	s3 =	simm.s32 @!p0 $0x1082;
	s9 =	sld [smem:$0x3FAC]  }
0x2f: {  	lr =	sadd.s32 s0, s3;
	s0 =	sld [smem:$0x3FA3]  }
0x30: {  	s3 =	sld [smem:$0x3FA6]  }
0x31: {  	[smem:$0x3FAF] =	sst s10  }
0x32: {  	s10 =	sld [smem:$0x3FAD];
	_ =	sdelay $0x3  }
0x33: {  	p0 =	seq.s32 s10, $0x1;
	s10 =	sld [smem:$0x3FAF];
	_ =	sdelay $0x3  }
0x34: {  	[smem:$0x3FAF] =	sst s10  }
0x35: {  	s10 =	sld [smem:$0x3FAE];
	_ =	sdelay $0x3  }
0x36: {  	p1 =	seq.s32 s10, $0x1;
	s10 =	sld [smem:$0x3FAF];
	_ =	sdelay $0x3  }
0x37: {  	[smem:$0x3FAF] =	sst s10  }
0x38: {  	s10 =	sld [smem:$0x3FB0]  }
0x39: {  	_ = 	snop;
	(pc) =	sbr.ind lr, $3  }
0x3a: {  	_ = 	snop  }
0x3b: {  	_ = 	snop  }
0x3c: {  	p2 =	seq.s32 s10, $0x1;
	s10 =	sld [smem:$0x3FAF]  }
0x3d: {  	_ =	shalt  }
0x3e: {  	_ =	shalt  }
0x3f: {  	_ =	shalt  }
0x40: {  	_ =	shalt  }
0x41: {  	_ =	shalt  }
0x42: {  	_ =	shalt  }
0x43: {  	_ =	shalt  }
0x44: {  	_ =	shalt  }
0x45: {  	_ =	shalt  }
0x46: {  	_ =	shalt  }
0x47: {  	_ =	shalt  }
0x48: {  	_ =	shalt  }
0x49: {  	_ =	shalt  }
0x4a: {  	_ =	shalt  }
0x4b: {  	_ =	shalt  }
0x4c: {  	_ =	shalt  }
0x4d: {  	_ =	shalt  }
0x4e: {  	_ =	shalt  }
0x4f: {  	_ =	shalt  }
0x50: {  	_ =	shalt  }
0x51: {  	_ =	shalt  }
0x52: {  	_ =	shalt  }
0x53: {  	_ =	shalt  }
0x54: {  	_ =	shalt  }
0x55: {  	_ =	shalt  }
0x56: {  	_ =	shalt  }
0x57: {  	_ =	shalt  }
0x58: {  	_ =	shalt  }
0x59: {  	_ =	shalt  }
0x5a: {  	_ =	shalt  }
0x5b: {  	_ =	shalt  }
0x5c: {  	_ =	shalt  }
0x5d: {  	_ =	shalt  }
0x5e: {  	_ =	shalt  }
0x5f: {  	_ =	shalt  }
0x60: {  	_ =	shalt  }
0x61: {  	_ =	shalt  }
0x62: {  	_ =	shalt  }
0x63: {  	_ =	shalt  }
0x64: {  	_ =	shalt  }
0x65: {  	_ =	shalt  }
0x66: {  	_ =	shalt  }
0x67: {  	_ =	shalt  }
0x68: {  	_ =	shalt  }
0x69: {  	_ =	shalt  }
0x6a: {  	_ =	shalt  }
0x6b: {  	_ =	shalt  }
0x6c: {  	_ =	shalt  }
0x6d: {  	_ =	shalt  }
0x6e: {  	_ =	shalt  }
0x6f: {  	_ =	shalt  }
0x70: {  	_ =	shalt  }
0x71: {  	_ =	shalt  }
0x72: {  	_ =	shalt  }
0x73: {  	_ =	shalt  }
0x74: {  	_ =	shalt  }
0x75: {  	_ =	shalt  }
0x76: {  	_ =	shalt  }
0x77: {  	_ =	shalt  }
0x78: {  	_ =	shalt  }
0x79: {  	_ =	shalt  }
0x7a: {  	_ =	shalt  }
0x7b: {  	_ =	shalt  }
0x7c: {  	_ =	shalt  }
0x7d: {  	_ =	shalt  }
0x7e: {  	_ =	shalt  }
0x7f: {  	_ =	shalt  }
0x80: {  	_ =	shalt  }
0x81: {  	_ =	shalt  }
0x82: {  	_ =	shalt  }
0x83: {  	_ =	shalt  }
0x84: {  	_ =	shalt  }
0x85: {  	_ =	shalt  }
0x86: {  	_ =	shalt  }
0x87: {  	_ =	shalt  }
.Lfunc_end0:
.L_simem_size_0:
called_computation.2_lowered:
.L_overlay_start_0:
0x88: {  	s2 =	sld [smem:$0x3FD9]  }
0x89: {  	s3 =	sld [smem:$0x3FFE];
	_ =	sdelay $0x1  }
0x8a: {  	s1 =	srdreg.scid  }
0x8b: {  	s0 =	sand.u32 $0x1, s1  }
0x8c: {  	s17 =	sshll.u32 s0, $0xA;
	s2 =	sadd.s32 s3, s2  }
0x8d: {  	s2 =	sadd.s32 s2, s17  }
0x8e: {  	[smem:$0x3FBB] =	sst s2  }
0x8f: {  	_ = 	snop  }
0x90: {  	s2 =	sld [smem:$0x3FD0];
	(tm) =	ssettm $0x1  }
0x91: {  	s18 =	sld [smem:$0x3FFB];
	_ =	sdelay $0x3  }
0x92: {  	_ =	strace s18  }
0x93: {  	s3 =	sld [smem:$0x3FFC];
	_ =	sdelay $0x3  }
0x94: {  	_ =	strace s3  }
0x95: {  	s3 =	sld [smem:$0x3FFD];
	_ =	sdelay $0x3  }
0x96: {  	_ =	strace s3  }
0x97: {  	_ =	strace $0x8FFFFFFF  }
0x98: {  	s19 =	sld [smem:$0x3FDB];
	_ =	sdelay $0x1  }
0x99: {  	s4 =	simm.s32 $_scs_section_size  }
0x9a: {  	s5 =	simm.s32 $_size__tile_overlayer_lowered;
	s6 =	simm.s32 $_tile_overlayer_lowered  }
0x9b: {  	s22 =	simm.s32 $0x1BFF;
	s21 =	sshll.u32 s6, $0x1;
	s3 =	sadd.s32 s4, s19  }
0x9c: {  	s7 =	simm.s32 $0x0;
	s20 =	sshll.u32 s5, $0x1;
	s5 =	sadd.s32 s21, s3  }
0x9d: {  	[timem:s7], [sflag:s22] =	dma.local [hbm:s5], s20  }
0x9e: {  	_ =	swait.ge [sflag:s22], s20  }
0x9f: {  	s4 =	ssub.s32 $0x0, s20;
	[sflag:s22] =	ssyncset.done $0x0  }
0xa0: {  	[sflag:s22] =	ssyncadd.s32 s4;
	_ =	sdelay $0x1  }
0xa1: {  	s23 =	simm.s32 $0x1B8B  }
0xa2: {  	_ =	swait.ge [sflag:s23], $0x1  }
0xa3: {  	[sflag:s23] =	ssyncset.done $0x0  }
0xa4: {  	s25 =	simm.s32 $0x1B8E;
	s24 =	sld [smem:$0x3FFE];
	[sflag:s23] =	ssyncadd.s32 $0xFFFFFFFF  }
0xa5: {  	s26 =	simm.s32 $execute0_lowered;
	[smem:$0x3FD2] =	sst s25  }
0xa6: {  	s5 =	sshll.u32 s26, $0x1;
	_ =	strace $0x8000004C;
	[dreg:$0x1] =	wrdreg $0xFFFFFFFF  }
0xa7: {  	s28 =	simm.s32 $_size_execute0_lowered;
	s3 =	sadd.s32 s3, s5;
	[dreg:$0x0] =	wrdreg $0x0  }
0xa8: {  	s5 =	sshll.u32 s28, $0x1;
	[dreg:$0x2] =	wrdreg s3  }
0xa9: {  	[dreg:$0x3] =	wrdreg s5  }
0xaa: {  	[dreg:$0x4] =	wrdreg $0xC0  }
0xab: {  	_ =	task [dreg:s7], $0x5FFFF  }
0xac: {  	[dreg:$0x1] =	wrdreg $0xFFFFFFFF  }
0xad: {  	[dreg:$0x0] =	wrdreg $0x60  }
0xae: {  	[dreg:$0x2] =	wrdreg s24  }
0xaf: {  	[dreg:$0x3] =	wrdreg s2  }
0xb0: {  	[dreg:$0x4] =	wrdreg $0x11D000  }
0xb1: {  	[dreg:$0x5] =	wrdreg $0x9  }
0xb2: {  	_ =	task.clear_ibuf [dreg:s7], $0x6FFFF;
	_ =	strace $0x9000004C  }
0xb3: {  	s29 =	simm.s32 $0x9;
	_ =	strace $0x8000004E  }
0xb4: {  	_ =	swait.ge [sflag:s29], $0x1  }
0xb5: {  	[sflag:s29] =	ssyncadd.s32 $0xFFFFFFFF  }
0xb6: {  	_ =	strace $0x9000004E  }
0xb7: {  	_ =	sfence  }
0xb8: {  	s30 =	sld [smem:$0x0];
	_ =	sdelay $0x2  }
0xb9: {  	s31 =	sshll.u32 s1, $0xD;
	s1 =	sshrl.u32 s1, $0x2  }
0xba: {  	s3 =	sand.u32 $0x4000, s31;
	s1 =	sadd.s32 s1, s30  }
0xbb: {  	s0 =	sor.u32 s3, s0;
	s1 =	sshll.u32 s1, $0x11  }
0xbc: {  	s0 =	sor.u32 s1, s0  }
0xbd: {  	s0 =	sadd.s32 $0x8F2B, s0  }
0xbe: {  	[sflag:s0] =	ssyncadd.remote.s32 $0x1  }
0xbf: {  	_ =	sfence.sel $0xFFFF  }
0xc0: {  	[dreg:$0x0] =	wrdreg $0xFFFFFFFF;
	(pc) =	sbr.abs _section_cstart, $3  }
0xc1: {  	[dreg:$0x1] =	wrdreg $0xFFFFFFFF  }
0xc2: {  	_ =	task.clear_ibuf [dreg:s7], $0x2FFFF;
	_ =	strace $0x9FFFFFFF  }
0xc3: {  	(tm) =	ssettm $0x7FFFFFFF  }
tec
execute0_lowered:
.L_overlay_start_1:
0x0: {  	(tag) =	ssettag $0x1  }
0x1: {  	s6 =	rddreg [dreg:$0x0]  }
0x2: {  	s7 =	rddreg [dreg:$0x1]  }
0x3: {  	s2 =	rddreg [dreg:$0x2]  }
0x4: {  	s0 =	rddreg [dreg:$0x3]  }
0x5: {  	v0 =	vimm.s32 $0xEDCBA987;
	s1 =	stileid.u32;
	s4 =	srdreg.scid;
	v1 =	vimm.s32 $0x65432100;
	s3 =	simm.s32 $0x0;
	v3 =	vimm.s32 $0xDCBA9876  }
0x6: {  	v4 =	vimm.s32 $0x54321000;
	v5 =	vimm.s32 $0xE40000;
	s16 =	simm.s32 $0x5000;
	s17 =	simm.s32 $0x7800;
	s18 =	simm.s32 $0xC800;
	v0 =	vunpack.c.l.s4.s8 v0  }
0x7: {  	v6 =	vimm.s32 $0xBA987654;
	v8 =	vimm.s32 $0x87654321;
	s19 =	simm.s32 $0x80;
	s20 =	simm.s32 $0x400;
	s21 =	simm.s32 $0x11A80;
	v1 =	vunpack.c.l.s4.s8 v1  }
0x8: {  	vm0 =	vcmask $0x3F30;
	s22 =	simm.s32 $0x11800;
	vm1 =	vcmask $0x3F08;
	s23 =	simm.s32 $0xF000;
	s8 =	smul.u32 $0x2800, s1;
	v2 =	vunpack.c.0.s8.s32 v0  }
0x9: {  	s24 =	sand.u32 $0x1, s4;
	[smem:$0x7FF] =	sst s3;
	v3 =	vunpack.c.l.s4.s8 v3;
	s12 =	smul.u32 $0x50, s1;
	v5 =	vunpack.c.l.s2.s4 v5;
	v1 =	vunpack.c.0.s8.s32 v1  }
0xa: {  	vm2 =	vcmask $0x3F10;
	s4 =	sadd.s32 $0x57000, s6;
	s5 =	sadd.s32 $0x57600, s6;
	v4 =	vunpack.c.l.s4.s8 v4;
	s28 =	smul.u32 $0x5000, s1;
	v2 =	vand.u32 $0xF, v2  }
0xb: {  	s14 =	sshrl.u32 s1, $0x3;
	s29 =	sshll.u32 s1, $0x7;
	s11 =	smul.u32 $0x1400, s24;
	v5 =	vunpack.c.l.s4.s8 v5;
	v1 =	vcombine.low v1, v2;
	v2 =	vunpack.c.0.s8.s32 v3  }
0xc: {  	vm3 =	vcmask $0x3F20;
	v8 =	vunpack.c.l.s4.s8 v8;
	_ =	strace $0x8000004D;
	s25 =	ssub.s32 $0x2, s24;
	s14 =	smul.u32 $0x50000, s14;
	v4 =	vunpack.c.0.s8.s32 v4  }
0xd: {  	p0 =	sne.s32 s24, $0x0;
	s24 =	simm.s32 $0x0;
	s9 =	sshrl.u32 s8, $0x3;
	v5 =	vunpack.c.0.s8.s32 v5;
	v3 =	vunpack.c.l.s4.s8 v6;
	v2 =	vand.u32 $0xF, v2  }
0xe: {  	s12 =	sadd.s32 s12, s6;
	s26 =	sshrl.u32 s25, $0x1;
	s31 =	sshrl.u32 s28, $0x2;
	v6 =	vimm.s32 $0x32100000;
	v2 =	vcombine.low v4, v2;
	v4 =	vimm.s32 $0x7060504  }
0xf: {  	s8 =	sadd.s32 s11, s8;
	s10 =	sadd.s32 s9, s6;
	s15 =	ssub.s32 s25, s26;
	v6 =	vunpack.c.l.s4.s8 v6;
	v7 =	vunpack.c.0.s8.s32 v4;
	v4 =	vimm.s32 $0xFFEDCBA9  }
0x10: {  	vm4 =	vcmask $0x3F3C;
	s30 =	sshrl.u32 s14, $0x2;
	s11 =	sor.u32 $0xA000, s11;
	s8 =	sshrl.u32 s8, $0x3;
	v3 =	vunpack.c.0.s8.s32 v3;
	v9 =	vunpack.c.l.s4.s8 v4  }
0x11: {  	v8 =	vunpack.c.0.s8.s32 v8;
	s12 =	sadd.s32 $0x57C00, s12;
	s13 =	sadd.s32 s8, s6;
	s6 =	sadd.s32 s7, s9;
	v5 =	vand.u32 $0x3, v5;
	v6 =	vunpack.c.0.s8.s32 v6  }
0x12: {  	s7 =	sadd.s32 $0x2000, s10;
	s9 =	sand.u32 $0x380, s29;
	s10 =	sadd.s32 s30, s2;
	v3 =	vand.u32 $0xF, v3;
	v5 =	vsel vm0, v7, v5;
	v7 =	vunpack.c.0.s8.s32 v9  }
0x13: {  	v0 =	vimm.f32 $-Inf;
	s14 =	simm.s32 $0x1;
	s8 =	sadd.s32 s9, s10;
	s9 =	sadd.s32 s31, s2;
	v3 =	vcombine.low v6, v3;
	v4 =	vimm.s32 $0x0  }
0x14: {  	s10 =	sadd.s32 $0x58200, s13;
	s13 =	smax.u32 s15, $0x1;
	s15 =	simm.s32 $0x2800;
	v6 =	vimm.f32 $0.0e+00;
	vm0 =	vcmask $0x3F04;
	v7 =	vcombine.low v8, v7  }
.LBB2_1:
0x15: {  	[tilespmem:s3], [sflag:$0x1] =	stream.linear.gather [hbm4b:s4+s3], $0x2800, $0x38;
	[tilespmem:$0x14500] =	vst v63  }
0x16: {  	_ =	swait.ge [sflag:s14], $0x2800  }
0x17: {  	[sflag:s14] =	ssyncset.done $0x0  }
0x18: {  	[sflag:s14] =	ssyncadd.s32 $0xFFFFD800  }
0x19: {  	[tilespmem:s15], [sflag:$0x1] =	stream.linear.gather [hbm4b:s5+s3], $0x2800, $0x38;
	[tilespmem:$0x14500] =	vst v63  }
0x1a: {  	_ =	swait.ge [sflag:s14], $0x2800  }
0x1b: {  	[sflag:s14] =	ssyncset.done $0x0  }
0x1c: {  	[sflag:s14] =	ssyncadd.s32 $0xFFFFD800  }
0x1d: {  	[tilespmem:s16], [sflag:$0x1] =	stream.linear.gather [hbm4b:s6+s3], $0x2800, $0x38;
	[tilespmem:$0x14500] =	vst v63  }
0x1e: {  	_ =	swait.ge [sflag:s14], $0x2800  }
0x1f: {  	[sflag:s14] =	ssyncset.done $0x0  }
0x20: {  	[sflag:s14] =	ssyncadd.s32 $0xFFFFD800  }
0x21: {  	[tilespmem:s17], [sflag:$0x1] =	stream.linear.gather [hbm4b:s7+s3], $0x2800, $0x38;
	[tilespmem:$0x14500] =	vst v63  }
0x22: {  	_ =	swait.ge [sflag:s14], $0x2800  }
0x23: {  	[sflag:s14] =	ssyncset.done $0x0  }
0x24: {  	s25 =	simm.s32 $0x0;
	[sflag:s14] =	ssyncadd.s32 $0xFFFFD800  }
.LBB2_2:
0x25: {  	p1 =	sne.s32 s25, $0x9FC0  }
.Ltmp0:
0x26: {  	_ = 	snop;
	(pc) =	sbr.rel @p1 .LBB2_2-.Ltmp0, $3  }
0x27: {  	_ =	sdelay $0x1  }
0x28: {  	s26 =	sshra.s32 s25, $0x2  }
0x29: {  	s25 =	sadd.s32 $0x40, s25;
	[tilespmem:s26+$0xC800] =	vst v0  }
.Ltmp1:
0x2a: {  	(pc) =	sbr.rel .LBB2_4-.Ltmp1, $2  }
0x2b: {  	_ =	sdelay $0x2  }
0x2c: {  	s25 =	simm.s32 $0x0  }
.LBB2_6:
0x2d: {  	s25 =	sadd.s32 $0x1, s25  }
0x2e: {  	p1 =	sne.s32 s25, $0x280  }
.Ltmp2:
0x2f: {  	_ = 	snop;
	(pc) =	sbr.rel @!p1 .LBB2_7-.Ltmp2, $1  }
0x30: {  	_ =	sdelay $0x3  }
.LBB2_4:
0x31: {  	s26 =	sshll.u32 s25, $0x4  }
0x32: {  	v9 =	vld [tilespmem:s26+$0x5000]  }
0x33: {  	v8 =	vld [tilespmem:s26+$0x7800];
	_ =	sdelay $0x6  }
0x34: {  	v9 =	vld.idx.msk [tilespmem:v9+s3+$0x0], $0xffff  }
0x35: {  	v10 =	vld.idx.msk [tilespmem:v8+s15+$0x0], $0xffff;
	_ =	sdelay $0x4  }
0x36: {  	v9 =	vadd.f32 v10, v9;
	_ =	sdelay $0x1  }
0x37: {  	v10 =	vmul.f32 $2.000000030e-01, v9  }
0x38: {  	vm5 =	vgt.f32 v9, $0.0e+00  }
0x39: {  	v9 =	vsel vm5, v9, v10  }
0x3a: {  	[tilespmem:s26+$0xA000] =	vst v9  }
0x3b: {  	v10 =	vld.idx.msk [tilespmem:v8+s18+$0x0], $0xffff;
	_ =	sdelay $0x4  }
0x3c: {  	vm5 =	vgt.f32 v9, v10  }
0x3d: {  	v10 =	vsel vm5, $0x1, v4  }
0x3e: {  	v10 =	vor.u32 $0x80000000, v10  }
0x3f: {  	(xrf0) =	vmax.scan.msk.u32 $0xffff, v10;
	_ =	sdelay $0x5  }
0x40: {  	v10, _, _ =	vpop (xrf0)  }
0x41: {  	(v2sf) =	vpush v10, $0xF;
	_ =	sdelay $0xe  }
0x42: {  	s31 =	spop (v2sf)  }
0x43: {  	p1 =	slt.u32 s31, $0x80000001  }
.Ltmp3:
0x44: {  	_ = 	snop;
	(pc) =	sbr.rel @p1 .LBB2_6-.Ltmp3, $1  }
0x45: {  	_ =	sdelay $0x3  }
.LBB2_5:
0x46: {  	[tilespmem:v8+s18+$0x0] =	vst.idx.msk vm5, v9  }
0x47: {  	v10 =	vld.idx.msk [tilespmem:v8+s18+$0x0], $0xffff;
	_ =	sdelay $0x4  }
0x48: {  	vm6 =	vgt.f32 v9, v10  }
0x49: {  	vm5 =	vmand vm5, vm6  }
0x4a: {  	v10 =	vsel vm5, $0x1, v4  }
0x4b: {  	v10 =	vor.u32 $0x80000000, v10  }
0x4c: {  	(xrf0) =	vmax.scan.msk.u32 $0xffff, v10;
	_ =	sdelay $0x5  }
0x4d: {  	v10, _, _ =	vpop (xrf0)  }
0x4e: {  	(v2sf) =	vpush v10, $0xF;
	_ =	sdelay $0xe  }
0x4f: {  	s26 =	spop (v2sf)  }
0x50: {  	p1 =	sgt.u32 s26, $0x80000000  }
.Ltmp4:
0x51: {  	_ = 	snop;
	(pc) =	sbr.rel @p1 .LBB2_5-.Ltmp4, $1  }
0x52: {  	_ =	sdelay $0x3  }
.Ltmp5:
0x53: {  	_ = 	snop;
	(pc) =	sbr.rel .LBB2_6-.Ltmp5, $1  }
0x54: {  	_ =	sdelay $0x3  }
.LBB2_7:
0x55: {  	[spmem:s8] =	stream.strided.scatter [tilespmem:s18], [sflag:$0x1], $0x2800, s20, s19, $0x38;
	[tilespmem:$0x14500] =	vst v63  }
0x56: {  	s25 =	simm.s32 $0x1  }
0x57: {  	_ =	swait.ge [sflag:s25], $0x2800  }
0x58: {  	[sflag:s25] =	ssyncset.done $0x0  }
0x59: {  	[sflag:s25] =	ssyncadd.s32 $0xFFFFD800  }
0x5a: {  	[bflag:$0x0] =	sbarrier.arrive $0xFFFF  }
0x5b: {  	[tilespmem:s21], [sflag:$0x1] =	stream.strided.gather [spmem:s9], $0x280, s20, s19, $0x38;
	[tilespmem:$0x14500] =	vst v63  }
0x5c: {  	_ =	swait.ge [sflag:s25], $0x280  }
0x5d: {  	[sflag:s25] =	ssyncset.done $0x0  }
0x5e: {  	[sflag:s25] =	ssyncadd.s32 $0xFFFFFD80  }
.LBB2_8:
0x5f: {  	s26 =	sshrl.u32 s25, $0x3  }
0x60: {  	s26 =	smul.u32 $0x50000, s26;
	_ =	sdelay $0x1  }
0x61: {  	s28 =	sshll.u32 s25, $0x7;
	s26 =	sshra.s32 s26, $0x2  }
0x62: {  	s28 =	sand.u32 $0x380, s28;
	s26 =	sadd.s32 s26, s9  }
0x63: {  	s26 =	sadd.s32 s28, s26  }
0x64: {  	[tilespmem:s22], [sflag:$0x1] =	stream.strided.gather [spmem:s26], $0x280, s20, s19, $0x38;
	[tilespmem:$0x14500] =	vst v63  }
0x65: {  	_ =	swait.ge [sflag:s14], $0x280  }
0x66: {  	[sflag:s14] =	ssyncset.done $0x0  }
0x67: {  	s26 =	simm.s32 $0x0;
	[sflag:s14] =	ssyncadd.s32 $0xFFFFFD80  }
0x68: {  	s28 =	simm.s32 $0x40;
	v8 =	vld [tilespmem:s26+$0x11800]  }
.LBB2_9:
0x69: {  	p1 =	sne.s32 s28, $0x9C0;
	v9 =	vld [tilespmem:s26+$0x11A80];
	_ =	sdelay $0x1  }
.Ltmp6:
0x6a: {  	(pc) =	sbr.rel @p1 .LBB2_9-.Ltmp6, $3  }
0x6b: {  	_ =	sdelay $0x1  }
0x6c: {  	s29 =	sshra.s32 s28, $0x2;
	v9 =	vmax.f32 v9, v8  }
0x6d: {  	s28 =	sadd.s32 $0x40, s28;
	v8 =	vld [tilespmem:s29+$0x11800];
	[tilespmem:s26+$0x11A80] =	vst v9;
	s26 =	smov.u32 s29  }
0x6e: {  	v9 =	vld [tilespmem:s26+$0x11A80];
	s25 =	sadd.s32 $0x1, s25  }
0x6f: {  	p1 =	sne.s32 s25, $0x10  }
.Ltmp7:
0x70: {  	_ = 	snop;
	(pc) =	sbr.rel @p1 .LBB2_8-.Ltmp7, $3  }
0x71: {  	_ =	sdelay $0x1  }
0x72: {  	v8 =	vmax.f32 v9, v8  }
0x73: {  	[tilespmem:s26+$0x11A80] =	vst v8  }
0x74: {  	[spmem:s9] =	stream.strided.scatter [tilespmem:s21], [sflag:$0x1], $0x280, s20, s19, $0x38;
	[tilespmem:$0x14500] =	vst v63  }
0x75: {  	_ =	swait.ge [sflag:s14], $0x280  }
0x76: {  	[sflag:s14] =	ssyncset.done $0x0  }
0x77: {  	[sflag:s14] =	ssyncadd.s32 $0xFFFFFD80  }
0x78: {  	s25 =	simm.s32 $0x0;
	[bflag:$0x0] =	sbarrier.arrive $0xFFFF  }
0x79: {  	[tilespmem:s25], [sflag:$0x1] =	stream.strided.gather [spmem:s2], $0x2800, s20, s19, $0x38;
	[tilespmem:$0x14500] =	vst v63  }
0x7a: {  	_ =	swait.ge [sflag:s14], $0x2800  }
0x7b: {  	[sflag:s14] =	ssyncset.done $0x0  }
0x7c: {  	s26 =	simm.s32 $0x0;
	s25 =	simm.s32 $0x40;
	[sflag:s14] =	ssyncadd.s32 $0xFFFFD800  }
.LBB2_12:
0x7d: {  	p1 =	sne.s32 s25, $0x9FC0;
	[tilespmem:s26+$0xF000] =	vst v6;
	s26 =	smov.u32 s25;
	s25 =	sadd.s32 $0x40, s25  }
.Ltmp8:
0x7e: {  	(pc) =	sbr.rel @p1 .LBB2_12-.Ltmp8, $2  }
0x7f: {  	_ =	sdelay $0x2  }
0x80: {  	s26 =	sshra.s32 s26, $0x2  }
0x81: {  	[tilespmem:s26+$0xF000] =	vst v6;
	s26 =	simm.s32 $0x0;
	s25 =	simm.s32 $0x40  }
.LBB2_14:
0x82: {  	p1 =	sne.s32 s25, $0x9FC0;
	v8 =	vld [tilespmem:s26+$0x7800];
	_ =	sdelay $0x7  }
0x83: {  	v9 =	vld.idx.msk [tilespmem:v8+s3+$0x0], $0xffff  }
0x84: {  	v10 =	vld [tilespmem:s26+$0xA000];
	_ =	sdelay $0x4  }
0x85: {  	v9 =	vsub.f32 v10, v9;
	_ =	sdelay $0x1  }
0x86: {  	v9 =	vmul.f32 $1.442695020e+00, v9;
	_ =	sdelay $0x1  }
0x87: {  	(erf) = vpow2.f32 v9;
	_ =	sdelay $0x8  }
0x88: {  	v8 =	vxor.u32 $0x80000000, v8;
	v9 =	vpop (erf)  }
0x89: {  	[tilespmem:s26+$0xA000] =	vst v9;
	(xrf1) =	vsort.ascd.msk.u32 $0xffff, v8, v9;
	_ =	sdelay $0xd  }
0x8a: {  	v8, v9, _ =	vpop (xrf1)  }
0x8b: {  	v8 =	vxor.u32 $0x80000000, v8  }
0x8c: {  	v10 =	vperm.xlane v8, v1;
	_ =	sdelay $0x1  }
0x8d: {  	v11 =	vperm.xlane v9, v1;
	vm5 =	veq.s32 v10, v8  }
0x8e: {  	vm5 =	vmand vm5, vm0  }
0x8f: {  	v10 =	vnsel vm5, $0x0, v11  }
0x90: {  	v9 =	vadd.f32 v10, v9;
	v10 =	vperm.xlane v8, v2;
	_ =	sdelay $0x1  }
0x91: {  	v11 =	vperm.xlane v9, v2;
	vm5 =	veq.s32 v10, v8  }
0x92: {  	vm5 =	vmand vm5, vm1  }
0x93: {  	v10 =	vnsel vm5, $0x0, v11  }
0x94: {  	v9 =	vadd.f32 v9, v10;
	v10 =	vperm.xlane v8, v3;
	_ =	sdelay $0x1  }
0x95: {  	v11 =	vperm.xlane v9, v3;
	vm5 =	veq.s32 v10, v8  }
0x96: {  	vm5 =	vmand vm5, vm2  }
0x97: {  	v10 =	vnsel vm5, $0x0, v11  }
0x98: {  	v11 =	vperm.xlane v8, v7;
	v9 =	vadd.f32 v9, v10;
	v10 =	vperm.xlane v8, v5  }
0x99: {  	v12 =	vld.idx.msk [tilespmem:v8+s23+$0x0], $0xffff  }
0x9a: {  	vm6 =	vne.s32 v11, v8;
	v13 =	vperm.xlane v9, v5;
	vm5 =	veq.s32 v10, v8  }
0x9b: {  	vm6 =	vmor vm6, vm4;
	vm5 =	vmand vm5, vm3  }
0x9c: {  	v10 =	vnsel vm5, $0x0, v13  }
.Ltmp9:
0x9d: {  	v9 =	vadd.f32 v10, v9;
	(pc) =	sbr.rel @p1 .LBB2_14-.Ltmp9, $3  }
0x9e: {  	_ = 	snop  }
0x9f: {  	v9 =	vadd.f32 v9, v12;
	_ =	sdelay $0x1  }
0xa0: {  	s26 =	sshra.s32 s25, $0x2;
	s25 =	sadd.s32 $0x40, s25;
	[tilespmem:v8+s23+$0x0] =	vst.idx.msk vm6, v9  }
0xa1: {  	v8 =	vld [tilespmem:s26+$0x7800];
	_ =	sdelay $0x6  }
0xa2: {  	v10 =	vld [tilespmem:s26+$0xA000]  }
0xa3: {  	v9 =	vld.idx.msk [tilespmem:v8+s3+$0x0], $0xffff;
	_ =	sdelay $0x4  }
0xa4: {  	v9 =	vsub.f32 v10, v9;
	_ =	sdelay $0x1  }
0xa5: {  	v9 =	vmul.f32 $1.442695020e+00, v9;
	_ =	sdelay $0x1  }
0xa6: {  	(erf) = vpow2.f32 v9;
	_ =	sdelay $0x8  }
0xa7: {  	v8 =	vxor.u32 $0x80000000, v8;
	v9 =	vpop (erf)  }
0xa8: {  	(xrf1) =	vsort.ascd.msk.u32 $0xffff, v8, v9;
	_ =	sdelay $0xd  }
0xa9: {  	v8, v53, _ =	vpop (xrf1)  }
0xaa: {  	v8 =	vxor.u32 $0x80000000, v8  }
0xab: {  	v11 =	vperm.xlane v8, v1;
	_ =	sdelay $0x1  }
0xac: {  	v12 =	vperm.xlane v53, v1;
	vm5 =	veq.s32 v11, v8  }
0xad: {  	vm5 =	vmand vm5, vm0  }
0xae: {  	v54 =	vnsel vm5, $0x0, v12  }
0xaf: {  	v55 =	vperm.xlane v8, v2;
	v10 =	vadd.f32 v54, v53;
	_ =	sdelay $0x1  }
0xb0: {  	vm5 =	veq.s32 v55, v8;
	v56 =	vperm.xlane v10, v2  }
0xb1: {  	vm5 =	vmand vm5, vm1  }
0xb2: {  	v57 =	vnsel vm5, $0x0, v56  }
0xb3: {  	v58 =	vperm.xlane v8, v3;
	v10 =	vadd.f32 v10, v57;
	_ =	sdelay $0x1  }
0xb4: {  	vm5 =	veq.s32 v58, v8;
	v59 =	vperm.xlane v10, v3  }
0xb5: {  	vm5 =	vmand vm5, vm2  }
0xb6: {  	v60 =	vnsel vm5, $0x0, v59  }
0xb7: {  	v61 =	vperm.xlane v8, v5;
	v62 =	vperm.xlane v8, v7;
	v10 =	vadd.f32 v10, v60  }
0xb8: {  	[tilespmem:s26+$0xA000] =	vst v9  }
0xb9: {  	vm6 =	vne.s32 v62, v8;
	v9 =	vld.idx.msk [tilespmem:v8+s23+$0x0], $0xffff;
	vm5 =	veq.s32 v61, v8;
	v13 =	vperm.xlane v10, v5  }
0xba: {  	vm6 =	vmor vm6, vm4;
	vm5 =	vmand vm5, vm3  }
0xbb: {  	v63 =	vnsel vm5, $0x0, v13  }
0xbc: {  	v10 =	vadd.f32 v63, v10;
	_ =	sdelay $0x1  }
0xbd: {  	v9 =	vadd.f32 v10, v9;
	_ =	sdelay $0x1  }
0xbe: {  	s25 =	simm.s32 $0x1;
	[tilespmem:v8+s23+$0x0] =	vst.idx.msk vm6, v9  }
0xbf: {  	[hbm4b:s10+s3] =	stream.linear.scatter [tilespmem:s11], [sflag:$0x1], $0x1400, $0x38;
	[tilespmem:$0x14500] =	vst v63  }
0xc0: {  	_ =	swait.ge [sflag:s25], $0x1400  }
0xc1: {  	[sflag:s25] =	ssyncset.done $0x0  }
0xc2: {  	[sflag:s25] =	ssyncadd.s32 $0xFFFFEC00  }
0xc3: {  	[spmem:s8] =	stream.strided.scatter [tilespmem:s23], [sflag:$0x1], $0x2800, s20, s19, $0x38;
	[tilespmem:$0x14500] =	vst v63  }
0xc4: {  	_ =	swait.ge [sflag:s25], $0x2800  }
0xc5: {  	[sflag:s25] =	ssyncset.done $0x0  }
0xc6: {  	[sflag:s25] =	ssyncadd.s32 $0xFFFFD800  }
0xc7: {  	[bflag:$0x0] =	sbarrier.arrive $0xFFFF  }
0xc8: {  	[tilespmem:s21], [sflag:$0x1] =	stream.strided.gather [spmem:s9], $0x280, s20, s19, $0x38;
	[tilespmem:$0x14500] =	vst v63  }
0xc9: {  	_ =	swait.ge [sflag:s25], $0x280  }
0xca: {  	[sflag:s25] =	ssyncset.done $0x0  }
0xcb: {  	[sflag:s25] =	ssyncadd.s32 $0xFFFFFD80  }
.LBB2_16:
0xcc: {  	s26 =	sshrl.u32 s25, $0x3  }
0xcd: {  	s26 =	smul.u32 $0x50000, s26;
	_ =	sdelay $0x1  }
0xce: {  	s28 =	sshll.u32 s25, $0x7;
	s26 =	sshra.s32 s26, $0x2  }
0xcf: {  	s28 =	sand.u32 $0x380, s28;
	s26 =	sadd.s32 s26, s9  }
0xd0: {  	s26 =	sadd.s32 s28, s26  }
0xd1: {  	[tilespmem:s22], [sflag:$0x1] =	stream.strided.gather [spmem:s26], $0x280, s20, s19, $0x38;
	[tilespmem:$0x14500] =	vst v63  }
0xd2: {  	_ =	swait.ge [sflag:s14], $0x280  }
0xd3: {  	[sflag:s14] =	ssyncset.done $0x0  }
0xd4: {  	s26 =	simm.s32 $0x0;
	[sflag:s14] =	ssyncadd.s32 $0xFFFFFD80  }
0xd5: {  	s28 =	simm.s32 $0x40;
	v8 =	vld [tilespmem:s26+$0x11800]  }
.LBB2_17:
0xd6: {  	p1 =	sne.s32 s28, $0x9C0;
	v9 =	vld [tilespmem:s26+$0x11A80];
	_ =	sdelay $0x2  }
.Ltmp10:
0xd7: {  	(pc) =	sbr.rel @p1 .LBB2_17-.Ltmp10, $4  }
0xd8: {  	_ = 	snop  }
0xd9: {  	v9 =	vadd.f32 v8, v9  }
0xda: {  	s29 =	sshra.s32 s28, $0x2  }
0xdb: {  	s28 =	sadd.s32 $0x40, s28;
	v8 =	vld [tilespmem:s29+$0x11800];
	[tilespmem:s26+$0x11A80] =	vst v9;
	s26 =	smov.u32 s29  }
0xdc: {  	v9 =	vld [tilespmem:s26+$0x11A80]  }
0xdd: {  	s25 =	sadd.s32 $0x1, s25  }
0xde: {  	p1 =	sne.s32 s25, $0x10  }
.Ltmp11:
0xdf: {  	_ = 	snop;
	(pc) =	sbr.rel @p1 .LBB2_16-.Ltmp11, $3  }
0xe0: {  	_ = 	snop  }
0xe1: {  	v8 =	vadd.f32 v8, v9;
	_ =	sdelay $0x1  }
0xe2: {  	[tilespmem:s26+$0x11A80] =	vst v8  }
0xe3: {  	s25 =	simm.s32 @!p0 $0x0;
	s26 =	simm.s32 @!p0 $0x11A80;
	s24 =	sadd.s32 $0x1, s24  }
0xe4: {  	[hbm4b:s12+s25] =	stream.linear.scatter @!p0 [tilespmem:s26], [sflag:$0x1], $0x280, $0x38;
	[tilespmem:$0x14500] =	vst v63  }
0xe5: {  	p1 =	sne.s32 s24, s13  }
.Ltmp12:
0xe6: {  	_ = 	snop;
	(pc) =	sbr.rel @p1 .LBB2_1-.Ltmp12, $4  }
0xe7: {  	s25 =	simm.s32 @!p0 $0x1  }
0xe8: {  	_ =	swait.ge @!p0 [sflag:s25], $0x280  }
0xe9: {  	[sflag:s25] =	ssyncset.done @!p0 $0x0  }
0xea: {  	[sflag:s25] =	ssyncadd.s32 @!p0 $0xFFFFFD80  }
0xeb: {  	_ =	sfence.sel $0x180000  }
0xec: {  	[bflag:$0x0] =	sbarrier.arrive $0xFFFF  }
0xed: {  	p0 =	sne.s32 s1, $0x0;
	_ =	strace $0x9000004D  }
0xee: {  	s0 =	sadd.s32 @!p0 $0x100000, s0;
	[bflag:$0x2] =	sbarrier.arrive $0xFFFF  }
0xef: {  	[sflag:s0] =	ssyncadd.tile.s32 @!p0 $0x1;
	_ =	shalt  }
.Lfunc_end2:
_tile_overlayer_lowered:
.L_overlay_start_2:
0xf0: {  	(tag) =	ssettag $0x2  }
0xf1: {  	s0 =	rddreg [dreg:$0x0];
	s2 =	stileid.u32  }
0xf2: {  	s1 =	rddreg [dreg:$0x1];
	p0 =	sne.s32 s2, $0x0  }
0xf3: {  	s3 =	rddreg [dreg:$0x2];
	[bflag:$0x3] =	sbarrier.arrive $0xFFFF;
	s2 =	simm.s32 @!p0 $0x1C01  }
0xf4: {  	[timem:s3], [sflag:s2] =	dma.local @!p0 [hbm:s0], s1  }
0xf5: {  	s0 =	simm.s32 @!p0 $0x1  }
0xf6: {  	_ =	swait.ge @!p0 [sflag:s0], s1  }
0xf7: {  	s1 =	ssub.s32 @!p0 $0x0, s1;
	[sflag:s0] =	ssyncset.done @!p0 $0x0  }
0xf8: {  	[sflag:s0] =	ssyncadd.s32 @!p0 s1  }
0xf9: {  	[bflag:$0x3] =	sbarrier.arrive $0xFFFF  }
0xfa: {  	_ =	shalt  }

// kernel: kernel.18.cloned.1.call-start
scs
__scs_entry_jumppad:
0x0: {  	(pc) =	sbr.rel $0x88, $3  }
0x1: {  	(tag) =	ssettag $0x0;
	lr =	simm.s32 $0x1  }
0x2: {  	[smem:$0x3F94] =	sst lr;
	_ =	strace $0xD0000000  }
0x3: {  	_ = 	snop  }
0x4: {  	_ = 	snop  }
0x5: {  	_ = 	snop  }
0x6: {  	_ = 	snop  }
0x7: {  	_ = 	snop  }
__scs_overlays_trampoline_lowered:
0x8: {  	[smem:$0x3FA3] =	sst s0  }
0x9: {  	[smem:$0x3FA4] =	sst s1  }
0xa: {  	[smem:$0x3FA5] =	sst s2  }
0xb: {  	[smem:$0x3FA6] =	sst s3  }
0xc: {  	[smem:$0x3FA7] =	sst s4  }
0xd: {  	[smem:$0x3FA8] =	sst s5  }
0xe: {  	[smem:$0x3FA9] =	sst s6  }
0xf: {  	[smem:$0x3FAA] =	sst s7  }
0x10: {  	[smem:$0x3FAB] =	sst s8  }
0x11: {  	[smem:$0x3FAC] =	sst s9;
	s0 =	simm.s32 @!p0 $0x0  }
0x12: {  	s1 =	sld [smem:$0x3F92];
	s0 =	simm.s32 @p0 $0x1  }
0x13: {  	[smem:$0x3FAD] =	sst s0;
	s0 =	simm.s32 @!p1 $0x0  }
0x14: {  	s2 =	sld [smem:$0x3F91];
	s0 =	simm.s32 @p1 $0x1  }
0x15: {  	[smem:$0x3FAE] =	sst s0;
	s0 =	simm.s32 @!p2 $0x0  }
0x16: {  	s3 =	sld [smem:$0x3FDB];
	s0 =	simm.s32 @p2 $0x1  }
0x17: {  	s4 =	simm.s32 $0x1BF5;
	[smem:$0x3FB0] =	sst s0  }
0x18: {  	s0 =	sld [smem:$0x3F93];
	_ =	swait.ge [sflag:s4], $0x0  }
0x19: {  	s7 =	sld [smem:$0x3F94]  }
0x1a: {  	s8 =	sadd.s32 $0xFFFFE003, lr  }
0x1b: {  	s9 =	sadd.s32 $0xFFFFFEF7, lr;
	s5 =	simm.s32 $0xFFFFFFFF;
	p2 =	slt.u32 s8, $0xFFFFF086  }
0x1c: {  	p1 =	slt.u32 s9, $0xF7A;
	s5 =	simm.s32 @!p2 $0x0  }
0x1d: {  	s5 =	simm.s32 @p1 $0x1;
	p0 =	seq.s32 s7, s2  }
0x1e: {  	s7 =	smul.u32 @!p0 $0xF7A, s2;
	p2 =	seq.s32 @!p0 s5, $0x0  }
0x1f: {  	s9 =	smul.u32 $0xF7A, s1;
	s8 =	simm.s32 @!p0 $0x1BF5;
	p2 =	por !p2, p0  }
0x20: {  	[sflag:s8] =	ssyncset.s32 @!p0 $0xFFFFF086;
	s6 =	sadd.s32 @!p0 s3, s7;
	s7 =	simm.s32 @!p0 $0x108  }
0x21: {  	s3 =	sadd.s32 s3, s9;
	s6 =	sadd.s32 @!p0 $0x88, s6;
	s7 =	simm.s32 @p2 $0x1082  }
0x22: {  	[simem:s7], [sflag:s8] =	dma.local @!p0 [hbm:s6], $0xF7A  }
0x23: {  	s9 =	sor.u32 $0xD0000000, s2;
	s6 =	simm.s32 $0x108;
	_ =	swait.ge @!p0 [sflag:s8], $0x0  }
0x24: {  	s3 =	sadd.s32 $0x88, s3;
	s6 =	simm.s32 @!p1 $0x1082;
	[sflag:s4] =	ssyncset.s32 $0xFFFFF086  }
0x25: {  	[simem:s6], [sflag:s4] =	dma.local [hbm:s3], $0xF7A  }
0x26: {  	[smem:$0x3F94] =	sst s1;
	(tag) =	ssettag s2;
	_ =	strace s9  }
0x27: {  	s1 =	sld [smem:$0x3FA4]  }
0x28: {  	s2 =	sld [smem:$0x3FA5]  }
0x29: {  	s4 =	sld [smem:$0x3FA7]  }
0x2a: {  	p0 =	seq.s32 s5, $0x0;
	s5 =	sld [smem:$0x3FA8]  }
0x2b: {  	s6 =	sld [smem:$0x3FA9]  }
0x2c: {  	s7 =	sld [smem:$0x3FAA]  }
0x2d: {  	s3 =	simm.s32 $0x108;
	s8 =	sld [smem:$0x3FAB]  }
0x2e: {  	s3 =	simm.s32 @!p0 $0x1082;
	s9 =	sld [smem:$0x3FAC]  }
0x2f: {  	lr =	sadd.s32 s0, s3;
	s0 =	sld [smem:$0x3FA3]  }
0x30: {  	s3 =	sld [smem:$0x3FA6]  }
0x31: {  	[smem:$0x3FAF] =	sst s10  }
0x32: {  	s10 =	sld [smem:$0x3FAD];
	_ =	sdelay $0x3  }
0x33: {  	p0 =	seq.s32 s10, $0x1;
	s10 =	sld [smem:$0x3FAF];
	_ =	sdelay $0x3  }
0x34: {  	[smem:$0x3FAF] =	sst s10  }
0x35: {  	s10 =	sld [smem:$0x3FAE];
	_ =	sdelay $0x3  }
0x36: {  	p1 =	seq.s32 s10, $0x1;
	s10 =	sld [smem:$0x3FAF];
	_ =	sdelay $0x3  }
0x37: {  	[smem:$0x3FAF] =	sst s10  }
0x38: {  	s10 =	sld [smem:$0x3FB0]  }
0x39: {  	_ = 	snop;
	(pc) =	sbr.ind lr, $3  }
0x3a: {  	_ = 	snop  }
0x3b: {  	_ = 	snop  }
0x3c: {  	p2 =	seq.s32 s10, $0x1;
	s10 =	sld [smem:$0x3FAF]  }
0x3d: {  	_ =	shalt  }
0x3e: {  	_ =	shalt  }
0x3f: {  	_ =	shalt  }
0x40: {  	_ =	shalt  }
0x41: {  	_ =	shalt  }
0x42: {  	_ =	shalt  }
0x43: {  	_ =	shalt  }
0x44: {  	_ =	shalt  }
0x45: {  	_ =	shalt  }
0x46: {  	_ =	shalt  }
0x47: {  	_ =	shalt  }
0x48: {  	_ =	shalt  }
0x49: {  	_ =	shalt  }
0x4a: {  	_ =	shalt  }
0x4b: {  	_ =	shalt  }
0x4c: {  	_ =	shalt  }
0x4d: {  	_ =	shalt  }
0x4e: {  	_ =	shalt  }
0x4f: {  	_ =	shalt  }
0x50: {  	_ =	shalt  }
0x51: {  	_ =	shalt  }
0x52: {  	_ =	shalt  }
0x53: {  	_ =	shalt  }
0x54: {  	_ =	shalt  }
0x55: {  	_ =	shalt  }
0x56: {  	_ =	shalt  }
0x57: {  	_ =	shalt  }
0x58: {  	_ =	shalt  }
0x59: {  	_ =	shalt  }
0x5a: {  	_ =	shalt  }
0x5b: {  	_ =	shalt  }
0x5c: {  	_ =	shalt  }
0x5d: {  	_ =	shalt  }
0x5e: {  	_ =	shalt  }
0x5f: {  	_ =	shalt  }
0x60: {  	_ =	shalt  }
0x61: {  	_ =	shalt  }
0x62: {  	_ =	shalt  }
0x63: {  	_ =	shalt  }
0x64: {  	_ =	shalt  }
0x65: {  	_ =	shalt  }
0x66: {  	_ =	shalt  }
0x67: {  	_ =	shalt  }
0x68: {  	_ =	shalt  }
0x69: {  	_ =	shalt  }
0x6a: {  	_ =	shalt  }
0x6b: {  	_ =	shalt  }
0x6c: {  	_ =	shalt  }
0x6d: {  	_ =	shalt  }
0x6e: {  	_ =	shalt  }
0x6f: {  	_ =	shalt  }
0x70: {  	_ =	shalt  }
0x71: {  	_ =	shalt  }
0x72: {  	_ =	shalt  }
0x73: {  	_ =	shalt  }
0x74: {  	_ =	shalt  }
0x75: {  	_ =	shalt  }
0x76: {  	_ =	shalt  }
0x77: {  	_ =	shalt  }
0x78: {  	_ =	shalt  }
0x79: {  	_ =	shalt  }
0x7a: {  	_ =	shalt  }
0x7b: {  	_ =	shalt  }
0x7c: {  	_ =	shalt  }
0x7d: {  	_ =	shalt  }
0x7e: {  	_ =	shalt  }
0x7f: {  	_ =	shalt  }
0x80: {  	_ =	shalt  }
0x81: {  	_ =	shalt  }
0x82: {  	_ =	shalt  }
0x83: {  	_ =	shalt  }
0x84: {  	_ =	shalt  }
0x85: {  	_ =	shalt  }
0x86: {  	_ =	shalt  }
0x87: {  	_ =	shalt  }
.Lfunc_end0:
.L_simem_size_0:
called_computation.3_lowered:
.L_overlay_start_0:
0x88: {  	s2 =	sld [smem:$0x3FD9]  }
0x89: {  	s3 =	sld [smem:$0x3FFE];
	_ =	sdelay $0x1  }
0x8a: {  	s1 =	srdreg.scid  }
0x8b: {  	s0 =	sand.u32 $0x1, s1  }
0x8c: {  	s17 =	sshll.u32 s0, $0xA;
	s2 =	sadd.s32 s3, s2  }
0x8d: {  	s2 =	sadd.s32 s2, s17  }
0x8e: {  	[smem:$0x3FBB] =	sst s2  }
0x8f: {  	_ = 	snop  }
0x90: {  	s2 =	sld [smem:$0x3FD0];
	(tm) =	ssettm $0x1  }
0x91: {  	s18 =	sld [smem:$0x3FFB];
	_ =	sdelay $0x3  }
0x92: {  	_ =	strace s18  }
0x93: {  	s3 =	sld [smem:$0x3FFC];
	_ =	sdelay $0x3  }
0x94: {  	_ =	strace s3  }
0x95: {  	s3 =	sld [smem:$0x3FFD];
	_ =	sdelay $0x3  }
0x96: {  	_ =	strace s3  }
0x97: {  	_ =	strace $0x8FFFFFFF  }
0x98: {  	s19 =	sld [smem:$0x3FDB];
	_ =	sdelay $0x1  }
0x99: {  	s4 =	simm.s32 $_scs_section_size  }
0x9a: {  	s5 =	simm.s32 $_size__tile_overlayer_lowered;
	s6 =	simm.s32 $_tile_overlayer_lowered  }
0x9b: {  	s22 =	simm.s32 $0x1BFF;
	s21 =	sshll.u32 s6, $0x1;
	s3 =	sadd.s32 s4, s19  }
0x9c: {  	s7 =	simm.s32 $0x0;
	s20 =	sshll.u32 s5, $0x1;
	s5 =	sadd.s32 s21, s3  }
0x9d: {  	[timem:s7], [sflag:s22] =	dma.local [hbm:s5], s20  }
0x9e: {  	_ =	swait.ge [sflag:s22], s20  }
0x9f: {  	s4 =	ssub.s32 $0x0, s20;
	[sflag:s22] =	ssyncset.done $0x0  }
0xa0: {  	[sflag:s22] =	ssyncadd.s32 s4;
	_ =	sdelay $0x1  }
0xa1: {  	s23 =	simm.s32 $0x1B8B  }
0xa2: {  	_ =	swait.ge [sflag:s23], $0x1  }
0xa3: {  	[sflag:s23] =	ssyncset.done $0x0  }
0xa4: {  	s25 =	simm.s32 $0x1B8E;
	s24 =	sld [smem:$0x3FFE];
	[sflag:s23] =	ssyncadd.s32 $0xFFFFFFFF  }
0xa5: {  	s26 =	simm.s32 $execute0_lowered;
	[smem:$0x3FD2] =	sst s25  }
0xa6: {  	s5 =	sshll.u32 s26, $0x1;
	_ =	strace $0x8000004F;
	[dreg:$0x1] =	wrdreg $0xFFFFFFFF  }
0xa7: {  	s28 =	simm.s32 $_size_execute0_lowered;
	s3 =	sadd.s32 s3, s5;
	[dreg:$0x0] =	wrdreg $0x0  }
0xa8: {  	s5 =	sshll.u32 s28, $0x1;
	[dreg:$0x2] =	wrdreg s3  }
0xa9: {  	[dreg:$0x3] =	wrdreg s5  }
0xaa: {  	[dreg:$0x4] =	wrdreg $0xC0  }
0xab: {  	_ =	task [dreg:s7], $0x5FFFF  }
0xac: {  	[dreg:$0x1] =	wrdreg $0xFFFFFFFF  }
0xad: {  	[dreg:$0x0] =	wrdreg $0x60  }
0xae: {  	[dreg:$0x2] =	wrdreg s24  }
0xaf: {  	[dreg:$0x3] =	wrdreg s2  }
0xb0: {  	[dreg:$0x4] =	wrdreg $0x82000  }
0xb1: {  	[dreg:$0x5] =	wrdreg $0x9  }
0xb2: {  	_ =	task.clear_ibuf [dreg:s7], $0x6FFFF;
	_ =	strace $0x9000004F  }
0xb3: {  	s29 =	simm.s32 $0x9;
	_ =	strace $0x80000051  }
0xb4: {  	_ =	swait.ge [sflag:s29], $0x1  }
0xb5: {  	[sflag:s29] =	ssyncadd.s32 $0xFFFFFFFF  }
0xb6: {  	_ =	strace $0x90000051  }
0xb7: {  	_ =	sfence  }
0xb8: {  	s30 =	sld [smem:$0x0];
	_ =	sdelay $0x2  }
0xb9: {  	s31 =	sshll.u32 s1, $0xD;
	s1 =	sshrl.u32 s1, $0x2  }
0xba: {  	s3 =	sand.u32 $0x4000, s31;
	s1 =	sadd.s32 s1, s30  }
0xbb: {  	s0 =	sor.u32 s3, s0;
	s1 =	sshll.u32 s1, $0x11  }
0xbc: {  	s0 =	sor.u32 s1, s0  }
0xbd: {  	s0 =	sadd.s32 $0x8F2B, s0  }
0xbe: {  	[sflag:s0] =	ssyncadd.remote.s32 $0x1  }
0xbf: {  	_ =	sfence.sel $0xFFFF  }
0xc0: {  	[dreg:$0x0] =	wrdreg $0xFFFFFFFF;
	(pc) =	sbr.abs _section_cstart, $3  }
0xc1: {  	[dreg:$0x1] =	wrdreg $0xFFFFFFFF  }
0xc2: {  	_ =	task.clear_ibuf [dreg:s7], $0x2FFFF;
	_ =	strace $0x9FFFFFFF  }
0xc3: {  	(tm) =	ssettm $0x7FFFFFFF  }
tec
execute0_lowered:
.L_overlay_start_1:
0x0: {  	(tag) =	ssettag $0x1  }
0x1: {  	s8 =	rddreg [dreg:$0x0]  }
0x2: {  	s1 =	rddreg [dreg:$0x1]  }
0x3: {  	s2 =	rddreg [dreg:$0x2]  }
0x4: {  	s0 =	rddreg [dreg:$0x3];
	s4 =	simm.s32 $0x0  }
0x5: {  	s3 =	stileid.u32;
	s7 =	srdreg.scid;
	s16 =	simm.s32 $0x4200  }
0x6: {  	s17 =	simm.s32 $0x2;
	s18 =	simm.s32 $0x100;
	s19 =	simm.s32 $0x180  }
0x7: {  	s20 =	simm.s32 $0x80;
	s21 =	simm.s32 $0x200;
	s22 =	simm.s32 $0x1  }
0x8: {  	[smem:$0x7FF] =	sst s4;
	s5 =	sadd.s32 $0x7000, s8;
	s9 =	smul.u32 $0x14000, s3  }
0x9: {  	s6 =	sadd.s32 $0x2000, s8;
	s7 =	sand.u32 $0x1, s7;
	s10 =	smul.u32 $0x2800, s3  }
0xa: {  	s11 =	smul.u32 $0x50000, s3;
	_ =	strace $0x80000050;
	p0 =	seq.s32 s7, $0x1  }
0xb: {  	s12 =	ssub.s32 $0x2, s7;
	s13 =	smul.u32 $0x2800, s7;
	s9 =	sshrl.u32 s9, $0x3  }
0xc: {  	s7 =	sadd.s32 $0x58200, s8;
	s29 =	sshrl.u32 s12, $0x1;
	s9 =	sadd.s32 $0x28000, s9  }
0xd: {  	s31 =	sshrl.u32 s11, $0x2;
	s30 =	ssub.s32 s12, s29;
	s10 =	smov.u32 @p0 s9  }
0xe: {  	s9 =	smul.u32 $0x50, s3;
	s15 =	sadd.s32 s10, s8;
	s8 =	sadd.s32 s31, s2  }
0xf: {  	v0 =	vmov s13;
	s10 =	smax.u32 s30, $0x1;
	s11 =	sadd.s32 $0x4000, s8;
	s12 =	sadd.s32 $0x8000, s8  }
0x10: {  	[tilespmem:$0x1FFF0] =	vst v0;
	v0 =	vimm.f32 $0.0e+00;
	s13 =	sadd.s32 $0xC000, s8;
	s14 =	sadd.s32 $0x10000, s8;
	s15 =	sadd.s32 $0x5D200, s15  }
.LBB2_1:
0x11: {  	s23 =	simm.s32 $0x0;
	s24 =	simm.s32 $0x200  }
.LBB2_2:
0x12: {  	p0 =	sne.s32 s24, $0xFE00;
	[tilespmem:s23+$0x4270] =	vst v0  }
0x13: {  	[tilespmem:s23+$0x4200] =	vst v0  }
0x14: {  	[tilespmem:s23+$0x4210] =	vst v0  }
.Ltmp0:
0x15: {  	[tilespmem:s23+$0x4220] =	vst v0;
	(pc) =	sbr.rel @p0 .LBB2_2-.Ltmp0, $4  }
0x16: {  	[tilespmem:s23+$0x4230] =	vst v0  }
0x17: {  	[tilespmem:s23+$0x4240] =	vst v0  }
0x18: {  	[tilespmem:s23+$0x4250] =	vst v0  }
0x19: {  	[tilespmem:s23+$0x4260] =	vst v0;
	s23 =	sshra.s32 s24, $0x2;
	s24 =	sadd.s32 $0x200, s24  }
0x1a: {  	[tilespmem:s23+$0x4270] =	vst v0  }
0x1b: {  	[tilespmem:s23+$0x4200] =	vst v0  }
0x1c: {  	[tilespmem:s23+$0x4210] =	vst v0  }
0x1d: {  	[tilespmem:s23+$0x4220] =	vst v0  }
0x1e: {  	[tilespmem:s23+$0x4230] =	vst v0  }
0x1f: {  	[tilespmem:s23+$0x4240] =	vst v0  }
0x20: {  	[tilespmem:s23+$0x4250] =	vst v0  }
0x21: {  	[tilespmem:s23+$0x4260] =	vst v0  }
0x22: {  	[spmem:s8] =	stream.linear.scatter [tilespmem:s16], [sflag:$0x2], $0x4000, $0x38;
	[tilespmem:$0x1C200] =	vst v63  }
0x23: {  	_ =	swait.ge [sflag:s17], $0x4000  }
0x24: {  	[sflag:s17] =	ssyncset.done $0x0  }
0x25: {  	[sflag:s17] =	ssyncadd.s32 $0xFFFFC000  }
0x26: {  	[spmem:s11] =	stream.linear.scatter [tilespmem:s16], [sflag:$0x2], $0x4000, $0x38;
	[tilespmem:$0x1C200] =	vst v63  }
0x27: {  	_ =	swait.ge [sflag:s17], $0x4000  }
0x28: {  	[sflag:s17] =	ssyncset.done $0x0  }
0x29: {  	[sflag:s17] =	ssyncadd.s32 $0xFFFFC000  }
0x2a: {  	[spmem:s12] =	stream.linear.scatter [tilespmem:s16], [sflag:$0x2], $0x4000, $0x38;
	[tilespmem:$0x1C200] =	vst v63  }
0x2b: {  	_ =	swait.ge [sflag:s17], $0x4000  }
0x2c: {  	[sflag:s17] =	ssyncset.done $0x0  }
0x2d: {  	[sflag:s17] =	ssyncadd.s32 $0xFFFFC000  }
0x2e: {  	[spmem:s13] =	stream.linear.scatter [tilespmem:s16], [sflag:$0x2], $0x4000, $0x38;
	[tilespmem:$0x1C200] =	vst v63  }
0x2f: {  	_ =	swait.ge [sflag:s17], $0x4000  }
0x30: {  	[sflag:s17] =	ssyncset.done $0x0  }
0x31: {  	[sflag:s17] =	ssyncadd.s32 $0xFFFFC000  }
0x32: {  	[spmem:s14] =	stream.linear.scatter [tilespmem:s16], [sflag:$0x2], $0x4000, $0x38;
	[tilespmem:$0x1C200] =	vst v63  }
0x33: {  	_ =	swait.ge [sflag:s17], $0x4000  }
0x34: {  	[sflag:s17] =	ssyncset.done $0x0  }
0x35: {  	[sflag:s17] =	ssyncadd.s32 $0xFFFFC000  }
0x36: {  	s23 =	simm.s32 $0x0;
	s24 =	simm.s32 $0x0;
	[bflag:$0x0] =	sbarrier.arrive $0xFFFF  }
.LBB2_4:
0x37: {  	s25 =	sadd.s32 s9, s24  }
0x38: {  	s25 =	sshll.u32 s25, $0x4  }
0x39: {  	s26 =	sadd.s32 s1, s25  }
0x3a: {  	[tilespmem:s23], [sflag:$0x2] =	stream.linear.gather [hbm4b:s26+s23], $0x80, $0x38;
	[tilespmem:$0x1C200] =	vst v63  }
0x3b: {  	_ =	swait.ge [sflag:s17], $0x80  }
0x3c: {  	[sflag:s17] =	ssyncset.done $0x0  }
0x3d: {  	s30 =	sadd.s32 s6, s25;
	[sflag:s17] =	ssyncadd.s32 $0xFFFFFF80  }
0x3e: {  	[tilespmem:s18], [sflag:$0x2] =	stream.linear.gather [hbm4b:s30+s23], $0x80, $0x38;
	[tilespmem:$0x1C200] =	vst v63  }
0x3f: {  	_ =	swait.ge [sflag:s17], $0x80  }
0x40: {  	[sflag:s17] =	ssyncset.done $0x0  }
0x41: {  	s25 =	sadd.s32 s7, s25;
	[sflag:s17] =	ssyncadd.s32 $0xFFFFFF80  }
0x42: {  	[tilespmem:s19], [sflag:$0x2] =	stream.linear.gather [hbm4b:s25+s23], $0x80, $0x38;
	[tilespmem:$0x1C200] =	vst v63  }
0x43: {  	_ =	swait.ge [sflag:s17], $0x80  }
0x44: {  	[sflag:s17] =	ssyncset.done $0x0  }
0x45: {  	v6 =	vld [tilespmem:$0x1FFF0];
	[sflag:s17] =	ssyncadd.s32 $0xFFFFFF80  }
0x46: {  	v0 =	vld [tilespmem:$0x0]  }
0x47: {  	v1 =	vld [tilespmem:$0x10]  }
0x48: {  	v2 =	vld [tilespmem:$0x20]  }
0x49: {  	v3 =	vld [tilespmem:$0x30]  }
0x4a: {  	v4 =	vld [tilespmem:$0x40]  }
0x4b: {  	v5 =	vld [tilespmem:$0x50];
	v0 =	vadd.s32 v6, v0  }
0x4c: {  	[tilespmem:$0x80] =	vst v0;
	v0 =	vadd.s32 v6, v1;
	v1 =	vld [tilespmem:$0x60]  }
0x4d: {  	[tilespmem:$0x90] =	vst v0;
	v0 =	vadd.s32 v6, v2;
	v2 =	vld [tilespmem:$0x70]  }
0x4e: {  	[tilespmem:$0xA0] =	vst v0;
	v0 =	vadd.s32 v6, v3  }
0x4f: {  	[tilespmem:$0xB0] =	vst v0;
	v0 =	vadd.s32 v6, v4  }
0x50: {  	[tilespmem:$0xC0] =	vst v0;
	v0 =	vadd.s32 v6, v5  }
0x51: {  	[tilespmem:$0xD0] =	vst v0;
	v0 =	vadd.s32 v6, v1  }
0x52: {  	[tilespmem:$0xE0] =	vst v0;
	v0 =	vadd.s32 v6, v2  }
0x53: {  	[tilespmem:$0xF0] =	vst v0  }
0x54: {  	[tilespmem:s21], [sflag:$0x1] =	stream.indirect.gather [hbm4b:s5+s20], $0x80, s20, s20, $0xb8;
	[tilespmem:$0x1C200] =	vst v63  }
0x55: {  	_ =	swait.ge [sflag:s22], $0x4000  }
0x56: {  	[sflag:s22] =	ssyncset.done $0x0  }
0x57: {  	s31 =	simm.s32 $0x0;
	s25 =	simm.s32 $0x0;
	[sflag:s22] =	ssyncadd.s32 $0xFFFFC000  }
0x58: {  	s26 =	sand.u32 $0x3FFFFFF0, s31;
	v0 =	vld [tilespmem:s25+$0x5C0]  }
0x59: {  	v46 =	vld [tilespmem:s26+$0x180];
	_ =	sdelay $0x3  }
0x5a: {  	[tilespmem:$0x1FDA0] =	vst v0;
	v0 =	vimm.s32 $0x0  }
0x5b: {  	v55 =	vperm.xlane v46, v0;
	v0 =	vld [tilespmem:s25+$0x5D0];
	_ =	sdelay $0x4  }
0x5c: {  	[tilespmem:$0x1FDB0] =	vst v0;
	v0 =	vld [tilespmem:s25+$0x5E0];
	_ =	sdelay $0x4  }
0x5d: {  	[tilespmem:$0x1FDC0] =	vst v0;
	v0 =	vld [tilespmem:s25+$0x5F0];
	_ =	sdelay $0x4  }
0x5e: {  	[tilespmem:$0x1FDD0] =	vst v0;
	v0 =	vld [tilespmem:s25+$0x600];
	_ =	sdelay $0x4  }
0x5f: {  	[tilespmem:$0x1FDE0] =	vst v0;
	v0 =	vld [tilespmem:s25+$0x610];
	_ =	sdelay $0x4  }
0x60: {  	[tilespmem:$0x1FDF0] =	vst v0;
	v0 =	vld [tilespmem:s25+$0x620];
	_ =	sdelay $0x4  }
0x61: {  	[tilespmem:$0x1FE00] =	vst v0;
	v0 =	vld [tilespmem:s25+$0x630];
	_ =	sdelay $0x4  }
0x62: {  	[tilespmem:$0x1FE10] =	vst v0;
	v0 =	vld [tilespmem:s25+$0x640];
	_ =	sdelay $0x1  }
0x63: {  	v18 =	vld [tilespmem:s25+$0x200];
	_ =	sdelay $0x1  }
0x64: {  	v19 =	vld [tilespmem:s25+$0x210]  }
0x65: {  	[tilespmem:$0x1FE20] =	vst v0;
	v0 =	vld [tilespmem:s25+$0x650]  }
0x66: {  	v26 =	vld [tilespmem:s25+$0x270]  }
0x67: {  	v18 =	vmul.f32 v18, v55  }
0x68: {  	v28 =	vld [tilespmem:s25+$0x280]  }
0x69: {  	[tilespmem:s25+$0x4200] =	vst v18  }
0x6a: {  	v29 =	vld [tilespmem:s25+$0x290];
	v18 =	vmul.f32 v19, v55;
	[tilespmem:$0x1FE30] =	vst v0;
	v0 =	vimm.s32 $0x1  }
0x6b: {  	v19 =	vmul.f32 v26, v55;
	v0 =	vperm.xlane v46, v0  }
0x6c: {  	v30 =	vld [tilespmem:s25+$0x2A0]  }
0x6d: {  	[tilespmem:s25+$0x4270] =	vst v19;
	v19 =	vmul.f32 v28, v0  }
0x6e: {  	v32 =	vld [tilespmem:s25+$0x2B0]  }
0x6f: {  	[tilespmem:s25+$0x4280] =	vst v19;
	v19 =	vmul.f32 v29, v0  }
0x70: {  	v33 =	vld [tilespmem:s25+$0x2C0]  }
0x71: {  	[tilespmem:s25+$0x4290] =	vst v19;
	v19 =	vmul.f32 v30, v0  }
0x72: {  	v35 =	vld [tilespmem:s25+$0x2D0]  }
0x73: {  	[tilespmem:s25+$0x42A0] =	vst v19;
	v19 =	vmul.f32 v32, v0  }
0x74: {  	v36 =	vld [tilespmem:s25+$0x2E0]  }
0x75: {  	[tilespmem:s25+$0x42B0] =	vst v19;
	v19 =	vmul.f32 v33, v0;
	_ =	sdelay $0x1  }
0x76: {  	v37 =	vld [tilespmem:s25+$0x2F0];
	[tilespmem:s25+$0x42C0] =	vst v19;
	v19 =	vmul.f32 v35, v0;
	_ =	sdelay $0x1  }
0x77: {  	v38 =	vld [tilespmem:s25+$0x300];
	[tilespmem:s25+$0x42D0] =	vst v19;
	v19 =	vmul.f32 v36, v0;
	_ =	sdelay $0x1  }
0x78: {  	v39 =	vld [tilespmem:s25+$0x310];
	[tilespmem:s25+$0x42E0] =	vst v19;
	v19 =	vimm.s32 $0x2  }
0x79: {  	v0 =	vmul.f32 v37, v0;
	v37 =	vperm.xlane v46, v19  }
0x7a: {  	v40 =	vld [tilespmem:s25+$0x320]  }
0x7b: {  	[tilespmem:s25+$0x42F0] =	vst v0;
	v0 =	vmul.f32 v38, v37  }
0x7c: {  	v44 =	vld [tilespmem:s25+$0x330]  }
0x7d: {  	[tilespmem:s25+$0x4300] =	vst v0;
	v0 =	vmul.f32 v39, v37  }
0x7e: {  	v47 =	vld [tilespmem:s25+$0x340]  }
0x7f: {  	[tilespmem:s25+$0x4310] =	vst v0;
	v0 =	vmul.f32 v40, v37  }
0x80: {  	v1 =	vld [tilespmem:s25+$0x350]  }
0x81: {  	[tilespmem:s25+$0x4320] =	vst v0;
	v0 =	vmul.f32 v44, v37  }
0x82: {  	v2 =	vld [tilespmem:s25+$0x360]  }
0x83: {  	[tilespmem:s25+$0x4330] =	vst v0;
	v0 =	vmul.f32 v47, v37;
	_ =	sdelay $0x1  }
0x84: {  	v3 =	vld [tilespmem:s25+$0x370];
	[tilespmem:s25+$0x4340] =	vst v0;
	v0 =	vmul.f32 v1, v37;
	_ =	sdelay $0x1  }
0x85: {  	v4 =	vld [tilespmem:s25+$0x380];
	[tilespmem:s25+$0x4350] =	vst v0;
	v0 =	vmul.f32 v2, v37;
	_ =	sdelay $0x1  }
0x86: {  	v5 =	vld [tilespmem:s25+$0x390];
	[tilespmem:s25+$0x4360] =	vst v0;
	v0 =	vimm.s32 $0x3  }
0x87: {  	v1 =	vmul.f32 v3, v37;
	v0 =	vperm.xlane v46, v0  }
0x88: {  	v6 =	vld [tilespmem:s25+$0x3A0]  }
0x89: {  	[tilespmem:s25+$0x4370] =	vst v1;
	v1 =	vmul.f32 v4, v0  }
0x8a: {  	v7 =	vld [tilespmem:s25+$0x3B0]  }
0x8b: {  	[tilespmem:s25+$0x4380] =	vst v1;
	v1 =	vmul.f32 v5, v0  }
0x8c: {  	v8 =	vld [tilespmem:s25+$0x3C0]  }
0x8d: {  	[tilespmem:s25+$0x4390] =	vst v1;
	v1 =	vmul.f32 v6, v0  }
0x8e: {  	v45 =	vld [tilespmem:s25+$0x3D0]  }
0x8f: {  	v2 =	vld [tilespmem:s25+$0x880];
	[tilespmem:s25+$0x43A0] =	vst v1;
	v1 =	vmul.f32 v7, v0  }
0x90: {  	v49 =	vld [tilespmem:s25+$0x3E0]  }
0x91: {  	[tilespmem:s25+$0x43B0] =	vst v1;
	v1 =	vmul.f32 v8, v0;
	_ =	sdelay $0x1  }
0x92: {  	v51 =	vld [tilespmem:s25+$0x3F0];
	[tilespmem:s25+$0x43C0] =	vst v1;
	v1 =	vmul.f32 v45, v0  }
0x93: {  	[tilespmem:$0x1FE50] =	vst v2;
	v2 =	vld [tilespmem:s25+$0x890]  }
0x94: {  	v52 =	vld [tilespmem:s25+$0x400];
	[tilespmem:s25+$0x43D0] =	vst v1;
	v1 =	vmul.f32 v49, v0;
	_ =	sdelay $0x1  }
0x95: {  	v53 =	vld [tilespmem:s25+$0x410];
	[tilespmem:s25+$0x43E0] =	vst v1;
	v1 =	vimm.s32 $0x4  }
0x96: {  	v0 =	vmul.f32 v51, v0;
	v1 =	vperm.xlane v46, v1  }
0x97: {  	v54 =	vld [tilespmem:s25+$0x420];
	[tilespmem:$0x1FE60] =	vst v2  }
0x98: {  	v2 =	vld [tilespmem:s25+$0x8A0];
	[tilespmem:s25+$0x43F0] =	vst v0;
	v0 =	vmul.f32 v52, v1  }
0x99: {  	v56 =	vld [tilespmem:s25+$0x430]  }
0x9a: {  	[tilespmem:s25+$0x4400] =	vst v0;
	v0 =	vmul.f32 v53, v1  }
0x9b: {  	v57 =	vld [tilespmem:s25+$0x440]  }
0x9c: {  	[tilespmem:s25+$0x4410] =	vst v0;
	v0 =	vmul.f32 v54, v1  }
0x9d: {  	v61 =	vld [tilespmem:s25+$0x450];
	[tilespmem:$0x1FE70] =	vst v2  }
0x9e: {  	v2 =	vld [tilespmem:s25+$0x8B0];
	[tilespmem:s25+$0x4420] =	vst v0;
	v0 =	vmul.f32 v56, v1  }
0x9f: {  	v9 =	vld [tilespmem:s25+$0x460]  }
0xa0: {  	[tilespmem:s25+$0x4430] =	vst v0;
	v0 =	vmul.f32 v57, v1;
	_ =	sdelay $0x1  }
0xa1: {  	v10 =	vld [tilespmem:s25+$0x470];
	[tilespmem:s25+$0x4440] =	vst v0;
	v0 =	vmul.f32 v61, v1  }
0xa2: {  	[tilespmem:$0x1FE80] =	vst v2;
	v2 =	vld [tilespmem:s25+$0x8E0]  }
0xa3: {  	v17 =	vld [tilespmem:s25+$0x480];
	[tilespmem:s25+$0x4450] =	vst v0;
	v0 =	vmul.f32 v9, v1;
	_ =	sdelay $0x1  }
0xa4: {  	v16 =	vld [tilespmem:s25+$0x490];
	[tilespmem:s25+$0x4460] =	vst v0;
	v0 =	vimm.s32 $0x5  }
0xa5: {  	v1 =	vmul.f32 v10, v1;
	v0 =	vperm.xlane v46, v0  }
0xa6: {  	v15 =	vld [tilespmem:s25+$0x4A0];
	[tilespmem:$0x1FE90] =	vst v2  }
0xa7: {  	v2 =	vld [tilespmem:s25+$0x910];
	[tilespmem:s25+$0x4470] =	vst v1;
	v1 =	vmul.f32 v17, v0  }
0xa8: {  	v14 =	vld [tilespmem:s25+$0x4B0]  }
0xa9: {  	[tilespmem:s25+$0x4480] =	vst v1;
	v1 =	vmul.f32 v16, v0  }
0xaa: {  	v11 =	vld [tilespmem:s25+$0x4C0]  }
0xab: {  	[tilespmem:s25+$0x4490] =	vst v1;
	v1 =	vmul.f32 v15, v0  }
0xac: {  	v12 =	vld [tilespmem:s25+$0x4D0];
	[tilespmem:$0x1FEA0] =	vst v2  }
0xad: {  	v2 =	vld [tilespmem:s25+$0x920];
	[tilespmem:s25+$0x44A0] =	vst v1;
	v1 =	vmul.f32 v14, v0  }
0xae: {  	v13 =	vld [tilespmem:s25+$0x4E0]  }
0xaf: {  	[tilespmem:s25+$0x44B0] =	vst v1;
	v1 =	vmul.f32 v11, v0;
	_ =	sdelay $0x1  }
0xb0: {  	v22 =	vld [tilespmem:s25+$0x4F0];
	[tilespmem:s25+$0x44C0] =	vst v1;
	v1 =	vmul.f32 v12, v0  }
0xb1: {  	[tilespmem:$0x1FEB0] =	vst v2;
	v2 =	vld [tilespmem:s25+$0x930]  }
0xb2: {  	v27 =	vld [tilespmem:s25+$0x500];
	[tilespmem:s25+$0x44D0] =	vst v1;
	v1 =	vmul.f32 v13, v0;
	_ =	sdelay $0x1  }
0xb3: {  	v31 =	vld [tilespmem:s25+$0x510];
	[tilespmem:s25+$0x44E0] =	vst v1;
	v1 =	vimm.s32 $0x6  }
0xb4: {  	v0 =	vmul.f32 v22, v0;
	v1 =	vperm.xlane v46, v1  }
0xb5: {  	v34 =	vld [tilespmem:s25+$0x520];
	[tilespmem:$0x1FED0] =	vst v2  }
0xb6: {  	v2 =	vld [tilespmem:s25+$0x940];
	[tilespmem:s25+$0x44F0] =	vst v0;
	v0 =	vmul.f32 v27, v1  }
0xb7: {  	v41 =	vld [tilespmem:s25+$0x530]  }
0xb8: {  	v20 =	vld [tilespmem:s25+$0x220];
	[tilespmem:s25+$0x4500] =	vst v0;
	v0 =	vmul.f32 v31, v1  }
0xb9: {  	v42 =	vld [tilespmem:s25+$0x540]  }
0xba: {  	v21 =	vld [tilespmem:s25+$0x230];
	[tilespmem:s25+$0x4510] =	vst v0;
	v0 =	vmul.f32 v34, v1  }
0xbb: {  	v63 =	vld [tilespmem:s25+$0x550];
	[tilespmem:$0x1FEF0] =	vst v2  }
0xbc: {  	v2 =	vld [tilespmem:s25+$0x950];
	[tilespmem:s25+$0x4520] =	vst v0;
	v0 =	vmul.f32 v41, v1  }
0xbd: {  	v43 =	vld [tilespmem:s25+$0x560]  }
0xbe: {  	v23 =	vld [tilespmem:s25+$0x240];
	[tilespmem:s25+$0x4530] =	vst v0;
	v0 =	vmul.f32 v42, v1  }
0xbf: {  	v24 =	vld [tilespmem:s25+$0x250]  }
0xc0: {  	v62 =	vld [tilespmem:s25+$0x570];
	[tilespmem:s25+$0x4540] =	vst v0;
	v0 =	vmul.f32 v63, v1  }
0xc1: {  	[tilespmem:$0x1FF10] =	vst v2;
	v2 =	vld [tilespmem:s25+$0x960]  }
0xc2: {  	v60 =	vld [tilespmem:s25+$0x580];
	[tilespmem:s25+$0x4550] =	vst v0;
	v0 =	vmul.f32 v43, v1  }
0xc3: {  	v25 =	vld [tilespmem:s25+$0x260]  }
0xc4: {  	v59 =	vld [tilespmem:s25+$0x590];
	[tilespmem:s25+$0x4560] =	vst v0;
	v0 =	vimm.s32 $0x7  }
0xc5: {  	v1 =	vmul.f32 v62, v1;
	v0 =	vperm.xlane v46, v0  }
0xc6: {  	v48 =	vld [tilespmem:s25+$0x5A0];
	[tilespmem:$0x1FF30] =	vst v2  }
0xc7: {  	v2 =	vld [tilespmem:s25+$0x980];
	[tilespmem:s25+$0x4570] =	vst v1;
	v1 =	vmul.f32 v60, v0  }
0xc8: {  	v50 =	vld [tilespmem:s25+$0x5B0]  }
0xc9: {  	[tilespmem:s25+$0x4580] =	vst v1;
	v1 =	vmul.f32 v59, v0;
	_ =	sdelay $0x1  }
0xca: {  	[tilespmem:s25+$0x4590] =	vst v1;
	v1 =	vmul.f32 v48, v0  }
0xcb: {  	[tilespmem:$0x1FF50] =	vst v2  }
0xcc: {  	v2 =	vld [tilespmem:s25+$0x990];
	[tilespmem:s25+$0x45A0] =	vst v1;
	v1 =	vmul.f32 v50, v0;
	_ =	sdelay $0x1  }
0xcd: {  	[tilespmem:s25+$0x45B0] =	vst v1;
	v1 =	vld [tilespmem:$0x1FDA0];
	_ =	sdelay $0x2  }
0xce: {  	[tilespmem:$0x1FF70] =	vst v2;
	v2 =	vld [tilespmem:s25+$0x9A0];
	_ =	sdelay $0x1  }
0xcf: {  	v1 =	vmul.f32 v1, v0;
	_ =	sdelay $0x1  }
0xd0: {  	[tilespmem:s25+$0x45C0] =	vst v1;
	v1 =	vld [tilespmem:$0x1FDB0]  }
0xd1: {  	[tilespmem:$0x1FF90] =	vst v2;
	v2 =	vld [tilespmem:s25+$0x9B0];
	_ =	sdelay $0x3  }
0xd2: {  	v1 =	vmul.f32 v1, v0  }
0xd3: {  	[tilespmem:$0x1FFA0] =	vst v2;
	v2 =	vld [tilespmem:s25+$0x9C0]  }
0xd4: {  	[tilespmem:s25+$0x45D0] =	vst v1;
	v1 =	vld [tilespmem:$0x1FDC0]  }
0xd5: {  	[tilespmem:s25+$0x4210] =	vst v18;
	v18 =	vmul.f32 v20, v55;
	v10 =	vld [tilespmem:$0x1FDD0];
	_ =	sdelay $0x1  }
0xd6: {  	[tilespmem:s25+$0x4220] =	vst v18  }
0xd7: {  	v18 =	vmul.f32 v21, v55;
	[tilespmem:$0x1FFC0] =	vst v2;
	v2 =	vld [tilespmem:s25+$0x9D0]  }
0xd8: {  	v58 =	vld [tilespmem:s25+$0x660];
	v1 =	vmul.f32 v1, v0  }
0xd9: {  	v26 =	vld [tilespmem:s25+$0x6E0];
	[tilespmem:s25+$0x4230] =	vst v18;
	v0 =	vmul.f32 v10, v0  }
0xda: {  	[tilespmem:s25+$0x45E0] =	vst v1;
	v1 =	vld [tilespmem:$0x1FDE0]  }
0xdb: {  	[tilespmem:s25+$0x45F0] =	vst v0;
	v0 =	vld [tilespmem:$0x1FDF0]  }
0xdc: {  	v20 =	vld [tilespmem:s25+$0x690];
	v18 =	vmul.f32 v23, v55;
	[tilespmem:$0x1FFD0] =	vst v2;
	v2 =	vimm.s32 $0x8  }
0xdd: {  	v21 =	vld [tilespmem:s25+$0x6A0];
	v2 =	vperm.xlane v46, v2  }
0xde: {  	v23 =	vld [tilespmem:s25+$0x6B0];
	[tilespmem:s25+$0x4240] =	vst v18;
	v18 =	vmul.f32 v24, v55  }
0xdf: {  	v24 =	vld [tilespmem:s25+$0x6C0];
	v1 =	vmul.f32 v1, v2  }
0xe0: {  	[tilespmem:s25+$0x4250] =	vst v18;
	v18 =	vmul.f32 v25, v55;
	v55 =	vld [tilespmem:s25+$0x670];
	v0 =	vmul.f32 v0, v2  }
0xe1: {  	[tilespmem:s25+$0x4600] =	vst v1;
	v1 =	vld [tilespmem:$0x1FE00]  }
0xe2: {  	[tilespmem:s25+$0x4610] =	vst v0;
	v0 =	vld [tilespmem:$0x1FE10]  }
0xe3: {  	v25 =	vld [tilespmem:s25+$0x6D0]  }
0xe4: {  	[tilespmem:s25+$0x4260] =	vst v18;
	v18 =	vld [tilespmem:s25+$0x680]  }
0xe5: {  	v28 =	vld [tilespmem:s25+$0x700]  }
0xe6: {  	v29 =	vld [tilespmem:s25+$0x710];
	v1 =	vmul.f32 v1, v2  }
0xe7: {  	v30 =	vld [tilespmem:s25+$0x720];
	v0 =	vmul.f32 v0, v2  }
0xe8: {  	[tilespmem:s25+$0x4620] =	vst v1;
	v1 =	vld [tilespmem:$0x1FE20]  }
0xe9: {  	[tilespmem:s25+$0x4630] =	vst v0;
	v0 =	vld [tilespmem:$0x1FE30]  }
0xea: {  	v32 =	vld [tilespmem:s25+$0x730]  }
0xeb: {  	v33 =	vld [tilespmem:s25+$0x740]  }
0xec: {  	v35 =	vld [tilespmem:s25+$0x750]  }
0xed: {  	v36 =	vld [tilespmem:s25+$0x760];
	v1 =	vmul.f32 v1, v2  }
0xee: {  	v19 =	vld [tilespmem:s25+$0x6F0];
	v0 =	vmul.f32 v0, v2  }
0xef: {  	v38 =	vld [tilespmem:s25+$0x790];
	[tilespmem:s25+$0x4640] =	vst v1  }
0xf0: {  	v39 =	vld [tilespmem:s25+$0x7A0];
	v1 =	vmul.f32 v58, v2;
	[tilespmem:s25+$0x4650] =	vst v0;
	v0 =	vmul.f32 v55, v2;
	v2 =	vimm.s32 $0x9  }
0xf1: {  	v40 =	vld [tilespmem:s25+$0x7B0];
	v2 =	vperm.xlane v46, v2  }
0xf2: {  	v44 =	vld [tilespmem:s25+$0x7C0]  }
0xf3: {  	s26 =	simm.s32 $0x800;
	v47 =	vld [tilespmem:s25+$0x770];
	[tilespmem:s25+$0x4660] =	vst v1;
	v1 =	vmul.f32 v18, v2  }
0xf4: {  	v31 =	vld [tilespmem:s26+$0x200];
	[tilespmem:s25+$0x4670] =	vst v0;
	v0 =	vmul.f32 v20, v2  }
0xf5: {  	v18 =	vld [tilespmem:s26+$0x210];
	[tilespmem:s25+$0x4680] =	vst v1;
	v1 =	vmul.f32 v21, v2  }
0xf6: {  	v12 =	vld [tilespmem:s26+$0x220];
	[tilespmem:s25+$0x4690] =	vst v0;
	v0 =	vmul.f32 v23, v2  }
0xf7: {  	v13 =	vld [tilespmem:s26+$0x230];
	[tilespmem:s25+$0x46A0] =	vst v1;
	v1 =	vmul.f32 v24, v2  }
0xf8: {  	v11 =	vld [tilespmem:s26+$0x240];
	[tilespmem:s25+$0x46B0] =	vst v0;
	v0 =	vmul.f32 v25, v2  }
0xf9: {  	v43 =	vld [tilespmem:s26+$0x250];
	[tilespmem:s25+$0x46C0] =	vst v1  }
0xfa: {  	v1 =	vmul.f32 v26, v2;
	v14 =	vld [tilespmem:s26+$0x260];
	[tilespmem:s25+$0x46D0] =	vst v0;
	v0 =	vmul.f32 v19, v2;
	v2 =	vimm.s32 $0xA  }
0xfb: {  	v37 =	vld [tilespmem:s25+$0x780];
	v2 =	vperm.xlane v46, v2  }
0xfc: {  	v4 =	vld [tilespmem:s25+$0x870]  }
0xfd: {  	v17 =	vld [tilespmem:s26+$0x270];
	[tilespmem:s25+$0x46E0] =	vst v1;
	v1 =	vmul.f32 v28, v2  }
0xfe: {  	v16 =	vld [tilespmem:s26+$0x280];
	[tilespmem:s25+$0x46F0] =	vst v0;
	v0 =	vmul.f32 v29, v2  }
0xff: {  	v19 =	vld [tilespmem:s26+$0x290];
	[tilespmem:s25+$0x4700] =	vst v1;
	v1 =	vmul.f32 v30, v2  }
0x100: {  	v15 =	vld [tilespmem:s26+$0x2A0];
	[tilespmem:s25+$0x4710] =	vst v0;
	v0 =	vmul.f32 v32, v2  }
0x101: {  	v21 =	vld [tilespmem:s26+$0x2B0];
	[tilespmem:s25+$0x4720] =	vst v1;
	v1 =	vmul.f32 v33, v2  }
0x102: {  	v20 =	vld [tilespmem:s26+$0x2C0];
	[tilespmem:s25+$0x4730] =	vst v0;
	v0 =	vmul.f32 v35, v2  }
0x103: {  	v34 =	vld [tilespmem:s26+$0x2D0];
	[tilespmem:s25+$0x4740] =	vst v1  }
0x104: {  	v33 =	vmovc v14;
	v1 =	vmul.f32 v36, v2;
	v14 =	vld [tilespmem:s26+$0x2E0];
	[tilespmem:s25+$0x4750] =	vst v0;
	v0 =	vmul.f32 v47, v2;
	v2 =	vimm.s32 $0xB  }
0x105: {  	v7 =	vld [tilespmem:s25+$0x860];
	v2 =	vperm.xlane v46, v2  }
0x106: {  	v45 =	vld [tilespmem:s25+$0x7D0]  }
0x107: {  	v41 =	vld [tilespmem:s26+$0x2F0];
	[tilespmem:s25+$0x4760] =	vst v1;
	v1 =	vmul.f32 v37, v2  }
0x108: {  	v22 =	vld [tilespmem:s26+$0x300];
	[tilespmem:s25+$0x4770] =	vst v0;
	v0 =	vmul.f32 v38, v2  }
0x109: {  	v42 =	vld [tilespmem:s26+$0x310];
	[tilespmem:s25+$0x4780] =	vst v1;
	v1 =	vmul.f32 v39, v2  }
0x10a: {  	v48 =	vld [tilespmem:s26+$0x320];
	[tilespmem:s25+$0x4790] =	vst v0  }
0x10b: {  	v47 =	vld [tilespmem:s26+$0x330];
	[tilespmem:s25+$0x47A0] =	vst v1  }
0x10c: {  	v1 =	vld [tilespmem:s26+$0x340]  }
0x10d: {  	v49 =	vld [tilespmem:s25+$0x7E0]  }
0x10e: {  	v51 =	vld [tilespmem:s25+$0x7F0]  }
0x10f: {  	v52 =	vld [tilespmem:s25+$0x800]  }
0x110: {  	v53 =	vld [tilespmem:s25+$0x810];
	v0 =	vmul.f32 v40, v2  }
0x111: {  	v54 =	vld [tilespmem:s25+$0x820];
	[tilespmem:$0x1FE40] =	vst v1;
	v1 =	vmul.f32 v44, v2  }
0x112: {  	v56 =	vld [tilespmem:s25+$0x830];
	[tilespmem:s25+$0x47B0] =	vst v0;
	v0 =	vmul.f32 v45, v2  }
0x113: {  	v50 =	vld [tilespmem:s26+$0x350];
	[tilespmem:s25+$0x47C0] =	vst v1  }
0x114: {  	v35 =	vmovc v15;
	v1 =	vmul.f32 v49, v2;
	v15 =	vld [tilespmem:s26+$0x360];
	[tilespmem:s25+$0x47D0] =	vst v0;
	v0 =	vmul.f32 v51, v2;
	v2 =	vimm.s32 $0xC  }
0x115: {  	v57 =	vld [tilespmem:s25+$0x840];
	v2 =	vperm.xlane v46, v2  }
0x116: {  	v61 =	vld [tilespmem:s25+$0x850]  }
0x117: {  	v58 =	vld [tilespmem:s26+$0x370];
	[tilespmem:s25+$0x47E0] =	vst v1;
	v1 =	vmul.f32 v52, v2  }
0x118: {  	v51 =	vld [tilespmem:s26+$0x380];
	[tilespmem:s25+$0x47F0] =	vst v0;
	v0 =	vmul.f32 v53, v2  }
0x119: {  	v59 =	vld [tilespmem:s26+$0x390];
	[tilespmem:s25+$0x4800] =	vst v1;
	v1 =	vmul.f32 v54, v2  }
0x11a: {  	v55 =	vld [tilespmem:s26+$0x3A0];
	[tilespmem:s25+$0x4810] =	vst v0;
	v0 =	vmul.f32 v56, v2  }
0x11b: {  	v38 =	vmov v11;
	v11 =	vmul.f32 v57, v2;
	v62 =	vld [tilespmem:s26+$0x3B0];
	[tilespmem:s25+$0x4820] =	vst v1  }
0x11c: {  	v60 =	vld [tilespmem:s26+$0x3C0];
	[tilespmem:s25+$0x4830] =	vst v0  }
0x11d: {  	v0 =	vmul.f32 v61, v2;
	v1 =	vld [tilespmem:s26+$0x3D0];
	[tilespmem:s25+$0x4840] =	vst v11  }
0x11e: {  	v11 =	vmul.f32 v7, v2;
	v63 =	vld [tilespmem:s26+$0x3E0]  }
0x11f: {  	[tilespmem:s25+$0x4850] =	vst v0;
	v0 =	vmul.f32 v4, v2;
	v4 =	vld [tilespmem:$0x1FE50]  }
0x120: {  	v7 =	vld [tilespmem:s26+$0x3F0];
	[tilespmem:s25+$0x4860] =	vst v11  }
0x121: {  	v53 =	vmov v16;
	v16 =	vld [tilespmem:s26+$0x400]  }
0x122: {  	v2 =	vimm.s32 $0xD;
	[tilespmem:s25+$0x4870] =	vst v0;
	v0 =	vld [tilespmem:$0x1FE60]  }
0x123: {  	v2 =	vperm.xlane v46, v2;
	_ =	sdelay $0x1  }
0x124: {  	v4 =	vmul.f32 v4, v2  }
0x125: {  	v57 =	vmov v20;
	v20 =	vmov v22;
	v22 =	vld [tilespmem:s26+$0x410]  }
0x126: {  	v0 =	vmul.f32 v0, v2;
	[tilespmem:s25+$0x4880] =	vst v4;
	v4 =	vld [tilespmem:$0x1FE70]  }
0x127: {  	v11 =	vld [tilespmem:s26+$0x420]  }
0x128: {  	[tilespmem:s25+$0x4890] =	vst v0;
	v0 =	vld [tilespmem:$0x1FE80];
	_ =	sdelay $0x1  }
0x129: {  	v6 =	vld [tilespmem:s25+$0x8C0];
	_ =	sdelay $0x1  }
0x12a: {  	v4 =	vmul.f32 v4, v2  }
0x12b: {  	v8 =	vld [tilespmem:s25+$0x8D0];
	v0 =	vmul.f32 v0, v2  }
0x12c: {  	v23 =	vld [tilespmem:s26+$0x430];
	[tilespmem:s25+$0x48A0] =	vst v4  }
0x12d: {  	v54 =	vmov v17;
	v17 =	vmov v14;
	v4 =	vmul.f32 v6, v2;
	v14 =	vld [tilespmem:s26+$0x440];
	[tilespmem:s25+$0x48B0] =	vst v0  }
0x12e: {  	v24 =	vld [tilespmem:s26+$0x450]  }
0x12f: {  	[tilespmem:s25+$0x48C0] =	vst v4;
	v4 =	vld [tilespmem:$0x1FE90];
	_ =	sdelay $0x1  }
0x130: {  	v5 =	vld [tilespmem:s25+$0x8F0];
	_ =	sdelay $0x1  }
0x131: {  	v0 =	vmul.f32 v8, v2  }
0x132: {  	v27 =	vld [tilespmem:s25+$0x900];
	v4 =	vmul.f32 v4, v2  }
0x133: {  	v8 =	vld [tilespmem:s26+$0x460];
	[tilespmem:s25+$0x48D0] =	vst v0  }
0x134: {  	v0 =	vmul.f32 v5, v2;
	v40 =	vld [tilespmem:s26+$0x470];
	[tilespmem:s25+$0x48E0] =	vst v4  }
0x135: {  	v2 =	vimm.s32 $0xE;
	v39 =	vld [tilespmem:s26+$0x480]  }
0x136: {  	v5 =	vperm.xlane v46, v2;
	[tilespmem:s25+$0x48F0] =	vst v0;
	v0 =	vld [tilespmem:$0x1FEA0];
	_ =	sdelay $0x1  }
0x137: {  	v2 =	vmul.f32 v27, v5  }
0x138: {  	v52 =	vld [tilespmem:s26+$0x490]  }
0x139: {  	[tilespmem:s25+$0x4900] =	vst v2;
	v2 =	vld [tilespmem:$0x1FEB0]  }
0x13a: {  	v0 =	vmul.f32 v0, v5;
	_ =	sdelay $0x1  }
0x13b: {  	v44 =	vld [tilespmem:s26+$0x4A0];
	[tilespmem:s25+$0x4910] =	vst v0  }
0x13c: {  	v0 =	vld [tilespmem:s26+$0x4B0]  }
0x13d: {  	v2 =	vmul.f32 v2, v5;
	_ =	sdelay $0x1  }
0x13e: {  	[tilespmem:s25+$0x4920] =	vst v2  }
0x13f: {  	v2 =	vld [tilespmem:s26+$0x4C0]  }
0x140: {  	[tilespmem:$0x1FEC0] =	vst v0;
	v0 =	vld [tilespmem:$0x1FED0];
	_ =	sdelay $0x4  }
0x141: {  	[tilespmem:$0x1FEE0] =	vst v2;
	v2 =	vld [tilespmem:$0x1FEF0];
	v0 =	vmul.f32 v0, v5;
	_ =	sdelay $0x1  }
0x142: {  	[tilespmem:s25+$0x4930] =	vst v0  }
0x143: {  	v0 =	vld [tilespmem:s26+$0x4D0];
	_ =	sdelay $0x1  }
0x144: {  	v2 =	vmul.f32 v2, v5;
	_ =	sdelay $0x1  }
0x145: {  	[tilespmem:s25+$0x4940] =	vst v2  }
0x146: {  	[tilespmem:$0x1FF00] =	vst v0;
	v0 =	vld [tilespmem:$0x1FF10]  }
0x147: {  	v2 =	vld [tilespmem:s26+$0x4E0];
	_ =	sdelay $0x3  }
0x148: {  	v0 =	vmul.f32 v0, v5  }
0x149: {  	v3 =	vld [tilespmem:s25+$0x970];
	[tilespmem:$0x1FF20] =	vst v2  }
0x14a: {  	v2 =	vld [tilespmem:$0x1FF30];
	[tilespmem:s25+$0x4950] =	vst v0  }
0x14b: {  	v0 =	vld [tilespmem:s26+$0x4F0];
	_ =	sdelay $0x3  }
0x14c: {  	v4 =	vmul.f32 v2, v5  }
0x14d: {  	[tilespmem:$0x1FF40] =	vst v0;
	v0 =	vmul.f32 v3, v5  }
0x14e: {  	[tilespmem:s25+$0x4960] =	vst v4  }
0x14f: {  	v56 =	vmov v19;
	v19 =	vld [tilespmem:s26+$0x500];
	[tilespmem:s25+$0x4970] =	vst v0  }
0x150: {  	v0 =	vld [tilespmem:s26+$0x510];
	_ =	sdelay $0x1  }
0x151: {  	v4 =	vld [tilespmem:$0x1FF50];
	_ =	sdelay $0x1  }
0x152: {  	v2 =	vimm.s32 $0xF  }
0x153: {  	v2 =	vperm.xlane v46, v2;
	[tilespmem:$0x1FF60] =	vst v0;
	v0 =	vld [tilespmem:$0x1FF70];
	_ =	sdelay $0x1  }
0x154: {  	v4 =	vmul.f32 v4, v2;
	_ =	sdelay $0x1  }
0x155: {  	[tilespmem:s25+$0x4980] =	vst v4  }
0x156: {  	v5 =	vmul.f32 v0, v2;
	v0 =	vld [tilespmem:s26+$0x520];
	_ =	sdelay $0x4  }
0x157: {  	[tilespmem:$0x1FF80] =	vst v0;
	v0 =	vld [tilespmem:$0x1FF90];
	_ =	sdelay $0x4  }
0x158: {  	v4 =	vmul.f32 v0, v2;
	v0 =	vld [tilespmem:$0x1FFA0];
	_ =	sdelay $0x2  }
0x159: {  	[tilespmem:s25+$0x4990] =	vst v5  }
0x15a: {  	v49 =	vld [tilespmem:s26+$0x530];
	[tilespmem:s25+$0x49A0] =	vst v4  }
0x15b: {  	v6 =	vmul.f32 v0, v2;
	v0 =	vld [tilespmem:s26+$0x540];
	_ =	sdelay $0x4  }
0x15c: {  	[tilespmem:$0x1FFB0] =	vst v0;
	v0 =	vld [tilespmem:$0x1FFC0];
	_ =	sdelay $0x4  }
0x15d: {  	v3 =	vmov v12;
	v12 =	vmul.f32 v0, v2;
	v0 =	vld [tilespmem:$0x1FFD0];
	_ =	sdelay $0x2  }
0x15e: {  	v9 =	vld [tilespmem:s25+$0x9E0];
	[tilespmem:s25+$0x49B0] =	vst v6  }
0x15f: {  	v46 =	vld [tilespmem:s26+$0x550];
	[tilespmem:s25+$0x49C0] =	vst v12  }
0x160: {  	v45 =	vmov v13;
	v13 =	vmul.f32 v0, v2;
	v0 =	vld [tilespmem:s26+$0x560]  }
0x161: {  	v10 =	vld [tilespmem:s25+$0x9F0];
	_ =	sdelay $0x3  }
0x162: {  	[tilespmem:$0x1FFE0] =	vst v0;
	v0 =	vmul.f32 v9, v2  }
0x163: {  	v10 =	vmul.f32 v10, v2;
	[tilespmem:s25+$0x49D0] =	vst v13  }
0x164: {  	s29 =	simm.s32 $0x10;
	s28 =	simm.s32 $0x2;
	v61 =	vmov v21;
	v6 =	vmov v11;
	v12 =	vld [tilespmem:s26+$0x570];
	v13 =	vmov v19;
	[tilespmem:s25+$0x49E0] =	vst v0  }
.LBB2_5:
0x165: {  	v0 =	vld [tilespmem:s26+$0x580];
	[tilespmem:s25+$0x49F0] =	vst v10;
	s25 =	smov.u32 s26  }
0x166: {  	v2 =	vld [tilespmem:s25+$0x5A0];
	_ =	sdelay $0x4  }
0x167: {  	[tilespmem:$0x1FBB0] =	vst v2;
	v2 =	vld [tilespmem:s25+$0x5B0];
	_ =	sdelay $0x4  }
0x168: {  	s29 =	sand.u32 $0x3FFFFFF0, s29;
	[tilespmem:$0x1FBC0] =	vst v2;
	v2 =	vld [tilespmem:s25+$0x5C0]  }
0x169: {  	v10 =	vld [tilespmem:s29+$0x180];
	_ =	sdelay $0x3  }
0x16a: {  	[tilespmem:$0x1FBD0] =	vst v2;
	v2 =	vimm.s32 $0x0  }
0x16b: {  	v19 =	vperm.xlane v10, v2;
	v2 =	vimm.s32 $0x1  }
0x16c: {  	v25 =	vperm.xlane v10, v2;
	v2 =	vld [tilespmem:s25+$0x5D0];
	_ =	sdelay $0x4  }
0x16d: {  	[tilespmem:$0x1FBE0] =	vst v2;
	v2 =	vimm.s32 $0x2  }
0x16e: {  	v29 =	vperm.xlane v10, v2;
	v2 =	vimm.s32 $0x3  }
0x16f: {  	v30 =	vperm.xlane v10, v2;
	v2 =	vld [tilespmem:s25+$0x5E0];
	_ =	sdelay $0x4  }
0x170: {  	[tilespmem:$0x1FBF0] =	vst v2;
	v2 =	vld [tilespmem:s25+$0x5F0];
	_ =	sdelay $0x4  }
0x171: {  	[tilespmem:$0x1FC00] =	vst v2;
	v2 =	vld [tilespmem:s25+$0x600];
	_ =	sdelay $0x4  }
0x172: {  	[tilespmem:$0x1FC10] =	vst v2;
	v2 =	vld [tilespmem:s25+$0x610];
	_ =	sdelay $0x4  }
0x173: {  	[tilespmem:$0x1FC20] =	vst v2;
	v2 =	vld [tilespmem:s25+$0x620];
	_ =	sdelay $0x4  }
0x174: {  	[tilespmem:$0x1FC30] =	vst v2;
	v2 =	vmov v34  }
0x175: {  	v27 =	vmul.f32 v38, v19;
	v38 =	vmul.f32 v2, v25;
	v2 =	vld [tilespmem:s25+$0x650];
	_ =	sdelay $0x4  }
0x176: {  	[tilespmem:$0x1FC60] =	vst v2;
	v2 =	vld [tilespmem:s25+$0x660];
	_ =	sdelay $0x4  }
0x177: {  	[tilespmem:$0x1FC70] =	vst v2;
	v2 =	vld [tilespmem:s25+$0x670];
	_ =	sdelay $0x4  }
0x178: {  	[tilespmem:$0x1FC80] =	vst v2;
	v2 =	vld [tilespmem:s25+$0x680];
	_ =	sdelay $0x4  }
0x179: {  	[tilespmem:$0x1FC90] =	vst v2;
	v2 =	vld [tilespmem:$0x1FE40];
	_ =	sdelay $0x3  }
0x17a: {  	v21 =	vmul.f32 v31, v19  }
0x17b: {  	v31 =	vmul.f32 v33, v19;
	v33 =	vmul.f32 v2, v29;
	v2 =	vld [tilespmem:s25+$0x690];
	_ =	sdelay $0x4  }
0x17c: {  	[tilespmem:$0x1FCA0] =	vst v2;
	v2 =	vld [tilespmem:s25+$0x6A0];
	_ =	sdelay $0x3  }
0x17d: {  	v37 =	vmul.f32 v57, v25  }
0x17e: {  	[tilespmem:$0x1FCB0] =	vst v2;
	v2 =	vld [tilespmem:s25+$0x6B0]  }
0x17f: {  	[tilespmem:s25+$0x42C0] =	vst v37;
	v37 =	vmul.f32 v60, v30;
	v60 =	vmul.f32 v1, v30;
	v1 =	vld [tilespmem:s25+$0x6D0];
	_ =	sdelay $0x3  }
0x180: {  	v11 =	vmov v39;
	v39 =	vmul.f32 v17, v25;
	[tilespmem:$0x1FCC0] =	vst v2;
	v2 =	vld [tilespmem:s25+$0x6C0]  }
0x181: {  	[tilespmem:$0x1FCE0] =	vst v1;
	v1 =	vimm.s32 $0x4  }
0x182: {  	v41 =	vmul.f32 v41, v25;
	[tilespmem:s25+$0x42E0] =	vst v39;
	v39 =	vperm.xlane v10, v1;
	v1 =	vimm.s32 $0x5  }
0x183: {  	[tilespmem:s25+$0x42D0] =	vst v38;
	v38 =	vmul.f32 v63, v30;
	v63 =	vperm.xlane v10, v1;
	v1 =	vimm.s32 $0x6  }
0x184: {  	[tilespmem:s25+$0x42F0] =	vst v41;
	v41 =	vperm.xlane v10, v1;
	v1 =	vimm.s32 $0x7  }
0x185: {  	[tilespmem:$0x1FCD0] =	vst v2;
	v2 =	vmov v52;
	v52 =	vperm.xlane v10, v1;
	v1 =	vld [tilespmem:$0x1FEC0];
	_ =	sdelay $0x1  }
0x186: {  	[tilespmem:$0x1FBA0] =	vst v0;
	v0 =	vld [tilespmem:s25+$0x590];
	_ =	sdelay $0x2  }
0x187: {  	v9 =	vmov v40;
	v40 =	vmul.f32 v20, v29;
	v17 =	vmul.f32 v1, v63;
	v1 =	vld [tilespmem:$0x1FEE0];
	_ =	sdelay $0x1  }
0x188: {  	[tilespmem:s25+$0x4300] =	vst v40;
	v40 =	vmul.f32 v0, v52;
	v0 =	vld [tilespmem:$0x1FBB0];
	_ =	sdelay $0x2  }
0x189: {  	v20 =	vmul.f32 v1, v63;
	v1 =	vld [tilespmem:$0x1FF00];
	_ =	sdelay $0x1  }
0x18a: {  	[tilespmem:s25+$0x43C0] =	vst v37;
	v37 =	vmul.f32 v0, v52;
	v0 =	vld [tilespmem:$0x1FBC0];
	_ =	sdelay $0x1  }
0x18b: {  	v28 =	vmul.f32 v43, v19;
	v43 =	vmul.f32 v48, v29  }
0x18c: {  	[tilespmem:s25+$0x4200] =	vst v21;
	v48 =	vmul.f32 v15, v29;
	v21 =	vmul.f32 v1, v63;
	v1 =	vld [tilespmem:$0x1FF20];
	_ =	sdelay $0x1  }
0x18d: {  	[tilespmem:s25+$0x4360] =	vst v48;
	v48 =	vmul.f32 v0, v52;
	v0 =	vld [tilespmem:$0x1FBD0]  }
0x18e: {  	v4 =	vmov v23;
	v23 =	vmul.f32 v18, v19;
	_ =	sdelay $0x1  }
0x18f: {  	[tilespmem:s25+$0x4210] =	vst v23;
	v51 =	vmul.f32 v51, v30;
	v23 =	vmul.f32 v1, v63;
	v1 =	vld [tilespmem:$0x1FF40];
	_ =	sdelay $0x1  }
0x190: {  	v32 =	vmul.f32 v54, v19;
	[tilespmem:s25+$0x4380] =	vst v51;
	v51 =	vmul.f32 v0, v52;
	v0 =	vld [tilespmem:$0x1FBE0]  }
0x191: {  	v54 =	vmul.f32 v53, v25;
	v56 =	vmul.f32 v56, v25  }
0x192: {  	v35 =	vmul.f32 v35, v25;
	v36 =	vmul.f32 v61, v25  }
0x193: {  	v58 =	vmul.f32 v58, v29;
	v25 =	vmul.f32 v1, v63;
	v1 =	vld [tilespmem:$0x1FF60];
	_ =	sdelay $0x1  }
0x194: {  	[tilespmem:s25+$0x4370] =	vst v58;
	v58 =	vmul.f32 v0, v52;
	v0 =	vld [tilespmem:$0x1FBF0];
	_ =	sdelay $0x1  }
0x195: {  	v42 =	vmul.f32 v42, v29;
	v47 =	vmul.f32 v47, v29  }
0x196: {  	v50 =	vmul.f32 v50, v29;
	v29 =	vmul.f32 v1, v41;
	v1 =	vld [tilespmem:$0x1FF80];
	_ =	sdelay $0x1  }
0x197: {  	v0 =	vmul.f32 v0, v52  }
0x198: {  	[tilespmem:s25+$0x42B0] =	vst v36;
	v59 =	vmul.f32 v59, v30  }
0x199: {  	v36 =	vmul.f32 v55, v30;
	v55 =	vmul.f32 v62, v30;
	[tilespmem:$0x1FCF0] =	vst v0;
	v0 =	vld [tilespmem:$0x1FC00]  }
0x19a: {  	v62 =	vmul.f32 v7, v30;
	v30 =	vmul.f32 v1, v41;
	v1 =	vld [tilespmem:$0x1FFB0];
	_ =	sdelay $0x1  }
0x19b: {  	[tilespmem:s25+$0x4240] =	vst v27  }
0x19c: {  	[tilespmem:s25+$0x4270] =	vst v32  }
0x19d: {  	[tilespmem:s25+$0x4290] =	vst v56;
	v56 =	vmul.f32 v4, v39;
	v4 =	vld [tilespmem:$0x1FC10];
	v32 =	vmul.f32 v49, v41  }
0x19e: {  	v7 =	vmov v44;
	[tilespmem:s25+$0x4350] =	vst v50;
	v0 =	vmul.f32 v0, v52;
	v49 =	vmul.f32 v1, v41;
	v1 =	vld [tilespmem:$0x1FFE0]  }
0x19f: {  	[tilespmem:s25+$0x43A0] =	vst v36;
	v50 =	vmul.f32 v7, v63  }
0x1a0: {  	v27 =	vmul.f32 v13, v41;
	v46 =	vmul.f32 v46, v41;
	[tilespmem:$0x1FD00] =	vst v0;
	v0 =	vimm.s32 $0x8  }
0x1a1: {  	[tilespmem:s25+$0x43E0] =	vst v38;
	v36 =	vmul.f32 v12, v41;
	v38 =	vperm.xlane v10, v0  }
0x1a2: {  	[tilespmem:s25+$0x4340] =	vst v33;
	v33 =	vmul.f32 v11, v63;
	v2 =	vmul.f32 v2, v63  }
0x1a3: {  	v63 =	vmul.f32 v1, v41;
	v41 =	vmul.f32 v4, v38;
	v4 =	vld [tilespmem:$0x1FC20];
	_ =	sdelay $0x3  }
0x1a4: {  	v26 =	vmul.f32 v3, v19;
	v3 =	vld [tilespmem:s25+$0x630]  }
0x1a5: {  	[tilespmem:s25+$0x4390] =	vst v59;
	v59 =	vmul.f32 v4, v38;
	v4 =	vld [tilespmem:$0x1FC30];
	_ =	sdelay $0x2  }
0x1a6: {  	[tilespmem:s25+$0x4310] =	vst v42;
	v42 =	vmul.f32 v6, v39  }
0x1a7: {  	[tilespmem:$0x1FC40] =	vst v3;
	v3 =	vld [tilespmem:s25+$0x640]  }
0x1a8: {  	[tilespmem:s25+$0x4420] =	vst v42;
	v42 =	vmul.f32 v4, v38;
	v4 =	vld [tilespmem:$0x1FC40];
	_ =	sdelay $0x2  }
0x1a9: {  	v53 =	vmul.f32 v16, v39  }
0x1aa: {  	[tilespmem:$0x1FC50] =	vst v3  }
0x1ab: {  	[tilespmem:s25+$0x4400] =	vst v53;
	v53 =	vmul.f32 v4, v38;
	v4 =	vld [tilespmem:$0x1FC50];
	_ =	sdelay $0x2  }
0x1ac: {  	[tilespmem:s25+$0x4320] =	vst v43;
	v43 =	vmul.f32 v14, v39;
	_ =	sdelay $0x1  }
0x1ad: {  	[tilespmem:s25+$0x4440] =	vst v43;
	v43 =	vmul.f32 v4, v38;
	v4 =	vld [tilespmem:$0x1FC60];
	_ =	sdelay $0x4  }
0x1ae: {  	[tilespmem:s25+$0x4430] =	vst v56;
	v56 =	vmul.f32 v4, v38;
	v4 =	vld [tilespmem:$0x1FC70];
	_ =	sdelay $0x4  }
0x1af: {  	[tilespmem:s25+$0x43F0] =	vst v62;
	v62 =	vmul.f32 v4, v38;
	v4 =	vld [tilespmem:$0x1FC80];
	_ =	sdelay $0x4  }
0x1b0: {  	v38 =	vmul.f32 v4, v38;
	v4 =	vld [tilespmem:$0x1FC90];
	_ =	sdelay $0x1  }
0x1b1: {  	v0 =	vimm.s32 $0x9  }
0x1b2: {  	[tilespmem:s25+$0x4330] =	vst v47;
	v47 =	vmul.f32 v8, v39;
	v0 =	vperm.xlane v10, v0  }
0x1b3: {  	v5 =	vmov v24;
	v24 =	vmul.f32 v45, v19;
	v45 =	vld [tilespmem:s25+$0x760]  }
0x1b4: {  	[tilespmem:s25+$0x4460] =	vst v47;
	v47 =	vmul.f32 v4, v0;
	v4 =	vld [tilespmem:$0x1FCA0]  }
0x1b5: {  	v19 =	vld [tilespmem:s25+$0x790]  }
0x1b6: {  	v18 =	vld [tilespmem:s25+$0x7A0]  }
0x1b7: {  	v57 =	vld [tilespmem:s25+$0x720]  }
0x1b8: {  	[tilespmem:s25+$0x4260] =	vst v31;
	v31 =	vld [tilespmem:s25+$0x730]  }
0x1b9: {  	[tilespmem:s25+$0x4250] =	vst v28;
	v28 =	vld [tilespmem:s25+$0x740];
	v4 =	vmul.f32 v4, v0  }
0x1ba: {  	[tilespmem:s25+$0x4220] =	vst v26;
	v26 =	vld [tilespmem:s25+$0x750]  }
0x1bb: {  	[tilespmem:$0x1FD10] =	vst v4;
	v4 =	vld [tilespmem:$0x1FCB0]  }
0x1bc: {  	[tilespmem:s25+$0x4230] =	vst v24;
	v24 =	vld [tilespmem:s25+$0x770]  }
0x1bd: {  	[tilespmem:s25+$0x42A0] =	vst v35;
	v35 =	vld [tilespmem:s25+$0x700]  }
0x1be: {  	v15 =	vld [tilespmem:s25+$0x810];
	v61 =	vmul.f32 v5, v39  }
0x1bf: {  	v44 =	vld [tilespmem:s25+$0x6F0]  }
0x1c0: {  	[tilespmem:s25+$0x4450] =	vst v61;
	v61 =	vmul.f32 v4, v0;
	v4 =	vld [tilespmem:$0x1FCC0]  }
0x1c1: {  	[tilespmem:s25+$0x4280] =	vst v54;
	v3 =	vld [tilespmem:s25+$0x6E0]  }
0x1c2: {  	[tilespmem:s25+$0x43B0] =	vst v55;
	v55 =	vld [tilespmem:s25+$0x7C0]  }
0x1c3: {  	[tilespmem:s25+$0x43D0] =	vst v60;
	v60 =	vld [tilespmem:s25+$0x7E0];
	v54 =	vmul.f32 v22, v39  }
0x1c4: {  	v9 =	vmul.f32 v9, v39;
	v22 =	vld [tilespmem:s25+$0x780]  }
0x1c5: {  	v16 =	vld [tilespmem:s25+$0x7B0];
	[tilespmem:s25+$0x4410] =	vst v54;
	v4 =	vmul.f32 v4, v0  }
0x1c6: {  	v8 =	vld [tilespmem:s25+$0x7F0];
	[tilespmem:s25+$0x4470] =	vst v9  }
0x1c7: {  	[tilespmem:$0x1FD20] =	vst v4;
	v4 =	vld [tilespmem:$0x1FCD0]  }
0x1c8: {  	v14 =	vld [tilespmem:s25+$0x820];
	[tilespmem:s25+$0x44A0] =	vst v50  }
0x1c9: {  	v6 =	vld [tilespmem:s25+$0x860];
	[tilespmem:s25+$0x4500] =	vst v27  }
0x1ca: {  	[tilespmem:s25+$0x4530] =	vst v32;
	v1 =	vld [tilespmem:$0x1FBA0]  }
0x1cb: {  	v5 =	vld [tilespmem:s25+$0x870];
	[tilespmem:s25+$0x4570] =	vst v36  }
0x1cc: {  	[tilespmem:s25+$0x4480] =	vst v33;
	v33 =	vmul.f32 v4, v0;
	v4 =	vld [tilespmem:$0x1FCE0]  }
0x1cd: {  	v9 =	vld [tilespmem:s25+$0x880];
	[tilespmem:s25+$0x4490] =	vst v2  }
0x1ce: {  	v34 =	vld [tilespmem:s25+$0x710];
	[tilespmem:s25+$0x44B0] =	vst v17  }
0x1cf: {  	v7 =	vld [tilespmem:s25+$0x850];
	[tilespmem:s25+$0x45A0] =	vst v37;
	v39 =	vmul.f32 v1, v52;
	v1 =	vimm.s32 $0xA  }
0x1d0: {  	v13 =	vld [tilespmem:s25+$0x7D0];
	[tilespmem:s25+$0x44C0] =	vst v20;
	v2 =	vmul.f32 v3, v0;
	v54 =	vperm.xlane v10, v1  }
0x1d1: {  	v12 =	vld [tilespmem:s25+$0x830];
	[tilespmem:s25+$0x44E0] =	vst v23;
	v4 =	vmul.f32 v4, v0;
	v0 =	vmul.f32 v44, v0  }
0x1d2: {  	v36 =	vld [tilespmem:s25+$0x990];
	[tilespmem:s25+$0x45D0] =	vst v58  }
0x1d3: {  	v11 =	vld [tilespmem:s25+$0x840];
	v1 =	vimm.s32 $0xB;
	[tilespmem:$0x1FD50] =	vst v0;
	v0 =	vmul.f32 v26, v54  }
0x1d4: {  	v37 =	vld [tilespmem:s25+$0x9B0];
	[tilespmem:s25+$0x4510] =	vst v29;
	v1 =	vperm.xlane v10, v1;
	v35 =	vmul.f32 v35, v54  }
0x1d5: {  	v58 =	vld [tilespmem:s25+$0x9E0];
	v50 =	vmul.f32 v34, v54;
	[tilespmem:$0x1FD60] =	vst v0;
	v0 =	vmul.f32 v24, v54  }
0x1d6: {  	[tilespmem:$0x1FD40] =	vst v2;
	v2 =	vld [tilespmem:s25+$0x900];
	v34 =	vmul.f32 v57, v54;
	v17 =	vmul.f32 v31, v54  }
0x1d7: {  	v29 =	vld [tilespmem:s25+$0x940];
	v28 =	vmul.f32 v28, v54;
	[tilespmem:$0x1FD70] =	vst v0;
	v0 =	vmul.f32 v19, v1  }
0x1d8: {  	[tilespmem:s25+$0x44F0] =	vst v25;
	v3 =	vld [tilespmem:s25+$0x8B0];
	v20 =	vmul.f32 v45, v54;
	v23 =	vmul.f32 v18, v1;
	v18 =	vimm.s32 $0xE  }
0x1d9: {  	v52 =	vld [tilespmem:s25+$0x800];
	v18 =	vperm.xlane v10, v18;
	[tilespmem:$0x1FD80] =	vst v0;
	v0 =	vmul.f32 v16, v1  }
0x1da: {  	[tilespmem:s25+$0x4540] =	vst v49;
	v57 =	vld [tilespmem:s25+$0x8C0];
	v22 =	vmul.f32 v22, v1;
	v25 =	vmul.f32 v13, v1  }
0x1db: {  	v45 =	vld [tilespmem:s25+$0x8E0];
	v27 =	vmul.f32 v60, v1;
	v49 =	vmul.f32 v2, v18;
	[tilespmem:$0x1FD90] =	vst v0;
	v0 =	vimm.s32 $0xC  }
0x1dc: {  	[tilespmem:s25+$0x4520] =	vst v30;
	v2 =	vld [tilespmem:$0x1FD00];
	v16 =	vmul.f32 v55, v1;
	v30 =	vperm.xlane v10, v0;
	v0 =	vimm.s32 $0xD  }
0x1dd: {  	[tilespmem:s25+$0x44D0] =	vst v21;
	v21 =	vimm.s32 $0xF;
	v1 =	vmul.f32 v8, v1;
	v54 =	vperm.xlane v10, v0;
	v0 =	vld [tilespmem:s25+$0x930]  }
0x1de: {  	[tilespmem:s25+$0x4550] =	vst v46;
	v44 =	vld [tilespmem:s25+$0x8A0];
	v10 =	vperm.xlane v10, v21;
	v55 =	vmul.f32 v52, v30  }
0x1df: {  	[tilespmem:$0x1FD30] =	vst v4;
	v4 =	vld [tilespmem:s25+$0x890];
	v60 =	vmul.f32 v15, v30;
	v21 =	vmul.f32 v14, v30  }
0x1e0: {  	[tilespmem:s25+$0x4560] =	vst v63;
	v8 =	vld [tilespmem:s25+$0x920];
	v24 =	vmul.f32 v12, v30;
	v63 =	vmul.f32 v11, v30  }
0x1e1: {  	[tilespmem:s25+$0x4590] =	vst v40;
	v15 =	vld [tilespmem:s25+$0x950];
	v7 =	vmul.f32 v7, v30;
	v6 =	vmul.f32 v6, v30  }
0x1e2: {  	[tilespmem:s25+$0x45B0] =	vst v48;
	v12 =	vmul.f32 v5, v30;
	v30 =	vmul.f32 v0, v18;
	v0 =	vld [tilespmem:$0x1FCF0]  }
0x1e3: {  	[tilespmem:s25+$0x45C0] =	vst v51;
	v5 =	vld [tilespmem:s25+$0x980]  }
0x1e4: {  	[tilespmem:s25+$0x4600] =	vst v41;
	v40 =	vmul.f32 v3, v54;
	v3 =	vld [tilespmem:s25+$0x9A0]  }
0x1e5: {  	[tilespmem:s25+$0x4580] =	vst v39;
	v14 =	vmul.f32 v44, v54;
	v44 =	vmul.f32 v45, v54;
	v45 =	vld [tilespmem:s25+$0x9C0]  }
0x1e6: {  	[tilespmem:s25+$0x4610] =	vst v59;
	v52 =	vmul.f32 v57, v54;
	v57 =	vld [tilespmem:s25+$0x9D0]  }
0x1e7: {  	v48 =	vmul.f32 v29, v18;
	[tilespmem:s25+$0x45E0] =	vst v0;
	v0 =	vmul.f32 v15, v18;
	v15 =	vld [tilespmem:s25+$0x9F0]  }
0x1e8: {  	v31 =	vld [tilespmem:s25+$0x960];
	[tilespmem:s25+$0x4620] =	vst v42;
	v46 =	vmul.f32 v8, v18;
	v39 =	vmul.f32 v4, v54  }
0x1e9: {  	v13 =	vld [tilespmem:s25+$0x910];
	[tilespmem:s25+$0x45F0] =	vst v2;
	v2 =	vmul.f32 v37, v10;
	v29 =	vmul.f32 v58, v10  }
0x1ea: {  	[tilespmem:s25+$0x4630] =	vst v53;
	v11 =	vld [tilespmem:s25+$0x970];
	v4 =	vmul.f32 v5, v10;
	v5 =	vmul.f32 v36, v10  }
0x1eb: {  	[tilespmem:s25+$0x4640] =	vst v43;
	v8 =	vmul.f32 v3, v10;
	v36 =	vmul.f32 v45, v10  }
0x1ec: {  	[tilespmem:s25+$0x4650] =	vst v56;
	v37 =	vmul.f32 v57, v10;
	v10 =	vmul.f32 v15, v10;
	v15 =	vld [tilespmem:$0x1FD10]  }
0x1ed: {  	s26 =	sshll.u32 s28, $0xB;
	[tilespmem:s25+$0x4660] =	vst v62;
	v32 =	vmul.f32 v9, v54  }
0x1ee: {  	v9 =	vmul.f32 v13, v18;
	v13 =	vmul.f32 v31, v18;
	v31 =	vld [tilespmem:s26+$0x200];
	[tilespmem:s25+$0x4670] =	vst v38  }
0x1ef: {  	v11 =	vmul.f32 v11, v18;
	v18 =	vld [tilespmem:s26+$0x210];
	[tilespmem:s25+$0x4680] =	vst v47  }
0x1f0: {  	v3 =	vld [tilespmem:s26+$0x220]  }
0x1f1: {  	[tilespmem:s25+$0x4690] =	vst v15;
	v15 =	vld [tilespmem:$0x1FD20];
	_ =	sdelay $0x2  }
0x1f2: {  	v45 =	vld [tilespmem:s26+$0x230];
	[tilespmem:s25+$0x46A0] =	vst v61  }
0x1f3: {  	v38 =	vld [tilespmem:s26+$0x240]  }
0x1f4: {  	[tilespmem:s25+$0x46B0] =	vst v15;
	v15 =	vld [tilespmem:$0x1FD30]  }
0x1f5: {  	v26 =	vld [tilespmem:s25+$0x8D0]  }
0x1f6: {  	v19 =	vld [tilespmem:s25+$0x8F0]  }
0x1f7: {  	v43 =	vld [tilespmem:s26+$0x250];
	[tilespmem:s25+$0x46C0] =	vst v33  }
0x1f8: {  	v33 =	vld [tilespmem:s26+$0x260]  }
0x1f9: {  	[tilespmem:s25+$0x46D0] =	vst v15;
	v15 =	vld [tilespmem:$0x1FD40];
	_ =	sdelay $0x3  }
0x1fa: {  	v26 =	vmul.f32 v26, v54;
	v19 =	vmul.f32 v19, v54;
	v54 =	vld [tilespmem:s26+$0x270]  }
0x1fb: {  	[tilespmem:s25+$0x46E0] =	vst v15;
	v15 =	vld [tilespmem:$0x1FD50];
	_ =	sdelay $0x3  }
0x1fc: {  	v53 =	vld [tilespmem:s26+$0x280]  }
0x1fd: {  	[tilespmem:s25+$0x46F0] =	vst v15;
	v15 =	vld [tilespmem:$0x1FD60]  }
0x1fe: {  	v56 =	vld [tilespmem:s26+$0x290];
	[tilespmem:s25+$0x4700] =	vst v35  }
0x1ff: {  	v35 =	vld [tilespmem:s26+$0x2A0];
	[tilespmem:s25+$0x4710] =	vst v50  }
0x200: {  	v61 =	vld [tilespmem:s26+$0x2B0];
	[tilespmem:s25+$0x4720] =	vst v34  }
0x201: {  	v57 =	vld [tilespmem:s26+$0x2C0];
	[tilespmem:s25+$0x4730] =	vst v17  }
0x202: {  	v34 =	vld [tilespmem:s26+$0x2D0];
	[tilespmem:s25+$0x4740] =	vst v28  }
0x203: {  	v17 =	vld [tilespmem:s26+$0x2E0]  }
0x204: {  	[tilespmem:s25+$0x4750] =	vst v15;
	v15 =	vld [tilespmem:$0x1FD70];
	_ =	sdelay $0x2  }
0x205: {  	v41 =	vld [tilespmem:s26+$0x2F0];
	[tilespmem:s25+$0x4760] =	vst v20  }
0x206: {  	v20 =	vld [tilespmem:s26+$0x300]  }
0x207: {  	[tilespmem:s25+$0x4770] =	vst v15;
	v15 =	vld [tilespmem:$0x1FD80];
	_ =	sdelay $0x3  }
0x208: {  	v42 =	vld [tilespmem:s26+$0x310];
	[tilespmem:s25+$0x4780] =	vst v22  }
0x209: {  	v28 =	vld [tilespmem:s26+$0x320];
	[tilespmem:s25+$0x4790] =	vst v15  }
0x20a: {  	v47 =	vld [tilespmem:s26+$0x330];
	[tilespmem:s25+$0x47A0] =	vst v23  }
0x20b: {  	v15 =	vld [tilespmem:s26+$0x340];
	_ =	sdelay $0x4  }
0x20c: {  	[tilespmem:$0x1FE40] =	vst v15;
	v15 =	vld [tilespmem:$0x1FD90];
	_ =	sdelay $0x4  }
0x20d: {  	[tilespmem:s25+$0x47B0] =	vst v15  }
0x20e: {  	v50 =	vld [tilespmem:s26+$0x350];
	[tilespmem:s25+$0x47C0] =	vst v16  }
0x20f: {  	v15 =	vld [tilespmem:s26+$0x360];
	[tilespmem:s25+$0x47D0] =	vst v25  }
0x210: {  	v58 =	vld [tilespmem:s26+$0x370];
	[tilespmem:s25+$0x47E0] =	vst v27  }
0x211: {  	v51 =	vld [tilespmem:s26+$0x380];
	[tilespmem:s25+$0x47F0] =	vst v1  }
0x212: {  	v59 =	vld [tilespmem:s26+$0x390];
	[tilespmem:s25+$0x4800] =	vst v55  }
0x213: {  	v55 =	vld [tilespmem:s26+$0x3A0];
	[tilespmem:s25+$0x4810] =	vst v60  }
0x214: {  	v62 =	vld [tilespmem:s26+$0x3B0];
	[tilespmem:s25+$0x4820] =	vst v21  }
0x215: {  	v60 =	vld [tilespmem:s26+$0x3C0];
	[tilespmem:s25+$0x4830] =	vst v24  }
0x216: {  	v1 =	vld [tilespmem:s26+$0x3D0];
	[tilespmem:s25+$0x4840] =	vst v63  }
0x217: {  	v63 =	vld [tilespmem:s26+$0x3E0];
	[tilespmem:s25+$0x4850] =	vst v7  }
0x218: {  	v7 =	vld [tilespmem:s26+$0x3F0];
	[tilespmem:s25+$0x4860] =	vst v6  }
0x219: {  	v16 =	vld [tilespmem:s26+$0x400];
	[tilespmem:s25+$0x4870] =	vst v12  }
0x21a: {  	v22 =	vld [tilespmem:s26+$0x410];
	[tilespmem:s25+$0x4880] =	vst v32  }
0x21b: {  	v6 =	vld [tilespmem:s26+$0x420];
	[tilespmem:s25+$0x4890] =	vst v39  }
0x21c: {  	v23 =	vld [tilespmem:s26+$0x430];
	[tilespmem:s25+$0x48A0] =	vst v14  }
0x21d: {  	v14 =	vld [tilespmem:s26+$0x440];
	[tilespmem:s25+$0x48B0] =	vst v40  }
0x21e: {  	v24 =	vld [tilespmem:s26+$0x450];
	[tilespmem:s25+$0x48C0] =	vst v52  }
0x21f: {  	v12 =	vld [tilespmem:s26+$0x460];
	[tilespmem:s25+$0x48D0] =	vst v26  }
0x220: {  	v40 =	vld [tilespmem:s26+$0x470];
	[tilespmem:s25+$0x48E0] =	vst v44  }
0x221: {  	v39 =	vld [tilespmem:s26+$0x480];
	[tilespmem:s25+$0x48F0] =	vst v19  }
0x222: {  	v52 =	vld [tilespmem:s26+$0x490];
	[tilespmem:s25+$0x4900] =	vst v49  }
0x223: {  	v44 =	vld [tilespmem:s26+$0x4A0];
	[tilespmem:s25+$0x4910] =	vst v9  }
0x224: {  	v9 =	vld [tilespmem:s26+$0x4B0];
	_ =	sdelay $0x3  }
0x225: {  	[tilespmem:s25+$0x4920] =	vst v46  }
0x226: {  	[tilespmem:$0x1FEC0] =	vst v9;
	v9 =	vld [tilespmem:s26+$0x4C0];
	_ =	sdelay $0x3  }
0x227: {  	[tilespmem:s25+$0x4930] =	vst v30  }
0x228: {  	[tilespmem:$0x1FEE0] =	vst v9;
	v9 =	vld [tilespmem:s26+$0x4D0];
	_ =	sdelay $0x3  }
0x229: {  	[tilespmem:s25+$0x4940] =	vst v48  }
0x22a: {  	[tilespmem:$0x1FF00] =	vst v9  }
0x22b: {  	v9 =	vld [tilespmem:s26+$0x4E0];
	[tilespmem:s25+$0x4950] =	vst v0  }
0x22c: {  	v0 =	vld [tilespmem:s26+$0x4F0];
	_ =	sdelay $0x2  }
0x22d: {  	[tilespmem:s25+$0x4960] =	vst v13  }
0x22e: {  	v13 =	vld [tilespmem:s26+$0x500];
	[tilespmem:s25+$0x4970] =	vst v11  }
0x22f: {  	[tilespmem:$0x1FF40] =	vst v0;
	v0 =	vld [tilespmem:s26+$0x510];
	_ =	sdelay $0x3  }
0x230: {  	[tilespmem:s25+$0x4980] =	vst v4  }
0x231: {  	[tilespmem:$0x1FF60] =	vst v0;
	v0 =	vld [tilespmem:s26+$0x520];
	_ =	sdelay $0x2  }
0x232: {  	[tilespmem:s25+$0x4990] =	vst v5  }
0x233: {  	v49 =	vld [tilespmem:s26+$0x530];
	[tilespmem:s25+$0x49A0] =	vst v8  }
0x234: {  	[tilespmem:$0x1FF80] =	vst v0;
	v0 =	vld [tilespmem:s26+$0x540];
	_ =	sdelay $0x2  }
0x235: {  	[tilespmem:s25+$0x49B0] =	vst v2  }
0x236: {  	v46 =	vld [tilespmem:s26+$0x550];
	[tilespmem:s25+$0x49C0] =	vst v36  }
0x237: {  	p0 =	sne.s32 s28, $0x7;
	[tilespmem:$0x1FFB0] =	vst v0;
	v0 =	vld [tilespmem:s26+$0x560]  }
.Ltmp1:
0x238: {  	_ = 	snop;
	(pc) =	sbr.rel @p0 .LBB2_5-.Ltmp1, $4  }
0x239: {  	[tilespmem:$0x1FF20] =	vst v9  }
0x23a: {  	[tilespmem:s25+$0x49D0] =	vst v37  }
0x23b: {  	v8 =	vmov v12;
	v12 =	vld [tilespmem:s26+$0x570];
	[tilespmem:s25+$0x49E0] =	vst v29  }
0x23c: {  	s29 =	sshll.u32 s28, $0x4;
	s28 =	sadd.s32 $0x1, s28;
	v48 =	vmov v28;
	[tilespmem:$0x1FFE0] =	vst v0  }
0x23d: {  	v0 =	vld [tilespmem:s26+$0x580];
	s28 =	sand.u32 $0x3FFFFFF0, s29;
	[tilespmem:s25+$0x49F0] =	vst v10  }
0x23e: {  	v30 =	vld [tilespmem:s28+$0x180]  }
0x23f: {  	v4 =	vld [tilespmem:s26+$0x5A0]  }
0x240: {  	v5 =	vld [tilespmem:s26+$0x5B0]  }
0x241: {  	v9 =	vld [tilespmem:s26+$0x5C0]  }
0x242: {  	v2 =	vld [tilespmem:s26+$0x5D0]  }
0x243: {  	v11 =	vimm.s32 $0x0;
	v19 =	vld [tilespmem:s26+$0x5E0];
	[tilespmem:$0x1FAF0] =	vst v0  }
0x244: {  	v26 =	vld [tilespmem:s26+$0x610];
	[tilespmem:$0x1FB00] =	vst v4;
	v0 =	vperm.xlane v30, v11  }
0x245: {  	v36 =	vld [tilespmem:s26+$0x640];
	[tilespmem:$0x1FB10] =	vst v5  }
0x246: {  	[tilespmem:$0x1FB20] =	vst v9;
	v21 =	vmul.f32 v31, v0  }
0x247: {  	[tilespmem:$0x1FB30] =	vst v2;
	v25 =	vmul.f32 v18, v0;
	v27 =	vmul.f32 v3, v0  }
0x248: {  	[tilespmem:$0x1FB40] =	vst v19;
	v29 =	vmul.f32 v45, v0;
	v37 =	vmul.f32 v43, v0;
	v43 =	vimm.s32 $0x1  }
0x249: {  	[tilespmem:$0x1FB60] =	vst v26;
	v32 =	vmul.f32 v38, v0;
	v2 =	vperm.xlane v30, v43  }
0x24a: {  	v4 =	vld [tilespmem:s26+$0x600];
	[tilespmem:$0x1FB90] =	vst v36;
	v38 =	vmul.f32 v33, v0;
	v0 =	vmul.f32 v54, v0  }
0x24b: {  	v36 =	vimm.s32 $0x2;
	[tilespmem:s26+$0x4250] =	vst v37;
	v53 =	vmul.f32 v53, v2  }
0x24c: {  	[tilespmem:s26+$0x4270] =	vst v0;
	v0 =	vperm.xlane v30, v36  }
0x24d: {  	v54 =	vmul.f32 v56, v2;
	v56 =	vmul.f32 v35, v2;
	[tilespmem:s26+$0x4280] =	vst v53;
	v53 =	vld [tilespmem:$0x1FE40]  }
0x24e: {  	[tilespmem:s26+$0x4260] =	vst v38;
	v9 =	vmul.f32 v61, v2;
	v11 =	vmul.f32 v57, v2  }
0x24f: {  	v45 =	vmov v20;
	[tilespmem:$0x1FB50] =	vst v4;
	v18 =	vmul.f32 v34, v2;
	v19 =	vmul.f32 v17, v2  }
0x250: {  	v2 =	vmul.f32 v41, v2;
	v37 =	vmul.f32 v45, v0;
	[tilespmem:s26+$0x4290] =	vst v54  }
0x251: {  	v38 =	vmul.f32 v42, v0;
	v45 =	vmul.f32 v48, v0;
	[tilespmem:s26+$0x42A0] =	vst v56  }
0x252: {  	v48 =	vmul.f32 v47, v0;
	[tilespmem:s26+$0x42F0] =	vst v2;
	v2 =	vmul.f32 v53, v0  }
0x253: {  	v57 =	vimm.s32 $0x3;
	[tilespmem:s26+$0x42B0] =	vst v9;
	v54 =	vmul.f32 v50, v0;
	v56 =	vmul.f32 v15, v0  }
0x254: {  	v0 =	vmul.f32 v58, v0;
	[tilespmem:s26+$0x4340] =	vst v2;
	v2 =	vperm.xlane v30, v57  }
0x255: {  	[tilespmem:s26+$0x42D0] =	vst v18;
	v18 =	vimm.s32 $0x4  }
0x256: {  	[tilespmem:s26+$0x4370] =	vst v0;
	v0 =	vperm.xlane v30, v18;
	v58 =	vmul.f32 v51, v2  }
0x257: {  	[tilespmem:s26+$0x42C0] =	vst v11;
	v59 =	vmul.f32 v59, v2;
	v61 =	vmul.f32 v55, v2  }
0x258: {  	[tilespmem:s26+$0x4300] =	vst v37;
	v9 =	vmul.f32 v62, v2;
	v11 =	vmul.f32 v60, v2  }
0x259: {  	[tilespmem:s26+$0x4350] =	vst v54;
	v15 =	vmul.f32 v1, v2;
	v17 =	vmul.f32 v63, v2  }
0x25a: {  	v4 =	vmov v22;
	[tilespmem:s26+$0x4360] =	vst v56;
	v2 =	vmul.f32 v7, v2;
	v33 =	vmul.f32 v16, v0  }
0x25b: {  	v5 =	vmov v14;
	v36 =	vmul.f32 v4, v0;
	v37 =	vmul.f32 v6, v0;
	v4 =	vld [tilespmem:$0x1FEC0];
	[tilespmem:s26+$0x4390] =	vst v59  }
0x25c: {  	v53 =	vmul.f32 v23, v0;
	v54 =	vmul.f32 v5, v0;
	[tilespmem:s26+$0x43A0] =	vst v61  }
0x25d: {  	v56 =	vmul.f32 v24, v0;
	v57 =	vmul.f32 v8, v0;
	v5 =	vld [tilespmem:$0x1FEE0];
	[tilespmem:s26+$0x43B0] =	vst v9;
	v59 =	vimm.s32 $0x5  }
0x25e: {  	v0 =	vmul.f32 v40, v0;
	[tilespmem:s26+$0x43F0] =	vst v2;
	v2 =	vperm.xlane v30, v59  }
0x25f: {  	v6 =	vld [tilespmem:$0x1FF00];
	[tilespmem:s26+$0x43C0] =	vst v11  }
0x260: {  	[tilespmem:s26+$0x4470] =	vst v0;
	v9 =	vld [tilespmem:$0x1FF40];
	v0 =	vmul.f32 v4, v2  }
0x261: {  	v8 =	vld [tilespmem:$0x1FF20];
	[tilespmem:s26+$0x4440] =	vst v54  }
0x262: {  	[tilespmem:s26+$0x44B0] =	vst v0;
	v0 =	vmul.f32 v5, v2  }
0x263: {  	[tilespmem:s26+$0x4450] =	vst v56;
	v56 =	vld [tilespmem:$0x1FF80];
	v60 =	vmul.f32 v39, v2  }
0x264: {  	v62 =	vmul.f32 v44, v2;
	v44 =	vimm.s32 $0x6;
	[tilespmem:s26+$0x44C0] =	vst v0;
	v0 =	vmul.f32 v6, v2  }
0x265: {  	[tilespmem:s26+$0x4460] =	vst v57;
	v54 =	vld [tilespmem:$0x1FF60];
	v3 =	vmul.f32 v9, v2;
	v9 =	vperm.xlane v30, v44  }
0x266: {  	[tilespmem:s26+$0x44D0] =	vst v0;
	v0 =	vmul.f32 v8, v2  }
0x267: {  	v11 =	vmov v13;
	[tilespmem:s26+$0x4480] =	vst v60;
	v60 =	vld [tilespmem:$0x1FFB0];
	v59 =	vmul.f32 v49, v9  }
0x268: {  	v57 =	vmul.f32 v56, v9;
	v56 =	vld [tilespmem:$0x1FAF0];
	[tilespmem:s26+$0x44E0] =	vst v0;
	v0 =	vmul.f32 v11, v9  }
0x269: {  	v28 =	vld [tilespmem:s26+$0x620];
	v44 =	vmul.f32 v46, v9;
	[tilespmem:s26+$0x4530] =	vst v59  }
0x26a: {  	v61 =	vmul.f32 v52, v2;
	v59 =	vld [tilespmem:$0x1FB00];
	[tilespmem:s26+$0x4500] =	vst v0;
	v0 =	vmul.f32 v54, v9;
	v54 =	vimm.s32 $0x7  }
0x26b: {  	v46 =	vld [tilespmem:$0x1FFE0];
	v12 =	vmul.f32 v12, v9;
	[tilespmem:s26+$0x4550] =	vst v44;
	v44 =	vperm.xlane v30, v54  }
0x26c: {  	[tilespmem:s26+$0x4490] =	vst v61;
	v61 =	vmul.f32 v60, v9;
	v60 =	vld [tilespmem:$0x1FB10]  }
0x26d: {  	[tilespmem:s26+$0x4570] =	vst v12;
	v12 =	vmul.f32 v56, v44  }
0x26e: {  	[tilespmem:s26+$0x4540] =	vst v61;
	v61 =	vld [tilespmem:$0x1FB20]  }
0x26f: {  	[tilespmem:s26+$0x4580] =	vst v12;
	v12 =	vmul.f32 v59, v44  }
0x270: {  	[tilespmem:$0x1FB70] =	vst v28;
	v49 =	vmul.f32 v46, v9;
	v46 =	vld [tilespmem:$0x1FB30]  }
0x271: {  	[tilespmem:s26+$0x45A0] =	vst v12;
	v12 =	vmul.f32 v60, v44  }
0x272: {  	[tilespmem:s26+$0x4560] =	vst v49;
	v49 =	vld [tilespmem:$0x1FB40]  }
0x273: {  	[tilespmem:s26+$0x45B0] =	vst v12;
	v12 =	vmul.f32 v61, v44  }
0x274: {  	[tilespmem:s26+$0x4200] =	vst v21  }
0x275: {  	[tilespmem:s26+$0x45C0] =	vst v12;
	v12 =	vmul.f32 v46, v44  }
0x276: {  	v31 =	vld [tilespmem:s26+$0x630];
	[tilespmem:s26+$0x4210] =	vst v25  }
0x277: {  	[tilespmem:s26+$0x45D0] =	vst v12;
	v12 =	vmul.f32 v49, v44;
	v49 =	vld [tilespmem:$0x1FB50]  }
0x278: {  	[tilespmem:s26+$0x4220] =	vst v27  }
0x279: {  	v10 =	vld [tilespmem:s26+$0x590];
	[tilespmem:s26+$0x4230] =	vst v29;
	v61 =	vimm.s32 $0x8  }
0x27a: {  	v14 =	vld [tilespmem:s26+$0x5F0];
	[tilespmem:s26+$0x4240] =	vst v32;
	v46 =	vperm.xlane v30, v61  }
0x27b: {  	[tilespmem:$0x1FB80] =	vst v31  }
0x27c: {  	[tilespmem:s26+$0x45E0] =	vst v12;
	v12 =	vmul.f32 v49, v46;
	v49 =	vld [tilespmem:$0x1FB60]  }
0x27d: {  	[tilespmem:s26+$0x42E0] =	vst v19  }
0x27e: {  	[tilespmem:s26+$0x4310] =	vst v38  }
0x27f: {  	[tilespmem:s26+$0x4520] =	vst v57;
	v57 =	vmul.f32 v10, v44;
	v44 =	vmul.f32 v14, v44  }
0x280: {  	[tilespmem:s26+$0x4320] =	vst v45  }
0x281: {  	[tilespmem:s26+$0x45F0] =	vst v44;
	v44 =	vmul.f32 v49, v46;
	v49 =	vld [tilespmem:$0x1FB70]  }
0x282: {  	[tilespmem:s26+$0x4330] =	vst v48  }
0x283: {  	[tilespmem:s26+$0x4380] =	vst v58  }
0x284: {  	[tilespmem:s26+$0x43D0] =	vst v15  }
0x285: {  	[tilespmem:s26+$0x43E0] =	vst v17  }
0x286: {  	[tilespmem:s26+$0x4600] =	vst v12;
	v12 =	vmul.f32 v49, v46;
	v49 =	vld [tilespmem:$0x1FB80]  }
0x287: {  	[tilespmem:s26+$0x4400] =	vst v33  }
0x288: {  	[tilespmem:s26+$0x4410] =	vst v36  }
0x289: {  	[tilespmem:s26+$0x4420] =	vst v37  }
0x28a: {  	[tilespmem:s26+$0x4430] =	vst v53  }
0x28b: {  	[tilespmem:s26+$0x4610] =	vst v44;
	v44 =	vmul.f32 v49, v46;
	v49 =	vld [tilespmem:$0x1FB90]  }
0x28c: {  	v22 =	vld [tilespmem:s26+$0x650];
	[tilespmem:s26+$0x44A0] =	vst v62  }
0x28d: {  	v21 =	vld [tilespmem:s26+$0x660];
	[tilespmem:s26+$0x44F0] =	vst v3  }
0x28e: {  	v20 =	vld [tilespmem:s26+$0x670];
	[tilespmem:s26+$0x4510] =	vst v0  }
0x28f: {  	v25 =	vld [tilespmem:s26+$0x680];
	[tilespmem:s26+$0x4590] =	vst v57  }
0x290: {  	v27 =	vld [tilespmem:s26+$0x690];
	[tilespmem:s26+$0x4620] =	vst v12;
	v12 =	vmul.f32 v49, v46  }
0x291: {  	v26 =	vld [tilespmem:s26+$0x6A0];
	v22 =	vmul.f32 v22, v46;
	[tilespmem:s26+$0x4630] =	vst v44;
	v44 =	vimm.s32 $0x9  }
0x292: {  	v28 =	vld [tilespmem:s26+$0x6B0];
	v21 =	vmul.f32 v21, v46;
	[tilespmem:s26+$0x4640] =	vst v12;
	v12 =	vperm.xlane v30, v44  }
0x293: {  	v29 =	vld [tilespmem:s26+$0x6C0];
	v20 =	vmul.f32 v20, v46;
	[tilespmem:s26+$0x4650] =	vst v22  }
0x294: {  	v31 =	vld [tilespmem:s26+$0x6D0];
	[tilespmem:s26+$0x4660] =	vst v21;
	v49 =	vmul.f32 v25, v12  }
0x295: {  	v32 =	vld [tilespmem:s26+$0x6E0];
	[tilespmem:s26+$0x4670] =	vst v20;
	v25 =	vmul.f32 v27, v12  }
0x296: {  	v34 =	vld [tilespmem:s26+$0x6F0];
	v26 =	vmul.f32 v26, v12;
	[tilespmem:s26+$0x4680] =	vst v49  }
0x297: {  	v35 =	vld [tilespmem:s26+$0x700];
	v27 =	vmul.f32 v28, v12;
	[tilespmem:s26+$0x4690] =	vst v25  }
0x298: {  	v41 =	vld [tilespmem:s26+$0x710];
	v28 =	vmul.f32 v29, v12;
	[tilespmem:s26+$0x46A0] =	vst v26  }
0x299: {  	v38 =	vld [tilespmem:s26+$0x720];
	v29 =	vmul.f32 v31, v12;
	v31 =	vimm.s32 $0xA;
	[tilespmem:s26+$0x46B0] =	vst v27  }
0x29a: {  	v42 =	vld [tilespmem:s26+$0x730];
	v32 =	vmul.f32 v32, v12;
	v21 =	vperm.xlane v30, v31;
	[tilespmem:s26+$0x46C0] =	vst v28  }
0x29b: {  	v19 =	vld [tilespmem:s26+$0x740];
	v12 =	vmul.f32 v34, v12;
	[tilespmem:s26+$0x46D0] =	vst v29  }
0x29c: {  	v43 =	vld [tilespmem:s26+$0x750];
	[tilespmem:s26+$0x46E0] =	vst v32;
	v34 =	vmul.f32 v35, v21  }
0x29d: {  	v47 =	vld [tilespmem:s26+$0x760];
	[tilespmem:s26+$0x46F0] =	vst v12;
	v35 =	vmul.f32 v41, v21  }
0x29e: {  	v45 =	vld [tilespmem:s26+$0x770];
	v41 =	vmul.f32 v38, v21;
	[tilespmem:s26+$0x4700] =	vst v34  }
0x29f: {  	v15 =	vld [tilespmem:s26+$0x800];
	v42 =	vmul.f32 v42, v21;
	[tilespmem:s26+$0x4710] =	vst v35  }
0x2a0: {  	v16 =	vld [tilespmem:s26+$0x810];
	v19 =	vmul.f32 v19, v21;
	[tilespmem:s26+$0x4720] =	vst v41  }
0x2a1: {  	v17 =	vld [tilespmem:s26+$0x820];
	v26 =	vimm.s32 $0xC;
	v44 =	vmul.f32 v43, v21;
	[tilespmem:s26+$0x4730] =	vst v42  }
0x2a2: {  	v18 =	vld [tilespmem:s26+$0x830];
	v47 =	vmul.f32 v47, v21;
	v12 =	vperm.xlane v30, v26;
	[tilespmem:s26+$0x4740] =	vst v19  }
0x2a3: {  	v63 =	vld [tilespmem:s26+$0x840];
	v21 =	vmul.f32 v45, v21;
	[tilespmem:s26+$0x4750] =	vst v44  }
0x2a4: {  	v33 =	vld [tilespmem:s26+$0x850];
	[tilespmem:s26+$0x4760] =	vst v47;
	v27 =	vmul.f32 v15, v12  }
0x2a5: {  	v36 =	vld [tilespmem:s26+$0x860];
	[tilespmem:s26+$0x4770] =	vst v21;
	v28 =	vmul.f32 v16, v12  }
0x2a6: {  	v37 =	vld [tilespmem:s26+$0x870];
	v29 =	vmul.f32 v17, v12;
	[tilespmem:s26+$0x4800] =	vst v27  }
0x2a7: {  	v48 =	vld [tilespmem:s26+$0x780];
	v31 =	vmul.f32 v18, v12;
	[tilespmem:s26+$0x4810] =	vst v28  }
0x2a8: {  	v50 =	vld [tilespmem:s26+$0x790];
	v32 =	vmul.f32 v63, v12;
	[tilespmem:s26+$0x4820] =	vst v29  }
0x2a9: {  	v51 =	vld [tilespmem:s26+$0x7A0];
	v46 =	vimm.s32 $0xB;
	v34 =	vmul.f32 v33, v12;
	[tilespmem:s26+$0x4830] =	vst v31  }
0x2aa: {  	v55 =	vld [tilespmem:s26+$0x7B0];
	v19 =	vperm.xlane v30, v46;
	v36 =	vmul.f32 v36, v12;
	[tilespmem:s26+$0x4840] =	vst v32  }
0x2ab: {  	v1 =	vld [tilespmem:s26+$0x7D0];
	v12 =	vmul.f32 v37, v12;
	[tilespmem:s26+$0x4850] =	vst v34  }
0x2ac: {  	v58 =	vld [tilespmem:s26+$0x7C0];
	v49 =	vmul.f32 v48, v19;
	[tilespmem:s26+$0x4860] =	vst v36  }
0x2ad: {  	v13 =	vld [tilespmem:s26+$0x7E0];
	v50 =	vmul.f32 v50, v19;
	[tilespmem:s26+$0x4870] =	vst v12  }
0x2ae: {  	v7 =	vld [tilespmem:s26+$0x7F0];
	v51 =	vmul.f32 v51, v19;
	[tilespmem:s26+$0x4780] =	vst v49  }
0x2af: {  	v39 =	vld [tilespmem:s26+$0x880];
	v55 =	vmul.f32 v55, v19;
	[tilespmem:s26+$0x4790] =	vst v50  }
0x2b0: {  	v40 =	vld [tilespmem:s26+$0x890];
	v1 =	vmul.f32 v1, v19;
	[tilespmem:s26+$0x47A0] =	vst v51  }
0x2b1: {  	v23 =	vld [tilespmem:s26+$0x8A0];
	v35 =	vimm.s32 $0xD;
	v25 =	vmul.f32 v58, v19;
	[tilespmem:s26+$0x47B0] =	vst v55  }
0x2b2: {  	v24 =	vld [tilespmem:s26+$0x8B0];
	v13 =	vmul.f32 v13, v19;
	[tilespmem:s26+$0x47D0] =	vst v1;
	v1 =	vperm.xlane v30, v35  }
0x2b3: {  	v62 =	vld [tilespmem:s26+$0x8C0];
	v7 =	vmul.f32 v7, v19;
	[tilespmem:s26+$0x47C0] =	vst v25  }
0x2b4: {  	v52 =	vld [tilespmem:s26+$0x8D0];
	[tilespmem:s26+$0x47E0] =	vst v13;
	v38 =	vmul.f32 v39, v1  }
0x2b5: {  	v53 =	vld [tilespmem:s26+$0x8E0];
	[tilespmem:s26+$0x47F0] =	vst v7;
	v39 =	vmul.f32 v40, v1  }
0x2b6: {  	v2 =	vld [tilespmem:s26+$0x8F0];
	v40 =	vmul.f32 v23, v1;
	[tilespmem:s26+$0x4880] =	vst v38  }
0x2b7: {  	v11 =	vld [tilespmem:s26+$0x900];
	v41 =	vmul.f32 v24, v1;
	[tilespmem:s26+$0x4890] =	vst v39  }
0x2b8: {  	v3 =	vld [tilespmem:s26+$0x910];
	v42 =	vmul.f32 v62, v1;
	[tilespmem:s26+$0x48A0] =	vst v40  }
0x2b9: {  	v0 =	vld [tilespmem:s26+$0x920];
	v44 =	vimm.s32 $0xE;
	v43 =	vmul.f32 v52, v1;
	[tilespmem:s26+$0x48B0] =	vst v41  }
0x2ba: {  	v5 =	vld [tilespmem:s26+$0x930];
	v7 =	vperm.xlane v30, v44;
	v45 =	vmul.f32 v53, v1;
	[tilespmem:s26+$0x48C0] =	vst v42  }
0x2bb: {  	v4 =	vld [tilespmem:s26+$0x940];
	v1 =	vmul.f32 v2, v1;
	[tilespmem:s26+$0x48D0] =	vst v43  }
0x2bc: {  	v8 =	vld [tilespmem:s26+$0x950];
	v46 =	vmul.f32 v11, v7;
	[tilespmem:s26+$0x48E0] =	vst v45  }
0x2bd: {  	v6 =	vld [tilespmem:s26+$0x960];
	v47 =	vmul.f32 v3, v7;
	[tilespmem:s26+$0x48F0] =	vst v1  }
0x2be: {  	v9 =	vld [tilespmem:s26+$0x970];
	v0 =	vmul.f32 v0, v7;
	[tilespmem:s26+$0x4900] =	vst v46  }
0x2bf: {  	v54 =	vld [tilespmem:s26+$0x980];
	v48 =	vmul.f32 v5, v7;
	[tilespmem:s26+$0x4910] =	vst v47  }
0x2c0: {  	v10 =	vld [tilespmem:s26+$0x990];
	v49 =	vmul.f32 v4, v7;
	[tilespmem:s26+$0x4920] =	vst v0  }
0x2c1: {  	v56 =	vld [tilespmem:s26+$0x9A0];
	v51 =	vimm.s32 $0xF;
	v50 =	vmul.f32 v8, v7;
	[tilespmem:s26+$0x4930] =	vst v48  }
0x2c2: {  	v57 =	vld [tilespmem:s26+$0x9B0];
	v52 =	vmul.f32 v6, v7;
	[tilespmem:s26+$0x4940] =	vst v49;
	v0 =	vperm.xlane v30, v51  }
0x2c3: {  	v59 =	vld [tilespmem:s26+$0x9C0];
	v53 =	vmul.f32 v9, v7;
	[tilespmem:s26+$0x4950] =	vst v50  }
0x2c4: {  	v60 =	vld [tilespmem:s26+$0x9D0];
	[tilespmem:s26+$0x4960] =	vst v52;
	v54 =	vmul.f32 v54, v0  }
0x2c5: {  	v61 =	vld [tilespmem:s26+$0x9E0];
	[tilespmem:s26+$0x4970] =	vst v53;
	v55 =	vmul.f32 v10, v0  }
0x2c6: {  	v14 =	vld [tilespmem:s26+$0x9F0];
	v56 =	vmul.f32 v56, v0;
	[tilespmem:s26+$0x4980] =	vst v54  }
0x2c7: {  	v58 =	vmul.f32 v57, v0;
	[tilespmem:s26+$0x4990] =	vst v55  }
0x2c8: {  	v59 =	vmul.f32 v59, v0;
	[tilespmem:s26+$0x49A0] =	vst v56  }
0x2c9: {  	v62 =	vmul.f32 v60, v0;
	[tilespmem:s26+$0x49B0] =	vst v58  }
0x2ca: {  	v63 =	vmul.f32 v61, v0;
	[tilespmem:s26+$0x49C0] =	vst v59  }
0x2cb: {  	s24 =	sadd.s32 $0x1, s24;
	v0 =	vmul.f32 v14, v0;
	[tilespmem:s26+$0x49D0] =	vst v62  }
0x2cc: {  	p0 =	sne.s32 s24, $0x50;
	[tilespmem:s26+$0x49E0] =	vst v63  }
.Ltmp2:
0x2cd: {  	[tilespmem:s26+$0x49F0] =	vst v0;
	(pc) =	sbr.rel @p0 .LBB2_4-.Ltmp2, $4  }
0x2ce: {  	[spmem:s2] =	stream.indirect.scatter.add.f32 [tilespmem:s16], [sflag:$0x2], $0x80, s18, s20, $0xb8;
	[tilespmem:$0x1C200] =	vst v63  }
0x2cf: {  	_ =	swait.ge [sflag:s17], $0x4000  }
0x2d0: {  	[sflag:s17] =	ssyncset.done $0x0  }
0x2d1: {  	[sflag:s17] =	ssyncadd.s32 $0xFFFFC000  }
0x2d2: {  	s4 =	sadd.s32 $0x1, s4  }
0x2d3: {  	s23 =	sshll.u32 s3, $0x6;
	[bflag:$0x0] =	sbarrier.arrive $0xFFFF;
	p0 =	sne.s32 s4, s10  }
.Ltmp3:
0x2d4: {  	s24 =	sshrl.u32 s8, $0x3;
	s23 =	sor.u32 $0x1C02, s23;
	(pc) =	sbr.rel @p0 .LBB2_1-.Ltmp3, $4  }
0x2d5: {  	[hbm:s15], [sflag:s23] =	dma.local [spmem:s24], $0x2800  }
0x2d6: {  	_ =	swait.ge [sflag:s17], $0x2800  }
0x2d7: {  	[sflag:s17] =	ssyncset.done $0x0  }
0x2d8: {  	v0 =	vimm.f32 $0.0e+00;
	[sflag:s17] =	ssyncadd.s32 $0xFFFFD800  }
0x2d9: {  	_ =	sfence.sel $0x180000  }
0x2da: {  	[bflag:$0x0] =	sbarrier.arrive $0xFFFF  }
0x2db: {  	p0 =	sne.s32 s3, $0x0;
	_ =	strace $0x90000050  }
0x2dc: {  	s0 =	sadd.s32 @!p0 $0x100000, s0;
	[bflag:$0x2] =	sbarrier.arrive $0xFFFF  }
0x2dd: {  	[sflag:s0] =	ssyncadd.tile.s32 @!p0 $0x1;
	_ =	shalt  }
.Lfunc_end2:
_tile_overlayer_lowered:
.L_overlay_start_2:
0x2de: {  	(tag) =	ssettag $0x2  }
0x2df: {  	s0 =	rddreg [dreg:$0x0];
	s2 =	stileid.u32  }
0x2e0: {  	s1 =	rddreg [dreg:$0x1];
	p0 =	sne.s32 s2, $0x0  }
0x2e1: {  	s3 =	rddreg [dreg:$0x2];
	[bflag:$0x3] =	sbarrier.arrive $0xFFFF;
	s2 =	simm.s32 @!p0 $0x1C02  }
0x2e2: {  	[timem:s3], [sflag:s2] =	dma.local @!p0 [hbm:s0], s1  }
0x2e3: {  	s0 =	simm.s32 @!p0 $0x2  }
0x2e4: {  	_ =	swait.ge @!p0 [sflag:s0], s1  }
0x2e5: {  	s1 =	ssub.s32 @!p0 $0x0, s1;
	[sflag:s0] =	ssyncset.done @!p0 $0x0  }
0x2e6: {  	[sflag:s0] =	ssyncadd.s32 @!p0 s1  }
0x2e7: {  	[bflag:$0x3] =	sbarrier.arrive $0xFFFF  }
0x2e8: {  	_ =	shalt  }

// kernel: kernel.9.cloned.1.call-start
scs
__scs_entry_jumppad:
0x0: {  	(pc) =	sbr.rel $0x88, $3  }
0x1: {  	(tag) =	ssettag $0x0;
	lr =	simm.s32 $0x1  }
0x2: {  	[smem:$0x3F94] =	sst lr;
	_ =	strace $0xD0000000  }
0x3: {  	_ = 	snop  }
0x4: {  	_ = 	snop  }
0x5: {  	_ = 	snop  }
0x6: {  	_ = 	snop  }
0x7: {  	_ = 	snop  }
__scs_overlays_trampoline_lowered:
0x8: {  	[smem:$0x3FA3] =	sst s0  }
0x9: {  	[smem:$0x3FA4] =	sst s1  }
0xa: {  	[smem:$0x3FA5] =	sst s2  }
0xb: {  	[smem:$0x3FA6] =	sst s3  }
0xc: {  	[smem:$0x3FA7] =	sst s4  }
0xd: {  	[smem:$0x3FA8] =	sst s5  }
0xe: {  	[smem:$0x3FA9] =	sst s6  }
0xf: {  	[smem:$0x3FAA] =	sst s7  }
0x10: {  	[smem:$0x3FAB] =	sst s8  }
0x11: {  	[smem:$0x3FAC] =	sst s9;
	s0 =	simm.s32 @!p0 $0x0  }
0x12: {  	s1 =	sld [smem:$0x3F92];
	s0 =	simm.s32 @p0 $0x1  }
0x13: {  	[smem:$0x3FAD] =	sst s0;
	s0 =	simm.s32 @!p1 $0x0  }
0x14: {  	s2 =	sld [smem:$0x3F91];
	s0 =	simm.s32 @p1 $0x1  }
0x15: {  	[smem:$0x3FAE] =	sst s0;
	s0 =	simm.s32 @!p2 $0x0  }
0x16: {  	s3 =	sld [smem:$0x3FDB];
	s0 =	simm.s32 @p2 $0x1  }
0x17: {  	s4 =	simm.s32 $0x1BF5;
	[smem:$0x3FB0] =	sst s0  }
0x18: {  	s0 =	sld [smem:$0x3F93];
	_ =	swait.ge [sflag:s4], $0x0  }
0x19: {  	s7 =	sld [smem:$0x3F94]  }
0x1a: {  	s8 =	sadd.s32 $0xFFFFE003, lr  }
0x1b: {  	s9 =	sadd.s32 $0xFFFFFEF7, lr;
	s5 =	simm.s32 $0xFFFFFFFF;
	p2 =	slt.u32 s8, $0xFFFFF086  }
0x1c: {  	p1 =	slt.u32 s9, $0xF7A;
	s5 =	simm.s32 @!p2 $0x0  }
0x1d: {  	s5 =	simm.s32 @p1 $0x1;
	p0 =	seq.s32 s7, s2  }
0x1e: {  	s7 =	smul.u32 @!p0 $0xF7A, s2;
	p2 =	seq.s32 @!p0 s5, $0x0  }
0x1f: {  	s9 =	smul.u32 $0xF7A, s1;
	s8 =	simm.s32 @!p0 $0x1BF5;
	p2 =	por !p2, p0  }
0x20: {  	[sflag:s8] =	ssyncset.s32 @!p0 $0xFFFFF086;
	s6 =	sadd.s32 @!p0 s3, s7;
	s7 =	simm.s32 @!p0 $0x108  }
0x21: {  	s3 =	sadd.s32 s3, s9;
	s6 =	sadd.s32 @!p0 $0x88, s6;
	s7 =	simm.s32 @p2 $0x1082  }
0x22: {  	[simem:s7], [sflag:s8] =	dma.local @!p0 [hbm:s6], $0xF7A  }
0x23: {  	s9 =	sor.u32 $0xD0000000, s2;
	s6 =	simm.s32 $0x108;
	_ =	swait.ge @!p0 [sflag:s8], $0x0  }
0x24: {  	s3 =	sadd.s32 $0x88, s3;
	s6 =	simm.s32 @!p1 $0x1082;
	[sflag:s4] =	ssyncset.s32 $0xFFFFF086  }
0x25: {  	[simem:s6], [sflag:s4] =	dma.local [hbm:s3], $0xF7A  }
0x26: {  	[smem:$0x3F94] =	sst s1;
	(tag) =	ssettag s2;
	_ =	strace s9  }
0x27: {  	s1 =	sld [smem:$0x3FA4]  }
0x28: {  	s2 =	sld [smem:$0x3FA5]  }
0x29: {  	s4 =	sld [smem:$0x3FA7]  }
0x2a: {  	p0 =	seq.s32 s5, $0x0;
	s5 =	sld [smem:$0x3FA8]  }
0x2b: {  	s6 =	sld [smem:$0x3FA9]  }
0x2c: {  	s7 =	sld [smem:$0x3FAA]  }
0x2d: {  	s3 =	simm.s32 $0x108;
	s8 =	sld [smem:$0x3FAB]  }
0x2e: {  	s3 =	simm.s32 @!p0 $0x1082;
	s9 =	sld [smem:$0x3FAC]  }
0x2f: {  	lr =	sadd.s32 s0, s3;
	s0 =	sld [smem:$0x3FA3]  }
0x30: {  	s3 =	sld [smem:$0x3FA6]  }
0x31: {  	[smem:$0x3FAF] =	sst s10  }
0x32: {  	s10 =	sld [smem:$0x3FAD];
	_ =	sdelay $0x3  }
0x33: {  	p0 =	seq.s32 s10, $0x1;
	s10 =	sld [smem:$0x3FAF];
	_ =	sdelay $0x3  }
0x34: {  	[smem:$0x3FAF] =	sst s10  }
0x35: {  	s10 =	sld [smem:$0x3FAE];
	_ =	sdelay $0x3  }
0x36: {  	p1 =	seq.s32 s10, $0x1;
	s10 =	sld [smem:$0x3FAF];
	_ =	sdelay $0x3  }
0x37: {  	[smem:$0x3FAF] =	sst s10  }
0x38: {  	s10 =	sld [smem:$0x3FB0]  }
0x39: {  	_ = 	snop;
	(pc) =	sbr.ind lr, $3  }
0x3a: {  	_ = 	snop  }
0x3b: {  	_ = 	snop  }
0x3c: {  	p2 =	seq.s32 s10, $0x1;
	s10 =	sld [smem:$0x3FAF]  }
0x3d: {  	_ =	shalt  }
0x3e: {  	_ =	shalt  }
0x3f: {  	_ =	shalt  }
0x40: {  	_ =	shalt  }
0x41: {  	_ =	shalt  }
0x42: {  	_ =	shalt  }
0x43: {  	_ =	shalt  }
0x44: {  	_ =	shalt  }
0x45: {  	_ =	shalt  }
0x46: {  	_ =	shalt  }
0x47: {  	_ =	shalt  }
0x48: {  	_ =	shalt  }
0x49: {  	_ =	shalt  }
0x4a: {  	_ =	shalt  }
0x4b: {  	_ =	shalt  }
0x4c: {  	_ =	shalt  }
0x4d: {  	_ =	shalt  }
0x4e: {  	_ =	shalt  }
0x4f: {  	_ =	shalt  }
0x50: {  	_ =	shalt  }
0x51: {  	_ =	shalt  }
0x52: {  	_ =	shalt  }
0x53: {  	_ =	shalt  }
0x54: {  	_ =	shalt  }
0x55: {  	_ =	shalt  }
0x56: {  	_ =	shalt  }
0x57: {  	_ =	shalt  }
0x58: {  	_ =	shalt  }
0x59: {  	_ =	shalt  }
0x5a: {  	_ =	shalt  }
0x5b: {  	_ =	shalt  }
0x5c: {  	_ =	shalt  }
0x5d: {  	_ =	shalt  }
0x5e: {  	_ =	shalt  }
0x5f: {  	_ =	shalt  }
0x60: {  	_ =	shalt  }
0x61: {  	_ =	shalt  }
0x62: {  	_ =	shalt  }
0x63: {  	_ =	shalt  }
0x64: {  	_ =	shalt  }
0x65: {  	_ =	shalt  }
0x66: {  	_ =	shalt  }
0x67: {  	_ =	shalt  }
0x68: {  	_ =	shalt  }
0x69: {  	_ =	shalt  }
0x6a: {  	_ =	shalt  }
0x6b: {  	_ =	shalt  }
0x6c: {  	_ =	shalt  }
0x6d: {  	_ =	shalt  }
0x6e: {  	_ =	shalt  }
0x6f: {  	_ =	shalt  }
0x70: {  	_ =	shalt  }
0x71: {  	_ =	shalt  }
0x72: {  	_ =	shalt  }
0x73: {  	_ =	shalt  }
0x74: {  	_ =	shalt  }
0x75: {  	_ =	shalt  }
0x76: {  	_ =	shalt  }
0x77: {  	_ =	shalt  }
0x78: {  	_ =	shalt  }
0x79: {  	_ =	shalt  }
0x7a: {  	_ =	shalt  }
0x7b: {  	_ =	shalt  }
0x7c: {  	_ =	shalt  }
0x7d: {  	_ =	shalt  }
0x7e: {  	_ =	shalt  }
0x7f: {  	_ =	shalt  }
0x80: {  	_ =	shalt  }
0x81: {  	_ =	shalt  }
0x82: {  	_ =	shalt  }
0x83: {  	_ =	shalt  }
0x84: {  	_ =	shalt  }
0x85: {  	_ =	shalt  }
0x86: {  	_ =	shalt  }
0x87: {  	_ =	shalt  }
.Lfunc_end0:
.L_simem_size_0:
called_computation_lowered:
.L_overlay_start_0:
0x88: {  	s2 =	sld [smem:$0x3FD9]  }
0x89: {  	s3 =	sld [smem:$0x3FFE];
	_ =	sdelay $0x1  }
0x8a: {  	s1 =	srdreg.scid  }
0x8b: {  	s0 =	sand.u32 $0x1, s1  }
0x8c: {  	s17 =	sshll.u32 s0, $0xA;
	s2 =	sadd.s32 s3, s2  }
0x8d: {  	s2 =	sadd.s32 s2, s17  }
0x8e: {  	[smem:$0x3FBB] =	sst s2  }
0x8f: {  	_ = 	snop  }
0x90: {  	s2 =	sld [smem:$0x3FD0];
	(tm) =	ssettm $0x1  }
0x91: {  	s18 =	sld [smem:$0x3FFB];
	_ =	sdelay $0x3  }
0x92: {  	_ =	strace s18  }
0x93: {  	s3 =	sld [smem:$0x3FFC];
	_ =	sdelay $0x3  }
0x94: {  	_ =	strace s3  }
0x95: {  	s3 =	sld [smem:$0x3FFD];
	_ =	sdelay $0x3  }
0x96: {  	_ =	strace s3  }
0x97: {  	_ =	strace $0x8FFFFFFF  }
0x98: {  	s19 =	sld [smem:$0x3FDB];
	_ =	sdelay $0x1  }
0x99: {  	s4 =	simm.s32 $_scs_section_size  }
0x9a: {  	s5 =	simm.s32 $_size__tile_overlayer_lowered;
	s6 =	simm.s32 $_tile_overlayer_lowered  }
0x9b: {  	s22 =	simm.s32 $0x1BFF;
	s21 =	sshll.u32 s6, $0x1;
	s3 =	sadd.s32 s4, s19  }
0x9c: {  	s7 =	simm.s32 $0x0;
	s20 =	sshll.u32 s5, $0x1;
	s5 =	sadd.s32 s21, s3  }
0x9d: {  	[timem:s7], [sflag:s22] =	dma.local [hbm:s5], s20  }
0x9e: {  	_ =	swait.ge [sflag:s22], s20  }
0x9f: {  	s4 =	ssub.s32 $0x0, s20;
	[sflag:s22] =	ssyncset.done $0x0  }
0xa0: {  	[sflag:s22] =	ssyncadd.s32 s4;
	_ =	sdelay $0x1  }
0xa1: {  	s23 =	simm.s32 $0x1B8B  }
0xa2: {  	_ =	swait.ge [sflag:s23], $0x1  }
0xa3: {  	[sflag:s23] =	ssyncset.done $0x0  }
0xa4: {  	s25 =	simm.s32 $0x1B8E;
	s24 =	sld [smem:$0x3FFE];
	[sflag:s23] =	ssyncadd.s32 $0xFFFFFFFF  }
0xa5: {  	s26 =	simm.s32 $execute0_lowered;
	[smem:$0x3FD2] =	sst s25  }
0xa6: {  	s5 =	sshll.u32 s26, $0x1;
	_ =	strace $0x80000046;
	[dreg:$0x1] =	wrdreg $0xFFFFFFFF  }
0xa7: {  	s28 =	simm.s32 $_size_execute0_lowered;
	s3 =	sadd.s32 s3, s5;
	[dreg:$0x0] =	wrdreg $0x0  }
0xa8: {  	s5 =	sshll.u32 s28, $0x1;
	[dreg:$0x2] =	wrdreg s3  }
0xa9: {  	[dreg:$0x3] =	wrdreg s5  }
0xaa: {  	[dreg:$0x4] =	wrdreg $0xC0  }
0xab: {  	_ =	task [dreg:s7], $0x5FFFF  }
0xac: {  	[dreg:$0x1] =	wrdreg $0xFFFFFFFF  }
0xad: {  	[dreg:$0x0] =	wrdreg $0x60  }
0xae: {  	[dreg:$0x2] =	wrdreg s24  }
0xaf: {  	[dreg:$0x3] =	wrdreg s2  }
0xb0: {  	[dreg:$0x4] =	wrdreg $0x82000  }
0xb1: {  	[dreg:$0x5] =	wrdreg $0x9  }
0xb2: {  	_ =	task.clear_ibuf [dreg:s7], $0x6FFFF;
	_ =	strace $0x90000046  }
0xb3: {  	s29 =	simm.s32 $0x9;
	_ =	strace $0x80000048  }
0xb4: {  	_ =	swait.ge [sflag:s29], $0x1  }
0xb5: {  	[sflag:s29] =	ssyncadd.s32 $0xFFFFFFFF  }
0xb6: {  	_ =	strace $0x90000048  }
0xb7: {  	_ =	sfence  }
0xb8: {  	s30 =	sld [smem:$0x0];
	_ =	sdelay $0x2  }
0xb9: {  	s31 =	sshll.u32 s1, $0xD;
	s1 =	sshrl.u32 s1, $0x2  }
0xba: {  	s3 =	sand.u32 $0x4000, s31;
	s1 =	sadd.s32 s1, s30  }
0xbb: {  	s0 =	sor.u32 s3, s0;
	s1 =	sshll.u32 s1, $0x11  }
0xbc: {  	s0 =	sor.u32 s1, s0  }
0xbd: {  	s0 =	sadd.s32 $0x8F2B, s0  }
0xbe: {  	[sflag:s0] =	ssyncadd.remote.s32 $0x1  }
0xbf: {  	_ =	sfence.sel $0xFFFF  }
0xc0: {  	[dreg:$0x0] =	wrdreg $0xFFFFFFFF;
	(pc) =	sbr.abs _section_cstart, $3  }
0xc1: {  	[dreg:$0x1] =	wrdreg $0xFFFFFFFF  }
0xc2: {  	_ =	task.clear_ibuf [dreg:s7], $0x2FFFF;
	_ =	strace $0x9FFFFFFF  }
0xc3: {  	(tm) =	ssettm $0x7FFFFFFF  }
tec
execute0_lowered:
.L_overlay_start_1:
0x0: {  	(tag) =	ssettag $0x1  }
0x1: {  	s5 =	rddreg [dreg:$0x0]  }
0x2: {  	s13 =	rddreg [dreg:$0x1]  }
0x3: {  	s2 =	rddreg [dreg:$0x2]  }
0x4: {  	s0 =	rddreg [dreg:$0x3];
	s3 =	simm.s32 $0x0;
	s1 =	stileid.u32  }
0x5: {  	s7 =	srdreg.scid;
	s15 =	simm.s32 $0x4;
	s16 =	simm.s32 $0x100  }
0x6: {  	s17 =	simm.s32 $0x80;
	s18 =	simm.s32 $0x1;
	s19 =	simm.s32 $0x180  }
0x7: {  	s20 =	simm.s32 $0x4200;
	s22 =	simm.s32 $0x3;
	s6 =	smul.u32 $0x14000, s1  }
0x8: {  	s23 =	simm.s32 $0x0;
	[smem:$0x7FF] =	sst s3;
	s14 =	smul.u32 $0x500, s1  }
0x9: {  	s4 =	sadd.s32 $0x7000, s5;
	s8 =	smul.u32 $0x2800, s1;
	s7 =	sand.u32 $0x1, s7  }
0xa: {  	s9 =	smul.u32 $0x50000, s1;
	_ =	strace $0x80000047;
	p0 =	seq.s32 s7, $0x1  }
0xb: {  	s29 =	ssub.s32 $0x2, s7;
	s21 =	smul.u32 $0x2800, s7;
	s6 =	sshrl.u32 s6, $0x3  }
0xc: {  	s12 =	sadd.s32 s14, s5;
	s30 =	sshrl.u32 s29, $0x1;
	s31 =	sshrl.u32 s9, $0x2  }
0xd: {  	s13 =	sadd.s32 s14, s13;
	s14 =	simm.s32 $0x200;
	s6 =	sadd.s32 $0x28000, s6  }
0xe: {  	s12 =	sadd.s32 $0x2000, s12;
	v0 =	vmov s21;
	s21 =	simm.s32 $0x2;
	s8 =	smov.u32 @p0 s6  }
0xf: {  	s6 =	ssub.s32 s29, s30;
	s11 =	sadd.s32 s8, s5;
	s5 =	sadd.s32 s31, s2  }
0x10: {  	s6 =	smax.u32 s6, $0x1;
	s7 =	sadd.s32 $0x4000, s5;
	s8 =	sadd.s32 $0x8000, s5  }
0x11: {  	v1 =	vimm.f32 $0.0e+00;
	s9 =	sadd.s32 $0xC000, s5;
	s10 =	sadd.s32 $0x10000, s5;
	s11 =	sadd.s32 $0x57000, s11  }
.LBB2_1:
0x12: {  	s24 =	simm.s32 $0x0;
	s25 =	simm.s32 $0x200  }
.LBB2_2:
0x13: {  	p0 =	sne.s32 s25, $0xFE00;
	[tilespmem:s24+$0x270] =	vst v1  }
0x14: {  	[tilespmem:s24+$0x200] =	vst v1  }
0x15: {  	[tilespmem:s24+$0x210] =	vst v1  }
.Ltmp0:
0x16: {  	[tilespmem:s24+$0x220] =	vst v1;
	(pc) =	sbr.rel @p0 .LBB2_2-.Ltmp0, $4  }
0x17: {  	[tilespmem:s24+$0x230] =	vst v1  }
0x18: {  	[tilespmem:s24+$0x240] =	vst v1  }
0x19: {  	[tilespmem:s24+$0x250] =	vst v1  }
0x1a: {  	[tilespmem:s24+$0x260] =	vst v1;
	s24 =	sshra.s32 s25, $0x2;
	s25 =	sadd.s32 $0x200, s25  }
0x1b: {  	[tilespmem:s24+$0x270] =	vst v1  }
0x1c: {  	[tilespmem:s24+$0x200] =	vst v1  }
0x1d: {  	[tilespmem:s24+$0x210] =	vst v1  }
0x1e: {  	[tilespmem:s24+$0x220] =	vst v1  }
0x1f: {  	[tilespmem:s24+$0x230] =	vst v1  }
0x20: {  	[tilespmem:s24+$0x240] =	vst v1  }
0x21: {  	[tilespmem:s24+$0x250] =	vst v1  }
0x22: {  	[tilespmem:s24+$0x260] =	vst v1  }
0x23: {  	[spmem:s5] =	stream.linear.scatter [tilespmem:s14], [sflag:$0x4], $0x4000, $0x38;
	[tilespmem:$0x1C200] =	vst v63  }
0x24: {  	_ =	swait.ge [sflag:s15], $0x4000  }
0x25: {  	[sflag:s15] =	ssyncset.done $0x0  }
0x26: {  	[sflag:s15] =	ssyncadd.s32 $0xFFFFC000  }
0x27: {  	[spmem:s7] =	stream.linear.scatter [tilespmem:s14], [sflag:$0x4], $0x4000, $0x38;
	[tilespmem:$0x1C200] =	vst v63  }
0x28: {  	_ =	swait.ge [sflag:s15], $0x4000  }
0x29: {  	[sflag:s15] =	ssyncset.done $0x0  }
0x2a: {  	[sflag:s15] =	ssyncadd.s32 $0xFFFFC000  }
0x2b: {  	[spmem:s8] =	stream.linear.scatter [tilespmem:s14], [sflag:$0x4], $0x4000, $0x38;
	[tilespmem:$0x1C200] =	vst v63  }
0x2c: {  	_ =	swait.ge [sflag:s15], $0x4000  }
0x2d: {  	[sflag:s15] =	ssyncset.done $0x0  }
0x2e: {  	[sflag:s15] =	ssyncadd.s32 $0xFFFFC000  }
0x2f: {  	[spmem:s9] =	stream.linear.scatter [tilespmem:s14], [sflag:$0x4], $0x4000, $0x38;
	[tilespmem:$0x1C200] =	vst v63  }
0x30: {  	_ =	swait.ge [sflag:s15], $0x4000  }
0x31: {  	[sflag:s15] =	ssyncset.done $0x0  }
0x32: {  	[sflag:s15] =	ssyncadd.s32 $0xFFFFC000  }
0x33: {  	[spmem:s10] =	stream.linear.scatter [tilespmem:s14], [sflag:$0x4], $0x4000, $0x38;
	[tilespmem:$0x1C200] =	vst v63  }
0x34: {  	_ =	swait.ge [sflag:s15], $0x4000  }
0x35: {  	[sflag:s15] =	ssyncset.done $0x0  }
0x36: {  	p0 =	por $0x1, $0x1;
	[sflag:s15] =	ssyncadd.s32 $0xFFFFC000  }
0x37: {  	s24 =	simm.s32 @!p0 $0x2;
	[bflag:$0x0] =	sbarrier.arrive $0xFFFF  }
0x38: {  	_ =	swait.ge @!p0 [sflag:s24], $0x4000  }
0x39: {  	[sflag:s24] =	ssyncset.done @!p0 $0x0  }
0x3a: {  	s30 =	sadd.s32 $0x0, s13;
	[sflag:s24] =	ssyncadd.s32 @!p0 $0xFFFFC000  }
0x3b: {  	[tilespmem:s3], [sflag:$0x4] =	stream.linear.gather [hbm4b:s30+s3], $0x80, $0x38;
	[tilespmem:$0x1C200] =	vst v63  }
0x3c: {  	_ =	swait.ge [sflag:s15], $0x80  }
0x3d: {  	[sflag:s15] =	ssyncset.done $0x0  }
0x3e: {  	s25 =	sadd.s32 $0x0, s12;
	[sflag:s15] =	ssyncadd.s32 $0xFFFFFF80  }
0x3f: {  	[tilespmem:s16], [sflag:$0x4] =	stream.linear.gather [hbm4b:s25+s3], $0x80, $0x38;
	[tilespmem:$0x1C200] =	vst v63  }
0x40: {  	_ =	swait.ge [sflag:s15], $0x80  }
0x41: {  	[sflag:s15] =	ssyncset.done $0x0  }
0x42: {  	[sflag:s15] =	ssyncadd.s32 $0xFFFFFF80  }
0x43: {  	v2 =	vld [tilespmem:$0x20]  }
0x44: {  	v3 =	vld [tilespmem:$0x0]  }
0x45: {  	v7 =	vld [tilespmem:$0x50]  }
0x46: {  	v4 =	vld [tilespmem:$0x10]  }
0x47: {  	v5 =	vld [tilespmem:$0x60]  }
0x48: {  	v6 =	vld [tilespmem:$0x70];
	v2 =	vadd.s32 v0, v2  }
0x49: {  	v8 =	vld [tilespmem:$0x30];
	v3 =	vadd.s32 v0, v3;
	[tilespmem:$0xA0] =	vst v2  }
0x4a: {  	v63 =	vadd.s32 v0, v7;
	v2 =	vld [tilespmem:$0x40];
	[tilespmem:$0x80] =	vst v3  }
0x4b: {  	v3 =	vadd.s32 v0, v4;
	[tilespmem:$0xD0] =	vst v63  }
0x4c: {  	[tilespmem:$0x90] =	vst v3;
	v3 =	vadd.s32 v0, v5  }
0x4d: {  	[tilespmem:$0xE0] =	vst v3;
	v3 =	vadd.s32 v0, v6  }
0x4e: {  	[tilespmem:$0xF0] =	vst v3;
	v3 =	vadd.s32 v0, v8  }
0x4f: {  	[tilespmem:$0xB0] =	vst v3;
	v2 =	vadd.s32 v0, v2  }
0x50: {  	[tilespmem:$0xC0] =	vst v2  }
0x51: {  	[tilespmem:s14], [sflag:$0x1] =	stream.indirect.gather [hbm4b:s4+s17], $0x80, s17, s17, $0xb8;
	[tilespmem:$0x1C200] =	vst v63  }
0x52: {  	_ =	swait.ge [sflag:s18], $0x4000  }
0x53: {  	[sflag:s18] =	ssyncset.done $0x0  }
0x54: {  	s26 =	simm.s32 @!p0 $0x3;
	[sflag:s18] =	ssyncadd.s32 $0xFFFFC000  }
0x55: {  	[spmem:s2] =	stream.indirect.scatter.add.f32 [tilespmem:s14], [sflag:$0x2], $0x80, s16, s17, $0xb8;
	[tilespmem:$0x1C200] =	vst v63  }
0x56: {  	_ =	swait.ge @!p0 [sflag:s26], $0x4000  }
0x57: {  	[sflag:s26] =	ssyncset.done @!p0 $0x0  }
0x58: {  	s24 =	sadd.s32 $0x10, s30;
	[sflag:s26] =	ssyncadd.s32 @!p0 $0xFFFFC000  }
0x59: {  	[tilespmem:s3], [sflag:$0x4] =	stream.linear.gather [hbm4b:s24+s3], $0x80, $0x38;
	[tilespmem:$0x1C200] =	vst v63  }
0x5a: {  	_ =	swait.ge [sflag:s15], $0x80  }
0x5b: {  	[sflag:s15] =	ssyncset.done $0x0  }
0x5c: {  	s31 =	sadd.s32 $0x10, s25;
	[sflag:s15] =	ssyncadd.s32 $0xFFFFFF80  }
0x5d: {  	[tilespmem:s19], [sflag:$0x4] =	stream.linear.gather [hbm4b:s31+s3], $0x80, $0x38;
	[tilespmem:$0x1C200] =	vst v63  }
0x5e: {  	_ =	swait.ge [sflag:s15], $0x80  }
0x5f: {  	[sflag:s15] =	ssyncset.done $0x0  }
0x60: {  	s24 =	simm.s32 $0x20;
	[sflag:s15] =	ssyncadd.s32 $0xFFFFFF80  }
.LBB2_4:
0x61: {  	v2 =	vld [tilespmem:$0x70];
	s26 =	smov.u32 s24;
	s24 =	sadd.s32 $0x20, s24  }
0x62: {  	p0 =	sne.s32 s24, $0x500;
	v3 =	vld [tilespmem:$0x60]  }
0x63: {  	v4 =	vld [tilespmem:$0x50]  }
0x64: {  	v5 =	vld [tilespmem:$0x40]  }
0x65: {  	v6 =	vld [tilespmem:$0x30]  }
0x66: {  	v7 =	vld [tilespmem:$0x20];
	v2 =	vadd.s32 v0, v2  }
0x67: {  	v8 =	vld [tilespmem:$0x10];
	v3 =	vadd.s32 v0, v3;
	[tilespmem:$0xF0] =	vst v2  }
0x68: {  	v2 =	vld [tilespmem:$0x0];
	v4 =	vadd.s32 v0, v4;
	[tilespmem:$0xE0] =	vst v3  }
0x69: {  	v3 =	vadd.s32 v0, v5;
	[tilespmem:$0xD0] =	vst v4  }
0x6a: {  	v4 =	vadd.s32 v0, v6;
	[tilespmem:$0xC0] =	vst v3  }
0x6b: {  	v3 =	vadd.s32 v0, v7;
	[tilespmem:$0xB0] =	vst v4  }
0x6c: {  	v4 =	vadd.s32 v0, v8;
	[tilespmem:$0xA0] =	vst v3  }
0x6d: {  	v2 =	vadd.s32 v0, v2;
	[tilespmem:$0x90] =	vst v4  }
0x6e: {  	p1 =	seq.s32 s26, $0x0;
	[tilespmem:$0x80] =	vst v2  }
0x6f: {  	[tilespmem:s20], [sflag:$0x1] =	stream.indirect.gather [hbm4b:s4+s17], $0x80, s17, s17, $0xb8;
	[tilespmem:$0x1C200] =	vst v63  }
0x70: {  	s25 =	simm.s32 @!p1 $0x2;
	_ =	swait.ge [sflag:s18], $0x4000  }
0x71: {  	[sflag:s18] =	ssyncset.done $0x0  }
0x72: {  	[sflag:s18] =	ssyncadd.s32 $0xFFFFC000  }
0x73: {  	[spmem:s2] =	stream.indirect.scatter.add.f32 [tilespmem:s20], [sflag:$0x3], $0x80, s19, s17, $0xb8;
	[tilespmem:$0x1C200] =	vst v63  }
0x74: {  	_ =	swait.ge @!p1 [sflag:s25], $0x4000  }
0x75: {  	[sflag:s25] =	ssyncset.done @!p1 $0x0  }
0x76: {  	[sflag:s25] =	ssyncadd.s32 @!p1 $0xFFFFC000;
	s25 =	sadd.s32 s26, s13  }
0x77: {  	[tilespmem:s3], [sflag:$0x4] =	stream.linear.gather [hbm4b:s25+s3], $0x80, $0x38;
	[tilespmem:$0x1C200] =	vst v63  }
0x78: {  	_ =	swait.ge [sflag:s15], $0x80  }
0x79: {  	[sflag:s15] =	ssyncset.done $0x0  }
0x7a: {  	s26 =	sadd.s32 s26, s12;
	[sflag:s15] =	ssyncadd.s32 $0xFFFFFF80  }
0x7b: {  	[tilespmem:s16], [sflag:$0x4] =	stream.linear.gather [hbm4b:s26+s3], $0x80, $0x38;
	[tilespmem:$0x1C200] =	vst v63  }
0x7c: {  	_ =	swait.ge [sflag:s15], $0x80  }
0x7d: {  	[sflag:s15] =	ssyncset.done $0x0  }
0x7e: {  	[sflag:s15] =	ssyncadd.s32 $0xFFFFFF80  }
0x7f: {  	v2 =	vld [tilespmem:$0x30]  }
0x80: {  	v3 =	vld [tilespmem:$0x20]  }
0x81: {  	v4 =	vld [tilespmem:$0x0]  }
0x82: {  	v5 =	vld [tilespmem:$0x10]  }
0x83: {  	v6 =	vld [tilespmem:$0x60]  }
0x84: {  	v7 =	vld [tilespmem:$0x70]  }
0x85: {  	v3 =	vadd.s32 v0, v3;
	v8 =	vld [tilespmem:$0x50]  }
0x86: {  	v2 =	vadd.s32 v0, v2;
	v4 =	vadd.s32 v0, v4;
	[tilespmem:$0xA0] =	vst v3;
	v3 =	vld [tilespmem:$0x40]  }
0x87: {  	[tilespmem:$0x80] =	vst v4;
	v4 =	vadd.s32 v0, v5  }
0x88: {  	[tilespmem:$0x90] =	vst v4;
	v4 =	vadd.s32 v0, v6  }
0x89: {  	[tilespmem:$0xE0] =	vst v4;
	v4 =	vadd.s32 v0, v7  }
0x8a: {  	v5 =	vadd.s32 v0, v8;
	[tilespmem:$0xF0] =	vst v4  }
0x8b: {  	v3 =	vadd.s32 v0, v3;
	[tilespmem:$0xD0] =	vst v5  }
0x8c: {  	[tilespmem:$0xC0] =	vst v3  }
0x8d: {  	[tilespmem:$0xB0] =	vst v2  }
0x8e: {  	[tilespmem:s14], [sflag:$0x1] =	stream.indirect.gather [hbm4b:s4+s17], $0x80, s17, s17, $0xb8;
	[tilespmem:$0x1C200] =	vst v63  }
0x8f: {  	_ =	swait.ge [sflag:s18], $0x4000  }
0x90: {  	[sflag:s18] =	ssyncset.done $0x0  }
0x91: {  	s28 =	simm.s32 @!p1 $0x3;
	[sflag:s18] =	ssyncadd.s32 $0xFFFFC000  }
0x92: {  	[spmem:s2] =	stream.indirect.scatter.add.f32 [tilespmem:s14], [sflag:$0x2], $0x80, s16, s17, $0xb8;
	[tilespmem:$0x1C200] =	vst v63  }
0x93: {  	_ =	swait.ge @!p1 [sflag:s28], $0x4000  }
0x94: {  	[sflag:s28] =	ssyncset.done @!p1 $0x0  }
0x95: {  	s25 =	sadd.s32 $0x10, s25;
	[sflag:s28] =	ssyncadd.s32 @!p1 $0xFFFFC000  }
0x96: {  	[tilespmem:s3], [sflag:$0x4] =	stream.linear.gather [hbm4b:s25+s3], $0x80, $0x38;
	[tilespmem:$0x1C200] =	vst v63  }
0x97: {  	_ =	swait.ge [sflag:s15], $0x80  }
0x98: {  	[sflag:s15] =	ssyncset.done $0x0  }
.Ltmp1:
0x99: {  	s25 =	sadd.s32 $0x10, s26;
	[sflag:s15] =	ssyncadd.s32 $0xFFFFFF80;
	(pc) =	sbr.rel @p0 .LBB2_4-.Ltmp1, $4  }
0x9a: {  	[tilespmem:s19], [sflag:$0x4] =	stream.linear.gather [hbm4b:s25+s3], $0x80, $0x38;
	[tilespmem:$0x1C200] =	vst v63  }
0x9b: {  	_ =	swait.ge [sflag:s15], $0x80  }
0x9c: {  	[sflag:s15] =	ssyncset.done $0x0  }
0x9d: {  	[sflag:s15] =	ssyncadd.s32 $0xFFFFFF80  }
0x9e: {  	v2 =	vld [tilespmem:$0x70]  }
0x9f: {  	v3 =	vld [tilespmem:$0x60]  }
0xa0: {  	v4 =	vld [tilespmem:$0x50]  }
0xa1: {  	v6 =	vld [tilespmem:$0x30]  }
0xa2: {  	v8 =	vld [tilespmem:$0x10]  }
0xa3: {  	v5 =	vld [tilespmem:$0x40];
	v2 =	vadd.s32 v0, v2  }
0xa4: {  	v7 =	vld [tilespmem:$0x20];
	v3 =	vadd.s32 v0, v3;
	[tilespmem:$0xF0] =	vst v2  }
0xa5: {  	v4 =	vadd.s32 v0, v4;
	v2 =	vld [tilespmem:$0x0];
	[tilespmem:$0xE0] =	vst v3  }
0xa6: {  	v62 =	vadd.s32 v0, v6;
	[tilespmem:$0xD0] =	vst v4  }
0xa7: {  	v63 =	vadd.s32 v0, v8;
	[tilespmem:$0xB0] =	vst v62  }
0xa8: {  	v3 =	vadd.s32 v0, v5;
	[tilespmem:$0x90] =	vst v63  }
0xa9: {  	[tilespmem:$0xC0] =	vst v3;
	v3 =	vadd.s32 v0, v7  }
0xaa: {  	[tilespmem:$0xA0] =	vst v3;
	v2 =	vadd.s32 v0, v2  }
0xab: {  	[tilespmem:$0x80] =	vst v2  }
0xac: {  	[tilespmem:s20], [sflag:$0x1] =	stream.indirect.gather [hbm4b:s4+s17], $0x80, s17, s17, $0xb8;
	[tilespmem:$0x1C200] =	vst v63  }
0xad: {  	_ =	swait.ge [sflag:s18], $0x4000  }
0xae: {  	[sflag:s18] =	ssyncset.done $0x0  }
0xaf: {  	[sflag:s18] =	ssyncadd.s32 $0xFFFFC000  }
0xb0: {  	[spmem:s2] =	stream.indirect.scatter.add.f32 [tilespmem:s20], [sflag:$0x3], $0x80, s19, s17, $0xb8;
	[tilespmem:$0x1C200] =	vst v63  }
0xb1: {  	_ =	swait.ge [sflag:s21], $0x4000  }
0xb2: {  	[sflag:s21] =	ssyncset.done $0x0  }
0xb3: {  	[sflag:s21] =	ssyncadd.s32 $0xFFFFC000  }
0xb4: {  	_ =	swait.ge [sflag:s22], $0x4000  }
0xb5: {  	s24 =	sshll.u32 s1, $0x6;
	s23 =	sadd.s32 $0x1, s23;
	[sflag:s22] =	ssyncset.done $0x0  }
0xb6: {  	s25 =	sshrl.u32 s5, $0x3;
	p0 =	sne.s32 s23, s6;
	[sflag:s22] =	ssyncadd.s32 $0xFFFFC000  }
.Ltmp2:
0xb7: {  	s24 =	sor.u32 $0x1C04, s24;
	[bflag:$0x0] =	sbarrier.arrive $0xFFFF;
	(pc) =	sbr.rel @p0 .LBB2_1-.Ltmp2, $4  }
0xb8: {  	[hbm:s11], [sflag:s24] =	dma.local [spmem:s25], $0x2800  }
0xb9: {  	_ =	swait.ge [sflag:s15], $0x2800  }
0xba: {  	[sflag:s15] =	ssyncset.done $0x0  }
0xbb: {  	[sflag:s15] =	ssyncadd.s32 $0xFFFFD800  }
0xbc: {  	_ =	sfence.sel $0x180000  }
0xbd: {  	[bflag:$0x0] =	sbarrier.arrive $0xFFFF  }
0xbe: {  	p0 =	sne.s32 s1, $0x0;
	_ =	strace $0x90000047  }
0xbf: {  	s0 =	sadd.s32 @!p0 $0x100000, s0;
	[bflag:$0x2] =	sbarrier.arrive $0xFFFF  }
0xc0: {  	[sflag:s0] =	ssyncadd.tile.s32 @!p0 $0x1;
	_ =	shalt  }
.Lfunc_end2:
_tile_overlayer_lowered:
.L_overlay_start_2:
0xc1: {  	(tag) =	ssettag $0x2  }
0xc2: {  	s0 =	rddreg [dreg:$0x0];
	s2 =	stileid.u32  }
0xc3: {  	s1 =	rddreg [dreg:$0x1];
	p0 =	sne.s32 s2, $0x0  }
0xc4: {  	s3 =	rddreg [dreg:$0x2];
	[bflag:$0x3] =	sbarrier.arrive $0xFFFF;
	s2 =	simm.s32 @!p0 $0x1C04  }
0xc5: {  	[timem:s3], [sflag:s2] =	dma.local @!p0 [hbm:s0], s1  }
0xc6: {  	s0 =	simm.s32 @!p0 $0x4  }
0xc7: {  	_ =	swait.ge @!p0 [sflag:s0], s1  }
0xc8: {  	s1 =	ssub.s32 @!p0 $0x0, s1;
	[sflag:s0] =	ssyncset.done @!p0 $0x0  }
0xc9: {  	[sflag:s0] =	ssyncadd.s32 @!p0 s1  }
0xca: {  	[bflag:$0x3] =	sbarrier.arrive $0xFFFF  }
0xcb: {  	_ =	shalt  }

</sc_bundles>
